<compile_context>
chip_gen: v7x
topology: tpu7x:2x2x1
jax: 0.10.2.dev20260603
libtpu: 0.0.44.dev20260713+nightly
codegen_flags: <defaults>
</compile_context>

<pallas_src>
import functools

import jax
import jax.numpy as jnp
from jax import lax
from jax.experimental import pallas as pl
from jax.experimental.pallas import tpu as pltpu
from jax.experimental.pallas import tpu_sc as plsc

_N = 10000
_NP = 10240
_E = 320000
_W = 128
_EP = 327680
_R = _EP // _W
_NW = 32
_RPW = _R // _NW
_CH = 8
_NCH = _RPW // _CH
_GSUB = 4
_SSUB = 2

_BLK_E = 2048
_GRID_E = _EP // _BLK_E
_BLK_N = 1024
_GRID_N = _NP // _BLK_N

_F32 = jnp.float32


def _sp(x):
    return jnp.maximum(x, 0.0) + jnp.log1p(jnp.exp(-jnp.abs(x)))


def _dot(a, w):
    return jax.lax.dot_general(a, w, (((1,), (0,)), ((), ())),
                               preferred_element_type=_F32)



def _wspec(shape):
    return pl.BlockSpec(shape, lambda i: (0, 0))


def _rowspec(blk, width):
    return pl.BlockSpec((blk, width), lambda i: (i, 0))


def _embed_nodes(x_p, fa):
    (w1, b1), (w2, b2) = fa
    w2p = jnp.pad(w2, ((0, 0), (0, 64)))
    b2p = jnp.pad(b2.reshape(1, 64), ((0, 0), (0, 64)))

    def body(x_ref, w1_ref, b1_ref, w2_ref, b2_ref, o_ref):
        t = _sp(_dot(x_ref[...], w1_ref[...]) + b1_ref[...])
        o_ref[...] = _dot(t, w2_ref[...]) + b2_ref[...]

    return pl.pallas_call(
        body,
        grid=(_GRID_N,),
        in_specs=[_rowspec(_BLK_N, 128), _wspec((128, 64)), _wspec((1, 64)),
                  _wspec((64, 128)), _wspec((1, 128))],
        out_specs=_rowspec(_BLK_N, 128),
        out_shape=jax.ShapeDtypeStruct((_NP, 128), _F32),
    )(x_p, w1, b1.reshape(1, 64), w2p, b2p)


def _embed_edges(ea_p, fb):
    (w1, b1), (w2, b2) = fb

    def body(a_ref, w1_ref, b1_ref, w2_ref, b2_ref, o_ref):
        t = _sp(_dot(a_ref[...], w1_ref[...]) + b1_ref[...])
        o_ref[...] = _dot(t, w2_ref[...]) + b2_ref[...]

    return pl.pallas_call(
        body,
        grid=(_GRID_E,),
        in_specs=[_rowspec(_BLK_E, 16), _wspec((16, 64)), _wspec((1, 64)),
                  _wspec((64, 64)), _wspec((1, 64))],
        out_specs=_rowspec(_BLK_E, 64),
        out_shape=jax.ShapeDtypeStruct((_EP, 64), _F32),
    )(ea_p, w1, b1.reshape(1, 64), w2, b2.reshape(1, 64))


def _edge_step1(hs, hr, e0, fe, fv):
    (we1, be1), (we2, be2), (we3, be3) = fe
    (wv1, bv1), (wv2, bv2), (wv3, bv3) = fv
    we1p = jnp.pad(we1, ((0, 64), (0, 0)))
    wva = jnp.pad(wv1[:64], ((0, 64), (0, 0)))
    wvb = wv1[64:]
    wv3p = jnp.pad(wv3, ((0, 0), (0, 64)))
    bv3p = jnp.pad(bv3.reshape(1, 64), ((0, 0), (0, 64)))

    def body(hs_ref, hr_ref, e0_ref,
             we1_r, be1_r, we2_r, be2_r, we3_r, be3_r,
             wva_r, wvb_r, bv1_r, wv2_r, bv2_r, wv3_r, bv3_r,
             e1_o, upd_o):
        prod = hs_ref[...] * hr_ref[...]
        t = _sp(_dot(prod, we1_r[...]) + be1_r[...])
        t = _sp(_dot(t, we2_r[...]) + be2_r[...])
        e1 = _dot(t, we3_r[...]) + be3_r[...] + e0_ref[...]
        e1_o[...] = e1
        u = _sp(_dot(hr_ref[...], wva_r[...]) + _dot(e1, wvb_r[...]) + bv1_r[...])
        u = _sp(_dot(u, wv2_r[...]) + bv2_r[...])
        upd_o[...] = _dot(u, wv3_r[...]) + bv3_r[...]

    return pl.pallas_call(
        body,
        grid=(_GRID_E,),
        in_specs=[_rowspec(_BLK_E, 128), _rowspec(_BLK_E, 128),
                  _rowspec(_BLK_E, 64)] +
                 [_wspec((128, 64)), _wspec((1, 64)),
                  _wspec((64, 64)), _wspec((1, 64)),
                  _wspec((64, 64)), _wspec((1, 64))] +
                 [_wspec((128, 64)), _wspec((64, 64)), _wspec((1, 64)),
                  _wspec((64, 64)), _wspec((1, 64)),
                  _wspec((64, 128)), _wspec((1, 128))],
        out_specs=[_rowspec(_BLK_E, 64), _rowspec(_BLK_E, 128)],
        out_shape=[jax.ShapeDtypeStruct((_EP, 64), _F32),
                   jax.ShapeDtypeStruct((_EP, 128), _F32)],
    )(hs, hr, e0,
      we1p, be1.reshape(1, 64), we2, be2.reshape(1, 64), we3, be3.reshape(1, 64),
      wva, wvb, bv1.reshape(1, 64), wv2, bv2.reshape(1, 64), wv3p, bv3p)


def _edge_step2_force(hs, hr, e1, fe, mlp1):
    (we1, be1), (we2, be2), (we3, be3) = fe
    (wm1, bm1), (wm2, bm2), (wm3, bm3) = mlp1
    we1p = jnp.pad(we1, ((0, 64), (0, 0)))
    wm3p = jnp.pad(wm3, ((0, 0), (0, 125)))
    bm3p = jnp.pad(bm3.reshape(1, 3), ((0, 0), (0, 125)))

    def body(hs_ref, hr_ref, e1_ref,
             we1_r, be1_r, we2_r, be2_r, we3_r, be3_r,
             wm1_r, bm1_r, wm2_r, bm2_r, wm3_r, bm3_r,
             fij_o):
        prod = hs_ref[...] * hr_ref[...]
        t = _sp(_dot(prod, we1_r[...]) + be1_r[...])
        t = _sp(_dot(t, we2_r[...]) + be2_r[...])
        e2 = _dot(t, we3_r[...]) + be3_r[...] + e1_ref[...]
        f = _sp(_dot(e2, wm1_r[...]) + bm1_r[...])
        f = _sp(_dot(f, wm2_r[...]) + bm2_r[...])
        fij_o[...] = _dot(f, wm3_r[...]) + bm3_r[...]

    return pl.pallas_call(
        body,
        grid=(_GRID_E,),
        in_specs=[_rowspec(_BLK_E, 128), _rowspec(_BLK_E, 128),
                  _rowspec(_BLK_E, 64)] +
                 [_wspec((128, 64)), _wspec((1, 64))] +
                 [_wspec((64, 64)), _wspec((1, 64))] * 4 +
                 [_wspec((64, 128)), _wspec((1, 128))],
        out_specs=_rowspec(_BLK_E, 128),
        out_shape=jax.ShapeDtypeStruct((_EP, 128), _F32),
    )(hs, hr, e1,
      we1p, be1.reshape(1, 64), we2, be2.reshape(1, 64), we3, be3.reshape(1, 64),
      wm1, bm1.reshape(1, 64), wm2, bm2.reshape(1, 64), wm3p, bm3p)


def _combine_h(h0, p0, p1):
    def body(a_ref, b_ref, c_ref, o_ref):
        o_ref[...] = a_ref[...] + b_ref[...] + c_ref[...]

    return pl.pallas_call(
        body,
        grid=(_GRID_N,),
        in_specs=[_rowspec(_BLK_N, 128)] * 3,
        out_specs=_rowspec(_BLK_N, 128),
        out_shape=jax.ShapeDtypeStruct((_NP, 128), _F32),
    )(h0, p0, p1)


def _final_node(pr, ps, nt_p, mlp2):
    (w1, b1), (w2, b2), (w3, b3) = mlp2
    w1p = jnp.pad(w1, ((0, 3), (0, 3)))
    b1p = jnp.pad(b1.reshape(1, 5), ((0, 0), (0, 3)))
    w2p = jnp.pad(w2, ((0, 3), (0, 3)))
    b2p = jnp.pad(b2.reshape(1, 5), ((0, 0), (0, 3)))
    w3p = jnp.pad(w3, ((0, 3), (0, 7)))
    b3p = jnp.pad(b3.reshape(1, 1), ((0, 0), (0, 7)))

    def body(pr_r, ps_r, nt_r,
             w1_r, b1_r, w2_r, b2_r, w3_r, b3_r,
             ai_o, g_o):
        ai_o[...] = pr_r[...] - ps_r[...]
        g = _sp(_dot(nt_r[...], w1_r[...]) + b1_r[...])
        g = _sp(_dot(g, w2_r[...]) + b2_r[...])
        g_o[...] = _sp(_dot(g, w3_r[...]) + b3_r[...])

    return pl.pallas_call(
        body,
        grid=(_GRID_N,),
        in_specs=[_rowspec(_BLK_N, 8)] * 2 + [_rowspec(_BLK_N, 8)] +
                 [_wspec((8, 8)), _wspec((1, 8))] * 3,
        out_specs=[_rowspec(_BLK_N, 8), _rowspec(_BLK_N, 8)],
        out_shape=[jax.ShapeDtypeStruct((_NP, 8), _F32),
                   jax.ShapeDtypeStruct((_NP, 8), _F32)],
    )(pr, ps, nt_p, w1p, b1p, w2p, b2p, w3p, b3p)



_MESH = plsc.VectorSubcoreMesh(core_axis_name="c", subcore_axis_name="s")


def _gather_two(h_pad, sidx, ridx):
    @functools.partial(
        pl.kernel,
        out_type=[jax.ShapeDtypeStruct((_R, _W, 128), _F32)] * 2,
        mesh=_MESH,
        scratch_types=[pltpu.VMEM((_CH, _W), jnp.int32),
                       pltpu.VMEM((_W, 128), _F32),
                       pltpu.VMEM_SHARED((_NP, 128), _F32)],
    )
    def k(h_hbm, s_hbm, r_hbm, hs_out, hr_out, idx_v, buf, hsh):
        cid = lax.axis_index("c")
        sid = lax.axis_index("s")
        nsl = _NP // 16
        pltpu.sync_copy(h_hbm.at[pl.ds(sid * nsl, nsl)],
                        hsh.at[pl.ds(sid * nsl, nsl)])
        plsc.subcore_barrier()
        base = (sid * 2 + cid) * _RPW

        def run(idx_hbm, out_hbm):
            def chunk(ci, carry):
                row0 = base + ci * _CH
                pltpu.sync_copy(idx_hbm.at[pl.ds(row0, _CH)], idx_v)
                for g in range(_CH):
                    pltpu.sync_copy(hsh.at[idx_v.at[g]], buf)
                    pltpu.sync_copy(buf, out_hbm.at[row0 + g])
                return carry

            lax.fori_loop(0, _NCH, chunk, 0)

        run(s_hbm, hs_out)
        run(r_hbm, hr_out)

    hs, hr = k(h_pad, sidx, ridx)
    return hs.reshape(_EP, 128), hr.reshape(_EP, 128)


def _scatter_add64(vals, ridx, zeros_n):
    @functools.partial(
        pl.kernel,
        out_type=[jax.ShapeDtypeStruct((_NP, 128), _F32)] * 2,
        mesh=_MESH,
        scratch_types=[pltpu.VMEM((_CH, _W), jnp.int32),
                       pltpu.VMEM((_SSUB, _W, 128), _F32),
                       pltpu.VMEM_SHARED((_NP, 128), _F32),
                       pltpu.SemaphoreType.DMA],
    )
    def k(v_hbm, i_hbm, z_hbm, p0_out, p1_out, idx_v, rows_v, acc, sem):
        cid = lax.axis_index("c")
        sid = lax.axis_index("s")
        nsl = _NP // 16
        pltpu.sync_copy(z_hbm.at[pl.ds(sid * nsl, nsl)],
                        acc.at[pl.ds(sid * nsl, nsl)])
        plsc.subcore_barrier()
        base = cid * (_R // 2) + sid * _RPW

        def chunk(ci, carry):
            row0 = base + ci * _CH
            pltpu.sync_copy(i_hbm.at[pl.ds(row0, _CH)], idx_v)
            for g in range(_CH // _SSUB):
                pltpu.sync_copy(v_hbm.at[pl.ds(row0 + g * _SSUB, _SSUB)],
                                rows_v)
                for j in range(_SSUB):
                    pltpu.sync_copy(rows_v.at[j],
                                    acc.at[idx_v.at[g * _SSUB + j]], add=True)
            return carry

        lax.fori_loop(0, _NCH, chunk, 0)
        plsc.subcore_barrier()

        @pl.when(cid == 0)
        def _():
            pltpu.sync_copy(acc.at[pl.ds(sid * nsl, nsl)],
                            p0_out.at[pl.ds(sid * nsl, nsl)])

        @pl.when(cid == 1)
        def _():
            pltpu.sync_copy(acc.at[pl.ds(sid * nsl, nsl)],
                            p1_out.at[pl.ds(sid * nsl, nsl)])

    return k(vals, ridx, zeros_n)


def _scatter_fij(vals, ridx, sidx, zeros_n):
    @functools.partial(
        pl.kernel,
        out_type=[jax.ShapeDtypeStruct((_NP, 128), _F32)] * 2,
        mesh=_MESH,
        scratch_types=[pltpu.VMEM((_CH, _W), jnp.int32),
                       pltpu.VMEM((_SSUB, _W, 128), _F32),
                       pltpu.VMEM_SHARED((_NP, 128), _F32),
                       pltpu.SemaphoreType.DMA],
    )
    def k(v_hbm, ri_hbm, si_hbm, z_hbm, pr_out, ps_out,
          idx_v, rows_v, acc, sem):
        cid = lax.axis_index("c")
        sid = lax.axis_index("s")
        nsl = _NP // 16
        pltpu.sync_copy(z_hbm.at[pl.ds(sid * nsl, nsl)],
                        acc.at[pl.ds(sid * nsl, nsl)])
        plsc.subcore_barrier()
        rpt = _R // 16
        base = sid * rpt

        def make_chunk(idx_hbm):
            def chunk(ci, carry):
                row0 = base + ci * _CH
                pltpu.sync_copy(idx_hbm.at[pl.ds(row0, _CH)], idx_v)
                for g in range(_CH // _SSUB):
                    pltpu.sync_copy(v_hbm.at[pl.ds(row0 + g * _SSUB, _SSUB)],
                                    rows_v)
                    for j in range(_SSUB):
                        pltpu.sync_copy(rows_v.at[j],
                                        acc.at[idx_v.at[g * _SSUB + j]],
                                        add=True)
                return carry
            return chunk

        @pl.when(cid == 0)
        def _():
            lax.fori_loop(0, rpt // _CH, make_chunk(ri_hbm), 0)

        @pl.when(cid == 1)
        def _():
            lax.fori_loop(0, rpt // _CH, make_chunk(si_hbm), 0)

        plsc.subcore_barrier()

        @pl.when(cid == 0)
        def _():
            pltpu.sync_copy(acc.at[pl.ds(sid * nsl, nsl)],
                            pr_out.at[pl.ds(sid * nsl, nsl)])

        @pl.when(cid == 1)
        def _():
            pltpu.sync_copy(acc.at[pl.ds(sid * nsl, nsl)],
                            ps_out.at[pl.ds(sid * nsl, nsl)])

    return k(vals, ridx, sidx, zeros_n)



def kernel(x, edge_attr, node_type, edge_index, fa, fb, fe, fv, mlp1, mlp2):
    s = edge_index[0]
    r = edge_index[1]
    epad = _EP - _E
    sidx = jnp.concatenate([s, jnp.full((epad,), _N, jnp.int32)]).reshape(_R, _W)
    ridx = jnp.concatenate([r, jnp.full((epad,), _N, jnp.int32)]).reshape(_R, _W)
    x_p = jnp.pad(x, ((0, _NP - _N), (0, 0)))
    ea_p = jnp.pad(edge_attr, ((0, epad), (0, 0)))
    nt_p = jnp.pad(node_type, ((0, _NP - _N), (0, 3)))
    zeros_n = jnp.zeros((_NP, 128), _F32)

    h0 = _embed_nodes(x_p, fa)
    e0 = _embed_edges(ea_p, fb)

    hs0, hr0 = _gather_two(h0, sidx, ridx)
    e1, upd = _edge_step1(hs0, hr0, e0, fe, fv)
    p0, p1 = _scatter_add64(upd.reshape(_R, _W, 128), ridx, zeros_n)
    h1 = _combine_h(h0, p0, p1)

    hs1, hr1 = _gather_two(h1, sidx, ridx)
    fij = _edge_step2_force(hs1, hr1, e1, fe, mlp1)

    pr, ps = _scatter_fij(fij.reshape(_R, _W, 128), ridx, sidx, zeros_n)
    ai_pad, gamma_pad = _final_node(pr[:, :8], ps[:, :8], nt_p, mlp2)
    return ai_pad[:_N, :3], gamma_pad[:_N, :1]

# --- scband reference (transcript-rebuilt; emitter-appended) ---
"""Pipeline reference for scband-bro-gnet-44418551775943 (READ-ONLY COPY).

The authoritative reference and input builder live on the scoring server;
editing this copy changes nothing except your own understanding.
"""

import jax, jax.numpy as jnp
import numpy as np

N = 10000
E = 320000
D_NODE = 128
D_EDGE_IN = 16
D_TYPE = 5
NODE_EMB = 64
EDGE_EMB = 64
HIDDEN = 64
F_OUT = 3
MP_STEPS = 2


def _mlp_params(key, dims, scale=0.05):
    ps = []
    for i in range(len(dims) - 1):
        key, k1, k2 = jax.random.split(key, 3)
        ps.append((jax.random.normal(k1, (dims[i], dims[i + 1]), dtype=jnp.float32) * scale,
                   jax.random.normal(k2, (dims[i + 1],), dtype=jnp.float32) * scale))
    return ps


def _apply_mlp(params, h):
    for W, b in params[:-1]:
        h = jax.nn.softplus(h @ W + b)
    W, b = params[-1]
    return h @ W + b


def setup_inputs(seed: int = 0):
    key = jax.random.key(seed)
    ks = jax.random.split(key, 12)
    x = jax.random.normal(ks[0], (N, D_NODE), dtype=jnp.float32)
    edge_attr = jax.random.normal(ks[1], (E, D_EDGE_IN), dtype=jnp.float32)
    node_type = jax.random.uniform(ks[2], (N, D_TYPE), dtype=jnp.float32)
    edge_index = jax.random.randint(ks[3], (2, E), 0, N, dtype=jnp.int32)
    fa = _mlp_params(ks[4], [D_NODE, NODE_EMB, NODE_EMB])
    fb = _mlp_params(ks[5], [D_EDGE_IN, EDGE_EMB, EDGE_EMB])
    fe = _mlp_params(ks[6], [NODE_EMB, HIDDEN, HIDDEN, EDGE_EMB])
    fv = _mlp_params(ks[7], [NODE_EMB + EDGE_EMB, HIDDEN, HIDDEN, NODE_EMB])
    mlp1 = _mlp_params(ks[8], [EDGE_EMB, HIDDEN, HIDDEN, F_OUT])
    mlp2 = _mlp_params(ks[9], [D_TYPE, 5, 5, 1])
    return {"x": x, "edge_attr": edge_attr, "node_type": node_type, "edge_index": edge_index,
            "fa": fa, "fb": fb, "fe": fe, "fv": fv, "mlp1": mlp1, "mlp2": mlp2}


def reference(x, edge_attr, node_type, edge_index, fa, fb, fe, fv, mlp1, mlp2):
    s = edge_index[0]
    r = edge_index[1]
    # initial embeddings
    h = _apply_mlp(fa, x)
    e = _apply_mlp(fb, edge_attr)
    # message passing (MetaLayer: edge model then node model)
    for _ in range(MP_STEPS):
        # EdgeModel: fe_mlp(src * dest) + edge_attr
        e = _apply_mlp(fe, h[s] * h[r]) + e
        # NodeModel: x + scatter_sum(fv1_mlp(cat(x[r], e)), r)
        upd = _apply_mlp(fv, jnp.concatenate([h[r], e], axis=1))
        h = h + jax.ops.segment_sum(upd, r, num_segments=N)
    # edge_node_to_force
    fij = _apply_mlp(mlp1, e)
    ai = jax.ops.segment_sum(fij, r, num_segments=N) + jax.ops.segment_sum(-fij, s, num_segments=N)
    # species_to_gamma (MLP2 has a trailing activation)
    gamma = jax.nn.softplus(_apply_mlp(mlp2, node_type))
    return (ai, gamma)

if __name__ == "__main__":
    import jax
    _d = setup_inputs()
    print(jax.jit(kernel)(*tuple(_d.values())))

</pallas_src>

<mosaic_0001>
#map = affine_map<(d0, d1) -> (0, 0, 0)>
#map1 = affine_map<(d0, d1) -> (0, 0)>
module attributes {stable_mosaic.version = 14 : i64} {
  func.func @k(%arg0: i32, %arg1: i32, %arg2: memref<2560x128x128xf32, #tpu.memory_space<hbm>>, %arg3: memref<2560x128xi32, #tpu.memory_space<hbm>>, %arg4: memref<2560x128xi32, #tpu.memory_space<hbm>>, %arg5: memref<10240x128xf32, #tpu.memory_space<hbm>>, %arg6: memref<10240x128xf32, #tpu.memory_space<hbm>>, %arg7: memref<10240x128xf32, #tpu.memory_space<hbm>>, %arg8: memref<8x128xi32, #tpu.memory_space<vmem>>, %arg9: memref<2x128x128xf32, #tpu.memory_space<vmem>>, %arg10: memref<10240x128xf32, #tpu.memory_space<vmem_shared>>, %arg11: memref<!tpu.dma_semaphore, #tpu.memory_space<semaphore_mem>>) attributes {dimension_semantics = [#tpu.dimension_semantics<core_parallel>, #tpu.dimension_semantics<subcore_parallel>], iteration_bounds = array<i64: 2, 16>, scalar_prefetch = 0 : i64, scratch_operands = 4 : i64, tpu.core_type = #tpu.core_type<sc_vector_subcore>, window_params = [{transform_indices = #map}, {transform_indices = #map1}, {transform_indices = #map1}, {transform_indices = #map1}, {transform_indices = #map1}, {transform_indices = #map1}]} {
    %mul3A = arith.constant 640 : i32
    %mul3A_0 = arith.muli %arg1, %mul3A : i32
    %mul3A_1 = arith.constant 640 : i32
    %mul3A_2 = arith.muli %arg1, %mul3A_1 : i32
    "tpu.region"() ({
      %run_scoped3A = tpu.sem_alloc : memref<!tpu.dma_semaphore, #tpu.memory_space<semaphore_mem>>
      %dma_start3A = arith.constant 0 : i32
      %dma_start3A_23 = tpu.memref_slice %arg10[%mul3A_2, %dma_start3A] : memref<10240x128xf32, #tpu.memory_space<vmem_shared>> -> memref<640x128xf32, #tpu.memory_space<vmem_shared>>
      %dma_start3A_24 = arith.constant 0 : i32
      %dma_start3A_25 = tpu.memref_slice %arg5[%mul3A_0, %dma_start3A_24] : memref<10240x128xf32, #tpu.memory_space<hbm>> -> memref<640x128xf32, #tpu.memory_space<hbm>>
      tpu.enqueue_dma source(%dma_start3A_25 : memref<640x128xf32, #tpu.memory_space<hbm>>) target(%dma_start3A_23 : memref<640x128xf32, #tpu.memory_space<vmem_shared>>) target_semaphore(%run_scoped3A : memref<!tpu.dma_semaphore, #tpu.memory_space<semaphore_mem>>)
      %dma_wait3A = arith.constant 0 : i32
      %dma_wait3A_26 = tpu.memref_slice %arg10[%mul3A_2, %dma_wait3A] : memref<10240x128xf32, #tpu.memory_space<vmem_shared>> -> memref<640x128xf32, #tpu.memory_space<vmem_shared>>
      %dma_wait3A_27 = arith.constant 0 : i32
      %dma_wait3A_28 = tpu.memref_slice %arg5[%mul3A_0, %dma_wait3A_27] : memref<10240x128xf32, #tpu.memory_space<hbm>> -> memref<640x128xf32, #tpu.memory_space<hbm>>
      tpu.wait_dma2 semaphore(%run_scoped3A : memref<!tpu.dma_semaphore, #tpu.memory_space<semaphore_mem>>) src(%dma_wait3A_28 : memref<640x128xf32, #tpu.memory_space<hbm>>) dst(%dma_wait3A_26 : memref<640x128xf32, #tpu.memory_space<vmem_shared>>)
      tpu.yield
    }) : () -> ()
    %barrier3A = arith.constant 0 : index
    tpu.barrier barrier_id(%barrier3A)
    %mul3A_3 = arith.constant 160 : i32
    %mul3A_4 = arith.muli %arg1, %mul3A_3 : i32
    %eq3A = arith.constant 0 : i32
    %eq3A_5 = arith.cmpi eq, %arg0, %eq3A : i32
    %convert_element_type3A = arith.extui %eq3A_5 : i1 to i32
    %cond3A = arith.constant 0 : i32
    %cond3A_6 = arith.cmpi ne, %convert_element_type3A, %cond3A : i32
    scf.if %cond3A_6 {
      %scan3A = arith.constant 0 : i32
      %scan3A_23 = arith.constant 0 : i32
      %scan3A_24 = arith.constant 20 : i32
      %scan3A_25 = arith.addi %scan3A_23, %scan3A_24 : i32
      %scan3A_26 = arith.constant 1 : i32
      scf.for %scan3A_28 = %scan3A_23 to %scan3A_25 step %scan3A_26  : i32 {
        %mul3A_29 = arith.constant 8 : i32
        %mul3A_30 = arith.muli %scan3A_28, %mul3A_29 : i32
        %add3A = arith.addi %mul3A_4, %mul3A_30 : i32
        "tpu.region"() ({
          %run_scoped3A_54 = tpu.sem_alloc : memref<!tpu.dma_semaphore, #tpu.memory_space<semaphore_mem>>
          %dma_start3A = arith.constant 0 : i32
          %dma_start3A_55 = tpu.memref_slice %arg3[%add3A, %dma_start3A] : memref<2560x128xi32, #tpu.memory_space<hbm>> -> memref<8x128xi32, #tpu.memory_space<hbm>>
          %dma_start3A_56 = arith.constant 0 : i32
          %dma_start3A_57 = tpu.memref_slice %arg3[%add3A, %dma_start3A_56] : memref<2560x128xi32, #tpu.memory_space<hbm>> -> memref<8x128xi32, #tpu.memory_space<hbm>>
          tpu.enqueue_dma source(%dma_start3A_57 : memref<8x128xi32, #tpu.memory_space<hbm>>) target(%arg8 : memref<8x128xi32, #tpu.memory_space<vmem>>) target_semaphore(%run_scoped3A_54 : memref<!tpu.dma_semaphore, #tpu.memory_space<semaphore_mem>>)
          %dma_wait3A = arith.constant 0 : i32
          %dma_wait3A_58 = tpu.memref_slice %arg3[%add3A, %dma_wait3A] : memref<2560x128xi32, #tpu.memory_space<hbm>> -> memref<8x128xi32, #tpu.memory_space<hbm>>
          %dma_wait3A_59 = arith.constant 0 : i32
          %dma_wait3A_60 = tpu.memref_slice %arg3[%add3A, %dma_wait3A_59] : memref<2560x128xi32, #tpu.memory_space<hbm>> -> memref<8x128xi32, #tpu.memory_space<hbm>>
          tpu.wait_dma2 semaphore(%run_scoped3A_54 : memref<!tpu.dma_semaphore, #tpu.memory_space<semaphore_mem>>) src(%dma_wait3A_60 : memref<8x128xi32, #tpu.memory_space<hbm>>) dst(%arg8 : memref<8x128xi32, #tpu.memory_space<vmem>>)
          tpu.yield
        }) : () -> ()
        %add3A_31 = arith.constant 0 : i32
        %add3A_32 = arith.addi %add3A, %add3A_31 : i32
        "tpu.region"() ({
          %run_scoped3A_54 = tpu.sem_alloc : memref<!tpu.dma_semaphore, #tpu.memory_space<semaphore_mem>>
          %dma_start3A = arith.constant 0 : i32
          %dma_start3A_55 = arith.constant 0 : i32
          %dma_start3A_56 = tpu.memref_slice %arg2[%add3A_32, %dma_start3A, %dma_start3A_55] : memref<2560x128x128xf32, #tpu.memory_space<hbm>> -> memref<2x128x128xf32, #tpu.memory_space<hbm>>
          %dma_start3A_57 = arith.constant 0 : i32
          %dma_start3A_58 = arith.constant 0 : i32
          %dma_start3A_59 = tpu.memref_slice %arg2[%add3A_32, %dma_start3A_57, %dma_start3A_58] : memref<2560x128x128xf32, #tpu.memory_space<hbm>> -> memref<2x128x128xf32, #tpu.memory_space<hbm>>
          tpu.enqueue_dma source(%dma_start3A_59 : memref<2x128x128xf32, #tpu.memory_space<hbm>>) target(%arg9 : memref<2x128x128xf32, #tpu.memory_space<vmem>>) target_semaphore(%run_scoped3A_54 : memref<!tpu.dma_semaphore, #tpu.memory_space<semaphore_mem>>)
          %dma_wait3A = arith.constant 0 : i32
          %dma_wait3A_60 = arith.constant 0 : i32
          %dma_wait3A_61 = tpu.memref_slice %arg2[%add3A_32, %dma_wait3A, %dma_wait3A_60] : memref<2560x128x128xf32, #tpu.memory_space<hbm>> -> memref<2x128x128xf32, #tpu.memory_space<hbm>>
          %dma_wait3A_62 = arith.constant 0 : i32
          %dma_wait3A_63 = arith.constant 0 : i32
          %dma_wait3A_64 = tpu.memref_slice %arg2[%add3A_32, %dma_wait3A_62, %dma_wait3A_63] : memref<2560x128x128xf32, #tpu.memory_space<hbm>> -> memref<2x128x128xf32, #tpu.memory_space<hbm>>
          tpu.wait_dma2 semaphore(%run_scoped3A_54 : memref<!tpu.dma_semaphore, #tpu.memory_space<semaphore_mem>>) src(%dma_wait3A_64 : memref<2x128x128xf32, #tpu.memory_space<hbm>>) dst(%arg9 : memref<2x128x128xf32, #tpu.memory_space<vmem>>)
          tpu.yield
        }) : () -> ()
        %run_scoped3A = arith.constant 0 : i32
        %run_scoped3A_33 = arith.constant 0 : i32
        "tpu.region"() ({
          %run_scoped3A_54 = tpu.sem_alloc : memref<!tpu.dma_semaphore, #tpu.memory_space<semaphore_mem>>
          %dma_start3A = arith.constant 0 : i32
          %dma_start3A_55 = arith.constant 0 : i32
          %dma_start3A_56 = tpu.memref_slice %arg9[%run_scoped3A, %dma_start3A, %dma_start3A_55] : memref<2x128x128xf32, #tpu.memory_space<vmem>> -> memref<1x128x128xf32, #tpu.memory_space<vmem>>
          %dma_start3A_57 = tpu.memref_squeeze %dma_start3A_56 : memref<1x128x128xf32, #tpu.memory_space<vmem>> -> memref<128x128xf32, #tpu.memory_space<vmem>>
          %dma_start3A_58 = arith.constant 0 : i32
          %dma_start3A_59 = tpu.memref_slice %arg8[%run_scoped3A_33, %dma_start3A_58] : memref<8x128xi32, #tpu.memory_space<vmem>> -> memref<1x128xi32, #tpu.memory_space<vmem>>
          %dma_start3A_60 = tpu.memref_squeeze %dma_start3A_59 : memref<1x128xi32, #tpu.memory_space<vmem>> -> memref<128xi32, #tpu.memory_space<vmem>>
          %dma_start3A_61 = arith.constant 0 : i32
          %dma_start3A_62 = arith.constant 0 : i32
          %dma_start3A_63 = tpu.memref_slice %arg10[%dma_start3A_61, %dma_start3A_62] : memref<10240x128xf32, #tpu.memory_space<vmem_shared>> -> memref<10240x128xf32, #tpu.memory_space<vmem_shared>>
          tpu.enqueue_indirect_dma source(%dma_start3A_57 : memref<128x128xf32, #tpu.memory_space<vmem>>) target(%dma_start3A_63 : memref<10240x128xf32, #tpu.memory_space<vmem_shared>>) offsets(%dma_start3A_60 : memref<128xi32, #tpu.memory_space<vmem>>) semaphore(%run_scoped3A_54 : memref<!tpu.dma_semaphore, #tpu.memory_space<semaphore_mem>>) {add = true}
          %dma_wait3A = arith.constant 0 : i32
          %dma_wait3A_64 = arith.constant 0 : i32
          %dma_wait3A_65 = tpu.memref_slice %arg9[%run_scoped3A, %dma_wait3A, %dma_wait3A_64] : memref<2x128x128xf32, #tpu.memory_space<vmem>> -> memref<1x128x128xf32, #tpu.memory_space<vmem>>
          %dma_wait3A_66 = tpu.memref_squeeze %dma_wait3A_65 : memref<1x128x128xf32, #tpu.memory_space<vmem>> -> memref<128x128xf32, #tpu.memory_space<vmem>>
          %dma_wait3A_67 = arith.constant 0 : i32
          %dma_wait3A_68 = tpu.memref_slice %arg8[%run_scoped3A_33, %dma_wait3A_67] : memref<8x128xi32, #tpu.memory_space<vmem>> -> memref<1x128xi32, #tpu.memory_space<vmem>>
          %dma_wait3A_69 = tpu.memref_squeeze %dma_wait3A_68 : memref<1x128xi32, #tpu.memory_space<vmem>> -> memref<128xi32, #tpu.memory_space<vmem>>
          %dma_wait3A_70 = arith.constant 0 : i32
          %dma_wait3A_71 = arith.constant 0 : i32
          %dma_wait3A_72 = tpu.memref_slice %arg10[%dma_wait3A_70, %dma_wait3A_71] : memref<10240x128xf32, #tpu.memory_space<vmem_shared>> -> memref<10240x128xf32, #tpu.memory_space<vmem_shared>>
          tpu.wait_indirect_dma semaphore(%run_scoped3A_54 : memref<!tpu.dma_semaphore, #tpu.memory_space<semaphore_mem>>) src(%dma_wait3A_66 : memref<128x128xf32, #tpu.memory_space<vmem>>) dst(%dma_wait3A_72 : memref<10240x128xf32, #tpu.memory_space<vmem_shared>>)
          tpu.yield
        }) : () -> ()
        %run_scoped3A_34 = arith.constant 1 : i32
        %run_scoped3A_35 = arith.constant 1 : i32
        "tpu.region"() ({
          %run_scoped3A_54 = tpu.sem_alloc : memref<!tpu.dma_semaphore, #tpu.memory_space<semaphore_mem>>
          %dma_start3A = arith.constant 0 : i32
          %dma_start3A_55 = arith.constant 0 : i32
          %dma_start3A_56 = tpu.memref_slice %arg9[%run_scoped3A_34, %dma_start3A, %dma_start3A_55] : memref<2x128x128xf32, #tpu.memory_space<vmem>> -> memref<1x128x128xf32, #tpu.memory_space<vmem>>
          %dma_start3A_57 = tpu.memref_squeeze %dma_start3A_56 : memref<1x128x128xf32, #tpu.memory_space<vmem>> -> memref<128x128xf32, #tpu.memory_space<vmem>>
          %dma_start3A_58 = arith.constant 0 : i32
          %dma_start3A_59 = tpu.memref_slice %arg8[%run_scoped3A_35, %dma_start3A_58] : memref<8x128xi32, #tpu.memory_space<vmem>> -> memref<1x128xi32, #tpu.memory_space<vmem>>
          %dma_start3A_60 = tpu.memref_squeeze %dma_start3A_59 : memref<1x128xi32, #tpu.memory_space<vmem>> -> memref<128xi32, #tpu.memory_space<vmem>>
          %dma_start3A_61 = arith.constant 0 : i32
          %dma_start3A_62 = arith.constant 0 : i32
          %dma_start3A_63 = tpu.memref_slice %arg10[%dma_start3A_61, %dma_start3A_62] : memref<10240x128xf32, #tpu.memory_space<vmem_shared>> -> memref<10240x128xf32, #tpu.memory_space<vmem_shared>>
          tpu.enqueue_indirect_dma source(%dma_start3A_57 : memref<128x128xf32, #tpu.memory_space<vmem>>) target(%dma_start3A_63 : memref<10240x128xf32, #tpu.memory_space<vmem_shared>>) offsets(%dma_start3A_60 : memref<128xi32, #tpu.memory_space<vmem>>) semaphore(%run_scoped3A_54 : memref<!tpu.dma_semaphore, #tpu.memory_space<semaphore_mem>>) {add = true}
          %dma_wait3A = arith.constant 0 : i32
          %dma_wait3A_64 = arith.constant 0 : i32
          %dma_wait3A_65 = tpu.memref_slice %arg9[%run_scoped3A_34, %dma_wait3A, %dma_wait3A_64] : memref<2x128x128xf32, #tpu.memory_space<vmem>> -> memref<1x128x128xf32, #tpu.memory_space<vmem>>
          %dma_wait3A_66 = tpu.memref_squeeze %dma_wait3A_65 : memref<1x128x128xf32, #tpu.memory_space<vmem>> -> memref<128x128xf32, #tpu.memory_space<vmem>>
          %dma_wait3A_67 = arith.constant 0 : i32
          %dma_wait3A_68 = tpu.memref_slice %arg8[%run_scoped3A_35, %dma_wait3A_67] : memref<8x128xi32, #tpu.memory_space<vmem>> -> memref<1x128xi32, #tpu.memory_space<vmem>>
          %dma_wait3A_69 = tpu.memref_squeeze %dma_wait3A_68 : memref<1x128xi32, #tpu.memory_space<vmem>> -> memref<128xi32, #tpu.memory_space<vmem>>
          %dma_wait3A_70 = arith.constant 0 : i32
          %dma_wait3A_71 = arith.constant 0 : i32
          %dma_wait3A_72 = tpu.memref_slice %arg10[%dma_wait3A_70, %dma_wait3A_71] : memref<10240x128xf32, #tpu.memory_space<vmem_shared>> -> memref<10240x128xf32, #tpu.memory_space<vmem_shared>>
          tpu.wait_indirect_dma semaphore(%run_scoped3A_54 : memref<!tpu.dma_semaphore, #tpu.memory_space<semaphore_mem>>) src(%dma_wait3A_66 : memref<128x128xf32, #tpu.memory_space<vmem>>) dst(%dma_wait3A_72 : memref<10240x128xf32, #tpu.memory_space<vmem_shared>>)
          tpu.yield
        }) : () -> ()
        %add3A_36 = arith.constant 2 : i32
        %add3A_37 = arith.addi %add3A, %add3A_36 : i32
        "tpu.region"() ({
          %run_scoped3A_54 = tpu.sem_alloc : memref<!tpu.dma_semaphore, #tpu.memory_space<semaphore_mem>>
          %dma_start3A = arith.constant 0 : i32
          %dma_start3A_55 = arith.constant 0 : i32
          %dma_start3A_56 = tpu.memref_slice %arg2[%add3A_37, %dma_start3A, %dma_start3A_55] : memref<2560x128x128xf32, #tpu.memory_space<hbm>> -> memref<2x128x128xf32, #tpu.memory_space<hbm>>
          %dma_start3A_57 = arith.constant 0 : i32
          %dma_start3A_58 = arith.constant 0 : i32
          %dma_start3A_59 = tpu.memref_slice %arg2[%add3A_37, %dma_start3A_57, %dma_start3A_58] : memref<2560x128x128xf32, #tpu.memory_space<hbm>> -> memref<2x128x128xf32, #tpu.memory_space<hbm>>
          tpu.enqueue_dma source(%dma_start3A_59 : memref<2x128x128xf32, #tpu.memory_space<hbm>>) target(%arg9 : memref<2x128x128xf32, #tpu.memory_space<vmem>>) target_semaphore(%run_scoped3A_54 : memref<!tpu.dma_semaphore, #tpu.memory_space<semaphore_mem>>)
          %dma_wait3A = arith.constant 0 : i32
          %dma_wait3A_60 = arith.constant 0 : i32
          %dma_wait3A_61 = tpu.memref_slice %arg2[%add3A_37, %dma_wait3A, %dma_wait3A_60] : memref<2560x128x128xf32, #tpu.memory_space<hbm>> -> memref<2x128x128xf32, #tpu.memory_space<hbm>>
          %dma_wait3A_62 = arith.constant 0 : i32
          %dma_wait3A_63 = arith.constant 0 : i32
          %dma_wait3A_64 = tpu.memref_slice %arg2[%add3A_37, %dma_wait3A_62, %dma_wait3A_63] : memref<2560x128x128xf32, #tpu.memory_space<hbm>> -> memref<2x128x128xf32, #tpu.memory_space<hbm>>
          tpu.wait_dma2 semaphore(%run_scoped3A_54 : memref<!tpu.dma_semaphore, #tpu.memory_space<semaphore_mem>>) src(%dma_wait3A_64 : memref<2x128x128xf32, #tpu.memory_space<hbm>>) dst(%arg9 : memref<2x128x128xf32, #tpu.memory_space<vmem>>)
          tpu.yield
        }) : () -> ()
        %run_scoped3A_38 = arith.constant 0 : i32
        %run_scoped3A_39 = arith.constant 2 : i32
        "tpu.region"() ({
          %run_scoped3A_54 = tpu.sem_alloc : memref<!tpu.dma_semaphore, #tpu.memory_space<semaphore_mem>>
          %dma_start3A = arith.constant 0 : i32
          %dma_start3A_55 = arith.constant 0 : i32
          %dma_start3A_56 = tpu.memref_slice %arg9[%run_scoped3A_38, %dma_start3A, %dma_start3A_55] : memref<2x128x128xf32, #tpu.memory_space<vmem>> -> memref<1x128x128xf32, #tpu.memory_space<vmem>>
          %dma_start3A_57 = tpu.memref_squeeze %dma_start3A_56 : memref<1x128x128xf32, #tpu.memory_space<vmem>> -> memref<128x128xf32, #tpu.memory_space<vmem>>
          %dma_start3A_58 = arith.constant 0 : i32
          %dma_start3A_59 = tpu.memref_slice %arg8[%run_scoped3A_39, %dma_start3A_58] : memref<8x128xi32, #tpu.memory_space<vmem>> -> memref<1x128xi32, #tpu.memory_space<vmem>>
          %dma_start3A_60 = tpu.memref_squeeze %dma_start3A_59 : memref<1x128xi32, #tpu.memory_space<vmem>> -> memref<128xi32, #tpu.memory_space<vmem>>
          %dma_start3A_61 = arith.constant 0 : i32
          %dma_start3A_62 = arith.constant 0 : i32
          %dma_start3A_63 = tpu.memref_slice %arg10[%dma_start3A_61, %dma_start3A_62] : memref<10240x128xf32, #tpu.memory_space<vmem_shared>> -> memref<10240x128xf32, #tpu.memory_space<vmem_shared>>
          tpu.enqueue_indirect_dma source(%dma_start3A_57 : memref<128x128xf32, #tpu.memory_space<vmem>>) target(%dma_start3A_63 : memref<10240x128xf32, #tpu.memory_space<vmem_shared>>) offsets(%dma_start3A_60 : memref<128xi32, #tpu.memory_space<vmem>>) semaphore(%run_scoped3A_54 : memref<!tpu.dma_semaphore, #tpu.memory_space<semaphore_mem>>) {add = true}
          %dma_wait3A = arith.constant 0 : i32
          %dma_wait3A_64 = arith.constant 0 : i32
          %dma_wait3A_65 = tpu.memref_slice %arg9[%run_scoped3A_38, %dma_wait3A, %dma_wait3A_64] : memref<2x128x128xf32, #tpu.memory_space<vmem>> -> memref<1x128x128xf32, #tpu.memory_space<vmem>>
          %dma_wait3A_66 = tpu.memref_squeeze %dma_wait3A_65 : memref<1x128x128xf32, #tpu.memory_space<vmem>> -> memref<128x128xf32, #tpu.memory_space<vmem>>
          %dma_wait3A_67 = arith.constant 0 : i32
          %dma_wait3A_68 = tpu.memref_slice %arg8[%run_scoped3A_39, %dma_wait3A_67] : memref<8x128xi32, #tpu.memory_space<vmem>> -> memref<1x128xi32, #tpu.memory_space<vmem>>
          %dma_wait3A_69 = tpu.memref_squeeze %dma_wait3A_68 : memref<1x128xi32, #tpu.memory_space<vmem>> -> memref<128xi32, #tpu.memory_space<vmem>>
          %dma_wait3A_70 = arith.constant 0 : i32
          %dma_wait3A_71 = arith.constant 0 : i32
          %dma_wait3A_72 = tpu.memref_slice %arg10[%dma_wait3A_70, %dma_wait3A_71] : memref<10240x128xf32, #tpu.memory_space<vmem_shared>> -> memref<10240x128xf32, #tpu.memory_space<vmem_shared>>
          tpu.wait_indirect_dma semaphore(%run_scoped3A_54 : memref<!tpu.dma_semaphore, #tpu.memory_space<semaphore_mem>>) src(%dma_wait3A_66 : memref<128x128xf32, #tpu.memory_space<vmem>>) dst(%dma_wait3A_72 : memref<10240x128xf32, #tpu.memory_space<vmem_shared>>)
          tpu.yield
        }) : () -> ()
        %run_scoped3A_40 = arith.constant 1 : i32
        %run_scoped3A_41 = arith.constant 3 : i32
        "tpu.region"() ({
          %run_scoped3A_54 = tpu.sem_alloc : memref<!tpu.dma_semaphore, #tpu.memory_space<semaphore_mem>>
          %dma_start3A = arith.constant 0 : i32
          %dma_start3A_55 = arith.constant 0 : i32
          %dma_start3A_56 = tpu.memref_slice %arg9[%run_scoped3A_40, %dma_start3A, %dma_start3A_55] : memref<2x128x128xf32, #tpu.memory_space<vmem>> -> memref<1x128x128xf32, #tpu.memory_space<vmem>>
          %dma_start3A_57 = tpu.memref_squeeze %dma_start3A_56 : memref<1x128x128xf32, #tpu.memory_space<vmem>> -> memref<128x128xf32, #tpu.memory_space<vmem>>
          %dma_start3A_58 = arith.constant 0 : i32
          %dma_start3A_59 = tpu.memref_slice %arg8[%run_scoped3A_41, %dma_start3A_58] : memref<8x128xi32, #tpu.memory_space<vmem>> -> memref<1x128xi32, #tpu.memory_space<vmem>>
          %dma_start3A_60 = tpu.memref_squeeze %dma_start3A_59 : memref<1x128xi32, #tpu.memory_space<vmem>> -> memref<128xi32, #tpu.memory_space<vmem>>
          %dma_start3A_61 = arith.constant 0 : i32
          %dma_start3A_62 = arith.constant 0 : i32
          %dma_start3A_63 = tpu.memref_slice %arg10[%dma_start3A_61, %dma_start3A_62] : memref<10240x128xf32, #tpu.memory_space<vmem_shared>> -> memref<10240x128xf32, #tpu.memory_space<vmem_shared>>
          tpu.enqueue_indirect_dma source(%dma_start3A_57 : memref<128x128xf32, #tpu.memory_space<vmem>>) target(%dma_start3A_63 : memref<10240x128xf32, #tpu.memory_space<vmem_shared>>) offsets(%dma_start3A_60 : memref<128xi32, #tpu.memory_space<vmem>>) semaphore(%run_scoped3A_54 : memref<!tpu.dma_semaphore, #tpu.memory_space<semaphore_mem>>) {add = true}
          %dma_wait3A = arith.constant 0 : i32
          %dma_wait3A_64 = arith.constant 0 : i32
          %dma_wait3A_65 = tpu.memref_slice %arg9[%run_scoped3A_40, %dma_wait3A, %dma_wait3A_64] : memref<2x128x128xf32, #tpu.memory_space<vmem>> -> memref<1x128x128xf32, #tpu.memory_space<vmem>>
          %dma_wait3A_66 = tpu.memref_squeeze %dma_wait3A_65 : memref<1x128x128xf32, #tpu.memory_space<vmem>> -> memref<128x128xf32, #tpu.memory_space<vmem>>
          %dma_wait3A_67 = arith.constant 0 : i32
          %dma_wait3A_68 = tpu.memref_slice %arg8[%run_scoped3A_41, %dma_wait3A_67] : memref<8x128xi32, #tpu.memory_space<vmem>> -> memref<1x128xi32, #tpu.memory_space<vmem>>
          %dma_wait3A_69 = tpu.memref_squeeze %dma_wait3A_68 : memref<1x128xi32, #tpu.memory_space<vmem>> -> memref<128xi32, #tpu.memory_space<vmem>>
          %dma_wait3A_70 = arith.constant 0 : i32
          %dma_wait3A_71 = arith.constant 0 : i32
          %dma_wait3A_72 = tpu.memref_slice %arg10[%dma_wait3A_70, %dma_wait3A_71] : memref<10240x128xf32, #tpu.memory_space<vmem_shared>> -> memref<10240x128xf32, #tpu.memory_space<vmem_shared>>
          tpu.wait_indirect_dma semaphore(%run_scoped3A_54 : memref<!tpu.dma_semaphore, #tpu.memory_space<semaphore_mem>>) src(%dma_wait3A_66 : memref<128x128xf32, #tpu.memory_space<vmem>>) dst(%dma_wait3A_72 : memref<10240x128xf32, #tpu.memory_space<vmem_shared>>)
          tpu.yield
        }) : () -> ()
        %add3A_42 = arith.constant 4 : i32
        %add3A_43 = arith.addi %add3A, %add3A_42 : i32
        "tpu.region"() ({
          %run_scoped3A_54 = tpu.sem_alloc : memref<!tpu.dma_semaphore, #tpu.memory_space<semaphore_mem>>
          %dma_start3A = arith.constant 0 : i32
          %dma_start3A_55 = arith.constant 0 : i32
          %dma_start3A_56 = tpu.memref_slice %arg2[%add3A_43, %dma_start3A, %dma_start3A_55] : memref<2560x128x128xf32, #tpu.memory_space<hbm>> -> memref<2x128x128xf32, #tpu.memory_space<hbm>>
          %dma_start3A_57 = arith.constant 0 : i32
          %dma_start3A_58 = arith.constant 0 : i32
          %dma_start3A_59 = tpu.memref_slice %arg2[%add3A_43, %dma_start3A_57, %dma_start3A_58] : memref<2560x128x128xf32, #tpu.memory_space<hbm>> -> memref<2x128x128xf32, #tpu.memory_space<hbm>>
          tpu.enqueue_dma source(%dma_start3A_59 : memref<2x128x128xf32, #tpu.memory_space<hbm>>) target(%arg9 : memref<2x128x128xf32, #tpu.memory_space<vmem>>) target_semaphore(%run_scoped3A_54 : memref<!tpu.dma_semaphore, #tpu.memory_space<semaphore_mem>>)
          %dma_wait3A = arith.constant 0 : i32
          %dma_wait3A_60 = arith.constant 0 : i32
          %dma_wait3A_61 = tpu.memref_slice %arg2[%add3A_43, %dma_wait3A, %dma_wait3A_60] : memref<2560x128x128xf32, #tpu.memory_space<hbm>> -> memref<2x128x128xf32, #tpu.memory_space<hbm>>
          %dma_wait3A_62 = arith.constant 0 : i32
          %dma_wait3A_63 = arith.constant 0 : i32
          %dma_wait3A_64 = tpu.memref_slice %arg2[%add3A_43, %dma_wait3A_62, %dma_wait3A_63] : memref<2560x128x128xf32, #tpu.memory_space<hbm>> -> memref<2x128x128xf32, #tpu.memory_space<hbm>>
          tpu.wait_dma2 semaphore(%run_scoped3A_54 : memref<!tpu.dma_semaphore, #tpu.memory_space<semaphore_mem>>) src(%dma_wait3A_64 : memref<2x128x128xf32, #tpu.memory_space<hbm>>) dst(%arg9 : memref<2x128x128xf32, #tpu.memory_space<vmem>>)
          tpu.yield
        }) : () -> ()
        %run_scoped3A_44 = arith.constant 0 : i32
        %run_scoped3A_45 = arith.constant 4 : i32
        "tpu.region"() ({
          %run_scoped3A_54 = tpu.sem_alloc : memref<!tpu.dma_semaphore, #tpu.memory_space<semaphore_mem>>
          %dma_start3A = arith.constant 0 : i32
          %dma_start3A_55 = arith.constant 0 : i32
          %dma_start3A_56 = tpu.memref_slice %arg9[%run_scoped3A_44, %dma_start3A, %dma_start3A_55] : memref<2x128x128xf32, #tpu.memory_space<vmem>> -> memref<1x128x128xf32, #tpu.memory_space<vmem>>
          %dma_start3A_57 = tpu.memref_squeeze %dma_start3A_56 : memref<1x128x128xf32, #tpu.memory_space<vmem>> -> memref<128x128xf32, #tpu.memory_space<vmem>>
          %dma_start3A_58 = arith.constant 0 : i32
          %dma_start3A_59 = tpu.memref_slice %arg8[%run_scoped3A_45, %dma_start3A_58] : memref<8x128xi32, #tpu.memory_space<vmem>> -> memref<1x128xi32, #tpu.memory_space<vmem>>
          %dma_start3A_60 = tpu.memref_squeeze %dma_start3A_59 : memref<1x128xi32, #tpu.memory_space<vmem>> -> memref<128xi32, #tpu.memory_space<vmem>>
          %dma_start3A_61 = arith.constant 0 : i32
          %dma_start3A_62 = arith.constant 0 : i32
          %dma_start3A_63 = tpu.memref_slice %arg10[%dma_start3A_61, %dma_start3A_62] : memref<10240x128xf32, #tpu.memory_space<vmem_shared>> -> memref<10240x128xf32, #tpu.memory_space<vmem_shared>>
          tpu.enqueue_indirect_dma source(%dma_start3A_57 : memref<128x128xf32, #tpu.memory_space<vmem>>) target(%dma_start3A_63 : memref<10240x128xf32, #tpu.memory_space<vmem_shared>>) offsets(%dma_start3A_60 : memref<128xi32, #tpu.memory_space<vmem>>) semaphore(%run_scoped3A_54 : memref<!tpu.dma_semaphore, #tpu.memory_space<semaphore_mem>>) {add = true}
          %dma_wait3A = arith.constant 0 : i32
          %dma_wait3A_64 = arith.constant 0 : i32
          %dma_wait3A_65 = tpu.memref_slice %arg9[%run_scoped3A_44, %dma_wait3A, %dma_wait3A_64] : memref<2x128x128xf32, #tpu.memory_space<vmem>> -> memref<1x128x128xf32, #tpu.memory_space<vmem>>
          %dma_wait3A_66 = tpu.memref_squeeze %dma_wait3A_65 : memref<1x128x128xf32, #tpu.memory_space<vmem>> -> memref<128x128xf32, #tpu.memory_space<vmem>>
          %dma_wait3A_67 = arith.constant 0 : i32
          %dma_wait3A_68 = tpu.memref_slice %arg8[%run_scoped3A_45, %dma_wait3A_67] : memref<8x128xi32, #tpu.memory_space<vmem>> -> memref<1x128xi32, #tpu.memory_space<vmem>>
          %dma_wait3A_69 = tpu.memref_squeeze %dma_wait3A_68 : memref<1x128xi32, #tpu.memory_space<vmem>> -> memref<128xi32, #tpu.memory_space<vmem>>
          %dma_wait3A_70 = arith.constant 0 : i32
          %dma_wait3A_71 = arith.constant 0 : i32
          %dma_wait3A_72 = tpu.memref_slice %arg10[%dma_wait3A_70, %dma_wait3A_71] : memref<10240x128xf32, #tpu.memory_space<vmem_shared>> -> memref<10240x128xf32, #tpu.memory_space<vmem_shared>>
          tpu.wait_indirect_dma semaphore(%run_scoped3A_54 : memref<!tpu.dma_semaphore, #tpu.memory_space<semaphore_mem>>) src(%dma_wait3A_66 : memref<128x128xf32, #tpu.memory_space<vmem>>) dst(%dma_wait3A_72 : memref<10240x128xf32, #tpu.memory_space<vmem_shared>>)
          tpu.yield
        }) : () -> ()
        %run_scoped3A_46 = arith.constant 1 : i32
        %run_scoped3A_47 = arith.constant 5 : i32
        "tpu.region"() ({
          %run_scoped3A_54 = tpu.sem_alloc : memref<!tpu.dma_semaphore, #tpu.memory_space<semaphore_mem>>
          %dma_start3A = arith.constant 0 : i32
          %dma_start3A_55 = arith.constant 0 : i32
          %dma_start3A_56 = tpu.memref_slice %arg9[%run_scoped3A_46, %dma_start3A, %dma_start3A_55] : memref<2x128x128xf32, #tpu.memory_space<vmem>> -> memref<1x128x128xf32, #tpu.memory_space<vmem>>
          %dma_start3A_57 = tpu.memref_squeeze %dma_start3A_56 : memref<1x128x128xf32, #tpu.memory_space<vmem>> -> memref<128x128xf32, #tpu.memory_space<vmem>>
          %dma_start3A_58 = arith.constant 0 : i32
          %dma_start3A_59 = tpu.memref_slice %arg8[%run_scoped3A_47, %dma_start3A_58] : memref<8x128xi32, #tpu.memory_space<vmem>> -> memref<1x128xi32, #tpu.memory_space<vmem>>
          %dma_start3A_60 = tpu.memref_squeeze %dma_start3A_59 : memref<1x128xi32, #tpu.memory_space<vmem>> -> memref<128xi32, #tpu.memory_space<vmem>>
          %dma_start3A_61 = arith.constant 0 : i32
          %dma_start3A_62 = arith.constant 0 : i32
          %dma_start3A_63 = tpu.memref_slice %arg10[%dma_start3A_61, %dma_start3A_62] : memref<10240x128xf32, #tpu.memory_space<vmem_shared>> -> memref<10240x128xf32, #tpu.memory_space<vmem_shared>>
          tpu.enqueue_indirect_dma source(%dma_start3A_57 : memref<128x128xf32, #tpu.memory_space<vmem>>) target(%dma_start3A_63 : memref<10240x128xf32, #tpu.memory_space<vmem_shared>>) offsets(%dma_start3A_60 : memref<128xi32, #tpu.memory_space<vmem>>) semaphore(%run_scoped3A_54 : memref<!tpu.dma_semaphore, #tpu.memory_space<semaphore_mem>>) {add = true}
          %dma_wait3A = arith.constant 0 : i32
          %dma_wait3A_64 = arith.constant 0 : i32
          %dma_wait3A_65 = tpu.memref_slice %arg9[%run_scoped3A_46, %dma_wait3A, %dma_wait3A_64] : memref<2x128x128xf32, #tpu.memory_space<vmem>> -> memref<1x128x128xf32, #tpu.memory_space<vmem>>
          %dma_wait3A_66 = tpu.memref_squeeze %dma_wait3A_65 : memref<1x128x128xf32, #tpu.memory_space<vmem>> -> memref<128x128xf32, #tpu.memory_space<vmem>>
          %dma_wait3A_67 = arith.constant 0 : i32
          %dma_wait3A_68 = tpu.memref_slice %arg8[%run_scoped3A_47, %dma_wait3A_67] : memref<8x128xi32, #tpu.memory_space<vmem>> -> memref<1x128xi32, #tpu.memory_space<vmem>>
          %dma_wait3A_69 = tpu.memref_squeeze %dma_wait3A_68 : memref<1x128xi32, #tpu.memory_space<vmem>> -> memref<128xi32, #tpu.memory_space<vmem>>
          %dma_wait3A_70 = arith.constant 0 : i32
          %dma_wait3A_71 = arith.constant 0 : i32
          %dma_wait3A_72 = tpu.memref_slice %arg10[%dma_wait3A_70, %dma_wait3A_71] : memref<10240x128xf32, #tpu.memory_space<vmem_shared>> -> memref<10240x128xf32, #tpu.memory_space<vmem_shared>>
          tpu.wait_indirect_dma semaphore(%run_scoped3A_54 : memref<!tpu.dma_semaphore, #tpu.memory_space<semaphore_mem>>) src(%dma_wait3A_66 : memref<128x128xf32, #tpu.memory_space<vmem>>) dst(%dma_wait3A_72 : memref<10240x128xf32, #tpu.memory_space<vmem_shared>>)
          tpu.yield
        }) : () -> ()
        %add3A_48 = arith.constant 6 : i32
        %add3A_49 = arith.addi %add3A, %add3A_48 : i32
        "tpu.region"() ({
          %run_scoped3A_54 = tpu.sem_alloc : memref<!tpu.dma_semaphore, #tpu.memory_space<semaphore_mem>>
          %dma_start3A = arith.constant 0 : i32
          %dma_start3A_55 = arith.constant 0 : i32
          %dma_start3A_56 = tpu.memref_slice %arg2[%add3A_49, %dma_start3A, %dma_start3A_55] : memref<2560x128x128xf32, #tpu.memory_space<hbm>> -> memref<2x128x128xf32, #tpu.memory_space<hbm>>
          %dma_start3A_57 = arith.constant 0 : i32
          %dma_start3A_58 = arith.constant 0 : i32
          %dma_start3A_59 = tpu.memref_slice %arg2[%add3A_49, %dma_start3A_57, %dma_start3A_58] : memref<2560x128x128xf32, #tpu.memory_space<hbm>> -> memref<2x128x128xf32, #tpu.memory_space<hbm>>
          tpu.enqueue_dma source(%dma_start3A_59 : memref<2x128x128xf32, #tpu.memory_space<hbm>>) target(%arg9 : memref<2x128x128xf32, #tpu.memory_space<vmem>>) target_semaphore(%run_scoped3A_54 : memref<!tpu.dma_semaphore, #tpu.memory_space<semaphore_mem>>)
          %dma_wait3A = arith.constant 0 : i32
          %dma_wait3A_60 = arith.constant 0 : i32
          %dma_wait3A_61 = tpu.memref_slice %arg2[%add3A_49, %dma_wait3A, %dma_wait3A_60] : memref<2560x128x128xf32, #tpu.memory_space<hbm>> -> memref<2x128x128xf32, #tpu.memory_space<hbm>>
          %dma_wait3A_62 = arith.constant 0 : i32
          %dma_wait3A_63 = arith.constant 0 : i32
          %dma_wait3A_64 = tpu.memref_slice %arg2[%add3A_49, %dma_wait3A_62, %dma_wait3A_63] : memref<2560x128x128xf32, #tpu.memory_space<hbm>> -> memref<2x128x128xf32, #tpu.memory_space<hbm>>
          tpu.wait_dma2 semaphore(%run_scoped3A_54 : memref<!tpu.dma_semaphore, #tpu.memory_space<semaphore_mem>>) src(%dma_wait3A_64 : memref<2x128x128xf32, #tpu.memory_space<hbm>>) dst(%arg9 : memref<2x128x128xf32, #tpu.memory_space<vmem>>)
          tpu.yield
        }) : () -> ()
        %run_scoped3A_50 = arith.constant 0 : i32
        %run_scoped3A_51 = arith.constant 6 : i32
        "tpu.region"() ({
          %run_scoped3A_54 = tpu.sem_alloc : memref<!tpu.dma_semaphore, #tpu.memory_space<semaphore_mem>>
          %dma_start3A = arith.constant 0 : i32
          %dma_start3A_55 = arith.constant 0 : i32
          %dma_start3A_56 = tpu.memref_slice %arg9[%run_scoped3A_50, %dma_start3A, %dma_start3A_55] : memref<2x128x128xf32, #tpu.memory_space<vmem>> -> memref<1x128x128xf32, #tpu.memory_space<vmem>>
          %dma_start3A_57 = tpu.memref_squeeze %dma_start3A_56 : memref<1x128x128xf32, #tpu.memory_space<vmem>> -> memref<128x128xf32, #tpu.memory_space<vmem>>
          %dma_start3A_58 = arith.constant 0 : i32
          %dma_start3A_59 = tpu.memref_slice %arg8[%run_scoped3A_51, %dma_start3A_58] : memref<8x128xi32, #tpu.memory_space<vmem>> -> memref<1x128xi32, #tpu.memory_space<vmem>>
          %dma_start3A_60 = tpu.memref_squeeze %dma_start3A_59 : memref<1x128xi32, #tpu.memory_space<vmem>> -> memref<128xi32, #tpu.memory_space<vmem>>
          %dma_start3A_61 = arith.constant 0 : i32
          %dma_start3A_62 = arith.constant 0 : i32
          %dma_start3A_63 = tpu.memref_slice %arg10[%dma_start3A_61, %dma_start3A_62] : memref<10240x128xf32, #tpu.memory_space<vmem_shared>> -> memref<10240x128xf32, #tpu.memory_space<vmem_shared>>
          tpu.enqueue_indirect_dma source(%dma_start3A_57 : memref<128x128xf32, #tpu.memory_space<vmem>>) target(%dma_start3A_63 : memref<10240x128xf32, #tpu.memory_space<vmem_shared>>) offsets(%dma_start3A_60 : memref<128xi32, #tpu.memory_space<vmem>>) semaphore(%run_scoped3A_54 : memref<!tpu.dma_semaphore, #tpu.memory_space<semaphore_mem>>) {add = true}
          %dma_wait3A = arith.constant 0 : i32
          %dma_wait3A_64 = arith.constant 0 : i32
          %dma_wait3A_65 = tpu.memref_slice %arg9[%run_scoped3A_50, %dma_wait3A, %dma_wait3A_64] : memref<2x128x128xf32, #tpu.memory_space<vmem>> -> memref<1x128x128xf32, #tpu.memory_space<vmem>>
          %dma_wait3A_66 = tpu.memref_squeeze %dma_wait3A_65 : memref<1x128x128xf32, #tpu.memory_space<vmem>> -> memref<128x128xf32, #tpu.memory_space<vmem>>
          %dma_wait3A_67 = arith.constant 0 : i32
          %dma_wait3A_68 = tpu.memref_slice %arg8[%run_scoped3A_51, %dma_wait3A_67] : memref<8x128xi32, #tpu.memory_space<vmem>> -> memref<1x128xi32, #tpu.memory_space<vmem>>
          %dma_wait3A_69 = tpu.memref_squeeze %dma_wait3A_68 : memref<1x128xi32, #tpu.memory_space<vmem>> -> memref<128xi32, #tpu.memory_space<vmem>>
          %dma_wait3A_70 = arith.constant 0 : i32
          %dma_wait3A_71 = arith.constant 0 : i32
          %dma_wait3A_72 = tpu.memref_slice %arg10[%dma_wait3A_70, %dma_wait3A_71] : memref<10240x128xf32, #tpu.memory_space<vmem_shared>> -> memref<10240x128xf32, #tpu.memory_space<vmem_shared>>
          tpu.wait_indirect_dma semaphore(%run_scoped3A_54 : memref<!tpu.dma_semaphore, #tpu.memory_space<semaphore_mem>>) src(%dma_wait3A_66 : memref<128x128xf32, #tpu.memory_space<vmem>>) dst(%dma_wait3A_72 : memref<10240x128xf32, #tpu.memory_space<vmem_shared>>)
          tpu.yield
        }) : () -> ()
        %run_scoped3A_52 = arith.constant 1 : i32
        %run_scoped3A_53 = arith.constant 7 : i32
        "tpu.region"() ({
          %run_scoped3A_54 = tpu.sem_alloc : memref<!tpu.dma_semaphore, #tpu.memory_space<semaphore_mem>>
          %dma_start3A = arith.constant 0 : i32
          %dma_start3A_55 = arith.constant 0 : i32
          %dma_start3A_56 = tpu.memref_slice %arg9[%run_scoped3A_52, %dma_start3A, %dma_start3A_55] : memref<2x128x128xf32, #tpu.memory_space<vmem>> -> memref<1x128x128xf32, #tpu.memory_space<vmem>>
          %dma_start3A_57 = tpu.memref_squeeze %dma_start3A_56 : memref<1x128x128xf32, #tpu.memory_space<vmem>> -> memref<128x128xf32, #tpu.memory_space<vmem>>
          %dma_start3A_58 = arith.constant 0 : i32
          %dma_start3A_59 = tpu.memref_slice %arg8[%run_scoped3A_53, %dma_start3A_58] : memref<8x128xi32, #tpu.memory_space<vmem>> -> memref<1x128xi32, #tpu.memory_space<vmem>>
          %dma_start3A_60 = tpu.memref_squeeze %dma_start3A_59 : memref<1x128xi32, #tpu.memory_space<vmem>> -> memref<128xi32, #tpu.memory_space<vmem>>
          %dma_start3A_61 = arith.constant 0 : i32
          %dma_start3A_62 = arith.constant 0 : i32
          %dma_start3A_63 = tpu.memref_slice %arg10[%dma_start3A_61, %dma_start3A_62] : memref<10240x128xf32, #tpu.memory_space<vmem_shared>> -> memref<10240x128xf32, #tpu.memory_space<vmem_shared>>
          tpu.enqueue_indirect_dma source(%dma_start3A_57 : memref<128x128xf32, #tpu.memory_space<vmem>>) target(%dma_start3A_63 : memref<10240x128xf32, #tpu.memory_space<vmem_shared>>) offsets(%dma_start3A_60 : memref<128xi32, #tpu.memory_space<vmem>>) semaphore(%run_scoped3A_54 : memref<!tpu.dma_semaphore, #tpu.memory_space<semaphore_mem>>) {add = true}
          %dma_wait3A = arith.constant 0 : i32
          %dma_wait3A_64 = arith.constant 0 : i32
          %dma_wait3A_65 = tpu.memref_slice %arg9[%run_scoped3A_52, %dma_wait3A, %dma_wait3A_64] : memref<2x128x128xf32, #tpu.memory_space<vmem>> -> memref<1x128x128xf32, #tpu.memory_space<vmem>>
          %dma_wait3A_66 = tpu.memref_squeeze %dma_wait3A_65 : memref<1x128x128xf32, #tpu.memory_space<vmem>> -> memref<128x128xf32, #tpu.memory_space<vmem>>
          %dma_wait3A_67 = arith.constant 0 : i32
          %dma_wait3A_68 = tpu.memref_slice %arg8[%run_scoped3A_53, %dma_wait3A_67] : memref<8x128xi32, #tpu.memory_space<vmem>> -> memref<1x128xi32, #tpu.memory_space<vmem>>
          %dma_wait3A_69 = tpu.memref_squeeze %dma_wait3A_68 : memref<1x128xi32, #tpu.memory_space<vmem>> -> memref<128xi32, #tpu.memory_space<vmem>>
          %dma_wait3A_70 = arith.constant 0 : i32
          %dma_wait3A_71 = arith.constant 0 : i32
          %dma_wait3A_72 = tpu.memref_slice %arg10[%dma_wait3A_70, %dma_wait3A_71] : memref<10240x128xf32, #tpu.memory_space<vmem_shared>> -> memref<10240x128xf32, #tpu.memory_space<vmem_shared>>
          tpu.wait_indirect_dma semaphore(%run_scoped3A_54 : memref<!tpu.dma_semaphore, #tpu.memory_space<semaphore_mem>>) src(%dma_wait3A_66 : memref<128x128xf32, #tpu.memory_space<vmem>>) dst(%dma_wait3A_72 : memref<10240x128xf32, #tpu.memory_space<vmem_shared>>)
          tpu.yield
        }) : () -> ()
      }
      %scan3A_27 = arith.constant 20 : i32
    } else {
    }
    %eq3A_7 = arith.constant 1 : i32
    %eq3A_8 = arith.cmpi eq, %arg0, %eq3A_7 : i32
    %convert_element_type3A_9 = arith.extui %eq3A_8 : i1 to i32
    %cond3A_10 = arith.constant 0 : i32
    %cond3A_11 = arith.cmpi ne, %convert_element_type3A_9, %cond3A_10 : i32
    scf.if %cond3A_11 {
      %scan3A = arith.constant 0 : i32
      %scan3A_23 = arith.constant 0 : i32
      %scan3A_24 = arith.constant 20 : i32
      %scan3A_25 = arith.addi %scan3A_23, %scan3A_24 : i32
      %scan3A_26 = arith.constant 1 : i32
      scf.for %scan3A_28 = %scan3A_23 to %scan3A_25 step %scan3A_26  : i32 {
        %mul3A_29 = arith.constant 8 : i32
        %mul3A_30 = arith.muli %scan3A_28, %mul3A_29 : i32
        %add3A = arith.addi %mul3A_4, %mul3A_30 : i32
        "tpu.region"() ({
          %run_scoped3A_54 = tpu.sem_alloc : memref<!tpu.dma_semaphore, #tpu.memory_space<semaphore_mem>>
          %dma_start3A = arith.constant 0 : i32
          %dma_start3A_55 = tpu.memref_slice %arg4[%add3A, %dma_start3A] : memref<2560x128xi32, #tpu.memory_space<hbm>> -> memref<8x128xi32, #tpu.memory_space<hbm>>
          %dma_start3A_56 = arith.constant 0 : i32
          %dma_start3A_57 = tpu.memref_slice %arg4[%add3A, %dma_start3A_56] : memref<2560x128xi32, #tpu.memory_space<hbm>> -> memref<8x128xi32, #tpu.memory_space<hbm>>
          tpu.enqueue_dma source(%dma_start3A_57 : memref<8x128xi32, #tpu.memory_space<hbm>>) target(%arg8 : memref<8x128xi32, #tpu.memory_space<vmem>>) target_semaphore(%run_scoped3A_54 : memref<!tpu.dma_semaphore, #tpu.memory_space<semaphore_mem>>)
          %dma_wait3A = arith.constant 0 : i32
          %dma_wait3A_58 = tpu.memref_slice %arg4[%add3A, %dma_wait3A] : memref<2560x128xi32, #tpu.memory_space<hbm>> -> memref<8x128xi32, #tpu.memory_space<hbm>>
          %dma_wait3A_59 = arith.constant 0 : i32
          %dma_wait3A_60 = tpu.memref_slice %arg4[%add3A, %dma_wait3A_59] : memref<2560x128xi32, #tpu.memory_space<hbm>> -> memref<8x128xi32, #tpu.memory_space<hbm>>
          tpu.wait_dma2 semaphore(%run_scoped3A_54 : memref<!tpu.dma_semaphore, #tpu.memory_space<semaphore_mem>>) src(%dma_wait3A_60 : memref<8x128xi32, #tpu.memory_space<hbm>>) dst(%arg8 : memref<8x128xi32, #tpu.memory_space<vmem>>)
          tpu.yield
        }) : () -> ()
        %add3A_31 = arith.constant 0 : i32
        %add3A_32 = arith.addi %add3A, %add3A_31 : i32
        "tpu.region"() ({
          %run_scoped3A_54 = tpu.sem_alloc : memref<!tpu.dma_semaphore, #tpu.memory_space<semaphore_mem>>
          %dma_start3A = arith.constant 0 : i32
          %dma_start3A_55 = arith.constant 0 : i32
          %dma_start3A_56 = tpu.memref_slice %arg2[%add3A_32, %dma_start3A, %dma_start3A_55] : memref<2560x128x128xf32, #tpu.memory_space<hbm>> -> memref<2x128x128xf32, #tpu.memory_space<hbm>>
          %dma_start3A_57 = arith.constant 0 : i32
          %dma_start3A_58 = arith.constant 0 : i32
          %dma_start3A_59 = tpu.memref_slice %arg2[%add3A_32, %dma_start3A_57, %dma_start3A_58] : memref<2560x128x128xf32, #tpu.memory_space<hbm>> -> memref<2x128x128xf32, #tpu.memory_space<hbm>>
          tpu.enqueue_dma source(%dma_start3A_59 : memref<2x128x128xf32, #tpu.memory_space<hbm>>) target(%arg9 : memref<2x128x128xf32, #tpu.memory_space<vmem>>) target_semaphore(%run_scoped3A_54 : memref<!tpu.dma_semaphore, #tpu.memory_space<semaphore_mem>>)
          %dma_wait3A = arith.constant 0 : i32
          %dma_wait3A_60 = arith.constant 0 : i32
          %dma_wait3A_61 = tpu.memref_slice %arg2[%add3A_32, %dma_wait3A, %dma_wait3A_60] : memref<2560x128x128xf32, #tpu.memory_space<hbm>> -> memref<2x128x128xf32, #tpu.memory_space<hbm>>
          %dma_wait3A_62 = arith.constant 0 : i32
          %dma_wait3A_63 = arith.constant 0 : i32
          %dma_wait3A_64 = tpu.memref_slice %arg2[%add3A_32, %dma_wait3A_62, %dma_wait3A_63] : memref<2560x128x128xf32, #tpu.memory_space<hbm>> -> memref<2x128x128xf32, #tpu.memory_space<hbm>>
          tpu.wait_dma2 semaphore(%run_scoped3A_54 : memref<!tpu.dma_semaphore, #tpu.memory_space<semaphore_mem>>) src(%dma_wait3A_64 : memref<2x128x128xf32, #tpu.memory_space<hbm>>) dst(%arg9 : memref<2x128x128xf32, #tpu.memory_space<vmem>>)
          tpu.yield
        }) : () -> ()
        %run_scoped3A = arith.constant 0 : i32
        %run_scoped3A_33 = arith.constant 0 : i32
        "tpu.region"() ({
          %run_scoped3A_54 = tpu.sem_alloc : memref<!tpu.dma_semaphore, #tpu.memory_space<semaphore_mem>>
          %dma_start3A = arith.constant 0 : i32
          %dma_start3A_55 = arith.constant 0 : i32
          %dma_start3A_56 = tpu.memref_slice %arg9[%run_scoped3A, %dma_start3A, %dma_start3A_55] : memref<2x128x128xf32, #tpu.memory_space<vmem>> -> memref<1x128x128xf32, #tpu.memory_space<vmem>>
          %dma_start3A_57 = tpu.memref_squeeze %dma_start3A_56 : memref<1x128x128xf32, #tpu.memory_space<vmem>> -> memref<128x128xf32, #tpu.memory_space<vmem>>
          %dma_start3A_58 = arith.constant 0 : i32
          %dma_start3A_59 = tpu.memref_slice %arg8[%run_scoped3A_33, %dma_start3A_58] : memref<8x128xi32, #tpu.memory_space<vmem>> -> memref<1x128xi32, #tpu.memory_space<vmem>>
          %dma_start3A_60 = tpu.memref_squeeze %dma_start3A_59 : memref<1x128xi32, #tpu.memory_space<vmem>> -> memref<128xi32, #tpu.memory_space<vmem>>
          %dma_start3A_61 = arith.constant 0 : i32
          %dma_start3A_62 = arith.constant 0 : i32
          %dma_start3A_63 = tpu.memref_slice %arg10[%dma_start3A_61, %dma_start3A_62] : memref<10240x128xf32, #tpu.memory_space<vmem_shared>> -> memref<10240x128xf32, #tpu.memory_space<vmem_shared>>
          tpu.enqueue_indirect_dma source(%dma_start3A_57 : memref<128x128xf32, #tpu.memory_space<vmem>>) target(%dma_start3A_63 : memref<10240x128xf32, #tpu.memory_space<vmem_shared>>) offsets(%dma_start3A_60 : memref<128xi32, #tpu.memory_space<vmem>>) semaphore(%run_scoped3A_54 : memref<!tpu.dma_semaphore, #tpu.memory_space<semaphore_mem>>) {add = true}
          %dma_wait3A = arith.constant 0 : i32
          %dma_wait3A_64 = arith.constant 0 : i32
          %dma_wait3A_65 = tpu.memref_slice %arg9[%run_scoped3A, %dma_wait3A, %dma_wait3A_64] : memref<2x128x128xf32, #tpu.memory_space<vmem>> -> memref<1x128x128xf32, #tpu.memory_space<vmem>>
          %dma_wait3A_66 = tpu.memref_squeeze %dma_wait3A_65 : memref<1x128x128xf32, #tpu.memory_space<vmem>> -> memref<128x128xf32, #tpu.memory_space<vmem>>
          %dma_wait3A_67 = arith.constant 0 : i32
          %dma_wait3A_68 = tpu.memref_slice %arg8[%run_scoped3A_33, %dma_wait3A_67] : memref<8x128xi32, #tpu.memory_space<vmem>> -> memref<1x128xi32, #tpu.memory_space<vmem>>
          %dma_wait3A_69 = tpu.memref_squeeze %dma_wait3A_68 : memref<1x128xi32, #tpu.memory_space<vmem>> -> memref<128xi32, #tpu.memory_space<vmem>>
          %dma_wait3A_70 = arith.constant 0 : i32
          %dma_wait3A_71 = arith.constant 0 : i32
          %dma_wait3A_72 = tpu.memref_slice %arg10[%dma_wait3A_70, %dma_wait3A_71] : memref<10240x128xf32, #tpu.memory_space<vmem_shared>> -> memref<10240x128xf32, #tpu.memory_space<vmem_shared>>
          tpu.wait_indirect_dma semaphore(%run_scoped3A_54 : memref<!tpu.dma_semaphore, #tpu.memory_space<semaphore_mem>>) src(%dma_wait3A_66 : memref<128x128xf32, #tpu.memory_space<vmem>>) dst(%dma_wait3A_72 : memref<10240x128xf32, #tpu.memory_space<vmem_shared>>)
          tpu.yield
        }) : () -> ()
        %run_scoped3A_34 = arith.constant 1 : i32
        %run_scoped3A_35 = arith.constant 1 : i32
        "tpu.region"() ({
          %run_scoped3A_54 = tpu.sem_alloc : memref<!tpu.dma_semaphore, #tpu.memory_space<semaphore_mem>>
          %dma_start3A = arith.constant 0 : i32
          %dma_start3A_55 = arith.constant 0 : i32
          %dma_start3A_56 = tpu.memref_slice %arg9[%run_scoped3A_34, %dma_start3A, %dma_start3A_55] : memref<2x128x128xf32, #tpu.memory_space<vmem>> -> memref<1x128x128xf32, #tpu.memory_space<vmem>>
          %dma_start3A_57 = tpu.memref_squeeze %dma_start3A_56 : memref<1x128x128xf32, #tpu.memory_space<vmem>> -> memref<128x128xf32, #tpu.memory_space<vmem>>
          %dma_start3A_58 = arith.constant 0 : i32
          %dma_start3A_59 = tpu.memref_slice %arg8[%run_scoped3A_35, %dma_start3A_58] : memref<8x128xi32, #tpu.memory_space<vmem>> -> memref<1x128xi32, #tpu.memory_space<vmem>>
          %dma_start3A_60 = tpu.memref_squeeze %dma_start3A_59 : memref<1x128xi32, #tpu.memory_space<vmem>> -> memref<128xi32, #tpu.memory_space<vmem>>
          %dma_start3A_61 = arith.constant 0 : i32
          %dma_start3A_62 = arith.constant 0 : i32
          %dma_start3A_63 = tpu.memref_slice %arg10[%dma_start3A_61, %dma_start3A_62] : memref<10240x128xf32, #tpu.memory_space<vmem_shared>> -> memref<10240x128xf32, #tpu.memory_space<vmem_shared>>
          tpu.enqueue_indirect_dma source(%dma_start3A_57 : memref<128x128xf32, #tpu.memory_space<vmem>>) target(%dma_start3A_63 : memref<10240x128xf32, #tpu.memory_space<vmem_shared>>) offsets(%dma_start3A_60 : memref<128xi32, #tpu.memory_space<vmem>>) semaphore(%run_scoped3A_54 : memref<!tpu.dma_semaphore, #tpu.memory_space<semaphore_mem>>) {add = true}
          %dma_wait3A = arith.constant 0 : i32
          %dma_wait3A_64 = arith.constant 0 : i32
          %dma_wait3A_65 = tpu.memref_slice %arg9[%run_scoped3A_34, %dma_wait3A, %dma_wait3A_64] : memref<2x128x128xf32, #tpu.memory_space<vmem>> -> memref<1x128x128xf32, #tpu.memory_space<vmem>>
          %dma_wait3A_66 = tpu.memref_squeeze %dma_wait3A_65 : memref<1x128x128xf32, #tpu.memory_space<vmem>> -> memref<128x128xf32, #tpu.memory_space<vmem>>
          %dma_wait3A_67 = arith.constant 0 : i32
          %dma_wait3A_68 = tpu.memref_slice %arg8[%run_scoped3A_35, %dma_wait3A_67] : memref<8x128xi32, #tpu.memory_space<vmem>> -> memref<1x128xi32, #tpu.memory_space<vmem>>
          %dma_wait3A_69 = tpu.memref_squeeze %dma_wait3A_68 : memref<1x128xi32, #tpu.memory_space<vmem>> -> memref<128xi32, #tpu.memory_space<vmem>>
          %dma_wait3A_70 = arith.constant 0 : i32
          %dma_wait3A_71 = arith.constant 0 : i32
          %dma_wait3A_72 = tpu.memref_slice %arg10[%dma_wait3A_70, %dma_wait3A_71] : memref<10240x128xf32, #tpu.memory_space<vmem_shared>> -> memref<10240x128xf32, #tpu.memory_space<vmem_shared>>
          tpu.wait_indirect_dma semaphore(%run_scoped3A_54 : memref<!tpu.dma_semaphore, #tpu.memory_space<semaphore_mem>>) src(%dma_wait3A_66 : memref<128x128xf32, #tpu.memory_space<vmem>>) dst(%dma_wait3A_72 : memref<10240x128xf32, #tpu.memory_space<vmem_shared>>)
          tpu.yield
        }) : () -> ()
        %add3A_36 = arith.constant 2 : i32
        %add3A_37 = arith.addi %add3A, %add3A_36 : i32
        "tpu.region"() ({
          %run_scoped3A_54 = tpu.sem_alloc : memref<!tpu.dma_semaphore, #tpu.memory_space<semaphore_mem>>
          %dma_start3A = arith.constant 0 : i32
          %dma_start3A_55 = arith.constant 0 : i32
          %dma_start3A_56 = tpu.memref_slice %arg2[%add3A_37, %dma_start3A, %dma_start3A_55] : memref<2560x128x128xf32, #tpu.memory_space<hbm>> -> memref<2x128x128xf32, #tpu.memory_space<hbm>>
          %dma_start3A_57 = arith.constant 0 : i32
          %dma_start3A_58 = arith.constant 0 : i32
          %dma_start3A_59 = tpu.memref_slice %arg2[%add3A_37, %dma_start3A_57, %dma_start3A_58] : memref<2560x128x128xf32, #tpu.memory_space<hbm>> -> memref<2x128x128xf32, #tpu.memory_space<hbm>>
          tpu.enqueue_dma source(%dma_start3A_59 : memref<2x128x128xf32, #tpu.memory_space<hbm>>) target(%arg9 : memref<2x128x128xf32, #tpu.memory_space<vmem>>) target_semaphore(%run_scoped3A_54 : memref<!tpu.dma_semaphore, #tpu.memory_space<semaphore_mem>>)
          %dma_wait3A = arith.constant 0 : i32
          %dma_wait3A_60 = arith.constant 0 : i32
          %dma_wait3A_61 = tpu.memref_slice %arg2[%add3A_37, %dma_wait3A, %dma_wait3A_60] : memref<2560x128x128xf32, #tpu.memory_space<hbm>> -> memref<2x128x128xf32, #tpu.memory_space<hbm>>
          %dma_wait3A_62 = arith.constant 0 : i32
          %dma_wait3A_63 = arith.constant 0 : i32
          %dma_wait3A_64 = tpu.memref_slice %arg2[%add3A_37, %dma_wait3A_62, %dma_wait3A_63] : memref<2560x128x128xf32, #tpu.memory_space<hbm>> -> memref<2x128x128xf32, #tpu.memory_space<hbm>>
          tpu.wait_dma2 semaphore(%run_scoped3A_54 : memref<!tpu.dma_semaphore, #tpu.memory_space<semaphore_mem>>) src(%dma_wait3A_64 : memref<2x128x128xf32, #tpu.memory_space<hbm>>) dst(%arg9 : memref<2x128x128xf32, #tpu.memory_space<vmem>>)
          tpu.yield
        }) : () -> ()
        %run_scoped3A_38 = arith.constant 0 : i32
        %run_scoped3A_39 = arith.constant 2 : i32
        "tpu.region"() ({
          %run_scoped3A_54 = tpu.sem_alloc : memref<!tpu.dma_semaphore, #tpu.memory_space<semaphore_mem>>
          %dma_start3A = arith.constant 0 : i32
          %dma_start3A_55 = arith.constant 0 : i32
          %dma_start3A_56 = tpu.memref_slice %arg9[%run_scoped3A_38, %dma_start3A, %dma_start3A_55] : memref<2x128x128xf32, #tpu.memory_space<vmem>> -> memref<1x128x128xf32, #tpu.memory_space<vmem>>
          %dma_start3A_57 = tpu.memref_squeeze %dma_start3A_56 : memref<1x128x128xf32, #tpu.memory_space<vmem>> -> memref<128x128xf32, #tpu.memory_space<vmem>>
          %dma_start3A_58 = arith.constant 0 : i32
          %dma_start3A_59 = tpu.memref_slice %arg8[%run_scoped3A_39, %dma_start3A_58] : memref<8x128xi32, #tpu.memory_space<vmem>> -> memref<1x128xi32, #tpu.memory_space<vmem>>
          %dma_start3A_60 = tpu.memref_squeeze %dma_start3A_59 : memref<1x128xi32, #tpu.memory_space<vmem>> -> memref<128xi32, #tpu.memory_space<vmem>>
          %dma_start3A_61 = arith.constant 0 : i32
          %dma_start3A_62 = arith.constant 0 : i32
          %dma_start3A_63 = tpu.memref_slice %arg10[%dma_start3A_61, %dma_start3A_62] : memref<10240x128xf32, #tpu.memory_space<vmem_shared>> -> memref<10240x128xf32, #tpu.memory_space<vmem_shared>>
          tpu.enqueue_indirect_dma source(%dma_start3A_57 : memref<128x128xf32, #tpu.memory_space<vmem>>) target(%dma_start3A_63 : memref<10240x128xf32, #tpu.memory_space<vmem_shared>>) offsets(%dma_start3A_60 : memref<128xi32, #tpu.memory_space<vmem>>) semaphore(%run_scoped3A_54 : memref<!tpu.dma_semaphore, #tpu.memory_space<semaphore_mem>>) {add = true}
          %dma_wait3A = arith.constant 0 : i32
          %dma_wait3A_64 = arith.constant 0 : i32
          %dma_wait3A_65 = tpu.memref_slice %arg9[%run_scoped3A_38, %dma_wait3A, %dma_wait3A_64] : memref<2x128x128xf32, #tpu.memory_space<vmem>> -> memref<1x128x128xf32, #tpu.memory_space<vmem>>
          %dma_wait3A_66 = tpu.memref_squeeze %dma_wait3A_65 : memref<1x128x128xf32, #tpu.memory_space<vmem>> -> memref<128x128xf32, #tpu.memory_space<vmem>>
          %dma_wait3A_67 = arith.constant 0 : i32
          %dma_wait3A_68 = tpu.memref_slice %arg8[%run_scoped3A_39, %dma_wait3A_67] : memref<8x128xi32, #tpu.memory_space<vmem>> -> memref<1x128xi32, #tpu.memory_space<vmem>>
          %dma_wait3A_69 = tpu.memref_squeeze %dma_wait3A_68 : memref<1x128xi32, #tpu.memory_space<vmem>> -> memref<128xi32, #tpu.memory_space<vmem>>
          %dma_wait3A_70 = arith.constant 0 : i32
          %dma_wait3A_71 = arith.constant 0 : i32
          %dma_wait3A_72 = tpu.memref_slice %arg10[%dma_wait3A_70, %dma_wait3A_71] : memref<10240x128xf32, #tpu.memory_space<vmem_shared>> -> memref<10240x128xf32, #tpu.memory_space<vmem_shared>>
          tpu.wait_indirect_dma semaphore(%run_scoped3A_54 : memref<!tpu.dma_semaphore, #tpu.memory_space<semaphore_mem>>) src(%dma_wait3A_66 : memref<128x128xf32, #tpu.memory_space<vmem>>) dst(%dma_wait3A_72 : memref<10240x128xf32, #tpu.memory_space<vmem_shared>>)
          tpu.yield
        }) : () -> ()
        %run_scoped3A_40 = arith.constant 1 : i32
        %run_scoped3A_41 = arith.constant 3 : i32
        "tpu.region"() ({
          %run_scoped3A_54 = tpu.sem_alloc : memref<!tpu.dma_semaphore, #tpu.memory_space<semaphore_mem>>
          %dma_start3A = arith.constant 0 : i32
          %dma_start3A_55 = arith.constant 0 : i32
          %dma_start3A_56 = tpu.memref_slice %arg9[%run_scoped3A_40, %dma_start3A, %dma_start3A_55] : memref<2x128x128xf32, #tpu.memory_space<vmem>> -> memref<1x128x128xf32, #tpu.memory_space<vmem>>
          %dma_start3A_57 = tpu.memref_squeeze %dma_start3A_56 : memref<1x128x128xf32, #tpu.memory_space<vmem>> -> memref<128x128xf32, #tpu.memory_space<vmem>>
          %dma_start3A_58 = arith.constant 0 : i32
          %dma_start3A_59 = tpu.memref_slice %arg8[%run_scoped3A_41, %dma_start3A_58] : memref<8x128xi32, #tpu.memory_space<vmem>> -> memref<1x128xi32, #tpu.memory_space<vmem>>
          %dma_start3A_60 = tpu.memref_squeeze %dma_start3A_59 : memref<1x128xi32, #tpu.memory_space<vmem>> -> memref<128xi32, #tpu.memory_space<vmem>>
          %dma_start3A_61 = arith.constant 0 : i32
          %dma_start3A_62 = arith.constant 0 : i32
          %dma_start3A_63 = tpu.memref_slice %arg10[%dma_start3A_61, %dma_start3A_62] : memref<10240x128xf32, #tpu.memory_space<vmem_shared>> -> memref<10240x128xf32, #tpu.memory_space<vmem_shared>>
          tpu.enqueue_indirect_dma source(%dma_start3A_57 : memref<128x128xf32, #tpu.memory_space<vmem>>) target(%dma_start3A_63 : memref<10240x128xf32, #tpu.memory_space<vmem_shared>>) offsets(%dma_start3A_60 : memref<128xi32, #tpu.memory_space<vmem>>) semaphore(%run_scoped3A_54 : memref<!tpu.dma_semaphore, #tpu.memory_space<semaphore_mem>>) {add = true}
          %dma_wait3A = arith.constant 0 : i32
          %dma_wait3A_64 = arith.constant 0 : i32
          %dma_wait3A_65 = tpu.memref_slice %arg9[%run_scoped3A_40, %dma_wait3A, %dma_wait3A_64] : memref<2x128x128xf32, #tpu.memory_space<vmem>> -> memref<1x128x128xf32, #tpu.memory_space<vmem>>
          %dma_wait3A_66 = tpu.memref_squeeze %dma_wait3A_65 : memref<1x128x128xf32, #tpu.memory_space<vmem>> -> memref<128x128xf32, #tpu.memory_space<vmem>>
          %dma_wait3A_67 = arith.constant 0 : i32
          %dma_wait3A_68 = tpu.memref_slice %arg8[%run_scoped3A_41, %dma_wait3A_67] : memref<8x128xi32, #tpu.memory_space<vmem>> -> memref<1x128xi32, #tpu.memory_space<vmem>>
          %dma_wait3A_69 = tpu.memref_squeeze %dma_wait3A_68 : memref<1x128xi32, #tpu.memory_space<vmem>> -> memref<128xi32, #tpu.memory_space<vmem>>
          %dma_wait3A_70 = arith.constant 0 : i32
          %dma_wait3A_71 = arith.constant 0 : i32
          %dma_wait3A_72 = tpu.memref_slice %arg10[%dma_wait3A_70, %dma_wait3A_71] : memref<10240x128xf32, #tpu.memory_space<vmem_shared>> -> memref<10240x128xf32, #tpu.memory_space<vmem_shared>>
          tpu.wait_indirect_dma semaphore(%run_scoped3A_54 : memref<!tpu.dma_semaphore, #tpu.memory_space<semaphore_mem>>) src(%dma_wait3A_66 : memref<128x128xf32, #tpu.memory_space<vmem>>) dst(%dma_wait3A_72 : memref<10240x128xf32, #tpu.memory_space<vmem_shared>>)
          tpu.yield
        }) : () -> ()
        %add3A_42 = arith.constant 4 : i32
        %add3A_43 = arith.addi %add3A, %add3A_42 : i32
        "tpu.region"() ({
          %run_scoped3A_54 = tpu.sem_alloc : memref<!tpu.dma_semaphore, #tpu.memory_space<semaphore_mem>>
          %dma_start3A = arith.constant 0 : i32
          %dma_start3A_55 = arith.constant 0 : i32
          %dma_start3A_56 = tpu.memref_slice %arg2[%add3A_43, %dma_start3A, %dma_start3A_55] : memref<2560x128x128xf32, #tpu.memory_space<hbm>> -> memref<2x128x128xf32, #tpu.memory_space<hbm>>
          %dma_start3A_57 = arith.constant 0 : i32
          %dma_start3A_58 = arith.constant 0 : i32
          %dma_start3A_59 = tpu.memref_slice %arg2[%add3A_43, %dma_start3A_57, %dma_start3A_58] : memref<2560x128x128xf32, #tpu.memory_space<hbm>> -> memref<2x128x128xf32, #tpu.memory_space<hbm>>
          tpu.enqueue_dma source(%dma_start3A_59 : memref<2x128x128xf32, #tpu.memory_space<hbm>>) target(%arg9 : memref<2x128x128xf32, #tpu.memory_space<vmem>>) target_semaphore(%run_scoped3A_54 : memref<!tpu.dma_semaphore, #tpu.memory_space<semaphore_mem>>)
          %dma_wait3A = arith.constant 0 : i32
          %dma_wait3A_60 = arith.constant 0 : i32
          %dma_wait3A_61 = tpu.memref_slice %arg2[%add3A_43, %dma_wait3A, %dma_wait3A_60] : memref<2560x128x128xf32, #tpu.memory_space<hbm>> -> memref<2x128x128xf32, #tpu.memory_space<hbm>>
          %dma_wait3A_62 = arith.constant 0 : i32
          %dma_wait3A_63 = arith.constant 0 : i32
          %dma_wait3A_64 = tpu.memref_slice %arg2[%add3A_43, %dma_wait3A_62, %dma_wait3A_63] : memref<2560x128x128xf32, #tpu.memory_space<hbm>> -> memref<2x128x128xf32, #tpu.memory_space<hbm>>
          tpu.wait_dma2 semaphore(%run_scoped3A_54 : memref<!tpu.dma_semaphore, #tpu.memory_space<semaphore_mem>>) src(%dma_wait3A_64 : memref<2x128x128xf32, #tpu.memory_space<hbm>>) dst(%arg9 : memref<2x128x128xf32, #tpu.memory_space<vmem>>)
          tpu.yield
        }) : () -> ()
        %run_scoped3A_44 = arith.constant 0 : i32
        %run_scoped3A_45 = arith.constant 4 : i32
        "tpu.region"() ({
          %run_scoped3A_54 = tpu.sem_alloc : memref<!tpu.dma_semaphore, #tpu.memory_space<semaphore_mem>>
          %dma_start3A = arith.constant 0 : i32
          %dma_start3A_55 = arith.constant 0 : i32
          %dma_start3A_56 = tpu.memref_slice %arg9[%run_scoped3A_44, %dma_start3A, %dma_start3A_55] : memref<2x128x128xf32, #tpu.memory_space<vmem>> -> memref<1x128x128xf32, #tpu.memory_space<vmem>>
          %dma_start3A_57 = tpu.memref_squeeze %dma_start3A_56 : memref<1x128x128xf32, #tpu.memory_space<vmem>> -> memref<128x128xf32, #tpu.memory_space<vmem>>
          %dma_start3A_58 = arith.constant 0 : i32
          %dma_start3A_59 = tpu.memref_slice %arg8[%run_scoped3A_45, %dma_start3A_58] : memref<8x128xi32, #tpu.memory_space<vmem>> -> memref<1x128xi32, #tpu.memory_space<vmem>>
          %dma_start3A_60 = tpu.memref_squeeze %dma_start3A_59 : memref<1x128xi32, #tpu.memory_space<vmem>> -> memref<128xi32, #tpu.memory_space<vmem>>
          %dma_start3A_61 = arith.constant 0 : i32
          %dma_start3A_62 = arith.constant 0 : i32
          %dma_start3A_63 = tpu.memref_slice %arg10[%dma_start3A_61, %dma_start3A_62] : memref<10240x128xf32, #tpu.memory_space<vmem_shared>> -> memref<10240x128xf32, #tpu.memory_space<vmem_shared>>
          tpu.enqueue_indirect_dma source(%dma_start3A_57 : memref<128x128xf32, #tpu.memory_space<vmem>>) target(%dma_start3A_63 : memref<10240x128xf32, #tpu.memory_space<vmem_shared>>) offsets(%dma_start3A_60 : memref<128xi32, #tpu.memory_space<vmem>>) semaphore(%run_scoped3A_54 : memref<!tpu.dma_semaphore, #tpu.memory_space<semaphore_mem>>) {add = true}
          %dma_wait3A = arith.constant 0 : i32
          %dma_wait3A_64 = arith.constant 0 : i32
          %dma_wait3A_65 = tpu.memref_slice %arg9[%run_scoped3A_44, %dma_wait3A, %dma_wait3A_64] : memref<2x128x128xf32, #tpu.memory_space<vmem>> -> memref<1x128x128xf32, #tpu.memory_space<vmem>>
          %dma_wait3A_66 = tpu.memref_squeeze %dma_wait3A_65 : memref<1x128x128xf32, #tpu.memory_space<vmem>> -> memref<128x128xf32, #tpu.memory_space<vmem>>
          %dma_wait3A_67 = arith.constant 0 : i32
          %dma_wait3A_68 = tpu.memref_slice %arg8[%run_scoped3A_45, %dma_wait3A_67] : memref<8x128xi32, #tpu.memory_space<vmem>> -> memref<1x128xi32, #tpu.memory_space<vmem>>
          %dma_wait3A_69 = tpu.memref_squeeze %dma_wait3A_68 : memref<1x128xi32, #tpu.memory_space<vmem>> -> memref<128xi32, #tpu.memory_space<vmem>>
          %dma_wait3A_70 = arith.constant 0 : i32
          %dma_wait3A_71 = arith.constant 0 : i32
          %dma_wait3A_72 = tpu.memref_slice %arg10[%dma_wait3A_70, %dma_wait3A_71] : memref<10240x128xf32, #tpu.memory_space<vmem_shared>> -> memref<10240x128xf32, #tpu.memory_space<vmem_shared>>
          tpu.wait_indirect_dma semaphore(%run_scoped3A_54 : memref<!tpu.dma_semaphore, #tpu.memory_space<semaphore_mem>>) src(%dma_wait3A_66 : memref<128x128xf32, #tpu.memory_space<vmem>>) dst(%dma_wait3A_72 : memref<10240x128xf32, #tpu.memory_space<vmem_shared>>)
          tpu.yield
        }) : () -> ()
        %run_scoped3A_46 = arith.constant 1 : i32
        %run_scoped3A_47 = arith.constant 5 : i32
        "tpu.region"() ({
          %run_scoped3A_54 = tpu.sem_alloc : memref<!tpu.dma_semaphore, #tpu.memory_space<semaphore_mem>>
          %dma_start3A = arith.constant 0 : i32
          %dma_start3A_55 = arith.constant 0 : i32
          %dma_start3A_56 = tpu.memref_slice %arg9[%run_scoped3A_46, %dma_start3A, %dma_start3A_55] : memref<2x128x128xf32, #tpu.memory_space<vmem>> -> memref<1x128x128xf32, #tpu.memory_space<vmem>>
          %dma_start3A_57 = tpu.memref_squeeze %dma_start3A_56 : memref<1x128x128xf32, #tpu.memory_space<vmem>> -> memref<128x128xf32, #tpu.memory_space<vmem>>
          %dma_start3A_58 = arith.constant 0 : i32
          %dma_start3A_59 = tpu.memref_slice %arg8[%run_scoped3A_47, %dma_start3A_58] : memref<8x128xi32, #tpu.memory_space<vmem>> -> memref<1x128xi32, #tpu.memory_space<vmem>>
          %dma_start3A_60 = tpu.memref_squeeze %dma_start3A_59 : memref<1x128xi32, #tpu.memory_space<vmem>> -> memref<128xi32, #tpu.memory_space<vmem>>
          %dma_start3A_61 = arith.constant 0 : i32
          %dma_start3A_62 = arith.constant 0 : i32
          %dma_start3A_63 = tpu.memref_slice %arg10[%dma_start3A_61, %dma_start3A_62] : memref<10240x128xf32, #tpu.memory_space<vmem_shared>> -> memref<10240x128xf32, #tpu.memory_space<vmem_shared>>
          tpu.enqueue_indirect_dma source(%dma_start3A_57 : memref<128x128xf32, #tpu.memory_space<vmem>>) target(%dma_start3A_63 : memref<10240x128xf32, #tpu.memory_space<vmem_shared>>) offsets(%dma_start3A_60 : memref<128xi32, #tpu.memory_space<vmem>>) semaphore(%run_scoped3A_54 : memref<!tpu.dma_semaphore, #tpu.memory_space<semaphore_mem>>) {add = true}
          %dma_wait3A = arith.constant 0 : i32
          %dma_wait3A_64 = arith.constant 0 : i32
          %dma_wait3A_65 = tpu.memref_slice %arg9[%run_scoped3A_46, %dma_wait3A, %dma_wait3A_64] : memref<2x128x128xf32, #tpu.memory_space<vmem>> -> memref<1x128x128xf32, #tpu.memory_space<vmem>>
          %dma_wait3A_66 = tpu.memref_squeeze %dma_wait3A_65 : memref<1x128x128xf32, #tpu.memory_space<vmem>> -> memref<128x128xf32, #tpu.memory_space<vmem>>
          %dma_wait3A_67 = arith.constant 0 : i32
          %dma_wait3A_68 = tpu.memref_slice %arg8[%run_scoped3A_47, %dma_wait3A_67] : memref<8x128xi32, #tpu.memory_space<vmem>> -> memref<1x128xi32, #tpu.memory_space<vmem>>
          %dma_wait3A_69 = tpu.memref_squeeze %dma_wait3A_68 : memref<1x128xi32, #tpu.memory_space<vmem>> -> memref<128xi32, #tpu.memory_space<vmem>>
          %dma_wait3A_70 = arith.constant 0 : i32
          %dma_wait3A_71 = arith.constant 0 : i32
          %dma_wait3A_72 = tpu.memref_slice %arg10[%dma_wait3A_70, %dma_wait3A_71] : memref<10240x128xf32, #tpu.memory_space<vmem_shared>> -> memref<10240x128xf32, #tpu.memory_space<vmem_shared>>
          tpu.wait_indirect_dma semaphore(%run_scoped3A_54 : memref<!tpu.dma_semaphore, #tpu.memory_space<semaphore_mem>>) src(%dma_wait3A_66 : memref<128x128xf32, #tpu.memory_space<vmem>>) dst(%dma_wait3A_72 : memref<10240x128xf32, #tpu.memory_space<vmem_shared>>)
          tpu.yield
        }) : () -> ()
        %add3A_48 = arith.constant 6 : i32
        %add3A_49 = arith.addi %add3A, %add3A_48 : i32
        "tpu.region"() ({
          %run_scoped3A_54 = tpu.sem_alloc : memref<!tpu.dma_semaphore, #tpu.memory_space<semaphore_mem>>
          %dma_start3A = arith.constant 0 : i32
          %dma_start3A_55 = arith.constant 0 : i32
          %dma_start3A_56 = tpu.memref_slice %arg2[%add3A_49, %dma_start3A, %dma_start3A_55] : memref<2560x128x128xf32, #tpu.memory_space<hbm>> -> memref<2x128x128xf32, #tpu.memory_space<hbm>>
          %dma_start3A_57 = arith.constant 0 : i32
          %dma_start3A_58 = arith.constant 0 : i32
          %dma_start3A_59 = tpu.memref_slice %arg2[%add3A_49, %dma_start3A_57, %dma_start3A_58] : memref<2560x128x128xf32, #tpu.memory_space<hbm>> -> memref<2x128x128xf32, #tpu.memory_space<hbm>>
          tpu.enqueue_dma source(%dma_start3A_59 : memref<2x128x128xf32, #tpu.memory_space<hbm>>) target(%arg9 : memref<2x128x128xf32, #tpu.memory_space<vmem>>) target_semaphore(%run_scoped3A_54 : memref<!tpu.dma_semaphore, #tpu.memory_space<semaphore_mem>>)
          %dma_wait3A = arith.constant 0 : i32
          %dma_wait3A_60 = arith.constant 0 : i32
          %dma_wait3A_61 = tpu.memref_slice %arg2[%add3A_49, %dma_wait3A, %dma_wait3A_60] : memref<2560x128x128xf32, #tpu.memory_space<hbm>> -> memref<2x128x128xf32, #tpu.memory_space<hbm>>
          %dma_wait3A_62 = arith.constant 0 : i32
          %dma_wait3A_63 = arith.constant 0 : i32
          %dma_wait3A_64 = tpu.memref_slice %arg2[%add3A_49, %dma_wait3A_62, %dma_wait3A_63] : memref<2560x128x128xf32, #tpu.memory_space<hbm>> -> memref<2x128x128xf32, #tpu.memory_space<hbm>>
          tpu.wait_dma2 semaphore(%run_scoped3A_54 : memref<!tpu.dma_semaphore, #tpu.memory_space<semaphore_mem>>) src(%dma_wait3A_64 : memref<2x128x128xf32, #tpu.memory_space<hbm>>) dst(%arg9 : memref<2x128x128xf32, #tpu.memory_space<vmem>>)
          tpu.yield
        }) : () -> ()
        %run_scoped3A_50 = arith.constant 0 : i32
        %run_scoped3A_51 = arith.constant 6 : i32
        "tpu.region"() ({
          %run_scoped3A_54 = tpu.sem_alloc : memref<!tpu.dma_semaphore, #tpu.memory_space<semaphore_mem>>
          %dma_start3A = arith.constant 0 : i32
          %dma_start3A_55 = arith.constant 0 : i32
          %dma_start3A_56 = tpu.memref_slice %arg9[%run_scoped3A_50, %dma_start3A, %dma_start3A_55] : memref<2x128x128xf32, #tpu.memory_space<vmem>> -> memref<1x128x128xf32, #tpu.memory_space<vmem>>
          %dma_start3A_57 = tpu.memref_squeeze %dma_start3A_56 : memref<1x128x128xf32, #tpu.memory_space<vmem>> -> memref<128x128xf32, #tpu.memory_space<vmem>>
          %dma_start3A_58 = arith.constant 0 : i32
          %dma_start3A_59 = tpu.memref_slice %arg8[%run_scoped3A_51, %dma_start3A_58] : memref<8x128xi32, #tpu.memory_space<vmem>> -> memref<1x128xi32, #tpu.memory_space<vmem>>
          %dma_start3A_60 = tpu.memref_squeeze %dma_start3A_59 : memref<1x128xi32, #tpu.memory_space<vmem>> -> memref<128xi32, #tpu.memory_space<vmem>>
          %dma_start3A_61 = arith.constant 0 : i32
          %dma_start3A_62 = arith.constant 0 : i32
          %dma_start3A_63 = tpu.memref_slice %arg10[%dma_start3A_61, %dma_start3A_62] : memref<10240x128xf32, #tpu.memory_space<vmem_shared>> -> memref<10240x128xf32, #tpu.memory_space<vmem_shared>>
          tpu.enqueue_indirect_dma source(%dma_start3A_57 : memref<128x128xf32, #tpu.memory_space<vmem>>) target(%dma_start3A_63 : memref<10240x128xf32, #tpu.memory_space<vmem_shared>>) offsets(%dma_start3A_60 : memref<128xi32, #tpu.memory_space<vmem>>) semaphore(%run_scoped3A_54 : memref<!tpu.dma_semaphore, #tpu.memory_space<semaphore_mem>>) {add = true}
          %dma_wait3A = arith.constant 0 : i32
          %dma_wait3A_64 = arith.constant 0 : i32
          %dma_wait3A_65 = tpu.memref_slice %arg9[%run_scoped3A_50, %dma_wait3A, %dma_wait3A_64] : memref<2x128x128xf32, #tpu.memory_space<vmem>> -> memref<1x128x128xf32, #tpu.memory_space<vmem>>
          %dma_wait3A_66 = tpu.memref_squeeze %dma_wait3A_65 : memref<1x128x128xf32, #tpu.memory_space<vmem>> -> memref<128x128xf32, #tpu.memory_space<vmem>>
          %dma_wait3A_67 = arith.constant 0 : i32
          %dma_wait3A_68 = tpu.memref_slice %arg8[%run_scoped3A_51, %dma_wait3A_67] : memref<8x128xi32, #tpu.memory_space<vmem>> -> memref<1x128xi32, #tpu.memory_space<vmem>>
          %dma_wait3A_69 = tpu.memref_squeeze %dma_wait3A_68 : memref<1x128xi32, #tpu.memory_space<vmem>> -> memref<128xi32, #tpu.memory_space<vmem>>
          %dma_wait3A_70 = arith.constant 0 : i32
          %dma_wait3A_71 = arith.constant 0 : i32
          %dma_wait3A_72 = tpu.memref_slice %arg10[%dma_wait3A_70, %dma_wait3A_71] : memref<10240x128xf32, #tpu.memory_space<vmem_shared>> -> memref<10240x128xf32, #tpu.memory_space<vmem_shared>>
          tpu.wait_indirect_dma semaphore(%run_scoped3A_54 : memref<!tpu.dma_semaphore, #tpu.memory_space<semaphore_mem>>) src(%dma_wait3A_66 : memref<128x128xf32, #tpu.memory_space<vmem>>) dst(%dma_wait3A_72 : memref<10240x128xf32, #tpu.memory_space<vmem_shared>>)
          tpu.yield
        }) : () -> ()
        %run_scoped3A_52 = arith.constant 1 : i32
        %run_scoped3A_53 = arith.constant 7 : i32
        "tpu.region"() ({
          %run_scoped3A_54 = tpu.sem_alloc : memref<!tpu.dma_semaphore, #tpu.memory_space<semaphore_mem>>
          %dma_start3A = arith.constant 0 : i32
          %dma_start3A_55 = arith.constant 0 : i32
          %dma_start3A_56 = tpu.memref_slice %arg9[%run_scoped3A_52, %dma_start3A, %dma_start3A_55] : memref<2x128x128xf32, #tpu.memory_space<vmem>> -> memref<1x128x128xf32, #tpu.memory_space<vmem>>
          %dma_start3A_57 = tpu.memref_squeeze %dma_start3A_56 : memref<1x128x128xf32, #tpu.memory_space<vmem>> -> memref<128x128xf32, #tpu.memory_space<vmem>>
          %dma_start3A_58 = arith.constant 0 : i32
          %dma_start3A_59 = tpu.memref_slice %arg8[%run_scoped3A_53, %dma_start3A_58] : memref<8x128xi32, #tpu.memory_space<vmem>> -> memref<1x128xi32, #tpu.memory_space<vmem>>
          %dma_start3A_60 = tpu.memref_squeeze %dma_start3A_59 : memref<1x128xi32, #tpu.memory_space<vmem>> -> memref<128xi32, #tpu.memory_space<vmem>>
          %dma_start3A_61 = arith.constant 0 : i32
          %dma_start3A_62 = arith.constant 0 : i32
          %dma_start3A_63 = tpu.memref_slice %arg10[%dma_start3A_61, %dma_start3A_62] : memref<10240x128xf32, #tpu.memory_space<vmem_shared>> -> memref<10240x128xf32, #tpu.memory_space<vmem_shared>>
          tpu.enqueue_indirect_dma source(%dma_start3A_57 : memref<128x128xf32, #tpu.memory_space<vmem>>) target(%dma_start3A_63 : memref<10240x128xf32, #tpu.memory_space<vmem_shared>>) offsets(%dma_start3A_60 : memref<128xi32, #tpu.memory_space<vmem>>) semaphore(%run_scoped3A_54 : memref<!tpu.dma_semaphore, #tpu.memory_space<semaphore_mem>>) {add = true}
          %dma_wait3A = arith.constant 0 : i32
          %dma_wait3A_64 = arith.constant 0 : i32
          %dma_wait3A_65 = tpu.memref_slice %arg9[%run_scoped3A_52, %dma_wait3A, %dma_wait3A_64] : memref<2x128x128xf32, #tpu.memory_space<vmem>> -> memref<1x128x128xf32, #tpu.memory_space<vmem>>
          %dma_wait3A_66 = tpu.memref_squeeze %dma_wait3A_65 : memref<1x128x128xf32, #tpu.memory_space<vmem>> -> memref<128x128xf32, #tpu.memory_space<vmem>>
          %dma_wait3A_67 = arith.constant 0 : i32
          %dma_wait3A_68 = tpu.memref_slice %arg8[%run_scoped3A_53, %dma_wait3A_67] : memref<8x128xi32, #tpu.memory_space<vmem>> -> memref<1x128xi32, #tpu.memory_space<vmem>>
          %dma_wait3A_69 = tpu.memref_squeeze %dma_wait3A_68 : memref<1x128xi32, #tpu.memory_space<vmem>> -> memref<128xi32, #tpu.memory_space<vmem>>
          %dma_wait3A_70 = arith.constant 0 : i32
          %dma_wait3A_71 = arith.constant 0 : i32
          %dma_wait3A_72 = tpu.memref_slice %arg10[%dma_wait3A_70, %dma_wait3A_71] : memref<10240x128xf32, #tpu.memory_space<vmem_shared>> -> memref<10240x128xf32, #tpu.memory_space<vmem_shared>>
          tpu.wait_indirect_dma semaphore(%run_scoped3A_54 : memref<!tpu.dma_semaphore, #tpu.memory_space<semaphore_mem>>) src(%dma_wait3A_66 : memref<128x128xf32, #tpu.memory_space<vmem>>) dst(%dma_wait3A_72 : memref<10240x128xf32, #tpu.memory_space<vmem_shared>>)
          tpu.yield
        }) : () -> ()
      }
      %scan3A_27 = arith.constant 20 : i32
    } else {
    }
    %barrier3A_12 = arith.constant 0 : index
    tpu.barrier barrier_id(%barrier3A_12)
    %eq3A_13 = arith.constant 0 : i32
    %eq3A_14 = arith.cmpi eq, %arg0, %eq3A_13 : i32
    %convert_element_type3A_15 = arith.extui %eq3A_14 : i1 to i32
    %cond3A_16 = arith.constant 0 : i32
    %cond3A_17 = arith.cmpi ne, %convert_element_type3A_15, %cond3A_16 : i32
    scf.if %cond3A_17 {
      %mul3A_23 = arith.constant 640 : i32
      %mul3A_24 = arith.muli %arg1, %mul3A_23 : i32
      %mul3A_25 = arith.constant 640 : i32
      %mul3A_26 = arith.muli %arg1, %mul3A_25 : i32
      "tpu.region"() ({
        %run_scoped3A = tpu.sem_alloc : memref<!tpu.dma_semaphore, #tpu.memory_space<semaphore_mem>>
        %dma_start3A = arith.constant 0 : i32
        %dma_start3A_27 = tpu.memref_slice %arg6[%mul3A_26, %dma_start3A] : memref<10240x128xf32, #tpu.memory_space<hbm>> -> memref<640x128xf32, #tpu.memory_space<hbm>>
        %dma_start3A_28 = arith.constant 0 : i32
        %dma_start3A_29 = tpu.memref_slice %arg10[%mul3A_24, %dma_start3A_28] : memref<10240x128xf32, #tpu.memory_space<vmem_shared>> -> memref<640x128xf32, #tpu.memory_space<vmem_shared>>
        tpu.enqueue_dma source(%dma_start3A_29 : memref<640x128xf32, #tpu.memory_space<vmem_shared>>) target(%dma_start3A_27 : memref<640x128xf32, #tpu.memory_space<hbm>>) target_semaphore(%run_scoped3A : memref<!tpu.dma_semaphore, #tpu.memory_space<semaphore_mem>>)
        %dma_wait3A = arith.constant 0 : i32
        %dma_wait3A_30 = tpu.memref_slice %arg6[%mul3A_26, %dma_wait3A] : memref<10240x128xf32, #tpu.memory_space<hbm>> -> memref<640x128xf32, #tpu.memory_space<hbm>>
        %dma_wait3A_31 = arith.constant 0 : i32
        %dma_wait3A_32 = tpu.memref_slice %arg10[%mul3A_24, %dma_wait3A_31] : memref<10240x128xf32, #tpu.memory_space<vmem_shared>> -> memref<640x128xf32, #tpu.memory_space<vmem_shared>>
        tpu.wait_dma2 semaphore(%run_scoped3A : memref<!tpu.dma_semaphore, #tpu.memory_space<semaphore_mem>>) src(%dma_wait3A_32 : memref<640x128xf32, #tpu.memory_space<vmem_shared>>) dst(%dma_wait3A_30 : memref<640x128xf32, #tpu.memory_space<hbm>>)
        tpu.yield
      }) : () -> ()
    } else {
    }
    %eq3A_18 = arith.constant 1 : i32
    %eq3A_19 = arith.cmpi eq, %arg0, %eq3A_18 : i32
    %convert_element_type3A_20 = arith.extui %eq3A_19 : i1 to i32
    %cond3A_21 = arith.constant 0 : i32
    %cond3A_22 = arith.cmpi ne, %convert_element_type3A_20, %cond3A_21 : i32
    scf.if %cond3A_22 {
      %mul3A_23 = arith.constant 640 : i32
      %mul3A_24 = arith.muli %arg1, %mul3A_23 : i32
      %mul3A_25 = arith.constant 640 : i32
      %mul3A_26 = arith.muli %arg1, %mul3A_25 : i32
      "tpu.region"() ({
        %run_scoped3A = tpu.sem_alloc : memref<!tpu.dma_semaphore, #tpu.memory_space<semaphore_mem>>
        %dma_start3A = arith.constant 0 : i32
        %dma_start3A_27 = tpu.memref_slice %arg7[%mul3A_26, %dma_start3A] : memref<10240x128xf32, #tpu.memory_space<hbm>> -> memref<640x128xf32, #tpu.memory_space<hbm>>
        %dma_start3A_28 = arith.constant 0 : i32
        %dma_start3A_29 = tpu.memref_slice %arg10[%mul3A_24, %dma_start3A_28] : memref<10240x128xf32, #tpu.memory_space<vmem_shared>> -> memref<640x128xf32, #tpu.memory_space<vmem_shared>>
        tpu.enqueue_dma source(%dma_start3A_29 : memref<640x128xf32, #tpu.memory_space<vmem_shared>>) target(%dma_start3A_27 : memref<640x128xf32, #tpu.memory_space<hbm>>) target_semaphore(%run_scoped3A : memref<!tpu.dma_semaphore, #tpu.memory_space<semaphore_mem>>)
        %dma_wait3A = arith.constant 0 : i32
        %dma_wait3A_30 = tpu.memref_slice %arg7[%mul3A_26, %dma_wait3A] : memref<10240x128xf32, #tpu.memory_space<hbm>> -> memref<640x128xf32, #tpu.memory_space<hbm>>
        %dma_wait3A_31 = arith.constant 0 : i32
        %dma_wait3A_32 = tpu.memref_slice %arg10[%mul3A_24, %dma_wait3A_31] : memref<10240x128xf32, #tpu.memory_space<vmem_shared>> -> memref<640x128xf32, #tpu.memory_space<vmem_shared>>
        tpu.wait_dma2 semaphore(%run_scoped3A : memref<!tpu.dma_semaphore, #tpu.memory_space<semaphore_mem>>) src(%dma_wait3A_32 : memref<640x128xf32, #tpu.memory_space<vmem_shared>>) dst(%dma_wait3A_30 : memref<640x128xf32, #tpu.memory_space<hbm>>)
        tpu.yield
      }) : () -> ()
    } else {
    }
    return
  }
}

#map = affine_map<(d0, d1) -> (0, 0)>
#map1 = affine_map<(d0, d1) -> (0, 0, 0)>
module attributes {stable_mosaic.version = 14 : i64} {
  func.func @k(%arg0: i32, %arg1: i32, %arg2: memref<10240x128xf32, #tpu.memory_space<hbm>>, %arg3: memref<2560x128xi32, #tpu.memory_space<hbm>>, %arg4: memref<2560x128xi32, #tpu.memory_space<hbm>>, %arg5: memref<2560x128x128xf32, #tpu.memory_space<hbm>>, %arg6: memref<2560x128x128xf32, #tpu.memory_space<hbm>>, %arg7: memref<8x128xi32, #tpu.memory_space<vmem>>, %arg8: memref<128x128xf32, #tpu.memory_space<vmem>>, %arg9: memref<10240x128xf32, #tpu.memory_space<vmem_shared>>) attributes {dimension_semantics = [#tpu.dimension_semantics<core_parallel>, #tpu.dimension_semantics<subcore_parallel>], iteration_bounds = array<i64: 2, 16>, scalar_prefetch = 0 : i64, scratch_operands = 3 : i64, tpu.core_type = #tpu.core_type<sc_vector_subcore>, window_params = [{transform_indices = #map}, {transform_indices = #map}, {transform_indices = #map}, {transform_indices = #map1}, {transform_indices = #map1}]} {
    %mul3A = arith.constant 640 : i32
    %mul3A_0 = arith.muli %arg1, %mul3A : i32
    %mul3A_1 = arith.constant 640 : i32
    %mul3A_2 = arith.muli %arg1, %mul3A_1 : i32
    "tpu.region"() ({
      %run_scoped3A = tpu.sem_alloc : memref<!tpu.dma_semaphore, #tpu.memory_space<semaphore_mem>>
      %dma_start3A = arith.constant 0 : i32
      %dma_start3A_18 = tpu.memref_slice %arg9[%mul3A_2, %dma_start3A] : memref<10240x128xf32, #tpu.memory_space<vmem_shared>> -> memref<640x128xf32, #tpu.memory_space<vmem_shared>>
      %dma_start3A_19 = arith.constant 0 : i32
      %dma_start3A_20 = tpu.memref_slice %arg2[%mul3A_0, %dma_start3A_19] : memref<10240x128xf32, #tpu.memory_space<hbm>> -> memref<640x128xf32, #tpu.memory_space<hbm>>
      tpu.enqueue_dma source(%dma_start3A_20 : memref<640x128xf32, #tpu.memory_space<hbm>>) target(%dma_start3A_18 : memref<640x128xf32, #tpu.memory_space<vmem_shared>>) target_semaphore(%run_scoped3A : memref<!tpu.dma_semaphore, #tpu.memory_space<semaphore_mem>>)
      %dma_wait3A = arith.constant 0 : i32
      %dma_wait3A_21 = tpu.memref_slice %arg9[%mul3A_2, %dma_wait3A] : memref<10240x128xf32, #tpu.memory_space<vmem_shared>> -> memref<640x128xf32, #tpu.memory_space<vmem_shared>>
      %dma_wait3A_22 = arith.constant 0 : i32
      %dma_wait3A_23 = tpu.memref_slice %arg2[%mul3A_0, %dma_wait3A_22] : memref<10240x128xf32, #tpu.memory_space<hbm>> -> memref<640x128xf32, #tpu.memory_space<hbm>>
      tpu.wait_dma2 semaphore(%run_scoped3A : memref<!tpu.dma_semaphore, #tpu.memory_space<semaphore_mem>>) src(%dma_wait3A_23 : memref<640x128xf32, #tpu.memory_space<hbm>>) dst(%dma_wait3A_21 : memref<640x128xf32, #tpu.memory_space<vmem_shared>>)
      tpu.yield
    }) : () -> ()
    %barrier3A = arith.constant 0 : index
    tpu.barrier barrier_id(%barrier3A)
    %mul3A_3 = arith.constant 2 : i32
    %mul3A_4 = arith.muli %arg1, %mul3A_3 : i32
    %add3A = arith.addi %mul3A_4, %arg0 : i32
    %mul3A_5 = arith.constant 80 : i32
    %mul3A_6 = arith.muli %add3A, %mul3A_5 : i32
    %scan3A = arith.constant 0 : i32
    %scan3A_7 = arith.constant 0 : i32
    %scan3A_8 = arith.constant 10 : i32
    %scan3A_9 = arith.addi %scan3A_7, %scan3A_8 : i32
    %scan3A_10 = arith.constant 1 : i32
    scf.for %scan3A_18 = %scan3A_7 to %scan3A_9 step %scan3A_10  : i32 {
      %mul3A_19 = arith.constant 8 : i32
      %mul3A_20 = arith.muli %scan3A_18, %mul3A_19 : i32
      %add3A_21 = arith.addi %mul3A_6, %mul3A_20 : i32
      "tpu.region"() ({
        %run_scoped3A_45 = tpu.sem_alloc : memref<!tpu.dma_semaphore, #tpu.memory_space<semaphore_mem>>
        %dma_start3A = arith.constant 0 : i32
        %dma_start3A_46 = tpu.memref_slice %arg3[%add3A_21, %dma_start3A] : memref<2560x128xi32, #tpu.memory_space<hbm>> -> memref<8x128xi32, #tpu.memory_space<hbm>>
        %dma_start3A_47 = arith.constant 0 : i32
        %dma_start3A_48 = tpu.memref_slice %arg3[%add3A_21, %dma_start3A_47] : memref<2560x128xi32, #tpu.memory_space<hbm>> -> memref<8x128xi32, #tpu.memory_space<hbm>>
        tpu.enqueue_dma source(%dma_start3A_48 : memref<8x128xi32, #tpu.memory_space<hbm>>) target(%arg7 : memref<8x128xi32, #tpu.memory_space<vmem>>) target_semaphore(%run_scoped3A_45 : memref<!tpu.dma_semaphore, #tpu.memory_space<semaphore_mem>>)
        %dma_wait3A = arith.constant 0 : i32
        %dma_wait3A_49 = tpu.memref_slice %arg3[%add3A_21, %dma_wait3A] : memref<2560x128xi32, #tpu.memory_space<hbm>> -> memref<8x128xi32, #tpu.memory_space<hbm>>
        %dma_wait3A_50 = arith.constant 0 : i32
        %dma_wait3A_51 = tpu.memref_slice %arg3[%add3A_21, %dma_wait3A_50] : memref<2560x128xi32, #tpu.memory_space<hbm>> -> memref<8x128xi32, #tpu.memory_space<hbm>>
        tpu.wait_dma2 semaphore(%run_scoped3A_45 : memref<!tpu.dma_semaphore, #tpu.memory_space<semaphore_mem>>) src(%dma_wait3A_51 : memref<8x128xi32, #tpu.memory_space<hbm>>) dst(%arg7 : memref<8x128xi32, #tpu.memory_space<vmem>>)
        tpu.yield
      }) : () -> ()
      %run_scoped3A = arith.constant 0 : i32
      "tpu.region"() ({
        %run_scoped3A_45 = tpu.sem_alloc : memref<!tpu.dma_semaphore, #tpu.memory_space<semaphore_mem>>
        %dma_start3A = arith.constant 0 : i32
        %dma_start3A_46 = tpu.memref_slice %arg7[%run_scoped3A, %dma_start3A] : memref<8x128xi32, #tpu.memory_space<vmem>> -> memref<1x128xi32, #tpu.memory_space<vmem>>
        %dma_start3A_47 = tpu.memref_squeeze %dma_start3A_46 : memref<1x128xi32, #tpu.memory_space<vmem>> -> memref<128xi32, #tpu.memory_space<vmem>>
        %dma_start3A_48 = arith.constant 0 : i32
        %dma_start3A_49 = arith.constant 0 : i32
        %dma_start3A_50 = tpu.memref_slice %arg9[%dma_start3A_48, %dma_start3A_49] : memref<10240x128xf32, #tpu.memory_space<vmem_shared>> -> memref<10240x128xf32, #tpu.memory_space<vmem_shared>>
        tpu.enqueue_indirect_dma source(%dma_start3A_50 : memref<10240x128xf32, #tpu.memory_space<vmem_shared>>) target(%arg8 : memref<128x128xf32, #tpu.memory_space<vmem>>) offsets(%dma_start3A_47 : memref<128xi32, #tpu.memory_space<vmem>>) semaphore(%run_scoped3A_45 : memref<!tpu.dma_semaphore, #tpu.memory_space<semaphore_mem>>)
        %dma_wait3A = arith.constant 0 : i32
        %dma_wait3A_51 = tpu.memref_slice %arg7[%run_scoped3A, %dma_wait3A] : memref<8x128xi32, #tpu.memory_space<vmem>> -> memref<1x128xi32, #tpu.memory_space<vmem>>
        %dma_wait3A_52 = tpu.memref_squeeze %dma_wait3A_51 : memref<1x128xi32, #tpu.memory_space<vmem>> -> memref<128xi32, #tpu.memory_space<vmem>>
        %dma_wait3A_53 = arith.constant 0 : i32
        %dma_wait3A_54 = arith.constant 0 : i32
        %dma_wait3A_55 = tpu.memref_slice %arg9[%dma_wait3A_53, %dma_wait3A_54] : memref<10240x128xf32, #tpu.memory_space<vmem_shared>> -> memref<10240x128xf32, #tpu.memory_space<vmem_shared>>
        tpu.wait_indirect_dma semaphore(%run_scoped3A_45 : memref<!tpu.dma_semaphore, #tpu.memory_space<semaphore_mem>>) src(%dma_wait3A_55 : memref<10240x128xf32, #tpu.memory_space<vmem_shared>>) dst(%arg8 : memref<128x128xf32, #tpu.memory_space<vmem>>)
        tpu.yield
      }) : () -> ()
      %add3A_22 = arith.constant 0 : i32
      %add3A_23 = arith.addi %add3A_21, %add3A_22 : i32
      "tpu.region"() ({
        %run_scoped3A_45 = tpu.sem_alloc : memref<!tpu.dma_semaphore, #tpu.memory_space<semaphore_mem>>
        %dma_start3A = arith.constant 0 : i32
        %dma_start3A_46 = arith.constant 0 : i32
        %dma_start3A_47 = tpu.memref_slice %arg5[%add3A_23, %dma_start3A, %dma_start3A_46] : memref<2560x128x128xf32, #tpu.memory_space<hbm>> -> memref<1x128x128xf32, #tpu.memory_space<hbm>>
        %dma_start3A_48 = tpu.memref_squeeze %dma_start3A_47 : memref<1x128x128xf32, #tpu.memory_space<hbm>> -> memref<128x128xf32, #tpu.memory_space<hbm>>
        %dma_start3A_49 = arith.constant 0 : i32
        %dma_start3A_50 = arith.constant 0 : i32
        %dma_start3A_51 = tpu.memref_slice %arg5[%add3A_23, %dma_start3A_49, %dma_start3A_50] : memref<2560x128x128xf32, #tpu.memory_space<hbm>> -> memref<1x128x128xf32, #tpu.memory_space<hbm>>
        %dma_start3A_52 = tpu.memref_squeeze %dma_start3A_51 : memref<1x128x128xf32, #tpu.memory_space<hbm>> -> memref<128x128xf32, #tpu.memory_space<hbm>>
        tpu.enqueue_dma source(%arg8 : memref<128x128xf32, #tpu.memory_space<vmem>>) target(%dma_start3A_52 : memref<128x128xf32, #tpu.memory_space<hbm>>) target_semaphore(%run_scoped3A_45 : memref<!tpu.dma_semaphore, #tpu.memory_space<semaphore_mem>>)
        %dma_wait3A = arith.constant 0 : i32
        %dma_wait3A_53 = arith.constant 0 : i32
        %dma_wait3A_54 = tpu.memref_slice %arg5[%add3A_23, %dma_wait3A, %dma_wait3A_53] : memref<2560x128x128xf32, #tpu.memory_space<hbm>> -> memref<1x128x128xf32, #tpu.memory_space<hbm>>
        %dma_wait3A_55 = tpu.memref_squeeze %dma_wait3A_54 : memref<1x128x128xf32, #tpu.memory_space<hbm>> -> memref<128x128xf32, #tpu.memory_space<hbm>>
        %dma_wait3A_56 = arith.constant 0 : i32
        %dma_wait3A_57 = arith.constant 0 : i32
        %dma_wait3A_58 = tpu.memref_slice %arg5[%add3A_23, %dma_wait3A_56, %dma_wait3A_57] : memref<2560x128x128xf32, #tpu.memory_space<hbm>> -> memref<1x128x128xf32, #tpu.memory_space<hbm>>
        %dma_wait3A_59 = tpu.memref_squeeze %dma_wait3A_58 : memref<1x128x128xf32, #tpu.memory_space<hbm>> -> memref<128x128xf32, #tpu.memory_space<hbm>>
        tpu.wait_dma2 semaphore(%run_scoped3A_45 : memref<!tpu.dma_semaphore, #tpu.memory_space<semaphore_mem>>) src(%arg8 : memref<128x128xf32, #tpu.memory_space<vmem>>) dst(%dma_wait3A_59 : memref<128x128xf32, #tpu.memory_space<hbm>>)
        tpu.yield
      }) : () -> ()
      %run_scoped3A_24 = arith.constant 1 : i32
      "tpu.region"() ({
        %run_scoped3A_45 = tpu.sem_alloc : memref<!tpu.dma_semaphore, #tpu.memory_space<semaphore_mem>>
        %dma_start3A = arith.constant 0 : i32
        %dma_start3A_46 = tpu.memref_slice %arg7[%run_scoped3A_24, %dma_start3A] : memref<8x128xi32, #tpu.memory_space<vmem>> -> memref<1x128xi32, #tpu.memory_space<vmem>>
        %dma_start3A_47 = tpu.memref_squeeze %dma_start3A_46 : memref<1x128xi32, #tpu.memory_space<vmem>> -> memref<128xi32, #tpu.memory_space<vmem>>
        %dma_start3A_48 = arith.constant 0 : i32
        %dma_start3A_49 = arith.constant 0 : i32
        %dma_start3A_50 = tpu.memref_slice %arg9[%dma_start3A_48, %dma_start3A_49] : memref<10240x128xf32, #tpu.memory_space<vmem_shared>> -> memref<10240x128xf32, #tpu.memory_space<vmem_shared>>
        tpu.enqueue_indirect_dma source(%dma_start3A_50 : memref<10240x128xf32, #tpu.memory_space<vmem_shared>>) target(%arg8 : memref<128x128xf32, #tpu.memory_space<vmem>>) offsets(%dma_start3A_47 : memref<128xi32, #tpu.memory_space<vmem>>) semaphore(%run_scoped3A_45 : memref<!tpu.dma_semaphore, #tpu.memory_space<semaphore_mem>>)
        %dma_wait3A = arith.constant 0 : i32
        %dma_wait3A_51 = tpu.memref_slice %arg7[%run_scoped3A_24, %dma_wait3A] : memref<8x128xi32, #tpu.memory_space<vmem>> -> memref<1x128xi32, #tpu.memory_space<vmem>>
        %dma_wait3A_52 = tpu.memref_squeeze %dma_wait3A_51 : memref<1x128xi32, #tpu.memory_space<vmem>> -> memref<128xi32, #tpu.memory_space<vmem>>
        %dma_wait3A_53 = arith.constant 0 : i32
        %dma_wait3A_54 = arith.constant 0 : i32
        %dma_wait3A_55 = tpu.memref_slice %arg9[%dma_wait3A_53, %dma_wait3A_54] : memref<10240x128xf32, #tpu.memory_space<vmem_shared>> -> memref<10240x128xf32, #tpu.memory_space<vmem_shared>>
        tpu.wait_indirect_dma semaphore(%run_scoped3A_45 : memref<!tpu.dma_semaphore, #tpu.memory_space<semaphore_mem>>) src(%dma_wait3A_55 : memref<10240x128xf32, #tpu.memory_space<vmem_shared>>) dst(%arg8 : memref<128x128xf32, #tpu.memory_space<vmem>>)
        tpu.yield
      }) : () -> ()
      %add3A_25 = arith.constant 1 : i32
      %add3A_26 = arith.addi %add3A_21, %add3A_25 : i32
      "tpu.region"() ({
        %run_scoped3A_45 = tpu.sem_alloc : memref<!tpu.dma_semaphore, #tpu.memory_space<semaphore_mem>>
        %dma_start3A = arith.constant 0 : i32
        %dma_start3A_46 = arith.constant 0 : i32
        %dma_start3A_47 = tpu.memref_slice %arg5[%add3A_26, %dma_start3A, %dma_start3A_46] : memref<2560x128x128xf32, #tpu.memory_space<hbm>> -> memref<1x128x128xf32, #tpu.memory_space<hbm>>
        %dma_start3A_48 = tpu.memref_squeeze %dma_start3A_47 : memref<1x128x128xf32, #tpu.memory_space<hbm>> -> memref<128x128xf32, #tpu.memory_space<hbm>>
        %dma_start3A_49 = arith.constant 0 : i32
        %dma_start3A_50 = arith.constant 0 : i32
        %dma_start3A_51 = tpu.memref_slice %arg5[%add3A_26, %dma_start3A_49, %dma_start3A_50] : memref<2560x128x128xf32, #tpu.memory_space<hbm>> -> memref<1x128x128xf32, #tpu.memory_space<hbm>>
        %dma_start3A_52 = tpu.memref_squeeze %dma_start3A_51 : memref<1x128x128xf32, #tpu.memory_space<hbm>> -> memref<128x128xf32, #tpu.memory_space<hbm>>
        tpu.enqueue_dma source(%arg8 : memref<128x128xf32, #tpu.memory_space<vmem>>) target(%dma_start3A_52 : memref<128x128xf32, #tpu.memory_space<hbm>>) target_semaphore(%run_scoped3A_45 : memref<!tpu.dma_semaphore, #tpu.memory_space<semaphore_mem>>)
        %dma_wait3A = arith.constant 0 : i32
        %dma_wait3A_53 = arith.constant 0 : i32
        %dma_wait3A_54 = tpu.memref_slice %arg5[%add3A_26, %dma_wait3A, %dma_wait3A_53] : memref<2560x128x128xf32, #tpu.memory_space<hbm>> -> memref<1x128x128xf32, #tpu.memory_space<hbm>>
        %dma_wait3A_55 = tpu.memref_squeeze %dma_wait3A_54 : memref<1x128x128xf32, #tpu.memory_space<hbm>> -> memref<128x128xf32, #tpu.memory_space<hbm>>
        %dma_wait3A_56 = arith.constant 0 : i32
        %dma_wait3A_57 = arith.constant 0 : i32
        %dma_wait3A_58 = tpu.memref_slice %arg5[%add3A_26, %dma_wait3A_56, %dma_wait3A_57] : memref<2560x128x128xf32, #tpu.memory_space<hbm>> -> memref<1x128x128xf32, #tpu.memory_space<hbm>>
        %dma_wait3A_59 = tpu.memref_squeeze %dma_wait3A_58 : memref<1x128x128xf32, #tpu.memory_space<hbm>> -> memref<128x128xf32, #tpu.memory_space<hbm>>
        tpu.wait_dma2 semaphore(%run_scoped3A_45 : memref<!tpu.dma_semaphore, #tpu.memory_space<semaphore_mem>>) src(%arg8 : memref<128x128xf32, #tpu.memory_space<vmem>>) dst(%dma_wait3A_59 : memref<128x128xf32, #tpu.memory_space<hbm>>)
        tpu.yield
      }) : () -> ()
      %run_scoped3A_27 = arith.constant 2 : i32
      "tpu.region"() ({
        %run_scoped3A_45 = tpu.sem_alloc : memref<!tpu.dma_semaphore, #tpu.memory_space<semaphore_mem>>
        %dma_start3A = arith.constant 0 : i32
        %dma_start3A_46 = tpu.memref_slice %arg7[%run_scoped3A_27, %dma_start3A] : memref<8x128xi32, #tpu.memory_space<vmem>> -> memref<1x128xi32, #tpu.memory_space<vmem>>
        %dma_start3A_47 = tpu.memref_squeeze %dma_start3A_46 : memref<1x128xi32, #tpu.memory_space<vmem>> -> memref<128xi32, #tpu.memory_space<vmem>>
        %dma_start3A_48 = arith.constant 0 : i32
        %dma_start3A_49 = arith.constant 0 : i32
        %dma_start3A_50 = tpu.memref_slice %arg9[%dma_start3A_48, %dma_start3A_49] : memref<10240x128xf32, #tpu.memory_space<vmem_shared>> -> memref<10240x128xf32, #tpu.memory_space<vmem_shared>>
        tpu.enqueue_indirect_dma source(%dma_start3A_50 : memref<10240x128xf32, #tpu.memory_space<vmem_shared>>) target(%arg8 : memref<128x128xf32, #tpu.memory_space<vmem>>) offsets(%dma_start3A_47 : memref<128xi32, #tpu.memory_space<vmem>>) semaphore(%run_scoped3A_45 : memref<!tpu.dma_semaphore, #tpu.memory_space<semaphore_mem>>)
        %dma_wait3A = arith.constant 0 : i32
        %dma_wait3A_51 = tpu.memref_slice %arg7[%run_scoped3A_27, %dma_wait3A] : memref<8x128xi32, #tpu.memory_space<vmem>> -> memref<1x128xi32, #tpu.memory_space<vmem>>
        %dma_wait3A_52 = tpu.memref_squeeze %dma_wait3A_51 : memref<1x128xi32, #tpu.memory_space<vmem>> -> memref<128xi32, #tpu.memory_space<vmem>>
        %dma_wait3A_53 = arith.constant 0 : i32
        %dma_wait3A_54 = arith.constant 0 : i32
        %dma_wait3A_55 = tpu.memref_slice %arg9[%dma_wait3A_53, %dma_wait3A_54] : memref<10240x128xf32, #tpu.memory_space<vmem_shared>> -> memref<10240x128xf32, #tpu.memory_space<vmem_shared>>
        tpu.wait_indirect_dma semaphore(%run_scoped3A_45 : memref<!tpu.dma_semaphore, #tpu.memory_space<semaphore_mem>>) src(%dma_wait3A_55 : memref<10240x128xf32, #tpu.memory_space<vmem_shared>>) dst(%arg8 : memref<128x128xf32, #tpu.memory_space<vmem>>)
        tpu.yield
      }) : () -> ()
      %add3A_28 = arith.constant 2 : i32
      %add3A_29 = arith.addi %add3A_21, %add3A_28 : i32
      "tpu.region"() ({
        %run_scoped3A_45 = tpu.sem_alloc : memref<!tpu.dma_semaphore, #tpu.memory_space<semaphore_mem>>
        %dma_start3A = arith.constant 0 : i32
        %dma_start3A_46 = arith.constant 0 : i32
        %dma_start3A_47 = tpu.memref_slice %arg5[%add3A_29, %dma_start3A, %dma_start3A_46] : memref<2560x128x128xf32, #tpu.memory_space<hbm>> -> memref<1x128x128xf32, #tpu.memory_space<hbm>>
        %dma_start3A_48 = tpu.memref_squeeze %dma_start3A_47 : memref<1x128x128xf32, #tpu.memory_space<hbm>> -> memref<128x128xf32, #tpu.memory_space<hbm>>
        %dma_start3A_49 = arith.constant 0 : i32
        %dma_start3A_50 = arith.constant 0 : i32
        %dma_start3A_51 = tpu.memref_slice %arg5[%add3A_29, %dma_start3A_49, %dma_start3A_50] : memref<2560x128x128xf32, #tpu.memory_space<hbm>> -> memref<1x128x128xf32, #tpu.memory_space<hbm>>
        %dma_start3A_52 = tpu.memref_squeeze %dma_start3A_51 : memref<1x128x128xf32, #tpu.memory_space<hbm>> -> memref<128x128xf32, #tpu.memory_space<hbm>>
        tpu.enqueue_dma source(%arg8 : memref<128x128xf32, #tpu.memory_space<vmem>>) target(%dma_start3A_52 : memref<128x128xf32, #tpu.memory_space<hbm>>) target_semaphore(%run_scoped3A_45 : memref<!tpu.dma_semaphore, #tpu.memory_space<semaphore_mem>>)
        %dma_wait3A = arith.constant 0 : i32
        %dma_wait3A_53 = arith.constant 0 : i32
        %dma_wait3A_54 = tpu.memref_slice %arg5[%add3A_29, %dma_wait3A, %dma_wait3A_53] : memref<2560x128x128xf32, #tpu.memory_space<hbm>> -> memref<1x128x128xf32, #tpu.memory_space<hbm>>
        %dma_wait3A_55 = tpu.memref_squeeze %dma_wait3A_54 : memref<1x128x128xf32, #tpu.memory_space<hbm>> -> memref<128x128xf32, #tpu.memory_space<hbm>>
        %dma_wait3A_56 = arith.constant 0 : i32
        %dma_wait3A_57 = arith.constant 0 : i32
        %dma_wait3A_58 = tpu.memref_slice %arg5[%add3A_29, %dma_wait3A_56, %dma_wait3A_57] : memref<2560x128x128xf32, #tpu.memory_space<hbm>> -> memref<1x128x128xf32, #tpu.memory_space<hbm>>
        %dma_wait3A_59 = tpu.memref_squeeze %dma_wait3A_58 : memref<1x128x128xf32, #tpu.memory_space<hbm>> -> memref<128x128xf32, #tpu.memory_space<hbm>>
        tpu.wait_dma2 semaphore(%run_scoped3A_45 : memref<!tpu.dma_semaphore, #tpu.memory_space<semaphore_mem>>) src(%arg8 : memref<128x128xf32, #tpu.memory_space<vmem>>) dst(%dma_wait3A_59 : memref<128x128xf32, #tpu.memory_space<hbm>>)
        tpu.yield
      }) : () -> ()
      %run_scoped3A_30 = arith.constant 3 : i32
      "tpu.region"() ({
        %run_scoped3A_45 = tpu.sem_alloc : memref<!tpu.dma_semaphore, #tpu.memory_space<semaphore_mem>>
        %dma_start3A = arith.constant 0 : i32
        %dma_start3A_46 = tpu.memref_slice %arg7[%run_scoped3A_30, %dma_start3A] : memref<8x128xi32, #tpu.memory_space<vmem>> -> memref<1x128xi32, #tpu.memory_space<vmem>>
        %dma_start3A_47 = tpu.memref_squeeze %dma_start3A_46 : memref<1x128xi32, #tpu.memory_space<vmem>> -> memref<128xi32, #tpu.memory_space<vmem>>
        %dma_start3A_48 = arith.constant 0 : i32
        %dma_start3A_49 = arith.constant 0 : i32
        %dma_start3A_50 = tpu.memref_slice %arg9[%dma_start3A_48, %dma_start3A_49] : memref<10240x128xf32, #tpu.memory_space<vmem_shared>> -> memref<10240x128xf32, #tpu.memory_space<vmem_shared>>
        tpu.enqueue_indirect_dma source(%dma_start3A_50 : memref<10240x128xf32, #tpu.memory_space<vmem_shared>>) target(%arg8 : memref<128x128xf32, #tpu.memory_space<vmem>>) offsets(%dma_start3A_47 : memref<128xi32, #tpu.memory_space<vmem>>) semaphore(%run_scoped3A_45 : memref<!tpu.dma_semaphore, #tpu.memory_space<semaphore_mem>>)
        %dma_wait3A = arith.constant 0 : i32
        %dma_wait3A_51 = tpu.memref_slice %arg7[%run_scoped3A_30, %dma_wait3A] : memref<8x128xi32, #tpu.memory_space<vmem>> -> memref<1x128xi32, #tpu.memory_space<vmem>>
        %dma_wait3A_52 = tpu.memref_squeeze %dma_wait3A_51 : memref<1x128xi32, #tpu.memory_space<vmem>> -> memref<128xi32, #tpu.memory_space<vmem>>
        %dma_wait3A_53 = arith.constant 0 : i32
        %dma_wait3A_54 = arith.constant 0 : i32
        %dma_wait3A_55 = tpu.memref_slice %arg9[%dma_wait3A_53, %dma_wait3A_54] : memref<10240x128xf32, #tpu.memory_space<vmem_shared>> -> memref<10240x128xf32, #tpu.memory_space<vmem_shared>>
        tpu.wait_indirect_dma semaphore(%run_scoped3A_45 : memref<!tpu.dma_semaphore, #tpu.memory_space<semaphore_mem>>) src(%dma_wait3A_55 : memref<10240x128xf32, #tpu.memory_space<vmem_shared>>) dst(%arg8 : memref<128x128xf32, #tpu.memory_space<vmem>>)
        tpu.yield
      }) : () -> ()
      %add3A_31 = arith.constant 3 : i32
      %add3A_32 = arith.addi %add3A_21, %add3A_31 : i32
      "tpu.region"() ({
        %run_scoped3A_45 = tpu.sem_alloc : memref<!tpu.dma_semaphore, #tpu.memory_space<semaphore_mem>>
        %dma_start3A = arith.constant 0 : i32
        %dma_start3A_46 = arith.constant 0 : i32
        %dma_start3A_47 = tpu.memref_slice %arg5[%add3A_32, %dma_start3A, %dma_start3A_46] : memref<2560x128x128xf32, #tpu.memory_space<hbm>> -> memref<1x128x128xf32, #tpu.memory_space<hbm>>
        %dma_start3A_48 = tpu.memref_squeeze %dma_start3A_47 : memref<1x128x128xf32, #tpu.memory_space<hbm>> -> memref<128x128xf32, #tpu.memory_space<hbm>>
        %dma_start3A_49 = arith.constant 0 : i32
        %dma_start3A_50 = arith.constant 0 : i32
        %dma_start3A_51 = tpu.memref_slice %arg5[%add3A_32, %dma_start3A_49, %dma_start3A_50] : memref<2560x128x128xf32, #tpu.memory_space<hbm>> -> memref<1x128x128xf32, #tpu.memory_space<hbm>>
        %dma_start3A_52 = tpu.memref_squeeze %dma_start3A_51 : memref<1x128x128xf32, #tpu.memory_space<hbm>> -> memref<128x128xf32, #tpu.memory_space<hbm>>
        tpu.enqueue_dma source(%arg8 : memref<128x128xf32, #tpu.memory_space<vmem>>) target(%dma_start3A_52 : memref<128x128xf32, #tpu.memory_space<hbm>>) target_semaphore(%run_scoped3A_45 : memref<!tpu.dma_semaphore, #tpu.memory_space<semaphore_mem>>)
        %dma_wait3A = arith.constant 0 : i32
        %dma_wait3A_53 = arith.constant 0 : i32
        %dma_wait3A_54 = tpu.memref_slice %arg5[%add3A_32, %dma_wait3A, %dma_wait3A_53] : memref<2560x128x128xf32, #tpu.memory_space<hbm>> -> memref<1x128x128xf32, #tpu.memory_space<hbm>>
        %dma_wait3A_55 = tpu.memref_squeeze %dma_wait3A_54 : memref<1x128x128xf32, #tpu.memory_space<hbm>> -> memref<128x128xf32, #tpu.memory_space<hbm>>
        %dma_wait3A_56 = arith.constant 0 : i32
        %dma_wait3A_57 = arith.constant 0 : i32
        %dma_wait3A_58 = tpu.memref_slice %arg5[%add3A_32, %dma_wait3A_56, %dma_wait3A_57] : memref<2560x128x128xf32, #tpu.memory_space<hbm>> -> memref<1x128x128xf32, #tpu.memory_space<hbm>>
        %dma_wait3A_59 = tpu.memref_squeeze %dma_wait3A_58 : memref<1x128x128xf32, #tpu.memory_space<hbm>> -> memref<128x128xf32, #tpu.memory_space<hbm>>
        tpu.wait_dma2 semaphore(%run_scoped3A_45 : memref<!tpu.dma_semaphore, #tpu.memory_space<semaphore_mem>>) src(%arg8 : memref<128x128xf32, #tpu.memory_space<vmem>>) dst(%dma_wait3A_59 : memref<128x128xf32, #tpu.memory_space<hbm>>)
        tpu.yield
      }) : () -> ()
      %run_scoped3A_33 = arith.constant 4 : i32
      "tpu.region"() ({
        %run_scoped3A_45 = tpu.sem_alloc : memref<!tpu.dma_semaphore, #tpu.memory_space<semaphore_mem>>
        %dma_start3A = arith.constant 0 : i32
        %dma_start3A_46 = tpu.memref_slice %arg7[%run_scoped3A_33, %dma_start3A] : memref<8x128xi32, #tpu.memory_space<vmem>> -> memref<1x128xi32, #tpu.memory_space<vmem>>
        %dma_start3A_47 = tpu.memref_squeeze %dma_start3A_46 : memref<1x128xi32, #tpu.memory_space<vmem>> -> memref<128xi32, #tpu.memory_space<vmem>>
        %dma_start3A_48 = arith.constant 0 : i32
        %dma_start3A_49 = arith.constant 0 : i32
        %dma_start3A_50 = tpu.memref_slice %arg9[%dma_start3A_48, %dma_start3A_49] : memref<10240x128xf32, #tpu.memory_space<vmem_shared>> -> memref<10240x128xf32, #tpu.memory_space<vmem_shared>>
        tpu.enqueue_indirect_dma source(%dma_start3A_50 : memref<10240x128xf32, #tpu.memory_space<vmem_shared>>) target(%arg8 : memref<128x128xf32, #tpu.memory_space<vmem>>) offsets(%dma_start3A_47 : memref<128xi32, #tpu.memory_space<vmem>>) semaphore(%run_scoped3A_45 : memref<!tpu.dma_semaphore, #tpu.memory_space<semaphore_mem>>)
        %dma_wait3A = arith.constant 0 : i32
        %dma_wait3A_51 = tpu.memref_slice %arg7[%run_scoped3A_33, %dma_wait3A] : memref<8x128xi32, #tpu.memory_space<vmem>> -> memref<1x128xi32, #tpu.memory_space<vmem>>
        %dma_wait3A_52 = tpu.memref_squeeze %dma_wait3A_51 : memref<1x128xi32, #tpu.memory_space<vmem>> -> memref<128xi32, #tpu.memory_space<vmem>>
        %dma_wait3A_53 = arith.constant 0 : i32
        %dma_wait3A_54 = arith.constant 0 : i32
        %dma_wait3A_55 = tpu.memref_slice %arg9[%dma_wait3A_53, %dma_wait3A_54] : memref<10240x128xf32, #tpu.memory_space<vmem_shared>> -> memref<10240x128xf32, #tpu.memory_space<vmem_shared>>
        tpu.wait_indirect_dma semaphore(%run_scoped3A_45 : memref<!tpu.dma_semaphore, #tpu.memory_space<semaphore_mem>>) src(%dma_wait3A_55 : memref<10240x128xf32, #tpu.memory_space<vmem_shared>>) dst(%arg8 : memref<128x128xf32, #tpu.memory_space<vmem>>)
        tpu.yield
      }) : () -> ()
      %add3A_34 = arith.constant 4 : i32
      %add3A_35 = arith.addi %add3A_21, %add3A_34 : i32
      "tpu.region"() ({
        %run_scoped3A_45 = tpu.sem_alloc : memref<!tpu.dma_semaphore, #tpu.memory_space<semaphore_mem>>
        %dma_start3A = arith.constant 0 : i32
        %dma_start3A_46 = arith.constant 0 : i32
        %dma_start3A_47 = tpu.memref_slice %arg5[%add3A_35, %dma_start3A, %dma_start3A_46] : memref<2560x128x128xf32, #tpu.memory_space<hbm>> -> memref<1x128x128xf32, #tpu.memory_space<hbm>>
        %dma_start3A_48 = tpu.memref_squeeze %dma_start3A_47 : memref<1x128x128xf32, #tpu.memory_space<hbm>> -> memref<128x128xf32, #tpu.memory_space<hbm>>
        %dma_start3A_49 = arith.constant 0 : i32
        %dma_start3A_50 = arith.constant 0 : i32
        %dma_start3A_51 = tpu.memref_slice %arg5[%add3A_35, %dma_start3A_49, %dma_start3A_50] : memref<2560x128x128xf32, #tpu.memory_space<hbm>> -> memref<1x128x128xf32, #tpu.memory_space<hbm>>
        %dma_start3A_52 = tpu.memref_squeeze %dma_start3A_51 : memref<1x128x128xf32, #tpu.memory_space<hbm>> -> memref<128x128xf32, #tpu.memory_space<hbm>>
        tpu.enqueue_dma source(%arg8 : memref<128x128xf32, #tpu.memory_space<vmem>>) target(%dma_start3A_52 : memref<128x128xf32, #tpu.memory_space<hbm>>) target_semaphore(%run_scoped3A_45 : memref<!tpu.dma_semaphore, #tpu.memory_space<semaphore_mem>>)
        %dma_wait3A = arith.constant 0 : i32
        %dma_wait3A_53 = arith.constant 0 : i32
        %dma_wait3A_54 = tpu.memref_slice %arg5[%add3A_35, %dma_wait3A, %dma_wait3A_53] : memref<2560x128x128xf32, #tpu.memory_space<hbm>> -> memref<1x128x128xf32, #tpu.memory_space<hbm>>
        %dma_wait3A_55 = tpu.memref_squeeze %dma_wait3A_54 : memref<1x128x128xf32, #tpu.memory_space<hbm>> -> memref<128x128xf32, #tpu.memory_space<hbm>>
        %dma_wait3A_56 = arith.constant 0 : i32
        %dma_wait3A_57 = arith.constant 0 : i32
        %dma_wait3A_58 = tpu.memref_slice %arg5[%add3A_35, %dma_wait3A_56, %dma_wait3A_57] : memref<2560x128x128xf32, #tpu.memory_space<hbm>> -> memref<1x128x128xf32, #tpu.memory_space<hbm>>
        %dma_wait3A_59 = tpu.memref_squeeze %dma_wait3A_58 : memref<1x128x128xf32, #tpu.memory_space<hbm>> -> memref<128x128xf32, #tpu.memory_space<hbm>>
        tpu.wait_dma2 semaphore(%run_scoped3A_45 : memref<!tpu.dma_semaphore, #tpu.memory_space<semaphore_mem>>) src(%arg8 : memref<128x128xf32, #tpu.memory_space<vmem>>) dst(%dma_wait3A_59 : memref<128x128xf32, #tpu.memory_space<hbm>>)
        tpu.yield
      }) : () -> ()
      %run_scoped3A_36 = arith.constant 5 : i32
      "tpu.region"() ({
        %run_scoped3A_45 = tpu.sem_alloc : memref<!tpu.dma_semaphore, #tpu.memory_space<semaphore_mem>>
        %dma_start3A = arith.constant 0 : i32
        %dma_start3A_46 = tpu.memref_slice %arg7[%run_scoped3A_36, %dma_start3A] : memref<8x128xi32, #tpu.memory_space<vmem>> -> memref<1x128xi32, #tpu.memory_space<vmem>>
        %dma_start3A_47 = tpu.memref_squeeze %dma_start3A_46 : memref<1x128xi32, #tpu.memory_space<vmem>> -> memref<128xi32, #tpu.memory_space<vmem>>
        %dma_start3A_48 = arith.constant 0 : i32
        %dma_start3A_49 = arith.constant 0 : i32
        %dma_start3A_50 = tpu.memref_slice %arg9[%dma_start3A_48, %dma_start3A_49] : memref<10240x128xf32, #tpu.memory_space<vmem_shared>> -> memref<10240x128xf32, #tpu.memory_space<vmem_shared>>
        tpu.enqueue_indirect_dma source(%dma_start3A_50 : memref<10240x128xf32, #tpu.memory_space<vmem_shared>>) target(%arg8 : memref<128x128xf32, #tpu.memory_space<vmem>>) offsets(%dma_start3A_47 : memref<128xi32, #tpu.memory_space<vmem>>) semaphore(%run_scoped3A_45 : memref<!tpu.dma_semaphore, #tpu.memory_space<semaphore_mem>>)
        %dma_wait3A = arith.constant 0 : i32
        %dma_wait3A_51 = tpu.memref_slice %arg7[%run_scoped3A_36, %dma_wait3A] : memref<8x128xi32, #tpu.memory_space<vmem>> -> memref<1x128xi32, #tpu.memory_space<vmem>>
        %dma_wait3A_52 = tpu.memref_squeeze %dma_wait3A_51 : memref<1x128xi32, #tpu.memory_space<vmem>> -> memref<128xi32, #tpu.memory_space<vmem>>
        %dma_wait3A_53 = arith.constant 0 : i32
        %dma_wait3A_54 = arith.constant 0 : i32
        %dma_wait3A_55 = tpu.memref_slice %arg9[%dma_wait3A_53, %dma_wait3A_54] : memref<10240x128xf32, #tpu.memory_space<vmem_shared>> -> memref<10240x128xf32, #tpu.memory_space<vmem_shared>>
        tpu.wait_indirect_dma semaphore(%run_scoped3A_45 : memref<!tpu.dma_semaphore, #tpu.memory_space<semaphore_mem>>) src(%dma_wait3A_55 : memref<10240x128xf32, #tpu.memory_space<vmem_shared>>) dst(%arg8 : memref<128x128xf32, #tpu.memory_space<vmem>>)
        tpu.yield
      }) : () -> ()
      %add3A_37 = arith.constant 5 : i32
      %add3A_38 = arith.addi %add3A_21, %add3A_37 : i32
      "tpu.region"() ({
        %run_scoped3A_45 = tpu.sem_alloc : memref<!tpu.dma_semaphore, #tpu.memory_space<semaphore_mem>>
        %dma_start3A = arith.constant 0 : i32
        %dma_start3A_46 = arith.constant 0 : i32
        %dma_start3A_47 = tpu.memref_slice %arg5[%add3A_38, %dma_start3A, %dma_start3A_46] : memref<2560x128x128xf32, #tpu.memory_space<hbm>> -> memref<1x128x128xf32, #tpu.memory_space<hbm>>
        %dma_start3A_48 = tpu.memref_squeeze %dma_start3A_47 : memref<1x128x128xf32, #tpu.memory_space<hbm>> -> memref<128x128xf32, #tpu.memory_space<hbm>>
        %dma_start3A_49 = arith.constant 0 : i32
        %dma_start3A_50 = arith.constant 0 : i32
        %dma_start3A_51 = tpu.memref_slice %arg5[%add3A_38, %dma_start3A_49, %dma_start3A_50] : memref<2560x128x128xf32, #tpu.memory_space<hbm>> -> memref<1x128x128xf32, #tpu.memory_space<hbm>>
        %dma_start3A_52 = tpu.memref_squeeze %dma_start3A_51 : memref<1x128x128xf32, #tpu.memory_space<hbm>> -> memref<128x128xf32, #tpu.memory_space<hbm>>
        tpu.enqueue_dma source(%arg8 : memref<128x128xf32, #tpu.memory_space<vmem>>) target(%dma_start3A_52 : memref<128x128xf32, #tpu.memory_space<hbm>>) target_semaphore(%run_scoped3A_45 : memref<!tpu.dma_semaphore, #tpu.memory_space<semaphore_mem>>)
        %dma_wait3A = arith.constant 0 : i32
        %dma_wait3A_53 = arith.constant 0 : i32
        %dma_wait3A_54 = tpu.memref_slice %arg5[%add3A_38, %dma_wait3A, %dma_wait3A_53] : memref<2560x128x128xf32, #tpu.memory_space<hbm>> -> memref<1x128x128xf32, #tpu.memory_space<hbm>>
        %dma_wait3A_55 = tpu.memref_squeeze %dma_wait3A_54 : memref<1x128x128xf32, #tpu.memory_space<hbm>> -> memref<128x128xf32, #tpu.memory_space<hbm>>
        %dma_wait3A_56 = arith.constant 0 : i32
        %dma_wait3A_57 = arith.constant 0 : i32
        %dma_wait3A_58 = tpu.memref_slice %arg5[%add3A_38, %dma_wait3A_56, %dma_wait3A_57] : memref<2560x128x128xf32, #tpu.memory_space<hbm>> -> memref<1x128x128xf32, #tpu.memory_space<hbm>>
        %dma_wait3A_59 = tpu.memref_squeeze %dma_wait3A_58 : memref<1x128x128xf32, #tpu.memory_space<hbm>> -> memref<128x128xf32, #tpu.memory_space<hbm>>
        tpu.wait_dma2 semaphore(%run_scoped3A_45 : memref<!tpu.dma_semaphore, #tpu.memory_space<semaphore_mem>>) src(%arg8 : memref<128x128xf32, #tpu.memory_space<vmem>>) dst(%dma_wait3A_59 : memref<128x128xf32, #tpu.memory_space<hbm>>)
        tpu.yield
      }) : () -> ()
      %run_scoped3A_39 = arith.constant 6 : i32
      "tpu.region"() ({
        %run_scoped3A_45 = tpu.sem_alloc : memref<!tpu.dma_semaphore, #tpu.memory_space<semaphore_mem>>
        %dma_start3A = arith.constant 0 : i32
        %dma_start3A_46 = tpu.memref_slice %arg7[%run_scoped3A_39, %dma_start3A] : memref<8x128xi32, #tpu.memory_space<vmem>> -> memref<1x128xi32, #tpu.memory_space<vmem>>
        %dma_start3A_47 = tpu.memref_squeeze %dma_start3A_46 : memref<1x128xi32, #tpu.memory_space<vmem>> -> memref<128xi32, #tpu.memory_space<vmem>>
        %dma_start3A_48 = arith.constant 0 : i32
        %dma_start3A_49 = arith.constant 0 : i32
        %dma_start3A_50 = tpu.memref_slice %arg9[%dma_start3A_48, %dma_start3A_49] : memref<10240x128xf32, #tpu.memory_space<vmem_shared>> -> memref<10240x128xf32, #tpu.memory_space<vmem_shared>>
        tpu.enqueue_indirect_dma source(%dma_start3A_50 : memref<10240x128xf32, #tpu.memory_space<vmem_shared>>) target(%arg8 : memref<128x128xf32, #tpu.memory_space<vmem>>) offsets(%dma_start3A_47 : memref<128xi32, #tpu.memory_space<vmem>>) semaphore(%run_scoped3A_45 : memref<!tpu.dma_semaphore, #tpu.memory_space<semaphore_mem>>)
        %dma_wait3A = arith.constant 0 : i32
        %dma_wait3A_51 = tpu.memref_slice %arg7[%run_scoped3A_39, %dma_wait3A] : memref<8x128xi32, #tpu.memory_space<vmem>> -> memref<1x128xi32, #tpu.memory_space<vmem>>
        %dma_wait3A_52 = tpu.memref_squeeze %dma_wait3A_51 : memref<1x128xi32, #tpu.memory_space<vmem>> -> memref<128xi32, #tpu.memory_space<vmem>>
        %dma_wait3A_53 = arith.constant 0 : i32
        %dma_wait3A_54 = arith.constant 0 : i32
        %dma_wait3A_55 = tpu.memref_slice %arg9[%dma_wait3A_53, %dma_wait3A_54] : memref<10240x128xf32, #tpu.memory_space<vmem_shared>> -> memref<10240x128xf32, #tpu.memory_space<vmem_shared>>
        tpu.wait_indirect_dma semaphore(%run_scoped3A_45 : memref<!tpu.dma_semaphore, #tpu.memory_space<semaphore_mem>>) src(%dma_wait3A_55 : memref<10240x128xf32, #tpu.memory_space<vmem_shared>>) dst(%arg8 : memref<128x128xf32, #tpu.memory_space<vmem>>)
        tpu.yield
      }) : () -> ()
      %add3A_40 = arith.constant 6 : i32
      %add3A_41 = arith.addi %add3A_21, %add3A_40 : i32
      "tpu.region"() ({
        %run_scoped3A_45 = tpu.sem_alloc : memref<!tpu.dma_semaphore, #tpu.memory_space<semaphore_mem>>
        %dma_start3A = arith.constant 0 : i32
        %dma_start3A_46 = arith.constant 0 : i32
        %dma_start3A_47 = tpu.memref_slice %arg5[%add3A_41, %dma_start3A, %dma_start3A_46] : memref<2560x128x128xf32, #tpu.memory_space<hbm>> -> memref<1x128x128xf32, #tpu.memory_space<hbm>>
        %dma_start3A_48 = tpu.memref_squeeze %dma_start3A_47 : memref<1x128x128xf32, #tpu.memory_space<hbm>> -> memref<128x128xf32, #tpu.memory_space<hbm>>
        %dma_start3A_49 = arith.constant 0 : i32
        %dma_start3A_50 = arith.constant 0 : i32
        %dma_start3A_51 = tpu.memref_slice %arg5[%add3A_41, %dma_start3A_49, %dma_start3A_50] : memref<2560x128x128xf32, #tpu.memory_space<hbm>> -> memref<1x128x128xf32, #tpu.memory_space<hbm>>
        %dma_start3A_52 = tpu.memref_squeeze %dma_start3A_51 : memref<1x128x128xf32, #tpu.memory_space<hbm>> -> memref<128x128xf32, #tpu.memory_space<hbm>>
        tpu.enqueue_dma source(%arg8 : memref<128x128xf32, #tpu.memory_space<vmem>>) target(%dma_start3A_52 : memref<128x128xf32, #tpu.memory_space<hbm>>) target_semaphore(%run_scoped3A_45 : memref<!tpu.dma_semaphore, #tpu.memory_space<semaphore_mem>>)
        %dma_wait3A = arith.constant 0 : i32
        %dma_wait3A_53 = arith.constant 0 : i32
        %dma_wait3A_54 = tpu.memref_slice %arg5[%add3A_41, %dma_wait3A, %dma_wait3A_53] : memref<2560x128x128xf32, #tpu.memory_space<hbm>> -> memref<1x128x128xf32, #tpu.memory_space<hbm>>
        %dma_wait3A_55 = tpu.memref_squeeze %dma_wait3A_54 : memref<1x128x128xf32, #tpu.memory_space<hbm>> -> memref<128x128xf32, #tpu.memory_space<hbm>>
        %dma_wait3A_56 = arith.constant 0 : i32
        %dma_wait3A_57 = arith.constant 0 : i32
        %dma_wait3A_58 = tpu.memref_slice %arg5[%add3A_41, %dma_wait3A_56, %dma_wait3A_57] : memref<2560x128x128xf32, #tpu.memory_space<hbm>> -> memref<1x128x128xf32, #tpu.memory_space<hbm>>
        %dma_wait3A_59 = tpu.memref_squeeze %dma_wait3A_58 : memref<1x128x128xf32, #tpu.memory_space<hbm>> -> memref<128x128xf32, #tpu.memory_space<hbm>>
        tpu.wait_dma2 semaphore(%run_scoped3A_45 : memref<!tpu.dma_semaphore, #tpu.memory_space<semaphore_mem>>) src(%arg8 : memref<128x128xf32, #tpu.memory_space<vmem>>) dst(%dma_wait3A_59 : memref<128x128xf32, #tpu.memory_space<hbm>>)
        tpu.yield
      }) : () -> ()
      %run_scoped3A_42 = arith.constant 7 : i32
      "tpu.region"() ({
        %run_scoped3A_45 = tpu.sem_alloc : memref<!tpu.dma_semaphore, #tpu.memory_space<semaphore_mem>>
        %dma_start3A = arith.constant 0 : i32
        %dma_start3A_46 = tpu.memref_slice %arg7[%run_scoped3A_42, %dma_start3A] : memref<8x128xi32, #tpu.memory_space<vmem>> -> memref<1x128xi32, #tpu.memory_space<vmem>>
        %dma_start3A_47 = tpu.memref_squeeze %dma_start3A_46 : memref<1x128xi32, #tpu.memory_space<vmem>> -> memref<128xi32, #tpu.memory_space<vmem>>
        %dma_start3A_48 = arith.constant 0 : i32
        %dma_start3A_49 = arith.constant 0 : i32
        %dma_start3A_50 = tpu.memref_slice %arg9[%dma_start3A_48, %dma_start3A_49] : memref<10240x128xf32, #tpu.memory_space<vmem_shared>> -> memref<10240x128xf32, #tpu.memory_space<vmem_shared>>
        tpu.enqueue_indirect_dma source(%dma_start3A_50 : memref<10240x128xf32, #tpu.memory_space<vmem_shared>>) target(%arg8 : memref<128x128xf32, #tpu.memory_space<vmem>>) offsets(%dma_start3A_47 : memref<128xi32, #tpu.memory_space<vmem>>) semaphore(%run_scoped3A_45 : memref<!tpu.dma_semaphore, #tpu.memory_space<semaphore_mem>>)
        %dma_wait3A = arith.constant 0 : i32
        %dma_wait3A_51 = tpu.memref_slice %arg7[%run_scoped3A_42, %dma_wait3A] : memref<8x128xi32, #tpu.memory_space<vmem>> -> memref<1x128xi32, #tpu.memory_space<vmem>>
        %dma_wait3A_52 = tpu.memref_squeeze %dma_wait3A_51 : memref<1x128xi32, #tpu.memory_space<vmem>> -> memref<128xi32, #tpu.memory_space<vmem>>
        %dma_wait3A_53 = arith.constant 0 : i32
        %dma_wait3A_54 = arith.constant 0 : i32
        %dma_wait3A_55 = tpu.memref_slice %arg9[%dma_wait3A_53, %dma_wait3A_54] : memref<10240x128xf32, #tpu.memory_space<vmem_shared>> -> memref<10240x128xf32, #tpu.memory_space<vmem_shared>>
        tpu.wait_indirect_dma semaphore(%run_scoped3A_45 : memref<!tpu.dma_semaphore, #tpu.memory_space<semaphore_mem>>) src(%dma_wait3A_55 : memref<10240x128xf32, #tpu.memory_space<vmem_shared>>) dst(%arg8 : memref<128x128xf32, #tpu.memory_space<vmem>>)
        tpu.yield
      }) : () -> ()
      %add3A_43 = arith.constant 7 : i32
      %add3A_44 = arith.addi %add3A_21, %add3A_43 : i32
      "tpu.region"() ({
        %run_scoped3A_45 = tpu.sem_alloc : memref<!tpu.dma_semaphore, #tpu.memory_space<semaphore_mem>>
        %dma_start3A = arith.constant 0 : i32
        %dma_start3A_46 = arith.constant 0 : i32
        %dma_start3A_47 = tpu.memref_slice %arg5[%add3A_44, %dma_start3A, %dma_start3A_46] : memref<2560x128x128xf32, #tpu.memory_space<hbm>> -> memref<1x128x128xf32, #tpu.memory_space<hbm>>
        %dma_start3A_48 = tpu.memref_squeeze %dma_start3A_47 : memref<1x128x128xf32, #tpu.memory_space<hbm>> -> memref<128x128xf32, #tpu.memory_space<hbm>>
        %dma_start3A_49 = arith.constant 0 : i32
        %dma_start3A_50 = arith.constant 0 : i32
        %dma_start3A_51 = tpu.memref_slice %arg5[%add3A_44, %dma_start3A_49, %dma_start3A_50] : memref<2560x128x128xf32, #tpu.memory_space<hbm>> -> memref<1x128x128xf32, #tpu.memory_space<hbm>>
        %dma_start3A_52 = tpu.memref_squeeze %dma_start3A_51 : memref<1x128x128xf32, #tpu.memory_space<hbm>> -> memref<128x128xf32, #tpu.memory_space<hbm>>
        tpu.enqueue_dma source(%arg8 : memref<128x128xf32, #tpu.memory_space<vmem>>) target(%dma_start3A_52 : memref<128x128xf32, #tpu.memory_space<hbm>>) target_semaphore(%run_scoped3A_45 : memref<!tpu.dma_semaphore, #tpu.memory_space<semaphore_mem>>)
        %dma_wait3A = arith.constant 0 : i32
        %dma_wait3A_53 = arith.constant 0 : i32
        %dma_wait3A_54 = tpu.memref_slice %arg5[%add3A_44, %dma_wait3A, %dma_wait3A_53] : memref<2560x128x128xf32, #tpu.memory_space<hbm>> -> memref<1x128x128xf32, #tpu.memory_space<hbm>>
        %dma_wait3A_55 = tpu.memref_squeeze %dma_wait3A_54 : memref<1x128x128xf32, #tpu.memory_space<hbm>> -> memref<128x128xf32, #tpu.memory_space<hbm>>
        %dma_wait3A_56 = arith.constant 0 : i32
        %dma_wait3A_57 = arith.constant 0 : i32
        %dma_wait3A_58 = tpu.memref_slice %arg5[%add3A_44, %dma_wait3A_56, %dma_wait3A_57] : memref<2560x128x128xf32, #tpu.memory_space<hbm>> -> memref<1x128x128xf32, #tpu.memory_space<hbm>>
        %dma_wait3A_59 = tpu.memref_squeeze %dma_wait3A_58 : memref<1x128x128xf32, #tpu.memory_space<hbm>> -> memref<128x128xf32, #tpu.memory_space<hbm>>
        tpu.wait_dma2 semaphore(%run_scoped3A_45 : memref<!tpu.dma_semaphore, #tpu.memory_space<semaphore_mem>>) src(%arg8 : memref<128x128xf32, #tpu.memory_space<vmem>>) dst(%dma_wait3A_59 : memref<128x128xf32, #tpu.memory_space<hbm>>)
        tpu.yield
      }) : () -> ()
    }
    %scan3A_11 = arith.constant 10 : i32
    %scan3A_12 = arith.constant 0 : i32
    %scan3A_13 = arith.constant 0 : i32
    %scan3A_14 = arith.constant 10 : i32
    %scan3A_15 = arith.addi %scan3A_13, %scan3A_14 : i32
    %scan3A_16 = arith.constant 1 : i32
    scf.for %scan3A_18 = %scan3A_13 to %scan3A_15 step %scan3A_16  : i32 {
      %mul3A_19 = arith.constant 8 : i32
      %mul3A_20 = arith.muli %scan3A_18, %mul3A_19 : i32
      %add3A_21 = arith.addi %mul3A_6, %mul3A_20 : i32
      "tpu.region"() ({
        %run_scoped3A_45 = tpu.sem_alloc : memref<!tpu.dma_semaphore, #tpu.memory_space<semaphore_mem>>
        %dma_start3A = arith.constant 0 : i32
        %dma_start3A_46 = tpu.memref_slice %arg4[%add3A_21, %dma_start3A] : memref<2560x128xi32, #tpu.memory_space<hbm>> -> memref<8x128xi32, #tpu.memory_space<hbm>>
        %dma_start3A_47 = arith.constant 0 : i32
        %dma_start3A_48 = tpu.memref_slice %arg4[%add3A_21, %dma_start3A_47] : memref<2560x128xi32, #tpu.memory_space<hbm>> -> memref<8x128xi32, #tpu.memory_space<hbm>>
        tpu.enqueue_dma source(%dma_start3A_48 : memref<8x128xi32, #tpu.memory_space<hbm>>) target(%arg7 : memref<8x128xi32, #tpu.memory_space<vmem>>) target_semaphore(%run_scoped3A_45 : memref<!tpu.dma_semaphore, #tpu.memory_space<semaphore_mem>>)
        %dma_wait3A = arith.constant 0 : i32
        %dma_wait3A_49 = tpu.memref_slice %arg4[%add3A_21, %dma_wait3A] : memref<2560x128xi32, #tpu.memory_space<hbm>> -> memref<8x128xi32, #tpu.memory_space<hbm>>
        %dma_wait3A_50 = arith.constant 0 : i32
        %dma_wait3A_51 = tpu.memref_slice %arg4[%add3A_21, %dma_wait3A_50] : memref<2560x128xi32, #tpu.memory_space<hbm>> -> memref<8x128xi32, #tpu.memory_space<hbm>>
        tpu.wait_dma2 semaphore(%run_scoped3A_45 : memref<!tpu.dma_semaphore, #tpu.memory_space<semaphore_mem>>) src(%dma_wait3A_51 : memref<8x128xi32, #tpu.memory_space<hbm>>) dst(%arg7 : memref<8x128xi32, #tpu.memory_space<vmem>>)
        tpu.yield
      }) : () -> ()
      %run_scoped3A = arith.constant 0 : i32
      "tpu.region"() ({
        %run_scoped3A_45 = tpu.sem_alloc : memref<!tpu.dma_semaphore, #tpu.memory_space<semaphore_mem>>
        %dma_start3A = arith.constant 0 : i32
        %dma_start3A_46 = tpu.memref_slice %arg7[%run_scoped3A, %dma_start3A] : memref<8x128xi32, #tpu.memory_space<vmem>> -> memref<1x128xi32, #tpu.memory_space<vmem>>
        %dma_start3A_47 = tpu.memref_squeeze %dma_start3A_46 : memref<1x128xi32, #tpu.memory_space<vmem>> -> memref<128xi32, #tpu.memory_space<vmem>>
        %dma_start3A_48 = arith.constant 0 : i32
        %dma_start3A_49 = arith.constant 0 : i32
        %dma_start3A_50 = tpu.memref_slice %arg9[%dma_start3A_48, %dma_start3A_49] : memref<10240x128xf32, #tpu.memory_space<vmem_shared>> -> memref<10240x128xf32, #tpu.memory_space<vmem_shared>>
        tpu.enqueue_indirect_dma source(%dma_start3A_50 : memref<10240x128xf32, #tpu.memory_space<vmem_shared>>) target(%arg8 : memref<128x128xf32, #tpu.memory_space<vmem>>) offsets(%dma_start3A_47 : memref<128xi32, #tpu.memory_space<vmem>>) semaphore(%run_scoped3A_45 : memref<!tpu.dma_semaphore, #tpu.memory_space<semaphore_mem>>)
        %dma_wait3A = arith.constant 0 : i32
        %dma_wait3A_51 = tpu.memref_slice %arg7[%run_scoped3A, %dma_wait3A] : memref<8x128xi32, #tpu.memory_space<vmem>> -> memref<1x128xi32, #tpu.memory_space<vmem>>
        %dma_wait3A_52 = tpu.memref_squeeze %dma_wait3A_51 : memref<1x128xi32, #tpu.memory_space<vmem>> -> memref<128xi32, #tpu.memory_space<vmem>>
        %dma_wait3A_53 = arith.constant 0 : i32
        %dma_wait3A_54 = arith.constant 0 : i32
        %dma_wait3A_55 = tpu.memref_slice %arg9[%dma_wait3A_53, %dma_wait3A_54] : memref<10240x128xf32, #tpu.memory_space<vmem_shared>> -> memref<10240x128xf32, #tpu.memory_space<vmem_shared>>
        tpu.wait_indirect_dma semaphore(%run_scoped3A_45 : memref<!tpu.dma_semaphore, #tpu.memory_space<semaphore_mem>>) src(%dma_wait3A_55 : memref<10240x128xf32, #tpu.memory_space<vmem_shared>>) dst(%arg8 : memref<128x128xf32, #tpu.memory_space<vmem>>)
        tpu.yield
      }) : () -> ()
      %add3A_22 = arith.constant 0 : i32
      %add3A_23 = arith.addi %add3A_21, %add3A_22 : i32
      "tpu.region"() ({
        %run_scoped3A_45 = tpu.sem_alloc : memref<!tpu.dma_semaphore, #tpu.memory_space<semaphore_mem>>
        %dma_start3A = arith.constant 0 : i32
        %dma_start3A_46 = arith.constant 0 : i32
        %dma_start3A_47 = tpu.memref_slice %arg6[%add3A_23, %dma_start3A, %dma_start3A_46] : memref<2560x128x128xf32, #tpu.memory_space<hbm>> -> memref<1x128x128xf32, #tpu.memory_space<hbm>>
        %dma_start3A_48 = tpu.memref_squeeze %dma_start3A_47 : memref<1x128x128xf32, #tpu.memory_space<hbm>> -> memref<128x128xf32, #tpu.memory_space<hbm>>
        %dma_start3A_49 = arith.constant 0 : i32
        %dma_start3A_50 = arith.constant 0 : i32
        %dma_start3A_51 = tpu.memref_slice %arg6[%add3A_23, %dma_start3A_49, %dma_start3A_50] : memref<2560x128x128xf32, #tpu.memory_space<hbm>> -> memref<1x128x128xf32, #tpu.memory_space<hbm>>
        %dma_start3A_52 = tpu.memref_squeeze %dma_start3A_51 : memref<1x128x128xf32, #tpu.memory_space<hbm>> -> memref<128x128xf32, #tpu.memory_space<hbm>>
        tpu.enqueue_dma source(%arg8 : memref<128x128xf32, #tpu.memory_space<vmem>>) target(%dma_start3A_52 : memref<128x128xf32, #tpu.memory_space<hbm>>) target_semaphore(%run_scoped3A_45 : memref<!tpu.dma_semaphore, #tpu.memory_space<semaphore_mem>>)
        %dma_wait3A = arith.constant 0 : i32
        %dma_wait3A_53 = arith.constant 0 : i32
        %dma_wait3A_54 = tpu.memref_slice %arg6[%add3A_23, %dma_wait3A, %dma_wait3A_53] : memref<2560x128x128xf32, #tpu.memory_space<hbm>> -> memref<1x128x128xf32, #tpu.memory_space<hbm>>
        %dma_wait3A_55 = tpu.memref_squeeze %dma_wait3A_54 : memref<1x128x128xf32, #tpu.memory_space<hbm>> -> memref<128x128xf32, #tpu.memory_space<hbm>>
        %dma_wait3A_56 = arith.constant 0 : i32
        %dma_wait3A_57 = arith.constant 0 : i32
        %dma_wait3A_58 = tpu.memref_slice %arg6[%add3A_23, %dma_wait3A_56, %dma_wait3A_57] : memref<2560x128x128xf32, #tpu.memory_space<hbm>> -> memref<1x128x128xf32, #tpu.memory_space<hbm>>
        %dma_wait3A_59 = tpu.memref_squeeze %dma_wait3A_58 : memref<1x128x128xf32, #tpu.memory_space<hbm>> -> memref<128x128xf32, #tpu.memory_space<hbm>>
        tpu.wait_dma2 semaphore(%run_scoped3A_45 : memref<!tpu.dma_semaphore, #tpu.memory_space<semaphore_mem>>) src(%arg8 : memref<128x128xf32, #tpu.memory_space<vmem>>) dst(%dma_wait3A_59 : memref<128x128xf32, #tpu.memory_space<hbm>>)
        tpu.yield
      }) : () -> ()
      %run_scoped3A_24 = arith.constant 1 : i32
      "tpu.region"() ({
        %run_scoped3A_45 = tpu.sem_alloc : memref<!tpu.dma_semaphore, #tpu.memory_space<semaphore_mem>>
        %dma_start3A = arith.constant 0 : i32
        %dma_start3A_46 = tpu.memref_slice %arg7[%run_scoped3A_24, %dma_start3A] : memref<8x128xi32, #tpu.memory_space<vmem>> -> memref<1x128xi32, #tpu.memory_space<vmem>>
        %dma_start3A_47 = tpu.memref_squeeze %dma_start3A_46 : memref<1x128xi32, #tpu.memory_space<vmem>> -> memref<128xi32, #tpu.memory_space<vmem>>
        %dma_start3A_48 = arith.constant 0 : i32
        %dma_start3A_49 = arith.constant 0 : i32
        %dma_start3A_50 = tpu.memref_slice %arg9[%dma_start3A_48, %dma_start3A_49] : memref<10240x128xf32, #tpu.memory_space<vmem_shared>> -> memref<10240x128xf32, #tpu.memory_space<vmem_shared>>
        tpu.enqueue_indirect_dma source(%dma_start3A_50 : memref<10240x128xf32, #tpu.memory_space<vmem_shared>>) target(%arg8 : memref<128x128xf32, #tpu.memory_space<vmem>>) offsets(%dma_start3A_47 : memref<128xi32, #tpu.memory_space<vmem>>) semaphore(%run_scoped3A_45 : memref<!tpu.dma_semaphore, #tpu.memory_space<semaphore_mem>>)
        %dma_wait3A = arith.constant 0 : i32
        %dma_wait3A_51 = tpu.memref_slice %arg7[%run_scoped3A_24, %dma_wait3A] : memref<8x128xi32, #tpu.memory_space<vmem>> -> memref<1x128xi32, #tpu.memory_space<vmem>>
        %dma_wait3A_52 = tpu.memref_squeeze %dma_wait3A_51 : memref<1x128xi32, #tpu.memory_space<vmem>> -> memref<128xi32, #tpu.memory_space<vmem>>
        %dma_wait3A_53 = arith.constant 0 : i32
        %dma_wait3A_54 = arith.constant 0 : i32
        %dma_wait3A_55 = tpu.memref_slice %arg9[%dma_wait3A_53, %dma_wait3A_54] : memref<10240x128xf32, #tpu.memory_space<vmem_shared>> -> memref<10240x128xf32, #tpu.memory_space<vmem_shared>>
        tpu.wait_indirect_dma semaphore(%run_scoped3A_45 : memref<!tpu.dma_semaphore, #tpu.memory_space<semaphore_mem>>) src(%dma_wait3A_55 : memref<10240x128xf32, #tpu.memory_space<vmem_shared>>) dst(%arg8 : memref<128x128xf32, #tpu.memory_space<vmem>>)
        tpu.yield
      }) : () -> ()
      %add3A_25 = arith.constant 1 : i32
      %add3A_26 = arith.addi %add3A_21, %add3A_25 : i32
      "tpu.region"() ({
        %run_scoped3A_45 = tpu.sem_alloc : memref<!tpu.dma_semaphore, #tpu.memory_space<semaphore_mem>>
        %dma_start3A = arith.constant 0 : i32
        %dma_start3A_46 = arith.constant 0 : i32
        %dma_start3A_47 = tpu.memref_slice %arg6[%add3A_26, %dma_start3A, %dma_start3A_46] : memref<2560x128x128xf32, #tpu.memory_space<hbm>> -> memref<1x128x128xf32, #tpu.memory_space<hbm>>
        %dma_start3A_48 = tpu.memref_squeeze %dma_start3A_47 : memref<1x128x128xf32, #tpu.memory_space<hbm>> -> memref<128x128xf32, #tpu.memory_space<hbm>>
        %dma_start3A_49 = arith.constant 0 : i32
        %dma_start3A_50 = arith.constant 0 : i32
        %dma_start3A_51 = tpu.memref_slice %arg6[%add3A_26, %dma_start3A_49, %dma_start3A_50] : memref<2560x128x128xf32, #tpu.memory_space<hbm>> -> memref<1x128x128xf32, #tpu.memory_space<hbm>>
        %dma_start3A_52 = tpu.memref_squeeze %dma_start3A_51 : memref<1x128x128xf32, #tpu.memory_space<hbm>> -> memref<128x128xf32, #tpu.memory_space<hbm>>
        tpu.enqueue_dma source(%arg8 : memref<128x128xf32, #tpu.memory_space<vmem>>) target(%dma_start3A_52 : memref<128x128xf32, #tpu.memory_space<hbm>>) target_semaphore(%run_scoped3A_45 : memref<!tpu.dma_semaphore, #tpu.memory_space<semaphore_mem>>)
        %dma_wait3A = arith.constant 0 : i32
        %dma_wait3A_53 = arith.constant 0 : i32
        %dma_wait3A_54 = tpu.memref_slice %arg6[%add3A_26, %dma_wait3A, %dma_wait3A_53] : memref<2560x128x128xf32, #tpu.memory_space<hbm>> -> memref<1x128x128xf32, #tpu.memory_space<hbm>>
        %dma_wait3A_55 = tpu.memref_squeeze %dma_wait3A_54 : memref<1x128x128xf32, #tpu.memory_space<hbm>> -> memref<128x128xf32, #tpu.memory_space<hbm>>
        %dma_wait3A_56 = arith.constant 0 : i32
        %dma_wait3A_57 = arith.constant 0 : i32
        %dma_wait3A_58 = tpu.memref_slice %arg6[%add3A_26, %dma_wait3A_56, %dma_wait3A_57] : memref<2560x128x128xf32, #tpu.memory_space<hbm>> -> memref<1x128x128xf32, #tpu.memory_space<hbm>>
        %dma_wait3A_59 = tpu.memref_squeeze %dma_wait3A_58 : memref<1x128x128xf32, #tpu.memory_space<hbm>> -> memref<128x128xf32, #tpu.memory_space<hbm>>
        tpu.wait_dma2 semaphore(%run_scoped3A_45 : memref<!tpu.dma_semaphore, #tpu.memory_space<semaphore_mem>>) src(%arg8 : memref<128x128xf32, #tpu.memory_space<vmem>>) dst(%dma_wait3A_59 : memref<128x128xf32, #tpu.memory_space<hbm>>)
        tpu.yield
      }) : () -> ()
      %run_scoped3A_27 = arith.constant 2 : i32
      "tpu.region"() ({
        %run_scoped3A_45 = tpu.sem_alloc : memref<!tpu.dma_semaphore, #tpu.memory_space<semaphore_mem>>
        %dma_start3A = arith.constant 0 : i32
        %dma_start3A_46 = tpu.memref_slice %arg7[%run_scoped3A_27, %dma_start3A] : memref<8x128xi32, #tpu.memory_space<vmem>> -> memref<1x128xi32, #tpu.memory_space<vmem>>
        %dma_start3A_47 = tpu.memref_squeeze %dma_start3A_46 : memref<1x128xi32, #tpu.memory_space<vmem>> -> memref<128xi32, #tpu.memory_space<vmem>>
        %dma_start3A_48 = arith.constant 0 : i32
        %dma_start3A_49 = arith.constant 0 : i32
        %dma_start3A_50 = tpu.memref_slice %arg9[%dma_start3A_48, %dma_start3A_49] : memref<10240x128xf32, #tpu.memory_space<vmem_shared>> -> memref<10240x128xf32, #tpu.memory_space<vmem_shared>>
        tpu.enqueue_indirect_dma source(%dma_start3A_50 : memref<10240x128xf32, #tpu.memory_space<vmem_shared>>) target(%arg8 : memref<128x128xf32, #tpu.memory_space<vmem>>) offsets(%dma_start3A_47 : memref<128xi32, #tpu.memory_space<vmem>>) semaphore(%run_scoped3A_45 : memref<!tpu.dma_semaphore, #tpu.memory_space<semaphore_mem>>)
        %dma_wait3A = arith.constant 0 : i32
        %dma_wait3A_51 = tpu.memref_slice %arg7[%run_scoped3A_27, %dma_wait3A] : memref<8x128xi32, #tpu.memory_space<vmem>> -> memref<1x128xi32, #tpu.memory_space<vmem>>
        %dma_wait3A_52 = tpu.memref_squeeze %dma_wait3A_51 : memref<1x128xi32, #tpu.memory_space<vmem>> -> memref<128xi32, #tpu.memory_space<vmem>>
        %dma_wait3A_53 = arith.constant 0 : i32
        %dma_wait3A_54 = arith.constant 0 : i32
        %dma_wait3A_55 = tpu.memref_slice %arg9[%dma_wait3A_53, %dma_wait3A_54] : memref<10240x128xf32, #tpu.memory_space<vmem_shared>> -> memref<10240x128xf32, #tpu.memory_space<vmem_shared>>
        tpu.wait_indirect_dma semaphore(%run_scoped3A_45 : memref<!tpu.dma_semaphore, #tpu.memory_space<semaphore_mem>>) src(%dma_wait3A_55 : memref<10240x128xf32, #tpu.memory_space<vmem_shared>>) dst(%arg8 : memref<128x128xf32, #tpu.memory_space<vmem>>)
        tpu.yield
      }) : () -> ()
      %add3A_28 = arith.constant 2 : i32
      %add3A_29 = arith.addi %add3A_21, %add3A_28 : i32
      "tpu.region"() ({
        %run_scoped3A_45 = tpu.sem_alloc : memref<!tpu.dma_semaphore, #tpu.memory_space<semaphore_mem>>
        %dma_start3A = arith.constant 0 : i32
        %dma_start3A_46 = arith.constant 0 : i32
        %dma_start3A_47 = tpu.memref_slice %arg6[%add3A_29, %dma_start3A, %dma_start3A_46] : memref<2560x128x128xf32, #tpu.memory_space<hbm>> -> memref<1x128x128xf32, #tpu.memory_space<hbm>>
        %dma_start3A_48 = tpu.memref_squeeze %dma_start3A_47 : memref<1x128x128xf32, #tpu.memory_space<hbm>> -> memref<128x128xf32, #tpu.memory_space<hbm>>
        %dma_start3A_49 = arith.constant 0 : i32
        %dma_start3A_50 = arith.constant 0 : i32
        %dma_start3A_51 = tpu.memref_slice %arg6[%add3A_29, %dma_start3A_49, %dma_start3A_50] : memref<2560x128x128xf32, #tpu.memory_space<hbm>> -> memref<1x128x128xf32, #tpu.memory_space<hbm>>
        %dma_start3A_52 = tpu.memref_squeeze %dma_start3A_51 : memref<1x128x128xf32, #tpu.memory_space<hbm>> -> memref<128x128xf32, #tpu.memory_space<hbm>>
        tpu.enqueue_dma source(%arg8 : memref<128x128xf32, #tpu.memory_space<vmem>>) target(%dma_start3A_52 : memref<128x128xf32, #tpu.memory_space<hbm>>) target_semaphore(%run_scoped3A_45 : memref<!tpu.dma_semaphore, #tpu.memory_space<semaphore_mem>>)
        %dma_wait3A = arith.constant 0 : i32
        %dma_wait3A_53 = arith.constant 0 : i32
        %dma_wait3A_54 = tpu.memref_slice %arg6[%add3A_29, %dma_wait3A, %dma_wait3A_53] : memref<2560x128x128xf32, #tpu.memory_space<hbm>> -> memref<1x128x128xf32, #tpu.memory_space<hbm>>
        %dma_wait3A_55 = tpu.memref_squeeze %dma_wait3A_54 : memref<1x128x128xf32, #tpu.memory_space<hbm>> -> memref<128x128xf32, #tpu.memory_space<hbm>>
        %dma_wait3A_56 = arith.constant 0 : i32
        %dma_wait3A_57 = arith.constant 0 : i32
        %dma_wait3A_58 = tpu.memref_slice %arg6[%add3A_29, %dma_wait3A_56, %dma_wait3A_57] : memref<2560x128x128xf32, #tpu.memory_space<hbm>> -> memref<1x128x128xf32, #tpu.memory_space<hbm>>
        %dma_wait3A_59 = tpu.memref_squeeze %dma_wait3A_58 : memref<1x128x128xf32, #tpu.memory_space<hbm>> -> memref<128x128xf32, #tpu.memory_space<hbm>>
        tpu.wait_dma2 semaphore(%run_scoped3A_45 : memref<!tpu.dma_semaphore, #tpu.memory_space<semaphore_mem>>) src(%arg8 : memref<128x128xf32, #tpu.memory_space<vmem>>) dst(%dma_wait3A_59 : memref<128x128xf32, #tpu.memory_space<hbm>>)
        tpu.yield
      }) : () -> ()
      %run_scoped3A_30 = arith.constant 3 : i32
      "tpu.region"() ({
        %run_scoped3A_45 = tpu.sem_alloc : memref<!tpu.dma_semaphore, #tpu.memory_space<semaphore_mem>>
        %dma_start3A = arith.constant 0 : i32
        %dma_start3A_46 = tpu.memref_slice %arg7[%run_scoped3A_30, %dma_start3A] : memref<8x128xi32, #tpu.memory_space<vmem>> -> memref<1x128xi32, #tpu.memory_space<vmem>>
        %dma_start3A_47 = tpu.memref_squeeze %dma_start3A_46 : memref<1x128xi32, #tpu.memory_space<vmem>> -> memref<128xi32, #tpu.memory_space<vmem>>
        %dma_start3A_48 = arith.constant 0 : i32
        %dma_start3A_49 = arith.constant 0 : i32
        %dma_start3A_50 = tpu.memref_slice %arg9[%dma_start3A_48, %dma_start3A_49] : memref<10240x128xf32, #tpu.memory_space<vmem_shared>> -> memref<10240x128xf32, #tpu.memory_space<vmem_shared>>
        tpu.enqueue_indirect_dma source(%dma_start3A_50 : memref<10240x128xf32, #tpu.memory_space<vmem_shared>>) target(%arg8 : memref<128x128xf32, #tpu.memory_space<vmem>>) offsets(%dma_start3A_47 : memref<128xi32, #tpu.memory_space<vmem>>) semaphore(%run_scoped3A_45 : memref<!tpu.dma_semaphore, #tpu.memory_space<semaphore_mem>>)
        %dma_wait3A = arith.constant 0 : i32
        %dma_wait3A_51 = tpu.memref_slice %arg7[%run_scoped3A_30, %dma_wait3A] : memref<8x128xi32, #tpu.memory_space<vmem>> -> memref<1x128xi32, #tpu.memory_space<vmem>>
        %dma_wait3A_52 = tpu.memref_squeeze %dma_wait3A_51 : memref<1x128xi32, #tpu.memory_space<vmem>> -> memref<128xi32, #tpu.memory_space<vmem>>
        %dma_wait3A_53 = arith.constant 0 : i32
        %dma_wait3A_54 = arith.constant 0 : i32
        %dma_wait3A_55 = tpu.memref_slice %arg9[%dma_wait3A_53, %dma_wait3A_54] : memref<10240x128xf32, #tpu.memory_space<vmem_shared>> -> memref<10240x128xf32, #tpu.memory_space<vmem_shared>>
        tpu.wait_indirect_dma semaphore(%run_scoped3A_45 : memref<!tpu.dma_semaphore, #tpu.memory_space<semaphore_mem>>) src(%dma_wait3A_55 : memref<10240x128xf32, #tpu.memory_space<vmem_shared>>) dst(%arg8 : memref<128x128xf32, #tpu.memory_space<vmem>>)
        tpu.yield
      }) : () -> ()
      %add3A_31 = arith.constant 3 : i32
      %add3A_32 = arith.addi %add3A_21, %add3A_31 : i32
      "tpu.region"() ({
        %run_scoped3A_45 = tpu.sem_alloc : memref<!tpu.dma_semaphore, #tpu.memory_space<semaphore_mem>>
        %dma_start3A = arith.constant 0 : i32
        %dma_start3A_46 = arith.constant 0 : i32
        %dma_start3A_47 = tpu.memref_slice %arg6[%add3A_32, %dma_start3A, %dma_start3A_46] : memref<2560x128x128xf32, #tpu.memory_space<hbm>> -> memref<1x128x128xf32, #tpu.memory_space<hbm>>
        %dma_start3A_48 = tpu.memref_squeeze %dma_start3A_47 : memref<1x128x128xf32, #tpu.memory_space<hbm>> -> memref<128x128xf32, #tpu.memory_space<hbm>>
        %dma_start3A_49 = arith.constant 0 : i32
        %dma_start3A_50 = arith.constant 0 : i32
        %dma_start3A_51 = tpu.memref_slice %arg6[%add3A_32, %dma_start3A_49, %dma_start3A_50] : memref<2560x128x128xf32, #tpu.memory_space<hbm>> -> memref<1x128x128xf32, #tpu.memory_space<hbm>>
        %dma_start3A_52 = tpu.memref_squeeze %dma_start3A_51 : memref<1x128x128xf32, #tpu.memory_space<hbm>> -> memref<128x128xf32, #tpu.memory_space<hbm>>
        tpu.enqueue_dma source(%arg8 : memref<128x128xf32, #tpu.memory_space<vmem>>) target(%dma_start3A_52 : memref<128x128xf32, #tpu.memory_space<hbm>>) target_semaphore(%run_scoped3A_45 : memref<!tpu.dma_semaphore, #tpu.memory_space<semaphore_mem>>)
        %dma_wait3A = arith.constant 0 : i32
        %dma_wait3A_53 = arith.constant 0 : i32
        %dma_wait3A_54 = tpu.memref_slice %arg6[%add3A_32, %dma_wait3A, %dma_wait3A_53] : memref<2560x128x128xf32, #tpu.memory_space<hbm>> -> memref<1x128x128xf32, #tpu.memory_space<hbm>>
        %dma_wait3A_55 = tpu.memref_squeeze %dma_wait3A_54 : memref<1x128x128xf32, #tpu.memory_space<hbm>> -> memref<128x128xf32, #tpu.memory_space<hbm>>
        %dma_wait3A_56 = arith.constant 0 : i32
        %dma_wait3A_57 = arith.constant 0 : i32
        %dma_wait3A_58 = tpu.memref_slice %arg6[%add3A_32, %dma_wait3A_56, %dma_wait3A_57] : memref<2560x128x128xf32, #tpu.memory_space<hbm>> -> memref<1x128x128xf32, #tpu.memory_space<hbm>>
        %dma_wait3A_59 = tpu.memref_squeeze %dma_wait3A_58 : memref<1x128x128xf32, #tpu.memory_space<hbm>> -> memref<128x128xf32, #tpu.memory_space<hbm>>
        tpu.wait_dma2 semaphore(%run_scoped3A_45 : memref<!tpu.dma_semaphore, #tpu.memory_space<semaphore_mem>>) src(%arg8 : memref<128x128xf32, #tpu.memory_space<vmem>>) dst(%dma_wait3A_59 : memref<128x128xf32, #tpu.memory_space<hbm>>)
        tpu.yield
      }) : () -> ()
      %run_scoped3A_33 = arith.constant 4 : i32
      "tpu.region"() ({
        %run_scoped3A_45 = tpu.sem_alloc : memref<!tpu.dma_semaphore, #tpu.memory_space<semaphore_mem>>
        %dma_start3A = arith.constant 0 : i32
        %dma_start3A_46 = tpu.memref_slice %arg7[%run_scoped3A_33, %dma_start3A] : memref<8x128xi32, #tpu.memory_space<vmem>> -> memref<1x128xi32, #tpu.memory_space<vmem>>
        %dma_start3A_47 = tpu.memref_squeeze %dma_start3A_46 : memref<1x128xi32, #tpu.memory_space<vmem>> -> memref<128xi32, #tpu.memory_space<vmem>>
        %dma_start3A_48 = arith.constant 0 : i32
        %dma_start3A_49 = arith.constant 0 : i32
        %dma_start3A_50 = tpu.memref_slice %arg9[%dma_start3A_48, %dma_start3A_49] : memref<10240x128xf32, #tpu.memory_space<vmem_shared>> -> memref<10240x128xf32, #tpu.memory_space<vmem_shared>>
        tpu.enqueue_indirect_dma source(%dma_start3A_50 : memref<10240x128xf32, #tpu.memory_space<vmem_shared>>) target(%arg8 : memref<128x128xf32, #tpu.memory_space<vmem>>) offsets(%dma_start3A_47 : memref<128xi32, #tpu.memory_space<vmem>>) semaphore(%run_scoped3A_45 : memref<!tpu.dma_semaphore, #tpu.memory_space<semaphore_mem>>)
        %dma_wait3A = arith.constant 0 : i32
        %dma_wait3A_51 = tpu.memref_slice %arg7[%run_scoped3A_33, %dma_wait3A] : memref<8x128xi32, #tpu.memory_space<vmem>> -> memref<1x128xi32, #tpu.memory_space<vmem>>
        %dma_wait3A_52 = tpu.memref_squeeze %dma_wait3A_51 : memref<1x128xi32, #tpu.memory_space<vmem>> -> memref<128xi32, #tpu.memory_space<vmem>>
        %dma_wait3A_53 = arith.constant 0 : i32
        %dma_wait3A_54 = arith.constant 0 : i32
        %dma_wait3A_55 = tpu.memref_slice %arg9[%dma_wait3A_53, %dma_wait3A_54] : memref<10240x128xf32, #tpu.memory_space<vmem_shared>> -> memref<10240x128xf32, #tpu.memory_space<vmem_shared>>
        tpu.wait_indirect_dma semaphore(%run_scoped3A_45 : memref<!tpu.dma_semaphore, #tpu.memory_space<semaphore_mem>>) src(%dma_wait3A_55 : memref<10240x128xf32, #tpu.memory_space<vmem_shared>>) dst(%arg8 : memref<128x128xf32, #tpu.memory_space<vmem>>)
        tpu.yield
      }) : () -> ()
      %add3A_34 = arith.constant 4 : i32
      %add3A_35 = arith.addi %add3A_21, %add3A_34 : i32
      "tpu.region"() ({
        %run_scoped3A_45 = tpu.sem_alloc : memref<!tpu.dma_semaphore, #tpu.memory_space<semaphore_mem>>
        %dma_start3A = arith.constant 0 : i32
        %dma_start3A_46 = arith.constant 0 : i32
        %dma_start3A_47 = tpu.memref_slice %arg6[%add3A_35, %dma_start3A, %dma_start3A_46] : memref<2560x128x128xf32, #tpu.memory_space<hbm>> -> memref<1x128x128xf32, #tpu.memory_space<hbm>>
        %dma_start3A_48 = tpu.memref_squeeze %dma_start3A_47 : memref<1x128x128xf32, #tpu.memory_space<hbm>> -> memref<128x128xf32, #tpu.memory_space<hbm>>
        %dma_start3A_49 = arith.constant 0 : i32
        %dma_start3A_50 = arith.constant 0 : i32
        %dma_start3A_51 = tpu.memref_slice %arg6[%add3A_35, %dma_start3A_49, %dma_start3A_50] : memref<2560x128x128xf32, #tpu.memory_space<hbm>> -> memref<1x128x128xf32, #tpu.memory_space<hbm>>
        %dma_start3A_52 = tpu.memref_squeeze %dma_start3A_51 : memref<1x128x128xf32, #tpu.memory_space<hbm>> -> memref<128x128xf32, #tpu.memory_space<hbm>>
        tpu.enqueue_dma source(%arg8 : memref<128x128xf32, #tpu.memory_space<vmem>>) target(%dma_start3A_52 : memref<128x128xf32, #tpu.memory_space<hbm>>) target_semaphore(%run_scoped3A_45 : memref<!tpu.dma_semaphore, #tpu.memory_space<semaphore_mem>>)
        %dma_wait3A = arith.constant 0 : i32
        %dma_wait3A_53 = arith.constant 0 : i32
        %dma_wait3A_54 = tpu.memref_slice %arg6[%add3A_35, %dma_wait3A, %dma_wait3A_53] : memref<2560x128x128xf32, #tpu.memory_space<hbm>> -> memref<1x128x128xf32, #tpu.memory_space<hbm>>
        %dma_wait3A_55 = tpu.memref_squeeze %dma_wait3A_54 : memref<1x128x128xf32, #tpu.memory_space<hbm>> -> memref<128x128xf32, #tpu.memory_space<hbm>>
        %dma_wait3A_56 = arith.constant 0 : i32
        %dma_wait3A_57 = arith.constant 0 : i32
        %dma_wait3A_58 = tpu.memref_slice %arg6[%add3A_35, %dma_wait3A_56, %dma_wait3A_57] : memref<2560x128x128xf32, #tpu.memory_space<hbm>> -> memref<1x128x128xf32, #tpu.memory_space<hbm>>
        %dma_wait3A_59 = tpu.memref_squeeze %dma_wait3A_58 : memref<1x128x128xf32, #tpu.memory_space<hbm>> -> memref<128x128xf32, #tpu.memory_space<hbm>>
        tpu.wait_dma2 semaphore(%run_scoped3A_45 : memref<!tpu.dma_semaphore, #tpu.memory_space<semaphore_mem>>) src(%arg8 : memref<128x128xf32, #tpu.memory_space<vmem>>) dst(%dma_wait3A_59 : memref<128x128xf32, #tpu.memory_space<hbm>>)
        tpu.yield
      }) : () -> ()
      %run_scoped3A_36 = arith.constant 5 : i32
      "tpu.region"() ({
        %run_scoped3A_45 = tpu.sem_alloc : memref<!tpu.dma_semaphore, #tpu.memory_space<semaphore_mem>>
        %dma_start3A = arith.constant 0 : i32
        %dma_start3A_46 = tpu.memref_slice %arg7[%run_scoped3A_36, %dma_start3A] : memref<8x128xi32, #tpu.memory_space<vmem>> -> memref<1x128xi32, #tpu.memory_space<vmem>>
        %dma_start3A_47 = tpu.memref_squeeze %dma_start3A_46 : memref<1x128xi32, #tpu.memory_space<vmem>> -> memref<128xi32, #tpu.memory_space<vmem>>
        %dma_start3A_48 = arith.constant 0 : i32
        %dma_start3A_49 = arith.constant 0 : i32
        %dma_start3A_50 = tpu.memref_slice %arg9[%dma_start3A_48, %dma_start3A_49] : memref<10240x128xf32, #tpu.memory_space<vmem_shared>> -> memref<10240x128xf32, #tpu.memory_space<vmem_shared>>
        tpu.enqueue_indirect_dma source(%dma_start3A_50 : memref<10240x128xf32, #tpu.memory_space<vmem_shared>>) target(%arg8 : memref<128x128xf32, #tpu.memory_space<vmem>>) offsets(%dma_start3A_47 : memref<128xi32, #tpu.memory_space<vmem>>) semaphore(%run_scoped3A_45 : memref<!tpu.dma_semaphore, #tpu.memory_space<semaphore_mem>>)
        %dma_wait3A = arith.constant 0 : i32
        %dma_wait3A_51 = tpu.memref_slice %arg7[%run_scoped3A_36, %dma_wait3A] : memref<8x128xi32, #tpu.memory_space<vmem>> -> memref<1x128xi32, #tpu.memory_space<vmem>>
        %dma_wait3A_52 = tpu.memref_squeeze %dma_wait3A_51 : memref<1x128xi32, #tpu.memory_space<vmem>> -> memref<128xi32, #tpu.memory_space<vmem>>
        %dma_wait3A_53 = arith.constant 0 : i32
        %dma_wait3A_54 = arith.constant 0 : i32
        %dma_wait3A_55 = tpu.memref_slice %arg9[%dma_wait3A_53, %dma_wait3A_54] : memref<10240x128xf32, #tpu.memory_space<vmem_shared>> -> memref<10240x128xf32, #tpu.memory_space<vmem_shared>>
        tpu.wait_indirect_dma semaphore(%run_scoped3A_45 : memref<!tpu.dma_semaphore, #tpu.memory_space<semaphore_mem>>) src(%dma_wait3A_55 : memref<10240x128xf32, #tpu.memory_space<vmem_shared>>) dst(%arg8 : memref<128x128xf32, #tpu.memory_space<vmem>>)
        tpu.yield
      }) : () -> ()
      %add3A_37 = arith.constant 5 : i32
      %add3A_38 = arith.addi %add3A_21, %add3A_37 : i32
      "tpu.region"() ({
        %run_scoped3A_45 = tpu.sem_alloc : memref<!tpu.dma_semaphore, #tpu.memory_space<semaphore_mem>>
        %dma_start3A = arith.constant 0 : i32
        %dma_start3A_46 = arith.constant 0 : i32
        %dma_start3A_47 = tpu.memref_slice %arg6[%add3A_38, %dma_start3A, %dma_start3A_46] : memref<2560x128x128xf32, #tpu.memory_space<hbm>> -> memref<1x128x128xf32, #tpu.memory_space<hbm>>
        %dma_start3A_48 = tpu.memref_squeeze %dma_start3A_47 : memref<1x128x128xf32, #tpu.memory_space<hbm>> -> memref<128x128xf32, #tpu.memory_space<hbm>>
        %dma_start3A_49 = arith.constant 0 : i32
        %dma_start3A_50 = arith.constant 0 : i32
        %dma_start3A_51 = tpu.memref_slice %arg6[%add3A_38, %dma_start3A_49, %dma_start3A_50] : memref<2560x128x128xf32, #tpu.memory_space<hbm>> -> memref<1x128x128xf32, #tpu.memory_space<hbm>>
        %dma_start3A_52 = tpu.memref_squeeze %dma_start3A_51 : memref<1x128x128xf32, #tpu.memory_space<hbm>> -> memref<128x128xf32, #tpu.memory_space<hbm>>
        tpu.enqueue_dma source(%arg8 : memref<128x128xf32, #tpu.memory_space<vmem>>) target(%dma_start3A_52 : memref<128x128xf32, #tpu.memory_space<hbm>>) target_semaphore(%run_scoped3A_45 : memref<!tpu.dma_semaphore, #tpu.memory_space<semaphore_mem>>)
        %dma_wait3A = arith.constant 0 : i32
        %dma_wait3A_53 = arith.constant 0 : i32
        %dma_wait3A_54 = tpu.memref_slice %arg6[%add3A_38, %dma_wait3A, %dma_wait3A_53] : memref<2560x128x128xf32, #tpu.memory_space<hbm>> -> memref<1x128x128xf32, #tpu.memory_space<hbm>>
        %dma_wait3A_55 = tpu.memref_squeeze %dma_wait3A_54 : memref<1x128x128xf32, #tpu.memory_space<hbm>> -> memref<128x128xf32, #tpu.memory_space<hbm>>
        %dma_wait3A_56 = arith.constant 0 : i32
        %dma_wait3A_57 = arith.constant 0 : i32
        %dma_wait3A_58 = tpu.memref_slice %arg6[%add3A_38, %dma_wait3A_56, %dma_wait3A_57] : memref<2560x128x128xf32, #tpu.memory_space<hbm>> -> memref<1x128x128xf32, #tpu.memory_space<hbm>>
        %dma_wait3A_59 = tpu.memref_squeeze %dma_wait3A_58 : memref<1x128x128xf32, #tpu.memory_space<hbm>> -> memref<128x128xf32, #tpu.memory_space<hbm>>
        tpu.wait_dma2 semaphore(%run_scoped3A_45 : memref<!tpu.dma_semaphore, #tpu.memory_space<semaphore_mem>>) src(%arg8 : memref<128x128xf32, #tpu.memory_space<vmem>>) dst(%dma_wait3A_59 : memref<128x128xf32, #tpu.memory_space<hbm>>)
        tpu.yield
      }) : () -> ()
      %run_scoped3A_39 = arith.constant 6 : i32
      "tpu.region"() ({
        %run_scoped3A_45 = tpu.sem_alloc : memref<!tpu.dma_semaphore, #tpu.memory_space<semaphore_mem>>
        %dma_start3A = arith.constant 0 : i32
        %dma_start3A_46 = tpu.memref_slice %arg7[%run_scoped3A_39, %dma_start3A] : memref<8x128xi32, #tpu.memory_space<vmem>> -> memref<1x128xi32, #tpu.memory_space<vmem>>
        %dma_start3A_47 = tpu.memref_squeeze %dma_start3A_46 : memref<1x128xi32, #tpu.memory_space<vmem>> -> memref<128xi32, #tpu.memory_space<vmem>>
        %dma_start3A_48 = arith.constant 0 : i32
        %dma_start3A_49 = arith.constant 0 : i32
        %dma_start3A_50 = tpu.memref_slice %arg9[%dma_start3A_48, %dma_start3A_49] : memref<10240x128xf32, #tpu.memory_space<vmem_shared>> -> memref<10240x128xf32, #tpu.memory_space<vmem_shared>>
        tpu.enqueue_indirect_dma source(%dma_start3A_50 : memref<10240x128xf32, #tpu.memory_space<vmem_shared>>) target(%arg8 : memref<128x128xf32, #tpu.memory_space<vmem>>) offsets(%dma_start3A_47 : memref<128xi32, #tpu.memory_space<vmem>>) semaphore(%run_scoped3A_45 : memref<!tpu.dma_semaphore, #tpu.memory_space<semaphore_mem>>)
        %dma_wait3A = arith.constant 0 : i32
        %dma_wait3A_51 = tpu.memref_slice %arg7[%run_scoped3A_39, %dma_wait3A] : memref<8x128xi32, #tpu.memory_space<vmem>> -> memref<1x128xi32, #tpu.memory_space<vmem>>
        %dma_wait3A_52 = tpu.memref_squeeze %dma_wait3A_51 : memref<1x128xi32, #tpu.memory_space<vmem>> -> memref<128xi32, #tpu.memory_space<vmem>>
        %dma_wait3A_53 = arith.constant 0 : i32
        %dma_wait3A_54 = arith.constant 0 : i32
        %dma_wait3A_55 = tpu.memref_slice %arg9[%dma_wait3A_53, %dma_wait3A_54] : memref<10240x128xf32, #tpu.memory_space<vmem_shared>> -> memref<10240x128xf32, #tpu.memory_space<vmem_shared>>
        tpu.wait_indirect_dma semaphore(%run_scoped3A_45 : memref<!tpu.dma_semaphore, #tpu.memory_space<semaphore_mem>>) src(%dma_wait3A_55 : memref<10240x128xf32, #tpu.memory_space<vmem_shared>>) dst(%arg8 : memref<128x128xf32, #tpu.memory_space<vmem>>)
        tpu.yield
      }) : () -> ()
      %add3A_40 = arith.constant 6 : i32
      %add3A_41 = arith.addi %add3A_21, %add3A_40 : i32
      "tpu.region"() ({
        %run_scoped3A_45 = tpu.sem_alloc : memref<!tpu.dma_semaphore, #tpu.memory_space<semaphore_mem>>
        %dma_start3A = arith.constant 0 : i32
        %dma_start3A_46 = arith.constant 0 : i32
        %dma_start3A_47 = tpu.memref_slice %arg6[%add3A_41, %dma_start3A, %dma_start3A_46] : memref<2560x128x128xf32, #tpu.memory_space<hbm>> -> memref<1x128x128xf32, #tpu.memory_space<hbm>>
        %dma_start3A_48 = tpu.memref_squeeze %dma_start3A_47 : memref<1x128x128xf32, #tpu.memory_space<hbm>> -> memref<128x128xf32, #tpu.memory_space<hbm>>
        %dma_start3A_49 = arith.constant 0 : i32
        %dma_start3A_50 = arith.constant 0 : i32
        %dma_start3A_51 = tpu.memref_slice %arg6[%add3A_41, %dma_start3A_49, %dma_start3A_50] : memref<2560x128x128xf32, #tpu.memory_space<hbm>> -> memref<1x128x128xf32, #tpu.memory_space<hbm>>
        %dma_start3A_52 = tpu.memref_squeeze %dma_start3A_51 : memref<1x128x128xf32, #tpu.memory_space<hbm>> -> memref<128x128xf32, #tpu.memory_space<hbm>>
        tpu.enqueue_dma source(%arg8 : memref<128x128xf32, #tpu.memory_space<vmem>>) target(%dma_start3A_52 : memref<128x128xf32, #tpu.memory_space<hbm>>) target_semaphore(%run_scoped3A_45 : memref<!tpu.dma_semaphore, #tpu.memory_space<semaphore_mem>>)
        %dma_wait3A = arith.constant 0 : i32
        %dma_wait3A_53 = arith.constant 0 : i32
        %dma_wait3A_54 = tpu.memref_slice %arg6[%add3A_41, %dma_wait3A, %dma_wait3A_53] : memref<2560x128x128xf32, #tpu.memory_space<hbm>> -> memref<1x128x128xf32, #tpu.memory_space<hbm>>
        %dma_wait3A_55 = tpu.memref_squeeze %dma_wait3A_54 : memref<1x128x128xf32, #tpu.memory_space<hbm>> -> memref<128x128xf32, #tpu.memory_space<hbm>>
        %dma_wait3A_56 = arith.constant 0 : i32
        %dma_wait3A_57 = arith.constant 0 : i32
        %dma_wait3A_58 = tpu.memref_slice %arg6[%add3A_41, %dma_wait3A_56, %dma_wait3A_57] : memref<2560x128x128xf32, #tpu.memory_space<hbm>> -> memref<1x128x128xf32, #tpu.memory_space<hbm>>
        %dma_wait3A_59 = tpu.memref_squeeze %dma_wait3A_58 : memref<1x128x128xf32, #tpu.memory_space<hbm>> -> memref<128x128xf32, #tpu.memory_space<hbm>>
        tpu.wait_dma2 semaphore(%run_scoped3A_45 : memref<!tpu.dma_semaphore, #tpu.memory_space<semaphore_mem>>) src(%arg8 : memref<128x128xf32, #tpu.memory_space<vmem>>) dst(%dma_wait3A_59 : memref<128x128xf32, #tpu.memory_space<hbm>>)
        tpu.yield
      }) : () -> ()
      %run_scoped3A_42 = arith.constant 7 : i32
      "tpu.region"() ({
        %run_scoped3A_45 = tpu.sem_alloc : memref<!tpu.dma_semaphore, #tpu.memory_space<semaphore_mem>>
        %dma_start3A = arith.constant 0 : i32
        %dma_start3A_46 = tpu.memref_slice %arg7[%run_scoped3A_42, %dma_start3A] : memref<8x128xi32, #tpu.memory_space<vmem>> -> memref<1x128xi32, #tpu.memory_space<vmem>>
        %dma_start3A_47 = tpu.memref_squeeze %dma_start3A_46 : memref<1x128xi32, #tpu.memory_space<vmem>> -> memref<128xi32, #tpu.memory_space<vmem>>
        %dma_start3A_48 = arith.constant 0 : i32
        %dma_start3A_49 = arith.constant 0 : i32
        %dma_start3A_50 = tpu.memref_slice %arg9[%dma_start3A_48, %dma_start3A_49] : memref<10240x128xf32, #tpu.memory_space<vmem_shared>> -> memref<10240x128xf32, #tpu.memory_space<vmem_shared>>
        tpu.enqueue_indirect_dma source(%dma_start3A_50 : memref<10240x128xf32, #tpu.memory_space<vmem_shared>>) target(%arg8 : memref<128x128xf32, #tpu.memory_space<vmem>>) offsets(%dma_start3A_47 : memref<128xi32, #tpu.memory_space<vmem>>) semaphore(%run_scoped3A_45 : memref<!tpu.dma_semaphore, #tpu.memory_space<semaphore_mem>>)
        %dma_wait3A = arith.constant 0 : i32
        %dma_wait3A_51 = tpu.memref_slice %arg7[%run_scoped3A_42, %dma_wait3A] : memref<8x128xi32, #tpu.memory_space<vmem>> -> memref<1x128xi32, #tpu.memory_space<vmem>>
        %dma_wait3A_52 = tpu.memref_squeeze %dma_wait3A_51 : memref<1x128xi32, #tpu.memory_space<vmem>> -> memref<128xi32, #tpu.memory_space<vmem>>
        %dma_wait3A_53 = arith.constant 0 : i32
        %dma_wait3A_54 = arith.constant 0 : i32
        %dma_wait3A_55 = tpu.memref_slice %arg9[%dma_wait3A_53, %dma_wait3A_54] : memref<10240x128xf32, #tpu.memory_space<vmem_shared>> -> memref<10240x128xf32, #tpu.memory_space<vmem_shared>>
        tpu.wait_indirect_dma semaphore(%run_scoped3A_45 : memref<!tpu.dma_semaphore, #tpu.memory_space<semaphore_mem>>) src(%dma_wait3A_55 : memref<10240x128xf32, #tpu.memory_space<vmem_shared>>) dst(%arg8 : memref<128x128xf32, #tpu.memory_space<vmem>>)
        tpu.yield
      }) : () -> ()
      %add3A_43 = arith.constant 7 : i32
      %add3A_44 = arith.addi %add3A_21, %add3A_43 : i32
      "tpu.region"() ({
        %run_scoped3A_45 = tpu.sem_alloc : memref<!tpu.dma_semaphore, #tpu.memory_space<semaphore_mem>>
        %dma_start3A = arith.constant 0 : i32
        %dma_start3A_46 = arith.constant 0 : i32
        %dma_start3A_47 = tpu.memref_slice %arg6[%add3A_44, %dma_start3A, %dma_start3A_46] : memref<2560x128x128xf32, #tpu.memory_space<hbm>> -> memref<1x128x128xf32, #tpu.memory_space<hbm>>
        %dma_start3A_48 = tpu.memref_squeeze %dma_start3A_47 : memref<1x128x128xf32, #tpu.memory_space<hbm>> -> memref<128x128xf32, #tpu.memory_space<hbm>>
        %dma_start3A_49 = arith.constant 0 : i32
        %dma_start3A_50 = arith.constant 0 : i32
        %dma_start3A_51 = tpu.memref_slice %arg6[%add3A_44, %dma_start3A_49, %dma_start3A_50] : memref<2560x128x128xf32, #tpu.memory_space<hbm>> -> memref<1x128x128xf32, #tpu.memory_space<hbm>>
        %dma_start3A_52 = tpu.memref_squeeze %dma_start3A_51 : memref<1x128x128xf32, #tpu.memory_space<hbm>> -> memref<128x128xf32, #tpu.memory_space<hbm>>
        tpu.enqueue_dma source(%arg8 : memref<128x128xf32, #tpu.memory_space<vmem>>) target(%dma_start3A_52 : memref<128x128xf32, #tpu.memory_space<hbm>>) target_semaphore(%run_scoped3A_45 : memref<!tpu.dma_semaphore, #tpu.memory_space<semaphore_mem>>)
        %dma_wait3A = arith.constant 0 : i32
        %dma_wait3A_53 = arith.constant 0 : i32
        %dma_wait3A_54 = tpu.memref_slice %arg6[%add3A_44, %dma_wait3A, %dma_wait3A_53] : memref<2560x128x128xf32, #tpu.memory_space<hbm>> -> memref<1x128x128xf32, #tpu.memory_space<hbm>>
        %dma_wait3A_55 = tpu.memref_squeeze %dma_wait3A_54 : memref<1x128x128xf32, #tpu.memory_space<hbm>> -> memref<128x128xf32, #tpu.memory_space<hbm>>
        %dma_wait3A_56 = arith.constant 0 : i32
        %dma_wait3A_57 = arith.constant 0 : i32
        %dma_wait3A_58 = tpu.memref_slice %arg6[%add3A_44, %dma_wait3A_56, %dma_wait3A_57] : memref<2560x128x128xf32, #tpu.memory_space<hbm>> -> memref<1x128x128xf32, #tpu.memory_space<hbm>>
        %dma_wait3A_59 = tpu.memref_squeeze %dma_wait3A_58 : memref<1x128x128xf32, #tpu.memory_space<hbm>> -> memref<128x128xf32, #tpu.memory_space<hbm>>
        tpu.wait_dma2 semaphore(%run_scoped3A_45 : memref<!tpu.dma_semaphore, #tpu.memory_space<semaphore_mem>>) src(%arg8 : memref<128x128xf32, #tpu.memory_space<vmem>>) dst(%dma_wait3A_59 : memref<128x128xf32, #tpu.memory_space<hbm>>)
        tpu.yield
      }) : () -> ()
    }
    %scan3A_17 = arith.constant 10 : i32
    return
  }
}

#map = affine_map<(d0, d1) -> (0, 0)>
#map1 = affine_map<(d0, d1) -> (0, 0, 0)>
module attributes {stable_mosaic.version = 14 : i64} {
  func.func @k(%arg0: i32, %arg1: i32, %arg2: memref<10240x128xf32, #tpu.memory_space<hbm>>, %arg3: memref<2560x128xi32, #tpu.memory_space<hbm>>, %arg4: memref<2560x128xi32, #tpu.memory_space<hbm>>, %arg5: memref<2560x128x128xf32, #tpu.memory_space<hbm>>, %arg6: memref<2560x128x128xf32, #tpu.memory_space<hbm>>, %arg7: memref<8x128xi32, #tpu.memory_space<vmem>>, %arg8: memref<128x128xf32, #tpu.memory_space<vmem>>, %arg9: memref<10240x128xf32, #tpu.memory_space<vmem_shared>>) attributes {dimension_semantics = [#tpu.dimension_semantics<core_parallel>, #tpu.dimension_semantics<subcore_parallel>], iteration_bounds = array<i64: 2, 16>, scalar_prefetch = 0 : i64, scratch_operands = 3 : i64, tpu.core_type = #tpu.core_type<sc_vector_subcore>, window_params = [{transform_indices = #map}, {transform_indices = #map}, {transform_indices = #map}, {transform_indices = #map1}, {transform_indices = #map1}]} {
    %mul3A = arith.constant 640 : i32
    %mul3A_0 = arith.muli %arg1, %mul3A : i32
    %mul3A_1 = arith.constant 640 : i32
    %mul3A_2 = arith.muli %arg1, %mul3A_1 : i32
    "tpu.region"() ({
      %run_scoped3A = tpu.sem_alloc : memref<!tpu.dma_semaphore, #tpu.memory_space<semaphore_mem>>
      %dma_start3A = arith.constant 0 : i32
      %dma_start3A_18 = tpu.memref_slice %arg9[%mul3A_2, %dma_start3A] : memref<10240x128xf32, #tpu.memory_space<vmem_shared>> -> memref<640x128xf32, #tpu.memory_space<vmem_shared>>
      %dma_start3A_19 = arith.constant 0 : i32
      %dma_start3A_20 = tpu.memref_slice %arg2[%mul3A_0, %dma_start3A_19] : memref<10240x128xf32, #tpu.memory_space<hbm>> -> memref<640x128xf32, #tpu.memory_space<hbm>>
      tpu.enqueue_dma source(%dma_start3A_20 : memref<640x128xf32, #tpu.memory_space<hbm>>) target(%dma_start3A_18 : memref<640x128xf32, #tpu.memory_space<vmem_shared>>) target_semaphore(%run_scoped3A : memref<!tpu.dma_semaphore, #tpu.memory_space<semaphore_mem>>)
      %dma_wait3A = arith.constant 0 : i32
      %dma_wait3A_21 = tpu.memref_slice %arg9[%mul3A_2, %dma_wait3A] : memref<10240x128xf32, #tpu.memory_space<vmem_shared>> -> memref<640x128xf32, #tpu.memory_space<vmem_shared>>
      %dma_wait3A_22 = arith.constant 0 : i32
      %dma_wait3A_23 = tpu.memref_slice %arg2[%mul3A_0, %dma_wait3A_22] : memref<10240x128xf32, #tpu.memory_space<hbm>> -> memref<640x128xf32, #tpu.memory_space<hbm>>
      tpu.wait_dma2 semaphore(%run_scoped3A : memref<!tpu.dma_semaphore, #tpu.memory_space<semaphore_mem>>) src(%dma_wait3A_23 : memref<640x128xf32, #tpu.memory_space<hbm>>) dst(%dma_wait3A_21 : memref<640x128xf32, #tpu.memory_space<vmem_shared>>)
      tpu.yield
    }) : () -> ()
    %barrier3A = arith.constant 0 : index
    tpu.barrier barrier_id(%barrier3A)
    %mul3A_3 = arith.constant 2 : i32
    %mul3A_4 = arith.muli %arg1, %mul3A_3 : i32
    %add3A = arith.addi %mul3A_4, %arg0 : i32
    %mul3A_5 = arith.constant 80 : i32
    %mul3A_6 = arith.muli %add3A, %mul3A_5 : i32
    %scan3A = arith.constant 0 : i32
    %scan3A_7 = arith.constant 0 : i32
    %scan3A_8 = arith.constant 10 : i32
    %scan3A_9 = arith.addi %scan3A_7, %scan3A_8 : i32
    %scan3A_10 = arith.constant 1 : i32
    scf.for %scan3A_18 = %scan3A_7 to %scan3A_9 step %scan3A_10  : i32 {
      %mul3A_19 = arith.constant 8 : i32
      %mul3A_20 = arith.muli %scan3A_18, %mul3A_19 : i32
      %add3A_21 = arith.addi %mul3A_6, %mul3A_20 : i32
      "tpu.region"() ({
        %run_scoped3A_45 = tpu.sem_alloc : memref<!tpu.dma_semaphore, #tpu.memory_space<semaphore_mem>>
        %dma_start3A = arith.constant 0 : i32
        %dma_start3A_46 = tpu.memref_slice %arg3[%add3A_21, %dma_start3A] : memref<2560x128xi32, #tpu.memory_space<hbm>> -> memref<8x128xi32, #tpu.memory_space<hbm>>
        %dma_start3A_47 = arith.constant 0 : i32
        %dma_start3A_48 = tpu.memref_slice %arg3[%add3A_21, %dma_start3A_47] : memref<2560x128xi32, #tpu.memory_space<hbm>> -> memref<8x128xi32, #tpu.memory_space<hbm>>
        tpu.enqueue_dma source(%dma_start3A_48 : memref<8x128xi32, #tpu.memory_space<hbm>>) target(%arg7 : memref<8x128xi32, #tpu.memory_space<vmem>>) target_semaphore(%run_scoped3A_45 : memref<!tpu.dma_semaphore, #tpu.memory_space<semaphore_mem>>)
        %dma_wait3A = arith.constant 0 : i32
        %dma_wait3A_49 = tpu.memref_slice %arg3[%add3A_21, %dma_wait3A] : memref<2560x128xi32, #tpu.memory_space<hbm>> -> memref<8x128xi32, #tpu.memory_space<hbm>>
        %dma_wait3A_50 = arith.constant 0 : i32
        %dma_wait3A_51 = tpu.memref_slice %arg3[%add3A_21, %dma_wait3A_50] : memref<2560x128xi32, #tpu.memory_space<hbm>> -> memref<8x128xi32, #tpu.memory_space<hbm>>
        tpu.wait_dma2 semaphore(%run_scoped3A_45 : memref<!tpu.dma_semaphore, #tpu.memory_space<semaphore_mem>>) src(%dma_wait3A_51 : memref<8x128xi32, #tpu.memory_space<hbm>>) dst(%arg7 : memref<8x128xi32, #tpu.memory_space<vmem>>)
        tpu.yield
      }) : () -> ()
      %run_scoped3A = arith.constant 0 : i32
      "tpu.region"() ({
        %run_scoped3A_45 = tpu.sem_alloc : memref<!tpu.dma_semaphore, #tpu.memory_space<semaphore_mem>>
        %dma_start3A = arith.constant 0 : i32
        %dma_start3A_46 = tpu.memref_slice %arg7[%run_scoped3A, %dma_start3A] : memref<8x128xi32, #tpu.memory_space<vmem>> -> memref<1x128xi32, #tpu.memory_space<vmem>>
        %dma_start3A_47 = tpu.memref_squeeze %dma_start3A_46 : memref<1x128xi32, #tpu.memory_space<vmem>> -> memref<128xi32, #tpu.memory_space<vmem>>
        %dma_start3A_48 = arith.constant 0 : i32
        %dma_start3A_49 = arith.constant 0 : i32
        %dma_start3A_50 = tpu.memref_slice %arg9[%dma_start3A_48, %dma_start3A_49] : memref<10240x128xf32, #tpu.memory_space<vmem_shared>> -> memref<10240x128xf32, #tpu.memory_space<vmem_shared>>
        tpu.enqueue_indirect_dma source(%dma_start3A_50 : memref<10240x128xf32, #tpu.memory_space<vmem_shared>>) target(%arg8 : memref<128x128xf32, #tpu.memory_space<vmem>>) offsets(%dma_start3A_47 : memref<128xi32, #tpu.memory_space<vmem>>) semaphore(%run_scoped3A_45 : memref<!tpu.dma_semaphore, #tpu.memory_space<semaphore_mem>>)
        %dma_wait3A = arith.constant 0 : i32
        %dma_wait3A_51 = tpu.memref_slice %arg7[%run_scoped3A, %dma_wait3A] : memref<8x128xi32, #tpu.memory_space<vmem>> -> memref<1x128xi32, #tpu.memory_space<vmem>>
        %dma_wait3A_52 = tpu.memref_squeeze %dma_wait3A_51 : memref<1x128xi32, #tpu.memory_space<vmem>> -> memref<128xi32, #tpu.memory_space<vmem>>
        %dma_wait3A_53 = arith.constant 0 : i32
        %dma_wait3A_54 = arith.constant 0 : i32
        %dma_wait3A_55 = tpu.memref_slice %arg9[%dma_wait3A_53, %dma_wait3A_54] : memref<10240x128xf32, #tpu.memory_space<vmem_shared>> -> memref<10240x128xf32, #tpu.memory_space<vmem_shared>>
        tpu.wait_indirect_dma semaphore(%run_scoped3A_45 : memref<!tpu.dma_semaphore, #tpu.memory_space<semaphore_mem>>) src(%dma_wait3A_55 : memref<10240x128xf32, #tpu.memory_space<vmem_shared>>) dst(%arg8 : memref<128x128xf32, #tpu.memory_space<vmem>>)
        tpu.yield
      }) : () -> ()
      %add3A_22 = arith.constant 0 : i32
      %add3A_23 = arith.addi %add3A_21, %add3A_22 : i32
      "tpu.region"() ({
        %run_scoped3A_45 = tpu.sem_alloc : memref<!tpu.dma_semaphore, #tpu.memory_space<semaphore_mem>>
        %dma_start3A = arith.constant 0 : i32
        %dma_start3A_46 = arith.constant 0 : i32
        %dma_start3A_47 = tpu.memref_slice %arg5[%add3A_23, %dma_start3A, %dma_start3A_46] : memref<2560x128x128xf32, #tpu.memory_space<hbm>> -> memref<1x128x128xf32, #tpu.memory_space<hbm>>
        %dma_start3A_48 = tpu.memref_squeeze %dma_start3A_47 : memref<1x128x128xf32, #tpu.memory_space<hbm>> -> memref<128x128xf32, #tpu.memory_space<hbm>>
        %dma_start3A_49 = arith.constant 0 : i32
        %dma_start3A_50 = arith.constant 0 : i32
        %dma_start3A_51 = tpu.memref_slice %arg5[%add3A_23, %dma_start3A_49, %dma_start3A_50] : memref<2560x128x128xf32, #tpu.memory_space<hbm>> -> memref<1x128x128xf32, #tpu.memory_space<hbm>>
        %dma_start3A_52 = tpu.memref_squeeze %dma_start3A_51 : memref<1x128x128xf32, #tpu.memory_space<hbm>> -> memref<128x128xf32, #tpu.memory_space<hbm>>
        tpu.enqueue_dma source(%arg8 : memref<128x128xf32, #tpu.memory_space<vmem>>) target(%dma_start3A_52 : memref<128x128xf32, #tpu.memory_space<hbm>>) target_semaphore(%run_scoped3A_45 : memref<!tpu.dma_semaphore, #tpu.memory_space<semaphore_mem>>)
        %dma_wait3A = arith.constant 0 : i32
        %dma_wait3A_53 = arith.constant 0 : i32
        %dma_wait3A_54 = tpu.memref_slice %arg5[%add3A_23, %dma_wait3A, %dma_wait3A_53] : memref<2560x128x128xf32, #tpu.memory_space<hbm>> -> memref<1x128x128xf32, #tpu.memory_space<hbm>>
        %dma_wait3A_55 = tpu.memref_squeeze %dma_wait3A_54 : memref<1x128x128xf32, #tpu.memory_space<hbm>> -> memref<128x128xf32, #tpu.memory_space<hbm>>
        %dma_wait3A_56 = arith.constant 0 : i32
        %dma_wait3A_57 = arith.constant 0 : i32
        %dma_wait3A_58 = tpu.memref_slice %arg5[%add3A_23, %dma_wait3A_56, %dma_wait3A_57] : memref<2560x128x128xf32, #tpu.memory_space<hbm>> -> memref<1x128x128xf32, #tpu.memory_space<hbm>>
        %dma_wait3A_59 = tpu.memref_squeeze %dma_wait3A_58 : memref<1x128x128xf32, #tpu.memory_space<hbm>> -> memref<128x128xf32, #tpu.memory_space<hbm>>
        tpu.wait_dma2 semaphore(%run_scoped3A_45 : memref<!tpu.dma_semaphore, #tpu.memory_space<semaphore_mem>>) src(%arg8 : memref<128x128xf32, #tpu.memory_space<vmem>>) dst(%dma_wait3A_59 : memref<128x128xf32, #tpu.memory_space<hbm>>)
        tpu.yield
      }) : () -> ()
      %run_scoped3A_24 = arith.constant 1 : i32
      "tpu.region"() ({
        %run_scoped3A_45 = tpu.sem_alloc : memref<!tpu.dma_semaphore, #tpu.memory_space<semaphore_mem>>
        %dma_start3A = arith.constant 0 : i32
        %dma_start3A_46 = tpu.memref_slice %arg7[%run_scoped3A_24, %dma_start3A] : memref<8x128xi32, #tpu.memory_space<vmem>> -> memref<1x128xi32, #tpu.memory_space<vmem>>
        %dma_start3A_47 = tpu.memref_squeeze %dma_start3A_46 : memref<1x128xi32, #tpu.memory_space<vmem>> -> memref<128xi32, #tpu.memory_space<vmem>>
        %dma_start3A_48 = arith.constant 0 : i32
        %dma_start3A_49 = arith.constant 0 : i32
        %dma_start3A_50 = tpu.memref_slice %arg9[%dma_start3A_48, %dma_start3A_49] : memref<10240x128xf32, #tpu.memory_space<vmem_shared>> -> memref<10240x128xf32, #tpu.memory_space<vmem_shared>>
        tpu.enqueue_indirect_dma source(%dma_start3A_50 : memref<10240x128xf32, #tpu.memory_space<vmem_shared>>) target(%arg8 : memref<128x128xf32, #tpu.memory_space<vmem>>) offsets(%dma_start3A_47 : memref<128xi32, #tpu.memory_space<vmem>>) semaphore(%run_scoped3A_45 : memref<!tpu.dma_semaphore, #tpu.memory_space<semaphore_mem>>)
        %dma_wait3A = arith.constant 0 : i32
        %dma_wait3A_51 = tpu.memref_slice %arg7[%run_scoped3A_24, %dma_wait3A] : memref<8x128xi32, #tpu.memory_space<vmem>> -> memref<1x128xi32, #tpu.memory_space<vmem>>
        %dma_wait3A_52 = tpu.memref_squeeze %dma_wait3A_51 : memref<1x128xi32, #tpu.memory_space<vmem>> -> memref<128xi32, #tpu.memory_space<vmem>>
        %dma_wait3A_53 = arith.constant 0 : i32
        %dma_wait3A_54 = arith.constant 0 : i32
        %dma_wait3A_55 = tpu.memref_slice %arg9[%dma_wait3A_53, %dma_wait3A_54] : memref<10240x128xf32, #tpu.memory_space<vmem_shared>> -> memref<10240x128xf32, #tpu.memory_space<vmem_shared>>
        tpu.wait_indirect_dma semaphore(%run_scoped3A_45 : memref<!tpu.dma_semaphore, #tpu.memory_space<semaphore_mem>>) src(%dma_wait3A_55 : memref<10240x128xf32, #tpu.memory_space<vmem_shared>>) dst(%arg8 : memref<128x128xf32, #tpu.memory_space<vmem>>)
        tpu.yield
      }) : () -> ()
      %add3A_25 = arith.constant 1 : i32
      %add3A_26 = arith.addi %add3A_21, %add3A_25 : i32
      "tpu.region"() ({
        %run_scoped3A_45 = tpu.sem_alloc : memref<!tpu.dma_semaphore, #tpu.memory_space<semaphore_mem>>
        %dma_start3A = arith.constant 0 : i32
        %dma_start3A_46 = arith.constant 0 : i32
        %dma_start3A_47 = tpu.memref_slice %arg5[%add3A_26, %dma_start3A, %dma_start3A_46] : memref<2560x128x128xf32, #tpu.memory_space<hbm>> -> memref<1x128x128xf32, #tpu.memory_space<hbm>>
        %dma_start3A_48 = tpu.memref_squeeze %dma_start3A_47 : memref<1x128x128xf32, #tpu.memory_space<hbm>> -> memref<128x128xf32, #tpu.memory_space<hbm>>
        %dma_start3A_49 = arith.constant 0 : i32
        %dma_start3A_50 = arith.constant 0 : i32
        %dma_start3A_51 = tpu.memref_slice %arg5[%add3A_26, %dma_start3A_49, %dma_start3A_50] : memref<2560x128x128xf32, #tpu.memory_space<hbm>> -> memref<1x128x128xf32, #tpu.memory_space<hbm>>
        %dma_start3A_52 = tpu.memref_squeeze %dma_start3A_51 : memref<1x128x128xf32, #tpu.memory_space<hbm>> -> memref<128x128xf32, #tpu.memory_space<hbm>>
        tpu.enqueue_dma source(%arg8 : memref<128x128xf32, #tpu.memory_space<vmem>>) target(%dma_start3A_52 : memref<128x128xf32, #tpu.memory_space<hbm>>) target_semaphore(%run_scoped3A_45 : memref<!tpu.dma_semaphore, #tpu.memory_space<semaphore_mem>>)
        %dma_wait3A = arith.constant 0 : i32
        %dma_wait3A_53 = arith.constant 0 : i32
        %dma_wait3A_54 = tpu.memref_slice %arg5[%add3A_26, %dma_wait3A, %dma_wait3A_53] : memref<2560x128x128xf32, #tpu.memory_space<hbm>> -> memref<1x128x128xf32, #tpu.memory_space<hbm>>
        %dma_wait3A_55 = tpu.memref_squeeze %dma_wait3A_54 : memref<1x128x128xf32, #tpu.memory_space<hbm>> -> memref<128x128xf32, #tpu.memory_space<hbm>>
        %dma_wait3A_56 = arith.constant 0 : i32
        %dma_wait3A_57 = arith.constant 0 : i32
        %dma_wait3A_58 = tpu.memref_slice %arg5[%add3A_26, %dma_wait3A_56, %dma_wait3A_57] : memref<2560x128x128xf32, #tpu.memory_space<hbm>> -> memref<1x128x128xf32, #tpu.memory_space<hbm>>
        %dma_wait3A_59 = tpu.memref_squeeze %dma_wait3A_58 : memref<1x128x128xf32, #tpu.memory_space<hbm>> -> memref<128x128xf32, #tpu.memory_space<hbm>>
        tpu.wait_dma2 semaphore(%run_scoped3A_45 : memref<!tpu.dma_semaphore, #tpu.memory_space<semaphore_mem>>) src(%arg8 : memref<128x128xf32, #tpu.memory_space<vmem>>) dst(%dma_wait3A_59 : memref<128x128xf32, #tpu.memory_space<hbm>>)
        tpu.yield
      }) : () -> ()
      %run_scoped3A_27 = arith.constant 2 : i32
      "tpu.region"() ({
        %run_scoped3A_45 = tpu.sem_alloc : memref<!tpu.dma_semaphore, #tpu.memory_space<semaphore_mem>>
        %dma_start3A = arith.constant 0 : i32
        %dma_start3A_46 = tpu.memref_slice %arg7[%run_scoped3A_27, %dma_start3A] : memref<8x128xi32, #tpu.memory_space<vmem>> -> memref<1x128xi32, #tpu.memory_space<vmem>>
        %dma_start3A_47 = tpu.memref_squeeze %dma_start3A_46 : memref<1x128xi32, #tpu.memory_space<vmem>> -> memref<128xi32, #tpu.memory_space<vmem>>
        %dma_start3A_48 = arith.constant 0 : i32
        %dma_start3A_49 = arith.constant 0 : i32
        %dma_start3A_50 = tpu.memref_slice %arg9[%dma_start3A_48, %dma_start3A_49] : memref<10240x128xf32, #tpu.memory_space<vmem_shared>> -> memref<10240x128xf32, #tpu.memory_space<vmem_shared>>
        tpu.enqueue_indirect_dma source(%dma_start3A_50 : memref<10240x128xf32, #tpu.memory_space<vmem_shared>>) target(%arg8 : memref<128x128xf32, #tpu.memory_space<vmem>>) offsets(%dma_start3A_47 : memref<128xi32, #tpu.memory_space<vmem>>) semaphore(%run_scoped3A_45 : memref<!tpu.dma_semaphore, #tpu.memory_space<semaphore_mem>>)
        %dma_wait3A = arith.constant 0 : i32
        %dma_wait3A_51 = tpu.memref_slice %arg7[%run_scoped3A_27, %dma_wait3A] : memref<8x128xi32, #tpu.memory_space<vmem>> -> memref<1x128xi32, #tpu.memory_space<vmem>>
        %dma_wait3A_52 = tpu.memref_squeeze %dma_wait3A_51 : memref<1x128xi32, #tpu.memory_space<vmem>> -> memref<128xi32, #tpu.memory_space<vmem>>
        %dma_wait3A_53 = arith.constant 0 : i32
        %dma_wait3A_54 = arith.constant 0 : i32
        %dma_wait3A_55 = tpu.memref_slice %arg9[%dma_wait3A_53, %dma_wait3A_54] : memref<10240x128xf32, #tpu.memory_space<vmem_shared>> -> memref<10240x128xf32, #tpu.memory_space<vmem_shared>>
        tpu.wait_indirect_dma semaphore(%run_scoped3A_45 : memref<!tpu.dma_semaphore, #tpu.memory_space<semaphore_mem>>) src(%dma_wait3A_55 : memref<10240x128xf32, #tpu.memory_space<vmem_shared>>) dst(%arg8 : memref<128x128xf32, #tpu.memory_space<vmem>>)
        tpu.yield
      }) : () -> ()
      %add3A_28 = arith.constant 2 : i32
      %add3A_29 = arith.addi %add3A_21, %add3A_28 : i32
      "tpu.region"() ({
        %run_scoped3A_45 = tpu.sem_alloc : memref<!tpu.dma_semaphore, #tpu.memory_space<semaphore_mem>>
        %dma_start3A = arith.constant 0 : i32
        %dma_start3A_46 = arith.constant 0 : i32
        %dma_start3A_47 = tpu.memref_slice %arg5[%add3A_29, %dma_start3A, %dma_start3A_46] : memref<2560x128x128xf32, #tpu.memory_space<hbm>> -> memref<1x128x128xf32, #tpu.memory_space<hbm>>
        %dma_start3A_48 = tpu.memref_squeeze %dma_start3A_47 : memref<1x128x128xf32, #tpu.memory_space<hbm>> -> memref<128x128xf32, #tpu.memory_space<hbm>>
        %dma_start3A_49 = arith.constant 0 : i32
        %dma_start3A_50 = arith.constant 0 : i32
        %dma_start3A_51 = tpu.memref_slice %arg5[%add3A_29, %dma_start3A_49, %dma_start3A_50] : memref<2560x128x128xf32, #tpu.memory_space<hbm>> -> memref<1x128x128xf32, #tpu.memory_space<hbm>>
        %dma_start3A_52 = tpu.memref_squeeze %dma_start3A_51 : memref<1x128x128xf32, #tpu.memory_space<hbm>> -> memref<128x128xf32, #tpu.memory_space<hbm>>
        tpu.enqueue_dma source(%arg8 : memref<128x128xf32, #tpu.memory_space<vmem>>) target(%dma_start3A_52 : memref<128x128xf32, #tpu.memory_space<hbm>>) target_semaphore(%run_scoped3A_45 : memref<!tpu.dma_semaphore, #tpu.memory_space<semaphore_mem>>)
        %dma_wait3A = arith.constant 0 : i32
        %dma_wait3A_53 = arith.constant 0 : i32
        %dma_wait3A_54 = tpu.memref_slice %arg5[%add3A_29, %dma_wait3A, %dma_wait3A_53] : memref<2560x128x128xf32, #tpu.memory_space<hbm>> -> memref<1x128x128xf32, #tpu.memory_space<hbm>>
        %dma_wait3A_55 = tpu.memref_squeeze %dma_wait3A_54 : memref<1x128x128xf32, #tpu.memory_space<hbm>> -> memref<128x128xf32, #tpu.memory_space<hbm>>
        %dma_wait3A_56 = arith.constant 0 : i32
        %dma_wait3A_57 = arith.constant 0 : i32
        %dma_wait3A_58 = tpu.memref_slice %arg5[%add3A_29, %dma_wait3A_56, %dma_wait3A_57] : memref<2560x128x128xf32, #tpu.memory_space<hbm>> -> memref<1x128x128xf32, #tpu.memory_space<hbm>>
        %dma_wait3A_59 = tpu.memref_squeeze %dma_wait3A_58 : memref<1x128x128xf32, #tpu.memory_space<hbm>> -> memref<128x128xf32, #tpu.memory_space<hbm>>
        tpu.wait_dma2 semaphore(%run_scoped3A_45 : memref<!tpu.dma_semaphore, #tpu.memory_space<semaphore_mem>>) src(%arg8 : memref<128x128xf32, #tpu.memory_space<vmem>>) dst(%dma_wait3A_59 : memref<128x128xf32, #tpu.memory_space<hbm>>)
        tpu.yield
      }) : () -> ()
      %run_scoped3A_30 = arith.constant 3 : i32
      "tpu.region"() ({
        %run_scoped3A_45 = tpu.sem_alloc : memref<!tpu.dma_semaphore, #tpu.memory_space<semaphore_mem>>
        %dma_start3A = arith.constant 0 : i32
        %dma_start3A_46 = tpu.memref_slice %arg7[%run_scoped3A_30, %dma_start3A] : memref<8x128xi32, #tpu.memory_space<vmem>> -> memref<1x128xi32, #tpu.memory_space<vmem>>
        %dma_start3A_47 = tpu.memref_squeeze %dma_start3A_46 : memref<1x128xi32, #tpu.memory_space<vmem>> -> memref<128xi32, #tpu.memory_space<vmem>>
        %dma_start3A_48 = arith.constant 0 : i32
        %dma_start3A_49 = arith.constant 0 : i32
        %dma_start3A_50 = tpu.memref_slice %arg9[%dma_start3A_48, %dma_start3A_49] : memref<10240x128xf32, #tpu.memory_space<vmem_shared>> -> memref<10240x128xf32, #tpu.memory_space<vmem_shared>>
        tpu.enqueue_indirect_dma source(%dma_start3A_50 : memref<10240x128xf32, #tpu.memory_space<vmem_shared>>) target(%arg8 : memref<128x128xf32, #tpu.memory_space<vmem>>) offsets(%dma_start3A_47 : memref<128xi32, #tpu.memory_space<vmem>>) semaphore(%run_scoped3A_45 : memref<!tpu.dma_semaphore, #tpu.memory_space<semaphore_mem>>)
        %dma_wait3A = arith.constant 0 : i32
        %dma_wait3A_51 = tpu.memref_slice %arg7[%run_scoped3A_30, %dma_wait3A] : memref<8x128xi32, #tpu.memory_space<vmem>> -> memref<1x128xi32, #tpu.memory_space<vmem>>
        %dma_wait3A_52 = tpu.memref_squeeze %dma_wait3A_51 : memref<1x128xi32, #tpu.memory_space<vmem>> -> memref<128xi32, #tpu.memory_space<vmem>>
        %dma_wait3A_53 = arith.constant 0 : i32
        %dma_wait3A_54 = arith.constant 0 : i32
        %dma_wait3A_55 = tpu.memref_slice %arg9[%dma_wait3A_53, %dma_wait3A_54] : memref<10240x128xf32, #tpu.memory_space<vmem_shared>> -> memref<10240x128xf32, #tpu.memory_space<vmem_shared>>
        tpu.wait_indirect_dma semaphore(%run_scoped3A_45 : memref<!tpu.dma_semaphore, #tpu.memory_space<semaphore_mem>>) src(%dma_wait3A_55 : memref<10240x128xf32, #tpu.memory_space<vmem_shared>>) dst(%arg8 : memref<128x128xf32, #tpu.memory_space<vmem>>)
        tpu.yield
      }) : () -> ()
      %add3A_31 = arith.constant 3 : i32
      %add3A_32 = arith.addi %add3A_21, %add3A_31 : i32
      "tpu.region"() ({
        %run_scoped3A_45 = tpu.sem_alloc : memref<!tpu.dma_semaphore, #tpu.memory_space<semaphore_mem>>
        %dma_start3A = arith.constant 0 : i32
        %dma_start3A_46 = arith.constant 0 : i32
        %dma_start3A_47 = tpu.memref_slice %arg5[%add3A_32, %dma_start3A, %dma_start3A_46] : memref<2560x128x128xf32, #tpu.memory_space<hbm>> -> memref<1x128x128xf32, #tpu.memory_space<hbm>>
        %dma_start3A_48 = tpu.memref_squeeze %dma_start3A_47 : memref<1x128x128xf32, #tpu.memory_space<hbm>> -> memref<128x128xf32, #tpu.memory_space<hbm>>
        %dma_start3A_49 = arith.constant 0 : i32
        %dma_start3A_50 = arith.constant 0 : i32
        %dma_start3A_51 = tpu.memref_slice %arg5[%add3A_32, %dma_start3A_49, %dma_start3A_50] : memref<2560x128x128xf32, #tpu.memory_space<hbm>> -> memref<1x128x128xf32, #tpu.memory_space<hbm>>
        %dma_start3A_52 = tpu.memref_squeeze %dma_start3A_51 : memref<1x128x128xf32, #tpu.memory_space<hbm>> -> memref<128x128xf32, #tpu.memory_space<hbm>>
        tpu.enqueue_dma source(%arg8 : memref<128x128xf32, #tpu.memory_space<vmem>>) target(%dma_start3A_52 : memref<128x128xf32, #tpu.memory_space<hbm>>) target_semaphore(%run_scoped3A_45 : memref<!tpu.dma_semaphore, #tpu.memory_space<semaphore_mem>>)
        %dma_wait3A = arith.constant 0 : i32
        %dma_wait3A_53 = arith.constant 0 : i32
        %dma_wait3A_54 = tpu.memref_slice %arg5[%add3A_32, %dma_wait3A, %dma_wait3A_53] : memref<2560x128x128xf32, #tpu.memory_space<hbm>> -> memref<1x128x128xf32, #tpu.memory_space<hbm>>
        %dma_wait3A_55 = tpu.memref_squeeze %dma_wait3A_54 : memref<1x128x128xf32, #tpu.memory_space<hbm>> -> memref<128x128xf32, #tpu.memory_space<hbm>>
        %dma_wait3A_56 = arith.constant 0 : i32
        %dma_wait3A_57 = arith.constant 0 : i32
        %dma_wait3A_58 = tpu.memref_slice %arg5[%add3A_32, %dma_wait3A_56, %dma_wait3A_57] : memref<2560x128x128xf32, #tpu.memory_space<hbm>> -> memref<1x128x128xf32, #tpu.memory_space<hbm>>
        %dma_wait3A_59 = tpu.memref_squeeze %dma_wait3A_58 : memref<1x128x128xf32, #tpu.memory_space<hbm>> -> memref<128x128xf32, #tpu.memory_space<hbm>>
        tpu.wait_dma2 semaphore(%run_scoped3A_45 : memref<!tpu.dma_semaphore, #tpu.memory_space<semaphore_mem>>) src(%arg8 : memref<128x128xf32, #tpu.memory_space<vmem>>) dst(%dma_wait3A_59 : memref<128x128xf32, #tpu.memory_space<hbm>>)
        tpu.yield
      }) : () -> ()
      %run_scoped3A_33 = arith.constant 4 : i32
      "tpu.region"() ({
        %run_scoped3A_45 = tpu.sem_alloc : memref<!tpu.dma_semaphore, #tpu.memory_space<semaphore_mem>>
        %dma_start3A = arith.constant 0 : i32
        %dma_start3A_46 = tpu.memref_slice %arg7[%run_scoped3A_33, %dma_start3A] : memref<8x128xi32, #tpu.memory_space<vmem>> -> memref<1x128xi32, #tpu.memory_space<vmem>>
        %dma_start3A_47 = tpu.memref_squeeze %dma_start3A_46 : memref<1x128xi32, #tpu.memory_space<vmem>> -> memref<128xi32, #tpu.memory_space<vmem>>
        %dma_start3A_48 = arith.constant 0 : i32
        %dma_start3A_49 = arith.constant 0 : i32
        %dma_start3A_50 = tpu.memref_slice %arg9[%dma_start3A_48, %dma_start3A_49] : memref<10240x128xf32, #tpu.memory_space<vmem_shared>> -> memref<10240x128xf32, #tpu.memory_space<vmem_shared>>
        tpu.enqueue_indirect_dma source(%dma_start3A_50 : memref<10240x128xf32, #tpu.memory_space<vmem_shared>>) target(%arg8 : memref<128x128xf32, #tpu.memory_space<vmem>>) offsets(%dma_start3A_47 : memref<128xi32, #tpu.memory_space<vmem>>) semaphore(%run_scoped3A_45 : memref<!tpu.dma_semaphore, #tpu.memory_space<semaphore_mem>>)
        %dma_wait3A = arith.constant 0 : i32
        %dma_wait3A_51 = tpu.memref_slice %arg7[%run_scoped3A_33, %dma_wait3A] : memref<8x128xi32, #tpu.memory_space<vmem>> -> memref<1x128xi32, #tpu.memory_space<vmem>>
        %dma_wait3A_52 = tpu.memref_squeeze %dma_wait3A_51 : memref<1x128xi32, #tpu.memory_space<vmem>> -> memref<128xi32, #tpu.memory_space<vmem>>
        %dma_wait3A_53 = arith.constant 0 : i32
        %dma_wait3A_54 = arith.constant 0 : i32
        %dma_wait3A_55 = tpu.memref_slice %arg9[%dma_wait3A_53, %dma_wait3A_54] : memref<10240x128xf32, #tpu.memory_space<vmem_shared>> -> memref<10240x128xf32, #tpu.memory_space<vmem_shared>>
        tpu.wait_indirect_dma semaphore(%run_scoped3A_45 : memref<!tpu.dma_semaphore, #tpu.memory_space<semaphore_mem>>) src(%dma_wait3A_55 : memref<10240x128xf32, #tpu.memory_space<vmem_shared>>) dst(%arg8 : memref<128x128xf32, #tpu.memory_space<vmem>>)
        tpu.yield
      }) : () -> ()
      %add3A_34 = arith.constant 4 : i32
      %add3A_35 = arith.addi %add3A_21, %add3A_34 : i32
      "tpu.region"() ({
        %run_scoped3A_45 = tpu.sem_alloc : memref<!tpu.dma_semaphore, #tpu.memory_space<semaphore_mem>>
        %dma_start3A = arith.constant 0 : i32
        %dma_start3A_46 = arith.constant 0 : i32
        %dma_start3A_47 = tpu.memref_slice %arg5[%add3A_35, %dma_start3A, %dma_start3A_46] : memref<2560x128x128xf32, #tpu.memory_space<hbm>> -> memref<1x128x128xf32, #tpu.memory_space<hbm>>
        %dma_start3A_48 = tpu.memref_squeeze %dma_start3A_47 : memref<1x128x128xf32, #tpu.memory_space<hbm>> -> memref<128x128xf32, #tpu.memory_space<hbm>>
        %dma_start3A_49 = arith.constant 0 : i32
        %dma_start3A_50 = arith.constant 0 : i32
        %dma_start3A_51 = tpu.memref_slice %arg5[%add3A_35, %dma_start3A_49, %dma_start3A_50] : memref<2560x128x128xf32, #tpu.memory_space<hbm>> -> memref<1x128x128xf32, #tpu.memory_space<hbm>>
        %dma_start3A_52 = tpu.memref_squeeze %dma_start3A_51 : memref<1x128x128xf32, #tpu.memory_space<hbm>> -> memref<128x128xf32, #tpu.memory_space<hbm>>
        tpu.enqueue_dma source(%arg8 : memref<128x128xf32, #tpu.memory_space<vmem>>) target(%dma_start3A_52 : memref<128x128xf32, #tpu.memory_space<hbm>>) target_semaphore(%run_scoped3A_45 : memref<!tpu.dma_semaphore, #tpu.memory_space<semaphore_mem>>)
        %dma_wait3A = arith.constant 0 : i32
        %dma_wait3A_53 = arith.constant 0 : i32
        %dma_wait3A_54 = tpu.memref_slice %arg5[%add3A_35, %dma_wait3A, %dma_wait3A_53] : memref<2560x128x128xf32, #tpu.memory_space<hbm>> -> memref<1x128x128xf32, #tpu.memory_space<hbm>>
        %dma_wait3A_55 = tpu.memref_squeeze %dma_wait3A_54 : memref<1x128x128xf32, #tpu.memory_space<hbm>> -> memref<128x128xf32, #tpu.memory_space<hbm>>
        %dma_wait3A_56 = arith.constant 0 : i32
        %dma_wait3A_57 = arith.constant 0 : i32
        %dma_wait3A_58 = tpu.memref_slice %arg5[%add3A_35, %dma_wait3A_56, %dma_wait3A_57] : memref<2560x128x128xf32, #tpu.memory_space<hbm>> -> memref<1x128x128xf32, #tpu.memory_space<hbm>>
        %dma_wait3A_59 = tpu.memref_squeeze %dma_wait3A_58 : memref<1x128x128xf32, #tpu.memory_space<hbm>> -> memref<128x128xf32, #tpu.memory_space<hbm>>
        tpu.wait_dma2 semaphore(%run_scoped3A_45 : memref<!tpu.dma_semaphore, #tpu.memory_space<semaphore_mem>>) src(%arg8 : memref<128x128xf32, #tpu.memory_space<vmem>>) dst(%dma_wait3A_59 : memref<128x128xf32, #tpu.memory_space<hbm>>)
        tpu.yield
      }) : () -> ()
      %run_scoped3A_36 = arith.constant 5 : i32
      "tpu.region"() ({
        %run_scoped3A_45 = tpu.sem_alloc : memref<!tpu.dma_semaphore, #tpu.memory_space<semaphore_mem>>
        %dma_start3A = arith.constant 0 : i32
        %dma_start3A_46 = tpu.memref_slice %arg7[%run_scoped3A_36, %dma_start3A] : memref<8x128xi32, #tpu.memory_space<vmem>> -> memref<1x128xi32, #tpu.memory_space<vmem>>
        %dma_start3A_47 = tpu.memref_squeeze %dma_start3A_46 : memref<1x128xi32, #tpu.memory_space<vmem>> -> memref<128xi32, #tpu.memory_space<vmem>>
        %dma_start3A_48 = arith.constant 0 : i32
        %dma_start3A_49 = arith.constant 0 : i32
        %dma_start3A_50 = tpu.memref_slice %arg9[%dma_start3A_48, %dma_start3A_49] : memref<10240x128xf32, #tpu.memory_space<vmem_shared>> -> memref<10240x128xf32, #tpu.memory_space<vmem_shared>>
        tpu.enqueue_indirect_dma source(%dma_start3A_50 : memref<10240x128xf32, #tpu.memory_space<vmem_shared>>) target(%arg8 : memref<128x128xf32, #tpu.memory_space<vmem>>) offsets(%dma_start3A_47 : memref<128xi32, #tpu.memory_space<vmem>>) semaphore(%run_scoped3A_45 : memref<!tpu.dma_semaphore, #tpu.memory_space<semaphore_mem>>)
        %dma_wait3A = arith.constant 0 : i32
        %dma_wait3A_51 = tpu.memref_slice %arg7[%run_scoped3A_36, %dma_wait3A] : memref<8x128xi32, #tpu.memory_space<vmem>> -> memref<1x128xi32, #tpu.memory_space<vmem>>
        %dma_wait3A_52 = tpu.memref_squeeze %dma_wait3A_51 : memref<1x128xi32, #tpu.memory_space<vmem>> -> memref<128xi32, #tpu.memory_space<vmem>>
        %dma_wait3A_53 = arith.constant 0 : i32
        %dma_wait3A_54 = arith.constant 0 : i32
        %dma_wait3A_55 = tpu.memref_slice %arg9[%dma_wait3A_53, %dma_wait3A_54] : memref<10240x128xf32, #tpu.memory_space<vmem_shared>> -> memref<10240x128xf32, #tpu.memory_space<vmem_shared>>
        tpu.wait_indirect_dma semaphore(%run_scoped3A_45 : memref<!tpu.dma_semaphore, #tpu.memory_space<semaphore_mem>>) src(%dma_wait3A_55 : memref<10240x128xf32, #tpu.memory_space<vmem_shared>>) dst(%arg8 : memref<128x128xf32, #tpu.memory_space<vmem>>)
        tpu.yield
      }) : () -> ()
      %add3A_37 = arith.constant 5 : i32
      %add3A_38 = arith.addi %add3A_21, %add3A_37 : i32
      "tpu.region"() ({
        %run_scoped3A_45 = tpu.sem_alloc : memref<!tpu.dma_semaphore, #tpu.memory_space<semaphore_mem>>
        %dma_start3A = arith.constant 0 : i32
        %dma_start3A_46 = arith.constant 0 : i32
        %dma_start3A_47 = tpu.memref_slice %arg5[%add3A_38, %dma_start3A, %dma_start3A_46] : memref<2560x128x128xf32, #tpu.memory_space<hbm>> -> memref<1x128x128xf32, #tpu.memory_space<hbm>>
        %dma_start3A_48 = tpu.memref_squeeze %dma_start3A_47 : memref<1x128x128xf32, #tpu.memory_space<hbm>> -> memref<128x128xf32, #tpu.memory_space<hbm>>
        %dma_start3A_49 = arith.constant 0 : i32
        %dma_start3A_50 = arith.constant 0 : i32
        %dma_start3A_51 = tpu.memref_slice %arg5[%add3A_38, %dma_start3A_49, %dma_start3A_50] : memref<2560x128x128xf32, #tpu.memory_space<hbm>> -> memref<1x128x128xf32, #tpu.memory_space<hbm>>
        %dma_start3A_52 = tpu.memref_squeeze %dma_start3A_51 : memref<1x128x128xf32, #tpu.memory_space<hbm>> -> memref<128x128xf32, #tpu.memory_space<hbm>>
        tpu.enqueue_dma source(%arg8 : memref<128x128xf32, #tpu.memory_space<vmem>>) target(%dma_start3A_52 : memref<128x128xf32, #tpu.memory_space<hbm>>) target_semaphore(%run_scoped3A_45 : memref<!tpu.dma_semaphore, #tpu.memory_space<semaphore_mem>>)
        %dma_wait3A = arith.constant 0 : i32
        %dma_wait3A_53 = arith.constant 0 : i32
        %dma_wait3A_54 = tpu.memref_slice %arg5[%add3A_38, %dma_wait3A, %dma_wait3A_53] : memref<2560x128x128xf32, #tpu.memory_space<hbm>> -> memref<1x128x128xf32, #tpu.memory_space<hbm>>
        %dma_wait3A_55 = tpu.memref_squeeze %dma_wait3A_54 : memref<1x128x128xf32, #tpu.memory_space<hbm>> -> memref<128x128xf32, #tpu.memory_space<hbm>>
        %dma_wait3A_56 = arith.constant 0 : i32
        %dma_wait3A_57 = arith.constant 0 : i32
        %dma_wait3A_58 = tpu.memref_slice %arg5[%add3A_38, %dma_wait3A_56, %dma_wait3A_57] : memref<2560x128x128xf32, #tpu.memory_space<hbm>> -> memref<1x128x128xf32, #tpu.memory_space<hbm>>
        %dma_wait3A_59 = tpu.memref_squeeze %dma_wait3A_58 : memref<1x128x128xf32, #tpu.memory_space<hbm>> -> memref<128x128xf32, #tpu.memory_space<hbm>>
        tpu.wait_dma2 semaphore(%run_scoped3A_45 : memref<!tpu.dma_semaphore, #tpu.memory_space<semaphore_mem>>) src(%arg8 : memref<128x128xf32, #tpu.memory_space<vmem>>) dst(%dma_wait3A_59 : memref<128x128xf32, #tpu.memory_space<hbm>>)
        tpu.yield
      }) : () -> ()
      %run_scoped3A_39 = arith.constant 6 : i32
      "tpu.region"() ({
        %run_scoped3A_45 = tpu.sem_alloc : memref<!tpu.dma_semaphore, #tpu.memory_space<semaphore_mem>>
        %dma_start3A = arith.constant 0 : i32
        %dma_start3A_46 = tpu.memref_slice %arg7[%run_scoped3A_39, %dma_start3A] : memref<8x128xi32, #tpu.memory_space<vmem>> -> memref<1x128xi32, #tpu.memory_space<vmem>>
        %dma_start3A_47 = tpu.memref_squeeze %dma_start3A_46 : memref<1x128xi32, #tpu.memory_space<vmem>> -> memref<128xi32, #tpu.memory_space<vmem>>
        %dma_start3A_48 = arith.constant 0 : i32
        %dma_start3A_49 = arith.constant 0 : i32
        %dma_start3A_50 = tpu.memref_slice %arg9[%dma_start3A_48, %dma_start3A_49] : memref<10240x128xf32, #tpu.memory_space<vmem_shared>> -> memref<10240x128xf32, #tpu.memory_space<vmem_shared>>
        tpu.enqueue_indirect_dma source(%dma_start3A_50 : memref<10240x128xf32, #tpu.memory_space<vmem_shared>>) target(%arg8 : memref<128x128xf32, #tpu.memory_space<vmem>>) offsets(%dma_start3A_47 : memref<128xi32, #tpu.memory_space<vmem>>) semaphore(%run_scoped3A_45 : memref<!tpu.dma_semaphore, #tpu.memory_space<semaphore_mem>>)
        %dma_wait3A = arith.constant 0 : i32
        %dma_wait3A_51 = tpu.memref_slice %arg7[%run_scoped3A_39, %dma_wait3A] : memref<8x128xi32, #tpu.memory_space<vmem>> -> memref<1x128xi32, #tpu.memory_space<vmem>>
        %dma_wait3A_52 = tpu.memref_squeeze %dma_wait3A_51 : memref<1x128xi32, #tpu.memory_space<vmem>> -> memref<128xi32, #tpu.memory_space<vmem>>
        %dma_wait3A_53 = arith.constant 0 : i32
        %dma_wait3A_54 = arith.constant 0 : i32
        %dma_wait3A_55 = tpu.memref_slice %arg9[%dma_wait3A_53, %dma_wait3A_54] : memref<10240x128xf32, #tpu.memory_space<vmem_shared>> -> memref<10240x128xf32, #tpu.memory_space<vmem_shared>>
        tpu.wait_indirect_dma semaphore(%run_scoped3A_45 : memref<!tpu.dma_semaphore, #tpu.memory_space<semaphore_mem>>) src(%dma_wait3A_55 : memref<10240x128xf32, #tpu.memory_space<vmem_shared>>) dst(%arg8 : memref<128x128xf32, #tpu.memory_space<vmem>>)
        tpu.yield
      }) : () -> ()
      %add3A_40 = arith.constant 6 : i32
      %add3A_41 = arith.addi %add3A_21, %add3A_40 : i32
      "tpu.region"() ({
        %run_scoped3A_45 = tpu.sem_alloc : memref<!tpu.dma_semaphore, #tpu.memory_space<semaphore_mem>>
        %dma_start3A = arith.constant 0 : i32
        %dma_start3A_46 = arith.constant 0 : i32
        %dma_start3A_47 = tpu.memref_slice %arg5[%add3A_41, %dma_start3A, %dma_start3A_46] : memref<2560x128x128xf32, #tpu.memory_space<hbm>> -> memref<1x128x128xf32, #tpu.memory_space<hbm>>
        %dma_start3A_48 = tpu.memref_squeeze %dma_start3A_47 : memref<1x128x128xf32, #tpu.memory_space<hbm>> -> memref<128x128xf32, #tpu.memory_space<hbm>>
        %dma_start3A_49 = arith.constant 0 : i32
        %dma_start3A_50 = arith.constant 0 : i32
        %dma_start3A_51 = tpu.memref_slice %arg5[%add3A_41, %dma_start3A_49, %dma_start3A_50] : memref<2560x128x128xf32, #tpu.memory_space<hbm>> -> memref<1x128x128xf32, #tpu.memory_space<hbm>>
        %dma_start3A_52 = tpu.memref_squeeze %dma_start3A_51 : memref<1x128x128xf32, #tpu.memory_space<hbm>> -> memref<128x128xf32, #tpu.memory_space<hbm>>
        tpu.enqueue_dma source(%arg8 : memref<128x128xf32, #tpu.memory_space<vmem>>) target(%dma_start3A_52 : memref<128x128xf32, #tpu.memory_space<hbm>>) target_semaphore(%run_scoped3A_45 : memref<!tpu.dma_semaphore, #tpu.memory_space<semaphore_mem>>)
        %dma_wait3A = arith.constant 0 : i32
        %dma_wait3A_53 = arith.constant 0 : i32
        %dma_wait3A_54 = tpu.memref_slice %arg5[%add3A_41, %dma_wait3A, %dma_wait3A_53] : memref<2560x128x128xf32, #tpu.memory_space<hbm>> -> memref<1x128x128xf32, #tpu.memory_space<hbm>>
        %dma_wait3A_55 = tpu.memref_squeeze %dma_wait3A_54 : memref<1x128x128xf32, #tpu.memory_space<hbm>> -> memref<128x128xf32, #tpu.memory_space<hbm>>
        %dma_wait3A_56 = arith.constant 0 : i32
        %dma_wait3A_57 = arith.constant 0 : i32
        %dma_wait3A_58 = tpu.memref_slice %arg5[%add3A_41, %dma_wait3A_56, %dma_wait3A_57] : memref<2560x128x128xf32, #tpu.memory_space<hbm>> -> memref<1x128x128xf32, #tpu.memory_space<hbm>>
        %dma_wait3A_59 = tpu.memref_squeeze %dma_wait3A_58 : memref<1x128x128xf32, #tpu.memory_space<hbm>> -> memref<128x128xf32, #tpu.memory_space<hbm>>
        tpu.wait_dma2 semaphore(%run_scoped3A_45 : memref<!tpu.dma_semaphore, #tpu.memory_space<semaphore_mem>>) src(%arg8 : memref<128x128xf32, #tpu.memory_space<vmem>>) dst(%dma_wait3A_59 : memref<128x128xf32, #tpu.memory_space<hbm>>)
        tpu.yield
      }) : () -> ()
      %run_scoped3A_42 = arith.constant 7 : i32
      "tpu.region"() ({
        %run_scoped3A_45 = tpu.sem_alloc : memref<!tpu.dma_semaphore, #tpu.memory_space<semaphore_mem>>
        %dma_start3A = arith.constant 0 : i32
        %dma_start3A_46 = tpu.memref_slice %arg7[%run_scoped3A_42, %dma_start3A] : memref<8x128xi32, #tpu.memory_space<vmem>> -> memref<1x128xi32, #tpu.memory_space<vmem>>
        %dma_start3A_47 = tpu.memref_squeeze %dma_start3A_46 : memref<1x128xi32, #tpu.memory_space<vmem>> -> memref<128xi32, #tpu.memory_space<vmem>>
        %dma_start3A_48 = arith.constant 0 : i32
        %dma_start3A_49 = arith.constant 0 : i32
        %dma_start3A_50 = tpu.memref_slice %arg9[%dma_start3A_48, %dma_start3A_49] : memref<10240x128xf32, #tpu.memory_space<vmem_shared>> -> memref<10240x128xf32, #tpu.memory_space<vmem_shared>>
        tpu.enqueue_indirect_dma source(%dma_start3A_50 : memref<10240x128xf32, #tpu.memory_space<vmem_shared>>) target(%arg8 : memref<128x128xf32, #tpu.memory_space<vmem>>) offsets(%dma_start3A_47 : memref<128xi32, #tpu.memory_space<vmem>>) semaphore(%run_scoped3A_45 : memref<!tpu.dma_semaphore, #tpu.memory_space<semaphore_mem>>)
        %dma_wait3A = arith.constant 0 : i32
        %dma_wait3A_51 = tpu.memref_slice %arg7[%run_scoped3A_42, %dma_wait3A] : memref<8x128xi32, #tpu.memory_space<vmem>> -> memref<1x128xi32, #tpu.memory_space<vmem>>
        %dma_wait3A_52 = tpu.memref_squeeze %dma_wait3A_51 : memref<1x128xi32, #tpu.memory_space<vmem>> -> memref<128xi32, #tpu.memory_space<vmem>>
        %dma_wait3A_53 = arith.constant 0 : i32
        %dma_wait3A_54 = arith.constant 0 : i32
        %dma_wait3A_55 = tpu.memref_slice %arg9[%dma_wait3A_53, %dma_wait3A_54] : memref<10240x128xf32, #tpu.memory_space<vmem_shared>> -> memref<10240x128xf32, #tpu.memory_space<vmem_shared>>
        tpu.wait_indirect_dma semaphore(%run_scoped3A_45 : memref<!tpu.dma_semaphore, #tpu.memory_space<semaphore_mem>>) src(%dma_wait3A_55 : memref<10240x128xf32, #tpu.memory_space<vmem_shared>>) dst(%arg8 : memref<128x128xf32, #tpu.memory_space<vmem>>)
        tpu.yield
      }) : () -> ()
      %add3A_43 = arith.constant 7 : i32
      %add3A_44 = arith.addi %add3A_21, %add3A_43 : i32
      "tpu.region"() ({
        %run_scoped3A_45 = tpu.sem_alloc : memref<!tpu.dma_semaphore, #tpu.memory_space<semaphore_mem>>
        %dma_start3A = arith.constant 0 : i32
        %dma_start3A_46 = arith.constant 0 : i32
        %dma_start3A_47 = tpu.memref_slice %arg5[%add3A_44, %dma_start3A, %dma_start3A_46] : memref<2560x128x128xf32, #tpu.memory_space<hbm>> -> memref<1x128x128xf32, #tpu.memory_space<hbm>>
        %dma_start3A_48 = tpu.memref_squeeze %dma_start3A_47 : memref<1x128x128xf32, #tpu.memory_space<hbm>> -> memref<128x128xf32, #tpu.memory_space<hbm>>
        %dma_start3A_49 = arith.constant 0 : i32
        %dma_start3A_50 = arith.constant 0 : i32
        %dma_start3A_51 = tpu.memref_slice %arg5[%add3A_44, %dma_start3A_49, %dma_start3A_50] : memref<2560x128x128xf32, #tpu.memory_space<hbm>> -> memref<1x128x128xf32, #tpu.memory_space<hbm>>
        %dma_start3A_52 = tpu.memref_squeeze %dma_start3A_51 : memref<1x128x128xf32, #tpu.memory_space<hbm>> -> memref<128x128xf32, #tpu.memory_space<hbm>>
        tpu.enqueue_dma source(%arg8 : memref<128x128xf32, #tpu.memory_space<vmem>>) target(%dma_start3A_52 : memref<128x128xf32, #tpu.memory_space<hbm>>) target_semaphore(%run_scoped3A_45 : memref<!tpu.dma_semaphore, #tpu.memory_space<semaphore_mem>>)
        %dma_wait3A = arith.constant 0 : i32
        %dma_wait3A_53 = arith.constant 0 : i32
        %dma_wait3A_54 = tpu.memref_slice %arg5[%add3A_44, %dma_wait3A, %dma_wait3A_53] : memref<2560x128x128xf32, #tpu.memory_space<hbm>> -> memref<1x128x128xf32, #tpu.memory_space<hbm>>
        %dma_wait3A_55 = tpu.memref_squeeze %dma_wait3A_54 : memref<1x128x128xf32, #tpu.memory_space<hbm>> -> memref<128x128xf32, #tpu.memory_space<hbm>>
        %dma_wait3A_56 = arith.constant 0 : i32
        %dma_wait3A_57 = arith.constant 0 : i32
        %dma_wait3A_58 = tpu.memref_slice %arg5[%add3A_44, %dma_wait3A_56, %dma_wait3A_57] : memref<2560x128x128xf32, #tpu.memory_space<hbm>> -> memref<1x128x128xf32, #tpu.memory_space<hbm>>
        %dma_wait3A_59 = tpu.memref_squeeze %dma_wait3A_58 : memref<1x128x128xf32, #tpu.memory_space<hbm>> -> memref<128x128xf32, #tpu.memory_space<hbm>>
        tpu.wait_dma2 semaphore(%run_scoped3A_45 : memref<!tpu.dma_semaphore, #tpu.memory_space<semaphore_mem>>) src(%arg8 : memref<128x128xf32, #tpu.memory_space<vmem>>) dst(%dma_wait3A_59 : memref<128x128xf32, #tpu.memory_space<hbm>>)
        tpu.yield
      }) : () -> ()
    }
    %scan3A_11 = arith.constant 10 : i32
    %scan3A_12 = arith.constant 0 : i32
    %scan3A_13 = arith.constant 0 : i32
    %scan3A_14 = arith.constant 10 : i32
    %scan3A_15 = arith.addi %scan3A_13, %scan3A_14 : i32
    %scan3A_16 = arith.constant 1 : i32
    scf.for %scan3A_18 = %scan3A_13 to %scan3A_15 step %scan3A_16  : i32 {
      %mul3A_19 = arith.constant 8 : i32
      %mul3A_20 = arith.muli %scan3A_18, %mul3A_19 : i32
      %add3A_21 = arith.addi %mul3A_6, %mul3A_20 : i32
      "tpu.region"() ({
        %run_scoped3A_45 = tpu.sem_alloc : memref<!tpu.dma_semaphore, #tpu.memory_space<semaphore_mem>>
        %dma_start3A = arith.constant 0 : i32
        %dma_start3A_46 = tpu.memref_slice %arg4[%add3A_21, %dma_start3A] : memref<2560x128xi32, #tpu.memory_space<hbm>> -> memref<8x128xi32, #tpu.memory_space<hbm>>
        %dma_start3A_47 = arith.constant 0 : i32
        %dma_start3A_48 = tpu.memref_slice %arg4[%add3A_21, %dma_start3A_47] : memref<2560x128xi32, #tpu.memory_space<hbm>> -> memref<8x128xi32, #tpu.memory_space<hbm>>
        tpu.enqueue_dma source(%dma_start3A_48 : memref<8x128xi32, #tpu.memory_space<hbm>>) target(%arg7 : memref<8x128xi32, #tpu.memory_space<vmem>>) target_semaphore(%run_scoped3A_45 : memref<!tpu.dma_semaphore, #tpu.memory_space<semaphore_mem>>)
        %dma_wait3A = arith.constant 0 : i32
        %dma_wait3A_49 = tpu.memref_slice %arg4[%add3A_21, %dma_wait3A] : memref<2560x128xi32, #tpu.memory_space<hbm>> -> memref<8x128xi32, #tpu.memory_space<hbm>>
        %dma_wait3A_50 = arith.constant 0 : i32
        %dma_wait3A_51 = tpu.memref_slice %arg4[%add3A_21, %dma_wait3A_50] : memref<2560x128xi32, #tpu.memory_space<hbm>> -> memref<8x128xi32, #tpu.memory_space<hbm>>
        tpu.wait_dma2 semaphore(%run_scoped3A_45 : memref<!tpu.dma_semaphore, #tpu.memory_space<semaphore_mem>>) src(%dma_wait3A_51 : memref<8x128xi32, #tpu.memory_space<hbm>>) dst(%arg7 : memref<8x128xi32, #tpu.memory_space<vmem>>)
        tpu.yield
      }) : () -> ()
      %run_scoped3A = arith.constant 0 : i32
      "tpu.region"() ({
        %run_scoped3A_45 = tpu.sem_alloc : memref<!tpu.dma_semaphore, #tpu.memory_space<semaphore_mem>>
        %dma_start3A = arith.constant 0 : i32
        %dma_start3A_46 = tpu.memref_slice %arg7[%run_scoped3A, %dma_start3A] : memref<8x128xi32, #tpu.memory_space<vmem>> -> memref<1x128xi32, #tpu.memory_space<vmem>>
        %dma_start3A_47 = tpu.memref_squeeze %dma_start3A_46 : memref<1x128xi32, #tpu.memory_space<vmem>> -> memref<128xi32, #tpu.memory_space<vmem>>
        %dma_start3A_48 = arith.constant 0 : i32
        %dma_start3A_49 = arith.constant 0 : i32
        %dma_start3A_50 = tpu.memref_slice %arg9[%dma_start3A_48, %dma_start3A_49] : memref<10240x128xf32, #tpu.memory_space<vmem_shared>> -> memref<10240x128xf32, #tpu.memory_space<vmem_shared>>
        tpu.enqueue_indirect_dma source(%dma_start3A_50 : memref<10240x128xf32, #tpu.memory_space<vmem_shared>>) target(%arg8 : memref<128x128xf32, #tpu.memory_space<vmem>>) offsets(%dma_start3A_47 : memref<128xi32, #tpu.memory_space<vmem>>) semaphore(%run_scoped3A_45 : memref<!tpu.dma_semaphore, #tpu.memory_space<semaphore_mem>>)
        %dma_wait3A = arith.constant 0 : i32
        %dma_wait3A_51 = tpu.memref_slice %arg7[%run_scoped3A, %dma_wait3A] : memref<8x128xi32, #tpu.memory_space<vmem>> -> memref<1x128xi32, #tpu.memory_space<vmem>>
        %dma_wait3A_52 = tpu.memref_squeeze %dma_wait3A_51 : memref<1x128xi32, #tpu.memory_space<vmem>> -> memref<128xi32, #tpu.memory_space<vmem>>
        %dma_wait3A_53 = arith.constant 0 : i32
        %dma_wait3A_54 = arith.constant 0 : i32
        %dma_wait3A_55 = tpu.memref_slice %arg9[%dma_wait3A_53, %dma_wait3A_54] : memref<10240x128xf32, #tpu.memory_space<vmem_shared>> -> memref<10240x128xf32, #tpu.memory_space<vmem_shared>>
        tpu.wait_indirect_dma semaphore(%run_scoped3A_45 : memref<!tpu.dma_semaphore, #tpu.memory_space<semaphore_mem>>) src(%dma_wait3A_55 : memref<10240x128xf32, #tpu.memory_space<vmem_shared>>) dst(%arg8 : memref<128x128xf32, #tpu.memory_space<vmem>>)
        tpu.yield
      }) : () -> ()
      %add3A_22 = arith.constant 0 : i32
      %add3A_23 = arith.addi %add3A_21, %add3A_22 : i32
      "tpu.region"() ({
        %run_scoped3A_45 = tpu.sem_alloc : memref<!tpu.dma_semaphore, #tpu.memory_space<semaphore_mem>>
        %dma_start3A = arith.constant 0 : i32
        %dma_start3A_46 = arith.constant 0 : i32
        %dma_start3A_47 = tpu.memref_slice %arg6[%add3A_23, %dma_start3A, %dma_start3A_46] : memref<2560x128x128xf32, #tpu.memory_space<hbm>> -> memref<1x128x128xf32, #tpu.memory_space<hbm>>
        %dma_start3A_48 = tpu.memref_squeeze %dma_start3A_47 : memref<1x128x128xf32, #tpu.memory_space<hbm>> -> memref<128x128xf32, #tpu.memory_space<hbm>>
        %dma_start3A_49 = arith.constant 0 : i32
        %dma_start3A_50 = arith.constant 0 : i32
        %dma_start3A_51 = tpu.memref_slice %arg6[%add3A_23, %dma_start3A_49, %dma_start3A_50] : memref<2560x128x128xf32, #tpu.memory_space<hbm>> -> memref<1x128x128xf32, #tpu.memory_space<hbm>>
        %dma_start3A_52 = tpu.memref_squeeze %dma_start3A_51 : memref<1x128x128xf32, #tpu.memory_space<hbm>> -> memref<128x128xf32, #tpu.memory_space<hbm>>
        tpu.enqueue_dma source(%arg8 : memref<128x128xf32, #tpu.memory_space<vmem>>) target(%dma_start3A_52 : memref<128x128xf32, #tpu.memory_space<hbm>>) target_semaphore(%run_scoped3A_45 : memref<!tpu.dma_semaphore, #tpu.memory_space<semaphore_mem>>)
        %dma_wait3A = arith.constant 0 : i32
        %dma_wait3A_53 = arith.constant 0 : i32
        %dma_wait3A_54 = tpu.memref_slice %arg6[%add3A_23, %dma_wait3A, %dma_wait3A_53] : memref<2560x128x128xf32, #tpu.memory_space<hbm>> -> memref<1x128x128xf32, #tpu.memory_space<hbm>>
        %dma_wait3A_55 = tpu.memref_squeeze %dma_wait3A_54 : memref<1x128x128xf32, #tpu.memory_space<hbm>> -> memref<128x128xf32, #tpu.memory_space<hbm>>
        %dma_wait3A_56 = arith.constant 0 : i32
        %dma_wait3A_57 = arith.constant 0 : i32
        %dma_wait3A_58 = tpu.memref_slice %arg6[%add3A_23, %dma_wait3A_56, %dma_wait3A_57] : memref<2560x128x128xf32, #tpu.memory_space<hbm>> -> memref<1x128x128xf32, #tpu.memory_space<hbm>>
        %dma_wait3A_59 = tpu.memref_squeeze %dma_wait3A_58 : memref<1x128x128xf32, #tpu.memory_space<hbm>> -> memref<128x128xf32, #tpu.memory_space<hbm>>
        tpu.wait_dma2 semaphore(%run_scoped3A_45 : memref<!tpu.dma_semaphore, #tpu.memory_space<semaphore_mem>>) src(%arg8 : memref<128x128xf32, #tpu.memory_space<vmem>>) dst(%dma_wait3A_59 : memref<128x128xf32, #tpu.memory_space<hbm>>)
        tpu.yield
      }) : () -> ()
      %run_scoped3A_24 = arith.constant 1 : i32
      "tpu.region"() ({
        %run_scoped3A_45 = tpu.sem_alloc : memref<!tpu.dma_semaphore, #tpu.memory_space<semaphore_mem>>
        %dma_start3A = arith.constant 0 : i32
        %dma_start3A_46 = tpu.memref_slice %arg7[%run_scoped3A_24, %dma_start3A] : memref<8x128xi32, #tpu.memory_space<vmem>> -> memref<1x128xi32, #tpu.memory_space<vmem>>
        %dma_start3A_47 = tpu.memref_squeeze %dma_start3A_46 : memref<1x128xi32, #tpu.memory_space<vmem>> -> memref<128xi32, #tpu.memory_space<vmem>>
        %dma_start3A_48 = arith.constant 0 : i32
        %dma_start3A_49 = arith.constant 0 : i32
        %dma_start3A_50 = tpu.memref_slice %arg9[%dma_start3A_48, %dma_start3A_49] : memref<10240x128xf32, #tpu.memory_space<vmem_shared>> -> memref<10240x128xf32, #tpu.memory_space<vmem_shared>>
        tpu.enqueue_indirect_dma source(%dma_start3A_50 : memref<10240x128xf32, #tpu.memory_space<vmem_shared>>) target(%arg8 : memref<128x128xf32, #tpu.memory_space<vmem>>) offsets(%dma_start3A_47 : memref<128xi32, #tpu.memory_space<vmem>>) semaphore(%run_scoped3A_45 : memref<!tpu.dma_semaphore, #tpu.memory_space<semaphore_mem>>)
        %dma_wait3A = arith.constant 0 : i32
        %dma_wait3A_51 = tpu.memref_slice %arg7[%run_scoped3A_24, %dma_wait3A] : memref<8x128xi32, #tpu.memory_space<vmem>> -> memref<1x128xi32, #tpu.memory_space<vmem>>
        %dma_wait3A_52 = tpu.memref_squeeze %dma_wait3A_51 : memref<1x128xi32, #tpu.memory_space<vmem>> -> memref<128xi32, #tpu.memory_space<vmem>>
        %dma_wait3A_53 = arith.constant 0 : i32
        %dma_wait3A_54 = arith.constant 0 : i32
        %dma_wait3A_55 = tpu.memref_slice %arg9[%dma_wait3A_53, %dma_wait3A_54] : memref<10240x128xf32, #tpu.memory_space<vmem_shared>> -> memref<10240x128xf32, #tpu.memory_space<vmem_shared>>
        tpu.wait_indirect_dma semaphore(%run_scoped3A_45 : memref<!tpu.dma_semaphore, #tpu.memory_space<semaphore_mem>>) src(%dma_wait3A_55 : memref<10240x128xf32, #tpu.memory_space<vmem_shared>>) dst(%arg8 : memref<128x128xf32, #tpu.memory_space<vmem>>)
        tpu.yield
      }) : () -> ()
      %add3A_25 = arith.constant 1 : i32
      %add3A_26 = arith.addi %add3A_21, %add3A_25 : i32
      "tpu.region"() ({
        %run_scoped3A_45 = tpu.sem_alloc : memref<!tpu.dma_semaphore, #tpu.memory_space<semaphore_mem>>
        %dma_start3A = arith.constant 0 : i32
        %dma_start3A_46 = arith.constant 0 : i32
        %dma_start3A_47 = tpu.memref_slice %arg6[%add3A_26, %dma_start3A, %dma_start3A_46] : memref<2560x128x128xf32, #tpu.memory_space<hbm>> -> memref<1x128x128xf32, #tpu.memory_space<hbm>>
        %dma_start3A_48 = tpu.memref_squeeze %dma_start3A_47 : memref<1x128x128xf32, #tpu.memory_space<hbm>> -> memref<128x128xf32, #tpu.memory_space<hbm>>
        %dma_start3A_49 = arith.constant 0 : i32
        %dma_start3A_50 = arith.constant 0 : i32
        %dma_start3A_51 = tpu.memref_slice %arg6[%add3A_26, %dma_start3A_49, %dma_start3A_50] : memref<2560x128x128xf32, #tpu.memory_space<hbm>> -> memref<1x128x128xf32, #tpu.memory_space<hbm>>
        %dma_start3A_52 = tpu.memref_squeeze %dma_start3A_51 : memref<1x128x128xf32, #tpu.memory_space<hbm>> -> memref<128x128xf32, #tpu.memory_space<hbm>>
        tpu.enqueue_dma source(%arg8 : memref<128x128xf32, #tpu.memory_space<vmem>>) target(%dma_start3A_52 : memref<128x128xf32, #tpu.memory_space<hbm>>) target_semaphore(%run_scoped3A_45 : memref<!tpu.dma_semaphore, #tpu.memory_space<semaphore_mem>>)
        %dma_wait3A = arith.constant 0 : i32
        %dma_wait3A_53 = arith.constant 0 : i32
        %dma_wait3A_54 = tpu.memref_slice %arg6[%add3A_26, %dma_wait3A, %dma_wait3A_53] : memref<2560x128x128xf32, #tpu.memory_space<hbm>> -> memref<1x128x128xf32, #tpu.memory_space<hbm>>
        %dma_wait3A_55 = tpu.memref_squeeze %dma_wait3A_54 : memref<1x128x128xf32, #tpu.memory_space<hbm>> -> memref<128x128xf32, #tpu.memory_space<hbm>>
        %dma_wait3A_56 = arith.constant 0 : i32
        %dma_wait3A_57 = arith.constant 0 : i32
        %dma_wait3A_58 = tpu.memref_slice %arg6[%add3A_26, %dma_wait3A_56, %dma_wait3A_57] : memref<2560x128x128xf32, #tpu.memory_space<hbm>> -> memref<1x128x128xf32, #tpu.memory_space<hbm>>
        %dma_wait3A_59 = tpu.memref_squeeze %dma_wait3A_58 : memref<1x128x128xf32, #tpu.memory_space<hbm>> -> memref<128x128xf32, #tpu.memory_space<hbm>>
        tpu.wait_dma2 semaphore(%run_scoped3A_45 : memref<!tpu.dma_semaphore, #tpu.memory_space<semaphore_mem>>) src(%arg8 : memref<128x128xf32, #tpu.memory_space<vmem>>) dst(%dma_wait3A_59 : memref<128x128xf32, #tpu.memory_space<hbm>>)
        tpu.yield
      }) : () -> ()
      %run_scoped3A_27 = arith.constant 2 : i32
      "tpu.region"() ({
        %run_scoped3A_45 = tpu.sem_alloc : memref<!tpu.dma_semaphore, #tpu.memory_space<semaphore_mem>>
        %dma_start3A = arith.constant 0 : i32
        %dma_start3A_46 = tpu.memref_slice %arg7[%run_scoped3A_27, %dma_start3A] : memref<8x128xi32, #tpu.memory_space<vmem>> -> memref<1x128xi32, #tpu.memory_space<vmem>>
        %dma_start3A_47 = tpu.memref_squeeze %dma_start3A_46 : memref<1x128xi32, #tpu.memory_space<vmem>> -> memref<128xi32, #tpu.memory_space<vmem>>
        %dma_start3A_48 = arith.constant 0 : i32
        %dma_start3A_49 = arith.constant 0 : i32
        %dma_start3A_50 = tpu.memref_slice %arg9[%dma_start3A_48, %dma_start3A_49] : memref<10240x128xf32, #tpu.memory_space<vmem_shared>> -> memref<10240x128xf32, #tpu.memory_space<vmem_shared>>
        tpu.enqueue_indirect_dma source(%dma_start3A_50 : memref<10240x128xf32, #tpu.memory_space<vmem_shared>>) target(%arg8 : memref<128x128xf32, #tpu.memory_space<vmem>>) offsets(%dma_start3A_47 : memref<128xi32, #tpu.memory_space<vmem>>) semaphore(%run_scoped3A_45 : memref<!tpu.dma_semaphore, #tpu.memory_space<semaphore_mem>>)
        %dma_wait3A = arith.constant 0 : i32
        %dma_wait3A_51 = tpu.memref_slice %arg7[%run_scoped3A_27, %dma_wait3A] : memref<8x128xi32, #tpu.memory_space<vmem>> -> memref<1x128xi32, #tpu.memory_space<vmem>>
        %dma_wait3A_52 = tpu.memref_squeeze %dma_wait3A_51 : memref<1x128xi32, #tpu.memory_space<vmem>> -> memref<128xi32, #tpu.memory_space<vmem>>
        %dma_wait3A_53 = arith.constant 0 : i32
        %dma_wait3A_54 = arith.constant 0 : i32
        %dma_wait3A_55 = tpu.memref_slice %arg9[%dma_wait3A_53, %dma_wait3A_54] : memref<10240x128xf32, #tpu.memory_space<vmem_shared>> -> memref<10240x128xf32, #tpu.memory_space<vmem_shared>>
        tpu.wait_indirect_dma semaphore(%run_scoped3A_45 : memref<!tpu.dma_semaphore, #tpu.memory_space<semaphore_mem>>) src(%dma_wait3A_55 : memref<10240x128xf32, #tpu.memory_space<vmem_shared>>) dst(%arg8 : memref<128x128xf32, #tpu.memory_space<vmem>>)
        tpu.yield
      }) : () -> ()
      %add3A_28 = arith.constant 2 : i32
      %add3A_29 = arith.addi %add3A_21, %add3A_28 : i32
      "tpu.region"() ({
        %run_scoped3A_45 = tpu.sem_alloc : memref<!tpu.dma_semaphore, #tpu.memory_space<semaphore_mem>>
        %dma_start3A = arith.constant 0 : i32
        %dma_start3A_46 = arith.constant 0 : i32
        %dma_start3A_47 = tpu.memref_slice %arg6[%add3A_29, %dma_start3A, %dma_start3A_46] : memref<2560x128x128xf32, #tpu.memory_space<hbm>> -> memref<1x128x128xf32, #tpu.memory_space<hbm>>
        %dma_start3A_48 = tpu.memref_squeeze %dma_start3A_47 : memref<1x128x128xf32, #tpu.memory_space<hbm>> -> memref<128x128xf32, #tpu.memory_space<hbm>>
        %dma_start3A_49 = arith.constant 0 : i32
        %dma_start3A_50 = arith.constant 0 : i32
        %dma_start3A_51 = tpu.memref_slice %arg6[%add3A_29, %dma_start3A_49, %dma_start3A_50] : memref<2560x128x128xf32, #tpu.memory_space<hbm>> -> memref<1x128x128xf32, #tpu.memory_space<hbm>>
        %dma_start3A_52 = tpu.memref_squeeze %dma_start3A_51 : memref<1x128x128xf32, #tpu.memory_space<hbm>> -> memref<128x128xf32, #tpu.memory_space<hbm>>
        tpu.enqueue_dma source(%arg8 : memref<128x128xf32, #tpu.memory_space<vmem>>) target(%dma_start3A_52 : memref<128x128xf32, #tpu.memory_space<hbm>>) target_semaphore(%run_scoped3A_45 : memref<!tpu.dma_semaphore, #tpu.memory_space<semaphore_mem>>)
        %dma_wait3A = arith.constant 0 : i32
        %dma_wait3A_53 = arith.constant 0 : i32
        %dma_wait3A_54 = tpu.memref_slice %arg6[%add3A_29, %dma_wait3A, %dma_wait3A_53] : memref<2560x128x128xf32, #tpu.memory_space<hbm>> -> memref<1x128x128xf32, #tpu.memory_space<hbm>>
        %dma_wait3A_55 = tpu.memref_squeeze %dma_wait3A_54 : memref<1x128x128xf32, #tpu.memory_space<hbm>> -> memref<128x128xf32, #tpu.memory_space<hbm>>
        %dma_wait3A_56 = arith.constant 0 : i32
        %dma_wait3A_57 = arith.constant 0 : i32
        %dma_wait3A_58 = tpu.memref_slice %arg6[%add3A_29, %dma_wait3A_56, %dma_wait3A_57] : memref<2560x128x128xf32, #tpu.memory_space<hbm>> -> memref<1x128x128xf32, #tpu.memory_space<hbm>>
        %dma_wait3A_59 = tpu.memref_squeeze %dma_wait3A_58 : memref<1x128x128xf32, #tpu.memory_space<hbm>> -> memref<128x128xf32, #tpu.memory_space<hbm>>
        tpu.wait_dma2 semaphore(%run_scoped3A_45 : memref<!tpu.dma_semaphore, #tpu.memory_space<semaphore_mem>>) src(%arg8 : memref<128x128xf32, #tpu.memory_space<vmem>>) dst(%dma_wait3A_59 : memref<128x128xf32, #tpu.memory_space<hbm>>)
        tpu.yield
      }) : () -> ()
      %run_scoped3A_30 = arith.constant 3 : i32
      "tpu.region"() ({
        %run_scoped3A_45 = tpu.sem_alloc : memref<!tpu.dma_semaphore, #tpu.memory_space<semaphore_mem>>
        %dma_start3A = arith.constant 0 : i32
        %dma_start3A_46 = tpu.memref_slice %arg7[%run_scoped3A_30, %dma_start3A] : memref<8x128xi32, #tpu.memory_space<vmem>> -> memref<1x128xi32, #tpu.memory_space<vmem>>
        %dma_start3A_47 = tpu.memref_squeeze %dma_start3A_46 : memref<1x128xi32, #tpu.memory_space<vmem>> -> memref<128xi32, #tpu.memory_space<vmem>>
        %dma_start3A_48 = arith.constant 0 : i32
        %dma_start3A_49 = arith.constant 0 : i32
        %dma_start3A_50 = tpu.memref_slice %arg9[%dma_start3A_48, %dma_start3A_49] : memref<10240x128xf32, #tpu.memory_space<vmem_shared>> -> memref<10240x128xf32, #tpu.memory_space<vmem_shared>>
        tpu.enqueue_indirect_dma source(%dma_start3A_50 : memref<10240x128xf32, #tpu.memory_space<vmem_shared>>) target(%arg8 : memref<128x128xf32, #tpu.memory_space<vmem>>) offsets(%dma_start3A_47 : memref<128xi32, #tpu.memory_space<vmem>>) semaphore(%run_scoped3A_45 : memref<!tpu.dma_semaphore, #tpu.memory_space<semaphore_mem>>)
        %dma_wait3A = arith.constant 0 : i32
        %dma_wait3A_51 = tpu.memref_slice %arg7[%run_scoped3A_30, %dma_wait3A] : memref<8x128xi32, #tpu.memory_space<vmem>> -> memref<1x128xi32, #tpu.memory_space<vmem>>
        %dma_wait3A_52 = tpu.memref_squeeze %dma_wait3A_51 : memref<1x128xi32, #tpu.memory_space<vmem>> -> memref<128xi32, #tpu.memory_space<vmem>>
        %dma_wait3A_53 = arith.constant 0 : i32
        %dma_wait3A_54 = arith.constant 0 : i32
        %dma_wait3A_55 = tpu.memref_slice %arg9[%dma_wait3A_53, %dma_wait3A_54] : memref<10240x128xf32, #tpu.memory_space<vmem_shared>> -> memref<10240x128xf32, #tpu.memory_space<vmem_shared>>
        tpu.wait_indirect_dma semaphore(%run_scoped3A_45 : memref<!tpu.dma_semaphore, #tpu.memory_space<semaphore_mem>>) src(%dma_wait3A_55 : memref<10240x128xf32, #tpu.memory_space<vmem_shared>>) dst(%arg8 : memref<128x128xf32, #tpu.memory_space<vmem>>)
        tpu.yield
      }) : () -> ()
      %add3A_31 = arith.constant 3 : i32
      %add3A_32 = arith.addi %add3A_21, %add3A_31 : i32
      "tpu.region"() ({
        %run_scoped3A_45 = tpu.sem_alloc : memref<!tpu.dma_semaphore, #tpu.memory_space<semaphore_mem>>
        %dma_start3A = arith.constant 0 : i32
        %dma_start3A_46 = arith.constant 0 : i32
        %dma_start3A_47 = tpu.memref_slice %arg6[%add3A_32, %dma_start3A, %dma_start3A_46] : memref<2560x128x128xf32, #tpu.memory_space<hbm>> -> memref<1x128x128xf32, #tpu.memory_space<hbm>>
        %dma_start3A_48 = tpu.memref_squeeze %dma_start3A_47 : memref<1x128x128xf32, #tpu.memory_space<hbm>> -> memref<128x128xf32, #tpu.memory_space<hbm>>
        %dma_start3A_49 = arith.constant 0 : i32
        %dma_start3A_50 = arith.constant 0 : i32
        %dma_start3A_51 = tpu.memref_slice %arg6[%add3A_32, %dma_start3A_49, %dma_start3A_50] : memref<2560x128x128xf32, #tpu.memory_space<hbm>> -> memref<1x128x128xf32, #tpu.memory_space<hbm>>
        %dma_start3A_52 = tpu.memref_squeeze %dma_start3A_51 : memref<1x128x128xf32, #tpu.memory_space<hbm>> -> memref<128x128xf32, #tpu.memory_space<hbm>>
        tpu.enqueue_dma source(%arg8 : memref<128x128xf32, #tpu.memory_space<vmem>>) target(%dma_start3A_52 : memref<128x128xf32, #tpu.memory_space<hbm>>) target_semaphore(%run_scoped3A_45 : memref<!tpu.dma_semaphore, #tpu.memory_space<semaphore_mem>>)
        %dma_wait3A = arith.constant 0 : i32
        %dma_wait3A_53 = arith.constant 0 : i32
        %dma_wait3A_54 = tpu.memref_slice %arg6[%add3A_32, %dma_wait3A, %dma_wait3A_53] : memref<2560x128x128xf32, #tpu.memory_space<hbm>> -> memref<1x128x128xf32, #tpu.memory_space<hbm>>
        %dma_wait3A_55 = tpu.memref_squeeze %dma_wait3A_54 : memref<1x128x128xf32, #tpu.memory_space<hbm>> -> memref<128x128xf32, #tpu.memory_space<hbm>>
        %dma_wait3A_56 = arith.constant 0 : i32
        %dma_wait3A_57 = arith.constant 0 : i32
        %dma_wait3A_58 = tpu.memref_slice %arg6[%add3A_32, %dma_wait3A_56, %dma_wait3A_57] : memref<2560x128x128xf32, #tpu.memory_space<hbm>> -> memref<1x128x128xf32, #tpu.memory_space<hbm>>
        %dma_wait3A_59 = tpu.memref_squeeze %dma_wait3A_58 : memref<1x128x128xf32, #tpu.memory_space<hbm>> -> memref<128x128xf32, #tpu.memory_space<hbm>>
        tpu.wait_dma2 semaphore(%run_scoped3A_45 : memref<!tpu.dma_semaphore, #tpu.memory_space<semaphore_mem>>) src(%arg8 : memref<128x128xf32, #tpu.memory_space<vmem>>) dst(%dma_wait3A_59 : memref<128x128xf32, #tpu.memory_space<hbm>>)
        tpu.yield
      }) : () -> ()
      %run_scoped3A_33 = arith.constant 4 : i32
      "tpu.region"() ({
        %run_scoped3A_45 = tpu.sem_alloc : memref<!tpu.dma_semaphore, #tpu.memory_space<semaphore_mem>>
        %dma_start3A = arith.constant 0 : i32
        %dma_start3A_46 = tpu.memref_slice %arg7[%run_scoped3A_33, %dma_start3A] : memref<8x128xi32, #tpu.memory_space<vmem>> -> memref<1x128xi32, #tpu.memory_space<vmem>>
        %dma_start3A_47 = tpu.memref_squeeze %dma_start3A_46 : memref<1x128xi32, #tpu.memory_space<vmem>> -> memref<128xi32, #tpu.memory_space<vmem>>
        %dma_start3A_48 = arith.constant 0 : i32
        %dma_start3A_49 = arith.constant 0 : i32
        %dma_start3A_50 = tpu.memref_slice %arg9[%dma_start3A_48, %dma_start3A_49] : memref<10240x128xf32, #tpu.memory_space<vmem_shared>> -> memref<10240x128xf32, #tpu.memory_space<vmem_shared>>
        tpu.enqueue_indirect_dma source(%dma_start3A_50 : memref<10240x128xf32, #tpu.memory_space<vmem_shared>>) target(%arg8 : memref<128x128xf32, #tpu.memory_space<vmem>>) offsets(%dma_start3A_47 : memref<128xi32, #tpu.memory_space<vmem>>) semaphore(%run_scoped3A_45 : memref<!tpu.dma_semaphore, #tpu.memory_space<semaphore_mem>>)
        %dma_wait3A = arith.constant 0 : i32
        %dma_wait3A_51 = tpu.memref_slice %arg7[%run_scoped3A_33, %dma_wait3A] : memref<8x128xi32, #tpu.memory_space<vmem>> -> memref<1x128xi32, #tpu.memory_space<vmem>>
        %dma_wait3A_52 = tpu.memref_squeeze %dma_wait3A_51 : memref<1x128xi32, #tpu.memory_space<vmem>> -> memref<128xi32, #tpu.memory_space<vmem>>
        %dma_wait3A_53 = arith.constant 0 : i32
        %dma_wait3A_54 = arith.constant 0 : i32
        %dma_wait3A_55 = tpu.memref_slice %arg9[%dma_wait3A_53, %dma_wait3A_54] : memref<10240x128xf32, #tpu.memory_space<vmem_shared>> -> memref<10240x128xf32, #tpu.memory_space<vmem_shared>>
        tpu.wait_indirect_dma semaphore(%run_scoped3A_45 : memref<!tpu.dma_semaphore, #tpu.memory_space<semaphore_mem>>) src(%dma_wait3A_55 : memref<10240x128xf32, #tpu.memory_space<vmem_shared>>) dst(%arg8 : memref<128x128xf32, #tpu.memory_space<vmem>>)
        tpu.yield
      }) : () -> ()
      %add3A_34 = arith.constant 4 : i32
      %add3A_35 = arith.addi %add3A_21, %add3A_34 : i32
      "tpu.region"() ({
        %run_scoped3A_45 = tpu.sem_alloc : memref<!tpu.dma_semaphore, #tpu.memory_space<semaphore_mem>>
        %dma_start3A = arith.constant 0 : i32
        %dma_start3A_46 = arith.constant 0 : i32
        %dma_start3A_47 = tpu.memref_slice %arg6[%add3A_35, %dma_start3A, %dma_start3A_46] : memref<2560x128x128xf32, #tpu.memory_space<hbm>> -> memref<1x128x128xf32, #tpu.memory_space<hbm>>
        %dma_start3A_48 = tpu.memref_squeeze %dma_start3A_47 : memref<1x128x128xf32, #tpu.memory_space<hbm>> -> memref<128x128xf32, #tpu.memory_space<hbm>>
        %dma_start3A_49 = arith.constant 0 : i32
        %dma_start3A_50 = arith.constant 0 : i32
        %dma_start3A_51 = tpu.memref_slice %arg6[%add3A_35, %dma_start3A_49, %dma_start3A_50] : memref<2560x128x128xf32, #tpu.memory_space<hbm>> -> memref<1x128x128xf32, #tpu.memory_space<hbm>>
        %dma_start3A_52 = tpu.memref_squeeze %dma_start3A_51 : memref<1x128x128xf32, #tpu.memory_space<hbm>> -> memref<128x128xf32, #tpu.memory_space<hbm>>
        tpu.enqueue_dma source(%arg8 : memref<128x128xf32, #tpu.memory_space<vmem>>) target(%dma_start3A_52 : memref<128x128xf32, #tpu.memory_space<hbm>>) target_semaphore(%run_scoped3A_45 : memref<!tpu.dma_semaphore, #tpu.memory_space<semaphore_mem>>)
        %dma_wait3A = arith.constant 0 : i32
        %dma_wait3A_53 = arith.constant 0 : i32
        %dma_wait3A_54 = tpu.memref_slice %arg6[%add3A_35, %dma_wait3A, %dma_wait3A_53] : memref<2560x128x128xf32, #tpu.memory_space<hbm>> -> memref<1x128x128xf32, #tpu.memory_space<hbm>>
        %dma_wait3A_55 = tpu.memref_squeeze %dma_wait3A_54 : memref<1x128x128xf32, #tpu.memory_space<hbm>> -> memref<128x128xf32, #tpu.memory_space<hbm>>
        %dma_wait3A_56 = arith.constant 0 : i32
        %dma_wait3A_57 = arith.constant 0 : i32
        %dma_wait3A_58 = tpu.memref_slice %arg6[%add3A_35, %dma_wait3A_56, %dma_wait3A_57] : memref<2560x128x128xf32, #tpu.memory_space<hbm>> -> memref<1x128x128xf32, #tpu.memory_space<hbm>>
        %dma_wait3A_59 = tpu.memref_squeeze %dma_wait3A_58 : memref<1x128x128xf32, #tpu.memory_space<hbm>> -> memref<128x128xf32, #tpu.memory_space<hbm>>
        tpu.wait_dma2 semaphore(%run_scoped3A_45 : memref<!tpu.dma_semaphore, #tpu.memory_space<semaphore_mem>>) src(%arg8 : memref<128x128xf32, #tpu.memory_space<vmem>>) dst(%dma_wait3A_59 : memref<128x128xf32, #tpu.memory_space<hbm>>)
        tpu.yield
      }) : () -> ()
      %run_scoped3A_36 = arith.constant 5 : i32
      "tpu.region"() ({
        %run_scoped3A_45 = tpu.sem_alloc : memref<!tpu.dma_semaphore, #tpu.memory_space<semaphore_mem>>
        %dma_start3A = arith.constant 0 : i32
        %dma_start3A_46 = tpu.memref_slice %arg7[%run_scoped3A_36, %dma_start3A] : memref<8x128xi32, #tpu.memory_space<vmem>> -> memref<1x128xi32, #tpu.memory_space<vmem>>
        %dma_start3A_47 = tpu.memref_squeeze %dma_start3A_46 : memref<1x128xi32, #tpu.memory_space<vmem>> -> memref<128xi32, #tpu.memory_space<vmem>>
        %dma_start3A_48 = arith.constant 0 : i32
        %dma_start3A_49 = arith.constant 0 : i32
        %dma_start3A_50 = tpu.memref_slice %arg9[%dma_start3A_48, %dma_start3A_49] : memref<10240x128xf32, #tpu.memory_space<vmem_shared>> -> memref<10240x128xf32, #tpu.memory_space<vmem_shared>>
        tpu.enqueue_indirect_dma source(%dma_start3A_50 : memref<10240x128xf32, #tpu.memory_space<vmem_shared>>) target(%arg8 : memref<128x128xf32, #tpu.memory_space<vmem>>) offsets(%dma_start3A_47 : memref<128xi32, #tpu.memory_space<vmem>>) semaphore(%run_scoped3A_45 : memref<!tpu.dma_semaphore, #tpu.memory_space<semaphore_mem>>)
        %dma_wait3A = arith.constant 0 : i32
        %dma_wait3A_51 = tpu.memref_slice %arg7[%run_scoped3A_36, %dma_wait3A] : memref<8x128xi32, #tpu.memory_space<vmem>> -> memref<1x128xi32, #tpu.memory_space<vmem>>
        %dma_wait3A_52 = tpu.memref_squeeze %dma_wait3A_51 : memref<1x128xi32, #tpu.memory_space<vmem>> -> memref<128xi32, #tpu.memory_space<vmem>>
        %dma_wait3A_53 = arith.constant 0 : i32
        %dma_wait3A_54 = arith.constant 0 : i32
        %dma_wait3A_55 = tpu.memref_slice %arg9[%dma_wait3A_53, %dma_wait3A_54] : memref<10240x128xf32, #tpu.memory_space<vmem_shared>> -> memref<10240x128xf32, #tpu.memory_space<vmem_shared>>
        tpu.wait_indirect_dma semaphore(%run_scoped3A_45 : memref<!tpu.dma_semaphore, #tpu.memory_space<semaphore_mem>>) src(%dma_wait3A_55 : memref<10240x128xf32, #tpu.memory_space<vmem_shared>>) dst(%arg8 : memref<128x128xf32, #tpu.memory_space<vmem>>)
        tpu.yield
      }) : () -> ()
      %add3A_37 = arith.constant 5 : i32
      %add3A_38 = arith.addi %add3A_21, %add3A_37 : i32
      "tpu.region"() ({
        %run_scoped3A_45 = tpu.sem_alloc : memref<!tpu.dma_semaphore, #tpu.memory_space<semaphore_mem>>
        %dma_start3A = arith.constant 0 : i32
        %dma_start3A_46 = arith.constant 0 : i32
        %dma_start3A_47 = tpu.memref_slice %arg6[%add3A_38, %dma_start3A, %dma_start3A_46] : memref<2560x128x128xf32, #tpu.memory_space<hbm>> -> memref<1x128x128xf32, #tpu.memory_space<hbm>>
        %dma_start3A_48 = tpu.memref_squeeze %dma_start3A_47 : memref<1x128x128xf32, #tpu.memory_space<hbm>> -> memref<128x128xf32, #tpu.memory_space<hbm>>
        %dma_start3A_49 = arith.constant 0 : i32
        %dma_start3A_50 = arith.constant 0 : i32
        %dma_start3A_51 = tpu.memref_slice %arg6[%add3A_38, %dma_start3A_49, %dma_start3A_50] : memref<2560x128x128xf32, #tpu.memory_space<hbm>> -> memref<1x128x128xf32, #tpu.memory_space<hbm>>
        %dma_start3A_52 = tpu.memref_squeeze %dma_start3A_51 : memref<1x128x128xf32, #tpu.memory_space<hbm>> -> memref<128x128xf32, #tpu.memory_space<hbm>>
        tpu.enqueue_dma source(%arg8 : memref<128x128xf32, #tpu.memory_space<vmem>>) target(%dma_start3A_52 : memref<128x128xf32, #tpu.memory_space<hbm>>) target_semaphore(%run_scoped3A_45 : memref<!tpu.dma_semaphore, #tpu.memory_space<semaphore_mem>>)
        %dma_wait3A = arith.constant 0 : i32
        %dma_wait3A_53 = arith.constant 0 : i32
        %dma_wait3A_54 = tpu.memref_slice %arg6[%add3A_38, %dma_wait3A, %dma_wait3A_53] : memref<2560x128x128xf32, #tpu.memory_space<hbm>> -> memref<1x128x128xf32, #tpu.memory_space<hbm>>
        %dma_wait3A_55 = tpu.memref_squeeze %dma_wait3A_54 : memref<1x128x128xf32, #tpu.memory_space<hbm>> -> memref<128x128xf32, #tpu.memory_space<hbm>>
        %dma_wait3A_56 = arith.constant 0 : i32
        %dma_wait3A_57 = arith.constant 0 : i32
        %dma_wait3A_58 = tpu.memref_slice %arg6[%add3A_38, %dma_wait3A_56, %dma_wait3A_57] : memref<2560x128x128xf32, #tpu.memory_space<hbm>> -> memref<1x128x128xf32, #tpu.memory_space<hbm>>
        %dma_wait3A_59 = tpu.memref_squeeze %dma_wait3A_58 : memref<1x128x128xf32, #tpu.memory_space<hbm>> -> memref<128x128xf32, #tpu.memory_space<hbm>>
        tpu.wait_dma2 semaphore(%run_scoped3A_45 : memref<!tpu.dma_semaphore, #tpu.memory_space<semaphore_mem>>) src(%arg8 : memref<128x128xf32, #tpu.memory_space<vmem>>) dst(%dma_wait3A_59 : memref<128x128xf32, #tpu.memory_space<hbm>>)
        tpu.yield
      }) : () -> ()
      %run_scoped3A_39 = arith.constant 6 : i32
      "tpu.region"() ({
        %run_scoped3A_45 = tpu.sem_alloc : memref<!tpu.dma_semaphore, #tpu.memory_space<semaphore_mem>>
        %dma_start3A = arith.constant 0 : i32
        %dma_start3A_46 = tpu.memref_slice %arg7[%run_scoped3A_39, %dma_start3A] : memref<8x128xi32, #tpu.memory_space<vmem>> -> memref<1x128xi32, #tpu.memory_space<vmem>>
        %dma_start3A_47 = tpu.memref_squeeze %dma_start3A_46 : memref<1x128xi32, #tpu.memory_space<vmem>> -> memref<128xi32, #tpu.memory_space<vmem>>
        %dma_start3A_48 = arith.constant 0 : i32
        %dma_start3A_49 = arith.constant 0 : i32
        %dma_start3A_50 = tpu.memref_slice %arg9[%dma_start3A_48, %dma_start3A_49] : memref<10240x128xf32, #tpu.memory_space<vmem_shared>> -> memref<10240x128xf32, #tpu.memory_space<vmem_shared>>
        tpu.enqueue_indirect_dma source(%dma_start3A_50 : memref<10240x128xf32, #tpu.memory_space<vmem_shared>>) target(%arg8 : memref<128x128xf32, #tpu.memory_space<vmem>>) offsets(%dma_start3A_47 : memref<128xi32, #tpu.memory_space<vmem>>) semaphore(%run_scoped3A_45 : memref<!tpu.dma_semaphore, #tpu.memory_space<semaphore_mem>>)
        %dma_wait3A = arith.constant 0 : i32
        %dma_wait3A_51 = tpu.memref_slice %arg7[%run_scoped3A_39, %dma_wait3A] : memref<8x128xi32, #tpu.memory_space<vmem>> -> memref<1x128xi32, #tpu.memory_space<vmem>>
        %dma_wait3A_52 = tpu.memref_squeeze %dma_wait3A_51 : memref<1x128xi32, #tpu.memory_space<vmem>> -> memref<128xi32, #tpu.memory_space<vmem>>
        %dma_wait3A_53 = arith.constant 0 : i32
        %dma_wait3A_54 = arith.constant 0 : i32
        %dma_wait3A_55 = tpu.memref_slice %arg9[%dma_wait3A_53, %dma_wait3A_54] : memref<10240x128xf32, #tpu.memory_space<vmem_shared>> -> memref<10240x128xf32, #tpu.memory_space<vmem_shared>>
        tpu.wait_indirect_dma semaphore(%run_scoped3A_45 : memref<!tpu.dma_semaphore, #tpu.memory_space<semaphore_mem>>) src(%dma_wait3A_55 : memref<10240x128xf32, #tpu.memory_space<vmem_shared>>) dst(%arg8 : memref<128x128xf32, #tpu.memory_space<vmem>>)
        tpu.yield
      }) : () -> ()
      %add3A_40 = arith.constant 6 : i32
      %add3A_41 = arith.addi %add3A_21, %add3A_40 : i32
      "tpu.region"() ({
        %run_scoped3A_45 = tpu.sem_alloc : memref<!tpu.dma_semaphore, #tpu.memory_space<semaphore_mem>>
        %dma_start3A = arith.constant 0 : i32
        %dma_start3A_46 = arith.constant 0 : i32
        %dma_start3A_47 = tpu.memref_slice %arg6[%add3A_41, %dma_start3A, %dma_start3A_46] : memref<2560x128x128xf32, #tpu.memory_space<hbm>> -> memref<1x128x128xf32, #tpu.memory_space<hbm>>
        %dma_start3A_48 = tpu.memref_squeeze %dma_start3A_47 : memref<1x128x128xf32, #tpu.memory_space<hbm>> -> memref<128x128xf32, #tpu.memory_space<hbm>>
        %dma_start3A_49 = arith.constant 0 : i32
        %dma_start3A_50 = arith.constant 0 : i32
        %dma_start3A_51 = tpu.memref_slice %arg6[%add3A_41, %dma_start3A_49, %dma_start3A_50] : memref<2560x128x128xf32, #tpu.memory_space<hbm>> -> memref<1x128x128xf32, #tpu.memory_space<hbm>>
        %dma_start3A_52 = tpu.memref_squeeze %dma_start3A_51 : memref<1x128x128xf32, #tpu.memory_space<hbm>> -> memref<128x128xf32, #tpu.memory_space<hbm>>
        tpu.enqueue_dma source(%arg8 : memref<128x128xf32, #tpu.memory_space<vmem>>) target(%dma_start3A_52 : memref<128x128xf32, #tpu.memory_space<hbm>>) target_semaphore(%run_scoped3A_45 : memref<!tpu.dma_semaphore, #tpu.memory_space<semaphore_mem>>)
        %dma_wait3A = arith.constant 0 : i32
        %dma_wait3A_53 = arith.constant 0 : i32
        %dma_wait3A_54 = tpu.memref_slice %arg6[%add3A_41, %dma_wait3A, %dma_wait3A_53] : memref<2560x128x128xf32, #tpu.memory_space<hbm>> -> memref<1x128x128xf32, #tpu.memory_space<hbm>>
        %dma_wait3A_55 = tpu.memref_squeeze %dma_wait3A_54 : memref<1x128x128xf32, #tpu.memory_space<hbm>> -> memref<128x128xf32, #tpu.memory_space<hbm>>
        %dma_wait3A_56 = arith.constant 0 : i32
        %dma_wait3A_57 = arith.constant 0 : i32
        %dma_wait3A_58 = tpu.memref_slice %arg6[%add3A_41, %dma_wait3A_56, %dma_wait3A_57] : memref<2560x128x128xf32, #tpu.memory_space<hbm>> -> memref<1x128x128xf32, #tpu.memory_space<hbm>>
        %dma_wait3A_59 = tpu.memref_squeeze %dma_wait3A_58 : memref<1x128x128xf32, #tpu.memory_space<hbm>> -> memref<128x128xf32, #tpu.memory_space<hbm>>
        tpu.wait_dma2 semaphore(%run_scoped3A_45 : memref<!tpu.dma_semaphore, #tpu.memory_space<semaphore_mem>>) src(%arg8 : memref<128x128xf32, #tpu.memory_space<vmem>>) dst(%dma_wait3A_59 : memref<128x128xf32, #tpu.memory_space<hbm>>)
        tpu.yield
      }) : () -> ()
      %run_scoped3A_42 = arith.constant 7 : i32
      "tpu.region"() ({
        %run_scoped3A_45 = tpu.sem_alloc : memref<!tpu.dma_semaphore, #tpu.memory_space<semaphore_mem>>
        %dma_start3A = arith.constant 0 : i32
        %dma_start3A_46 = tpu.memref_slice %arg7[%run_scoped3A_42, %dma_start3A] : memref<8x128xi32, #tpu.memory_space<vmem>> -> memref<1x128xi32, #tpu.memory_space<vmem>>
        %dma_start3A_47 = tpu.memref_squeeze %dma_start3A_46 : memref<1x128xi32, #tpu.memory_space<vmem>> -> memref<128xi32, #tpu.memory_space<vmem>>
        %dma_start3A_48 = arith.constant 0 : i32
        %dma_start3A_49 = arith.constant 0 : i32
        %dma_start3A_50 = tpu.memref_slice %arg9[%dma_start3A_48, %dma_start3A_49] : memref<10240x128xf32, #tpu.memory_space<vmem_shared>> -> memref<10240x128xf32, #tpu.memory_space<vmem_shared>>
        tpu.enqueue_indirect_dma source(%dma_start3A_50 : memref<10240x128xf32, #tpu.memory_space<vmem_shared>>) target(%arg8 : memref<128x128xf32, #tpu.memory_space<vmem>>) offsets(%dma_start3A_47 : memref<128xi32, #tpu.memory_space<vmem>>) semaphore(%run_scoped3A_45 : memref<!tpu.dma_semaphore, #tpu.memory_space<semaphore_mem>>)
        %dma_wait3A = arith.constant 0 : i32
        %dma_wait3A_51 = tpu.memref_slice %arg7[%run_scoped3A_42, %dma_wait3A] : memref<8x128xi32, #tpu.memory_space<vmem>> -> memref<1x128xi32, #tpu.memory_space<vmem>>
        %dma_wait3A_52 = tpu.memref_squeeze %dma_wait3A_51 : memref<1x128xi32, #tpu.memory_space<vmem>> -> memref<128xi32, #tpu.memory_space<vmem>>
        %dma_wait3A_53 = arith.constant 0 : i32
        %dma_wait3A_54 = arith.constant 0 : i32
        %dma_wait3A_55 = tpu.memref_slice %arg9[%dma_wait3A_53, %dma_wait3A_54] : memref<10240x128xf32, #tpu.memory_space<vmem_shared>> -> memref<10240x128xf32, #tpu.memory_space<vmem_shared>>
        tpu.wait_indirect_dma semaphore(%run_scoped3A_45 : memref<!tpu.dma_semaphore, #tpu.memory_space<semaphore_mem>>) src(%dma_wait3A_55 : memref<10240x128xf32, #tpu.memory_space<vmem_shared>>) dst(%arg8 : memref<128x128xf32, #tpu.memory_space<vmem>>)
        tpu.yield
      }) : () -> ()
      %add3A_43 = arith.constant 7 : i32
      %add3A_44 = arith.addi %add3A_21, %add3A_43 : i32
      "tpu.region"() ({
        %run_scoped3A_45 = tpu.sem_alloc : memref<!tpu.dma_semaphore, #tpu.memory_space<semaphore_mem>>
        %dma_start3A = arith.constant 0 : i32
        %dma_start3A_46 = arith.constant 0 : i32
        %dma_start3A_47 = tpu.memref_slice %arg6[%add3A_44, %dma_start3A, %dma_start3A_46] : memref<2560x128x128xf32, #tpu.memory_space<hbm>> -> memref<1x128x128xf32, #tpu.memory_space<hbm>>
        %dma_start3A_48 = tpu.memref_squeeze %dma_start3A_47 : memref<1x128x128xf32, #tpu.memory_space<hbm>> -> memref<128x128xf32, #tpu.memory_space<hbm>>
        %dma_start3A_49 = arith.constant 0 : i32
        %dma_start3A_50 = arith.constant 0 : i32
        %dma_start3A_51 = tpu.memref_slice %arg6[%add3A_44, %dma_start3A_49, %dma_start3A_50] : memref<2560x128x128xf32, #tpu.memory_space<hbm>> -> memref<1x128x128xf32, #tpu.memory_space<hbm>>
        %dma_start3A_52 = tpu.memref_squeeze %dma_start3A_51 : memref<1x128x128xf32, #tpu.memory_space<hbm>> -> memref<128x128xf32, #tpu.memory_space<hbm>>
        tpu.enqueue_dma source(%arg8 : memref<128x128xf32, #tpu.memory_space<vmem>>) target(%dma_start3A_52 : memref<128x128xf32, #tpu.memory_space<hbm>>) target_semaphore(%run_scoped3A_45 : memref<!tpu.dma_semaphore, #tpu.memory_space<semaphore_mem>>)
        %dma_wait3A = arith.constant 0 : i32
        %dma_wait3A_53 = arith.constant 0 : i32
        %dma_wait3A_54 = tpu.memref_slice %arg6[%add3A_44, %dma_wait3A, %dma_wait3A_53] : memref<2560x128x128xf32, #tpu.memory_space<hbm>> -> memref<1x128x128xf32, #tpu.memory_space<hbm>>
        %dma_wait3A_55 = tpu.memref_squeeze %dma_wait3A_54 : memref<1x128x128xf32, #tpu.memory_space<hbm>> -> memref<128x128xf32, #tpu.memory_space<hbm>>
        %dma_wait3A_56 = arith.constant 0 : i32
        %dma_wait3A_57 = arith.constant 0 : i32
        %dma_wait3A_58 = tpu.memref_slice %arg6[%add3A_44, %dma_wait3A_56, %dma_wait3A_57] : memref<2560x128x128xf32, #tpu.memory_space<hbm>> -> memref<1x128x128xf32, #tpu.memory_space<hbm>>
        %dma_wait3A_59 = tpu.memref_squeeze %dma_wait3A_58 : memref<1x128x128xf32, #tpu.memory_space<hbm>> -> memref<128x128xf32, #tpu.memory_space<hbm>>
        tpu.wait_dma2 semaphore(%run_scoped3A_45 : memref<!tpu.dma_semaphore, #tpu.memory_space<semaphore_mem>>) src(%arg8 : memref<128x128xf32, #tpu.memory_space<vmem>>) dst(%dma_wait3A_59 : memref<128x128xf32, #tpu.memory_space<hbm>>)
        tpu.yield
      }) : () -> ()
    }
    %scan3A_17 = arith.constant 10 : i32
    return
  }
}

#map = affine_map<(d0, d1) -> (0, 0, 0)>
#map1 = affine_map<(d0, d1) -> (0, 0)>
module attributes {stable_mosaic.version = 14 : i64} {
  func.func @k(%arg0: i32, %arg1: i32, %arg2: memref<2560x128x128xf32, #tpu.memory_space<hbm>>, %arg3: memref<2560x128xi32, #tpu.memory_space<hbm>>, %arg4: memref<10240x128xf32, #tpu.memory_space<hbm>>, %arg5: memref<10240x128xf32, #tpu.memory_space<hbm>>, %arg6: memref<10240x128xf32, #tpu.memory_space<hbm>>, %arg7: memref<8x128xi32, #tpu.memory_space<vmem>>, %arg8: memref<2x128x128xf32, #tpu.memory_space<vmem>>, %arg9: memref<10240x128xf32, #tpu.memory_space<vmem_shared>>, %arg10: memref<!tpu.dma_semaphore, #tpu.memory_space<semaphore_mem>>) attributes {dimension_semantics = [#tpu.dimension_semantics<core_parallel>, #tpu.dimension_semantics<subcore_parallel>], iteration_bounds = array<i64: 2, 16>, scalar_prefetch = 0 : i64, scratch_operands = 4 : i64, tpu.core_type = #tpu.core_type<sc_vector_subcore>, window_params = [{transform_indices = #map}, {transform_indices = #map1}, {transform_indices = #map1}, {transform_indices = #map1}, {transform_indices = #map1}]} {
    %mul3A = arith.constant 640 : i32
    %mul3A_0 = arith.muli %arg1, %mul3A : i32
    %mul3A_1 = arith.constant 640 : i32
    %mul3A_2 = arith.muli %arg1, %mul3A_1 : i32
    "tpu.region"() ({
      %run_scoped3A = tpu.sem_alloc : memref<!tpu.dma_semaphore, #tpu.memory_space<semaphore_mem>>
      %dma_start3A = arith.constant 0 : i32
      %dma_start3A_20 = tpu.memref_slice %arg9[%mul3A_2, %dma_start3A] : memref<10240x128xf32, #tpu.memory_space<vmem_shared>> -> memref<640x128xf32, #tpu.memory_space<vmem_shared>>
      %dma_start3A_21 = arith.constant 0 : i32
      %dma_start3A_22 = tpu.memref_slice %arg4[%mul3A_0, %dma_start3A_21] : memref<10240x128xf32, #tpu.memory_space<hbm>> -> memref<640x128xf32, #tpu.memory_space<hbm>>
      tpu.enqueue_dma source(%dma_start3A_22 : memref<640x128xf32, #tpu.memory_space<hbm>>) target(%dma_start3A_20 : memref<640x128xf32, #tpu.memory_space<vmem_shared>>) target_semaphore(%run_scoped3A : memref<!tpu.dma_semaphore, #tpu.memory_space<semaphore_mem>>)
      %dma_wait3A = arith.constant 0 : i32
      %dma_wait3A_23 = tpu.memref_slice %arg9[%mul3A_2, %dma_wait3A] : memref<10240x128xf32, #tpu.memory_space<vmem_shared>> -> memref<640x128xf32, #tpu.memory_space<vmem_shared>>
      %dma_wait3A_24 = arith.constant 0 : i32
      %dma_wait3A_25 = tpu.memref_slice %arg4[%mul3A_0, %dma_wait3A_24] : memref<10240x128xf32, #tpu.memory_space<hbm>> -> memref<640x128xf32, #tpu.memory_space<hbm>>
      tpu.wait_dma2 semaphore(%run_scoped3A : memref<!tpu.dma_semaphore, #tpu.memory_space<semaphore_mem>>) src(%dma_wait3A_25 : memref<640x128xf32, #tpu.memory_space<hbm>>) dst(%dma_wait3A_23 : memref<640x128xf32, #tpu.memory_space<vmem_shared>>)
      tpu.yield
    }) : () -> ()
    %barrier3A = arith.constant 0 : index
    tpu.barrier barrier_id(%barrier3A)
    %mul3A_3 = arith.constant 1280 : i32
    %mul3A_4 = arith.muli %arg0, %mul3A_3 : i32
    %mul3A_5 = arith.constant 80 : i32
    %mul3A_6 = arith.muli %arg1, %mul3A_5 : i32
    %add3A = arith.addi %mul3A_4, %mul3A_6 : i32
    %scan3A = arith.constant 0 : i32
    %scan3A_7 = arith.constant 0 : i32
    %scan3A_8 = arith.constant 10 : i32
    %scan3A_9 = arith.addi %scan3A_7, %scan3A_8 : i32
    %scan3A_10 = arith.constant 1 : i32
    scf.for %scan3A_20 = %scan3A_7 to %scan3A_9 step %scan3A_10  : i32 {
      %mul3A_21 = arith.constant 8 : i32
      %mul3A_22 = arith.muli %scan3A_20, %mul3A_21 : i32
      %add3A_23 = arith.addi %add3A, %mul3A_22 : i32
      "tpu.region"() ({
        %run_scoped3A_47 = tpu.sem_alloc : memref<!tpu.dma_semaphore, #tpu.memory_space<semaphore_mem>>
        %dma_start3A = arith.constant 0 : i32
        %dma_start3A_48 = tpu.memref_slice %arg3[%add3A_23, %dma_start3A] : memref<2560x128xi32, #tpu.memory_space<hbm>> -> memref<8x128xi32, #tpu.memory_space<hbm>>
        %dma_start3A_49 = arith.constant 0 : i32
        %dma_start3A_50 = tpu.memref_slice %arg3[%add3A_23, %dma_start3A_49] : memref<2560x128xi32, #tpu.memory_space<hbm>> -> memref<8x128xi32, #tpu.memory_space<hbm>>
        tpu.enqueue_dma source(%dma_start3A_50 : memref<8x128xi32, #tpu.memory_space<hbm>>) target(%arg7 : memref<8x128xi32, #tpu.memory_space<vmem>>) target_semaphore(%run_scoped3A_47 : memref<!tpu.dma_semaphore, #tpu.memory_space<semaphore_mem>>)
        %dma_wait3A = arith.constant 0 : i32
        %dma_wait3A_51 = tpu.memref_slice %arg3[%add3A_23, %dma_wait3A] : memref<2560x128xi32, #tpu.memory_space<hbm>> -> memref<8x128xi32, #tpu.memory_space<hbm>>
        %dma_wait3A_52 = arith.constant 0 : i32
        %dma_wait3A_53 = tpu.memref_slice %arg3[%add3A_23, %dma_wait3A_52] : memref<2560x128xi32, #tpu.memory_space<hbm>> -> memref<8x128xi32, #tpu.memory_space<hbm>>
        tpu.wait_dma2 semaphore(%run_scoped3A_47 : memref<!tpu.dma_semaphore, #tpu.memory_space<semaphore_mem>>) src(%dma_wait3A_53 : memref<8x128xi32, #tpu.memory_space<hbm>>) dst(%arg7 : memref<8x128xi32, #tpu.memory_space<vmem>>)
        tpu.yield
      }) : () -> ()
      %add3A_24 = arith.constant 0 : i32
      %add3A_25 = arith.addi %add3A_23, %add3A_24 : i32
      "tpu.region"() ({
        %run_scoped3A_47 = tpu.sem_alloc : memref<!tpu.dma_semaphore, #tpu.memory_space<semaphore_mem>>
        %dma_start3A = arith.constant 0 : i32
        %dma_start3A_48 = arith.constant 0 : i32
        %dma_start3A_49 = tpu.memref_slice %arg2[%add3A_25, %dma_start3A, %dma_start3A_48] : memref<2560x128x128xf32, #tpu.memory_space<hbm>> -> memref<2x128x128xf32, #tpu.memory_space<hbm>>
        %dma_start3A_50 = arith.constant 0 : i32
        %dma_start3A_51 = arith.constant 0 : i32
        %dma_start3A_52 = tpu.memref_slice %arg2[%add3A_25, %dma_start3A_50, %dma_start3A_51] : memref<2560x128x128xf32, #tpu.memory_space<hbm>> -> memref<2x128x128xf32, #tpu.memory_space<hbm>>
        tpu.enqueue_dma source(%dma_start3A_52 : memref<2x128x128xf32, #tpu.memory_space<hbm>>) target(%arg8 : memref<2x128x128xf32, #tpu.memory_space<vmem>>) target_semaphore(%run_scoped3A_47 : memref<!tpu.dma_semaphore, #tpu.memory_space<semaphore_mem>>)
        %dma_wait3A = arith.constant 0 : i32
        %dma_wait3A_53 = arith.constant 0 : i32
        %dma_wait3A_54 = tpu.memref_slice %arg2[%add3A_25, %dma_wait3A, %dma_wait3A_53] : memref<2560x128x128xf32, #tpu.memory_space<hbm>> -> memref<2x128x128xf32, #tpu.memory_space<hbm>>
        %dma_wait3A_55 = arith.constant 0 : i32
        %dma_wait3A_56 = arith.constant 0 : i32
        %dma_wait3A_57 = tpu.memref_slice %arg2[%add3A_25, %dma_wait3A_55, %dma_wait3A_56] : memref<2560x128x128xf32, #tpu.memory_space<hbm>> -> memref<2x128x128xf32, #tpu.memory_space<hbm>>
        tpu.wait_dma2 semaphore(%run_scoped3A_47 : memref<!tpu.dma_semaphore, #tpu.memory_space<semaphore_mem>>) src(%dma_wait3A_57 : memref<2x128x128xf32, #tpu.memory_space<hbm>>) dst(%arg8 : memref<2x128x128xf32, #tpu.memory_space<vmem>>)
        tpu.yield
      }) : () -> ()
      %run_scoped3A = arith.constant 0 : i32
      %run_scoped3A_26 = arith.constant 0 : i32
      "tpu.region"() ({
        %run_scoped3A_47 = tpu.sem_alloc : memref<!tpu.dma_semaphore, #tpu.memory_space<semaphore_mem>>
        %dma_start3A = arith.constant 0 : i32
        %dma_start3A_48 = arith.constant 0 : i32
        %dma_start3A_49 = tpu.memref_slice %arg8[%run_scoped3A, %dma_start3A, %dma_start3A_48] : memref<2x128x128xf32, #tpu.memory_space<vmem>> -> memref<1x128x128xf32, #tpu.memory_space<vmem>>
        %dma_start3A_50 = tpu.memref_squeeze %dma_start3A_49 : memref<1x128x128xf32, #tpu.memory_space<vmem>> -> memref<128x128xf32, #tpu.memory_space<vmem>>
        %dma_start3A_51 = arith.constant 0 : i32
        %dma_start3A_52 = tpu.memref_slice %arg7[%run_scoped3A_26, %dma_start3A_51] : memref<8x128xi32, #tpu.memory_space<vmem>> -> memref<1x128xi32, #tpu.memory_space<vmem>>
        %dma_start3A_53 = tpu.memref_squeeze %dma_start3A_52 : memref<1x128xi32, #tpu.memory_space<vmem>> -> memref<128xi32, #tpu.memory_space<vmem>>
        %dma_start3A_54 = arith.constant 0 : i32
        %dma_start3A_55 = arith.constant 0 : i32
        %dma_start3A_56 = tpu.memref_slice %arg9[%dma_start3A_54, %dma_start3A_55] : memref<10240x128xf32, #tpu.memory_space<vmem_shared>> -> memref<10240x128xf32, #tpu.memory_space<vmem_shared>>
        tpu.enqueue_indirect_dma source(%dma_start3A_50 : memref<128x128xf32, #tpu.memory_space<vmem>>) target(%dma_start3A_56 : memref<10240x128xf32, #tpu.memory_space<vmem_shared>>) offsets(%dma_start3A_53 : memref<128xi32, #tpu.memory_space<vmem>>) semaphore(%run_scoped3A_47 : memref<!tpu.dma_semaphore, #tpu.memory_space<semaphore_mem>>) {add = true}
        %dma_wait3A = arith.constant 0 : i32
        %dma_wait3A_57 = arith.constant 0 : i32
        %dma_wait3A_58 = tpu.memref_slice %arg8[%run_scoped3A, %dma_wait3A, %dma_wait3A_57] : memref<2x128x128xf32, #tpu.memory_space<vmem>> -> memref<1x128x128xf32, #tpu.memory_space<vmem>>
        %dma_wait3A_59 = tpu.memref_squeeze %dma_wait3A_58 : memref<1x128x128xf32, #tpu.memory_space<vmem>> -> memref<128x128xf32, #tpu.memory_space<vmem>>
        %dma_wait3A_60 = arith.constant 0 : i32
        %dma_wait3A_61 = tpu.memref_slice %arg7[%run_scoped3A_26, %dma_wait3A_60] : memref<8x128xi32, #tpu.memory_space<vmem>> -> memref<1x128xi32, #tpu.memory_space<vmem>>
        %dma_wait3A_62 = tpu.memref_squeeze %dma_wait3A_61 : memref<1x128xi32, #tpu.memory_space<vmem>> -> memref<128xi32, #tpu.memory_space<vmem>>
        %dma_wait3A_63 = arith.constant 0 : i32
        %dma_wait3A_64 = arith.constant 0 : i32
        %dma_wait3A_65 = tpu.memref_slice %arg9[%dma_wait3A_63, %dma_wait3A_64] : memref<10240x128xf32, #tpu.memory_space<vmem_shared>> -> memref<10240x128xf32, #tpu.memory_space<vmem_shared>>
        tpu.wait_indirect_dma semaphore(%run_scoped3A_47 : memref<!tpu.dma_semaphore, #tpu.memory_space<semaphore_mem>>) src(%dma_wait3A_59 : memref<128x128xf32, #tpu.memory_space<vmem>>) dst(%dma_wait3A_65 : memref<10240x128xf32, #tpu.memory_space<vmem_shared>>)
        tpu.yield
      }) : () -> ()
      %run_scoped3A_27 = arith.constant 1 : i32
      %run_scoped3A_28 = arith.constant 1 : i32
      "tpu.region"() ({
        %run_scoped3A_47 = tpu.sem_alloc : memref<!tpu.dma_semaphore, #tpu.memory_space<semaphore_mem>>
        %dma_start3A = arith.constant 0 : i32
        %dma_start3A_48 = arith.constant 0 : i32
        %dma_start3A_49 = tpu.memref_slice %arg8[%run_scoped3A_27, %dma_start3A, %dma_start3A_48] : memref<2x128x128xf32, #tpu.memory_space<vmem>> -> memref<1x128x128xf32, #tpu.memory_space<vmem>>
        %dma_start3A_50 = tpu.memref_squeeze %dma_start3A_49 : memref<1x128x128xf32, #tpu.memory_space<vmem>> -> memref<128x128xf32, #tpu.memory_space<vmem>>
        %dma_start3A_51 = arith.constant 0 : i32
        %dma_start3A_52 = tpu.memref_slice %arg7[%run_scoped3A_28, %dma_start3A_51] : memref<8x128xi32, #tpu.memory_space<vmem>> -> memref<1x128xi32, #tpu.memory_space<vmem>>
        %dma_start3A_53 = tpu.memref_squeeze %dma_start3A_52 : memref<1x128xi32, #tpu.memory_space<vmem>> -> memref<128xi32, #tpu.memory_space<vmem>>
        %dma_start3A_54 = arith.constant 0 : i32
        %dma_start3A_55 = arith.constant 0 : i32
        %dma_start3A_56 = tpu.memref_slice %arg9[%dma_start3A_54, %dma_start3A_55] : memref<10240x128xf32, #tpu.memory_space<vmem_shared>> -> memref<10240x128xf32, #tpu.memory_space<vmem_shared>>
        tpu.enqueue_indirect_dma source(%dma_start3A_50 : memref<128x128xf32, #tpu.memory_space<vmem>>) target(%dma_start3A_56 : memref<10240x128xf32, #tpu.memory_space<vmem_shared>>) offsets(%dma_start3A_53 : memref<128xi32, #tpu.memory_space<vmem>>) semaphore(%run_scoped3A_47 : memref<!tpu.dma_semaphore, #tpu.memory_space<semaphore_mem>>) {add = true}
        %dma_wait3A = arith.constant 0 : i32
        %dma_wait3A_57 = arith.constant 0 : i32
        %dma_wait3A_58 = tpu.memref_slice %arg8[%run_scoped3A_27, %dma_wait3A, %dma_wait3A_57] : memref<2x128x128xf32, #tpu.memory_space<vmem>> -> memref<1x128x128xf32, #tpu.memory_space<vmem>>
        %dma_wait3A_59 = tpu.memref_squeeze %dma_wait3A_58 : memref<1x128x128xf32, #tpu.memory_space<vmem>> -> memref<128x128xf32, #tpu.memory_space<vmem>>
        %dma_wait3A_60 = arith.constant 0 : i32
        %dma_wait3A_61 = tpu.memref_slice %arg7[%run_scoped3A_28, %dma_wait3A_60] : memref<8x128xi32, #tpu.memory_space<vmem>> -> memref<1x128xi32, #tpu.memory_space<vmem>>
        %dma_wait3A_62 = tpu.memref_squeeze %dma_wait3A_61 : memref<1x128xi32, #tpu.memory_space<vmem>> -> memref<128xi32, #tpu.memory_space<vmem>>
        %dma_wait3A_63 = arith.constant 0 : i32
        %dma_wait3A_64 = arith.constant 0 : i32
        %dma_wait3A_65 = tpu.memref_slice %arg9[%dma_wait3A_63, %dma_wait3A_64] : memref<10240x128xf32, #tpu.memory_space<vmem_shared>> -> memref<10240x128xf32, #tpu.memory_space<vmem_shared>>
        tpu.wait_indirect_dma semaphore(%run_scoped3A_47 : memref<!tpu.dma_semaphore, #tpu.memory_space<semaphore_mem>>) src(%dma_wait3A_59 : memref<128x128xf32, #tpu.memory_space<vmem>>) dst(%dma_wait3A_65 : memref<10240x128xf32, #tpu.memory_space<vmem_shared>>)
        tpu.yield
      }) : () -> ()
      %add3A_29 = arith.constant 2 : i32
      %add3A_30 = arith.addi %add3A_23, %add3A_29 : i32
      "tpu.region"() ({
        %run_scoped3A_47 = tpu.sem_alloc : memref<!tpu.dma_semaphore, #tpu.memory_space<semaphore_mem>>
        %dma_start3A = arith.constant 0 : i32
        %dma_start3A_48 = arith.constant 0 : i32
        %dma_start3A_49 = tpu.memref_slice %arg2[%add3A_30, %dma_start3A, %dma_start3A_48] : memref<2560x128x128xf32, #tpu.memory_space<hbm>> -> memref<2x128x128xf32, #tpu.memory_space<hbm>>
        %dma_start3A_50 = arith.constant 0 : i32
        %dma_start3A_51 = arith.constant 0 : i32
        %dma_start3A_52 = tpu.memref_slice %arg2[%add3A_30, %dma_start3A_50, %dma_start3A_51] : memref<2560x128x128xf32, #tpu.memory_space<hbm>> -> memref<2x128x128xf32, #tpu.memory_space<hbm>>
        tpu.enqueue_dma source(%dma_start3A_52 : memref<2x128x128xf32, #tpu.memory_space<hbm>>) target(%arg8 : memref<2x128x128xf32, #tpu.memory_space<vmem>>) target_semaphore(%run_scoped3A_47 : memref<!tpu.dma_semaphore, #tpu.memory_space<semaphore_mem>>)
        %dma_wait3A = arith.constant 0 : i32
        %dma_wait3A_53 = arith.constant 0 : i32
        %dma_wait3A_54 = tpu.memref_slice %arg2[%add3A_30, %dma_wait3A, %dma_wait3A_53] : memref<2560x128x128xf32, #tpu.memory_space<hbm>> -> memref<2x128x128xf32, #tpu.memory_space<hbm>>
        %dma_wait3A_55 = arith.constant 0 : i32
        %dma_wait3A_56 = arith.constant 0 : i32
        %dma_wait3A_57 = tpu.memref_slice %arg2[%add3A_30, %dma_wait3A_55, %dma_wait3A_56] : memref<2560x128x128xf32, #tpu.memory_space<hbm>> -> memref<2x128x128xf32, #tpu.memory_space<hbm>>
        tpu.wait_dma2 semaphore(%run_scoped3A_47 : memref<!tpu.dma_semaphore, #tpu.memory_space<semaphore_mem>>) src(%dma_wait3A_57 : memref<2x128x128xf32, #tpu.memory_space<hbm>>) dst(%arg8 : memref<2x128x128xf32, #tpu.memory_space<vmem>>)
        tpu.yield
      }) : () -> ()
      %run_scoped3A_31 = arith.constant 0 : i32
      %run_scoped3A_32 = arith.constant 2 : i32
      "tpu.region"() ({
        %run_scoped3A_47 = tpu.sem_alloc : memref<!tpu.dma_semaphore, #tpu.memory_space<semaphore_mem>>
        %dma_start3A = arith.constant 0 : i32
        %dma_start3A_48 = arith.constant 0 : i32
        %dma_start3A_49 = tpu.memref_slice %arg8[%run_scoped3A_31, %dma_start3A, %dma_start3A_48] : memref<2x128x128xf32, #tpu.memory_space<vmem>> -> memref<1x128x128xf32, #tpu.memory_space<vmem>>
        %dma_start3A_50 = tpu.memref_squeeze %dma_start3A_49 : memref<1x128x128xf32, #tpu.memory_space<vmem>> -> memref<128x128xf32, #tpu.memory_space<vmem>>
        %dma_start3A_51 = arith.constant 0 : i32
        %dma_start3A_52 = tpu.memref_slice %arg7[%run_scoped3A_32, %dma_start3A_51] : memref<8x128xi32, #tpu.memory_space<vmem>> -> memref<1x128xi32, #tpu.memory_space<vmem>>
        %dma_start3A_53 = tpu.memref_squeeze %dma_start3A_52 : memref<1x128xi32, #tpu.memory_space<vmem>> -> memref<128xi32, #tpu.memory_space<vmem>>
        %dma_start3A_54 = arith.constant 0 : i32
        %dma_start3A_55 = arith.constant 0 : i32
        %dma_start3A_56 = tpu.memref_slice %arg9[%dma_start3A_54, %dma_start3A_55] : memref<10240x128xf32, #tpu.memory_space<vmem_shared>> -> memref<10240x128xf32, #tpu.memory_space<vmem_shared>>
        tpu.enqueue_indirect_dma source(%dma_start3A_50 : memref<128x128xf32, #tpu.memory_space<vmem>>) target(%dma_start3A_56 : memref<10240x128xf32, #tpu.memory_space<vmem_shared>>) offsets(%dma_start3A_53 : memref<128xi32, #tpu.memory_space<vmem>>) semaphore(%run_scoped3A_47 : memref<!tpu.dma_semaphore, #tpu.memory_space<semaphore_mem>>) {add = true}
        %dma_wait3A = arith.constant 0 : i32
        %dma_wait3A_57 = arith.constant 0 : i32
        %dma_wait3A_58 = tpu.memref_slice %arg8[%run_scoped3A_31, %dma_wait3A, %dma_wait3A_57] : memref<2x128x128xf32, #tpu.memory_space<vmem>> -> memref<1x128x128xf32, #tpu.memory_space<vmem>>
        %dma_wait3A_59 = tpu.memref_squeeze %dma_wait3A_58 : memref<1x128x128xf32, #tpu.memory_space<vmem>> -> memref<128x128xf32, #tpu.memory_space<vmem>>
        %dma_wait3A_60 = arith.constant 0 : i32
        %dma_wait3A_61 = tpu.memref_slice %arg7[%run_scoped3A_32, %dma_wait3A_60] : memref<8x128xi32, #tpu.memory_space<vmem>> -> memref<1x128xi32, #tpu.memory_space<vmem>>
        %dma_wait3A_62 = tpu.memref_squeeze %dma_wait3A_61 : memref<1x128xi32, #tpu.memory_space<vmem>> -> memref<128xi32, #tpu.memory_space<vmem>>
        %dma_wait3A_63 = arith.constant 0 : i32
        %dma_wait3A_64 = arith.constant 0 : i32
        %dma_wait3A_65 = tpu.memref_slice %arg9[%dma_wait3A_63, %dma_wait3A_64] : memref<10240x128xf32, #tpu.memory_space<vmem_shared>> -> memref<10240x128xf32, #tpu.memory_space<vmem_shared>>
        tpu.wait_indirect_dma semaphore(%run_scoped3A_47 : memref<!tpu.dma_semaphore, #tpu.memory_space<semaphore_mem>>) src(%dma_wait3A_59 : memref<128x128xf32, #tpu.memory_space<vmem>>) dst(%dma_wait3A_65 : memref<10240x128xf32, #tpu.memory_space<vmem_shared>>)
        tpu.yield
      }) : () -> ()
      %run_scoped3A_33 = arith.constant 1 : i32
      %run_scoped3A_34 = arith.constant 3 : i32
      "tpu.region"() ({
        %run_scoped3A_47 = tpu.sem_alloc : memref<!tpu.dma_semaphore, #tpu.memory_space<semaphore_mem>>
        %dma_start3A = arith.constant 0 : i32
        %dma_start3A_48 = arith.constant 0 : i32
        %dma_start3A_49 = tpu.memref_slice %arg8[%run_scoped3A_33, %dma_start3A, %dma_start3A_48] : memref<2x128x128xf32, #tpu.memory_space<vmem>> -> memref<1x128x128xf32, #tpu.memory_space<vmem>>
        %dma_start3A_50 = tpu.memref_squeeze %dma_start3A_49 : memref<1x128x128xf32, #tpu.memory_space<vmem>> -> memref<128x128xf32, #tpu.memory_space<vmem>>
        %dma_start3A_51 = arith.constant 0 : i32
        %dma_start3A_52 = tpu.memref_slice %arg7[%run_scoped3A_34, %dma_start3A_51] : memref<8x128xi32, #tpu.memory_space<vmem>> -> memref<1x128xi32, #tpu.memory_space<vmem>>
        %dma_start3A_53 = tpu.memref_squeeze %dma_start3A_52 : memref<1x128xi32, #tpu.memory_space<vmem>> -> memref<128xi32, #tpu.memory_space<vmem>>
        %dma_start3A_54 = arith.constant 0 : i32
        %dma_start3A_55 = arith.constant 0 : i32
        %dma_start3A_56 = tpu.memref_slice %arg9[%dma_start3A_54, %dma_start3A_55] : memref<10240x128xf32, #tpu.memory_space<vmem_shared>> -> memref<10240x128xf32, #tpu.memory_space<vmem_shared>>
        tpu.enqueue_indirect_dma source(%dma_start3A_50 : memref<128x128xf32, #tpu.memory_space<vmem>>) target(%dma_start3A_56 : memref<10240x128xf32, #tpu.memory_space<vmem_shared>>) offsets(%dma_start3A_53 : memref<128xi32, #tpu.memory_space<vmem>>) semaphore(%run_scoped3A_47 : memref<!tpu.dma_semaphore, #tpu.memory_space<semaphore_mem>>) {add = true}
        %dma_wait3A = arith.constant 0 : i32
        %dma_wait3A_57 = arith.constant 0 : i32
        %dma_wait3A_58 = tpu.memref_slice %arg8[%run_scoped3A_33, %dma_wait3A, %dma_wait3A_57] : memref<2x128x128xf32, #tpu.memory_space<vmem>> -> memref<1x128x128xf32, #tpu.memory_space<vmem>>
        %dma_wait3A_59 = tpu.memref_squeeze %dma_wait3A_58 : memref<1x128x128xf32, #tpu.memory_space<vmem>> -> memref<128x128xf32, #tpu.memory_space<vmem>>
        %dma_wait3A_60 = arith.constant 0 : i32
        %dma_wait3A_61 = tpu.memref_slice %arg7[%run_scoped3A_34, %dma_wait3A_60] : memref<8x128xi32, #tpu.memory_space<vmem>> -> memref<1x128xi32, #tpu.memory_space<vmem>>
        %dma_wait3A_62 = tpu.memref_squeeze %dma_wait3A_61 : memref<1x128xi32, #tpu.memory_space<vmem>> -> memref<128xi32, #tpu.memory_space<vmem>>
        %dma_wait3A_63 = arith.constant 0 : i32
        %dma_wait3A_64 = arith.constant 0 : i32
        %dma_wait3A_65 = tpu.memref_slice %arg9[%dma_wait3A_63, %dma_wait3A_64] : memref<10240x128xf32, #tpu.memory_space<vmem_shared>> -> memref<10240x128xf32, #tpu.memory_space<vmem_shared>>
        tpu.wait_indirect_dma semaphore(%run_scoped3A_47 : memref<!tpu.dma_semaphore, #tpu.memory_space<semaphore_mem>>) src(%dma_wait3A_59 : memref<128x128xf32, #tpu.memory_space<vmem>>) dst(%dma_wait3A_65 : memref<10240x128xf32, #tpu.memory_space<vmem_shared>>)
        tpu.yield
      }) : () -> ()
      %add3A_35 = arith.constant 4 : i32
      %add3A_36 = arith.addi %add3A_23, %add3A_35 : i32
      "tpu.region"() ({
        %run_scoped3A_47 = tpu.sem_alloc : memref<!tpu.dma_semaphore, #tpu.memory_space<semaphore_mem>>
        %dma_start3A = arith.constant 0 : i32
        %dma_start3A_48 = arith.constant 0 : i32
        %dma_start3A_49 = tpu.memref_slice %arg2[%add3A_36, %dma_start3A, %dma_start3A_48] : memref<2560x128x128xf32, #tpu.memory_space<hbm>> -> memref<2x128x128xf32, #tpu.memory_space<hbm>>
        %dma_start3A_50 = arith.constant 0 : i32
        %dma_start3A_51 = arith.constant 0 : i32
        %dma_start3A_52 = tpu.memref_slice %arg2[%add3A_36, %dma_start3A_50, %dma_start3A_51] : memref<2560x128x128xf32, #tpu.memory_space<hbm>> -> memref<2x128x128xf32, #tpu.memory_space<hbm>>
        tpu.enqueue_dma source(%dma_start3A_52 : memref<2x128x128xf32, #tpu.memory_space<hbm>>) target(%arg8 : memref<2x128x128xf32, #tpu.memory_space<vmem>>) target_semaphore(%run_scoped3A_47 : memref<!tpu.dma_semaphore, #tpu.memory_space<semaphore_mem>>)
        %dma_wait3A = arith.constant 0 : i32
        %dma_wait3A_53 = arith.constant 0 : i32
        %dma_wait3A_54 = tpu.memref_slice %arg2[%add3A_36, %dma_wait3A, %dma_wait3A_53] : memref<2560x128x128xf32, #tpu.memory_space<hbm>> -> memref<2x128x128xf32, #tpu.memory_space<hbm>>
        %dma_wait3A_55 = arith.constant 0 : i32
        %dma_wait3A_56 = arith.constant 0 : i32
        %dma_wait3A_57 = tpu.memref_slice %arg2[%add3A_36, %dma_wait3A_55, %dma_wait3A_56] : memref<2560x128x128xf32, #tpu.memory_space<hbm>> -> memref<2x128x128xf32, #tpu.memory_space<hbm>>
        tpu.wait_dma2 semaphore(%run_scoped3A_47 : memref<!tpu.dma_semaphore, #tpu.memory_space<semaphore_mem>>) src(%dma_wait3A_57 : memref<2x128x128xf32, #tpu.memory_space<hbm>>) dst(%arg8 : memref<2x128x128xf32, #tpu.memory_space<vmem>>)
        tpu.yield
      }) : () -> ()
      %run_scoped3A_37 = arith.constant 0 : i32
      %run_scoped3A_38 = arith.constant 4 : i32
      "tpu.region"() ({
        %run_scoped3A_47 = tpu.sem_alloc : memref<!tpu.dma_semaphore, #tpu.memory_space<semaphore_mem>>
        %dma_start3A = arith.constant 0 : i32
        %dma_start3A_48 = arith.constant 0 : i32
        %dma_start3A_49 = tpu.memref_slice %arg8[%run_scoped3A_37, %dma_start3A, %dma_start3A_48] : memref<2x128x128xf32, #tpu.memory_space<vmem>> -> memref<1x128x128xf32, #tpu.memory_space<vmem>>
        %dma_start3A_50 = tpu.memref_squeeze %dma_start3A_49 : memref<1x128x128xf32, #tpu.memory_space<vmem>> -> memref<128x128xf32, #tpu.memory_space<vmem>>
        %dma_start3A_51 = arith.constant 0 : i32
        %dma_start3A_52 = tpu.memref_slice %arg7[%run_scoped3A_38, %dma_start3A_51] : memref<8x128xi32, #tpu.memory_space<vmem>> -> memref<1x128xi32, #tpu.memory_space<vmem>>
        %dma_start3A_53 = tpu.memref_squeeze %dma_start3A_52 : memref<1x128xi32, #tpu.memory_space<vmem>> -> memref<128xi32, #tpu.memory_space<vmem>>
        %dma_start3A_54 = arith.constant 0 : i32
        %dma_start3A_55 = arith.constant 0 : i32
        %dma_start3A_56 = tpu.memref_slice %arg9[%dma_start3A_54, %dma_start3A_55] : memref<10240x128xf32, #tpu.memory_space<vmem_shared>> -> memref<10240x128xf32, #tpu.memory_space<vmem_shared>>
        tpu.enqueue_indirect_dma source(%dma_start3A_50 : memref<128x128xf32, #tpu.memory_space<vmem>>) target(%dma_start3A_56 : memref<10240x128xf32, #tpu.memory_space<vmem_shared>>) offsets(%dma_start3A_53 : memref<128xi32, #tpu.memory_space<vmem>>) semaphore(%run_scoped3A_47 : memref<!tpu.dma_semaphore, #tpu.memory_space<semaphore_mem>>) {add = true}
        %dma_wait3A = arith.constant 0 : i32
        %dma_wait3A_57 = arith.constant 0 : i32
        %dma_wait3A_58 = tpu.memref_slice %arg8[%run_scoped3A_37, %dma_wait3A, %dma_wait3A_57] : memref<2x128x128xf32, #tpu.memory_space<vmem>> -> memref<1x128x128xf32, #tpu.memory_space<vmem>>
        %dma_wait3A_59 = tpu.memref_squeeze %dma_wait3A_58 : memref<1x128x128xf32, #tpu.memory_space<vmem>> -> memref<128x128xf32, #tpu.memory_space<vmem>>
        %dma_wait3A_60 = arith.constant 0 : i32
        %dma_wait3A_61 = tpu.memref_slice %arg7[%run_scoped3A_38, %dma_wait3A_60] : memref<8x128xi32, #tpu.memory_space<vmem>> -> memref<1x128xi32, #tpu.memory_space<vmem>>
        %dma_wait3A_62 = tpu.memref_squeeze %dma_wait3A_61 : memref<1x128xi32, #tpu.memory_space<vmem>> -> memref<128xi32, #tpu.memory_space<vmem>>
        %dma_wait3A_63 = arith.constant 0 : i32
        %dma_wait3A_64 = arith.constant 0 : i32
        %dma_wait3A_65 = tpu.memref_slice %arg9[%dma_wait3A_63, %dma_wait3A_64] : memref<10240x128xf32, #tpu.memory_space<vmem_shared>> -> memref<10240x128xf32, #tpu.memory_space<vmem_shared>>
        tpu.wait_indirect_dma semaphore(%run_scoped3A_47 : memref<!tpu.dma_semaphore, #tpu.memory_space<semaphore_mem>>) src(%dma_wait3A_59 : memref<128x128xf32, #tpu.memory_space<vmem>>) dst(%dma_wait3A_65 : memref<10240x128xf32, #tpu.memory_space<vmem_shared>>)
        tpu.yield
      }) : () -> ()
      %run_scoped3A_39 = arith.constant 1 : i32
      %run_scoped3A_40 = arith.constant 5 : i32
      "tpu.region"() ({
        %run_scoped3A_47 = tpu.sem_alloc : memref<!tpu.dma_semaphore, #tpu.memory_space<semaphore_mem>>
        %dma_start3A = arith.constant 0 : i32
        %dma_start3A_48 = arith.constant 0 : i32
        %dma_start3A_49 = tpu.memref_slice %arg8[%run_scoped3A_39, %dma_start3A, %dma_start3A_48] : memref<2x128x128xf32, #tpu.memory_space<vmem>> -> memref<1x128x128xf32, #tpu.memory_space<vmem>>
        %dma_start3A_50 = tpu.memref_squeeze %dma_start3A_49 : memref<1x128x128xf32, #tpu.memory_space<vmem>> -> memref<128x128xf32, #tpu.memory_space<vmem>>
        %dma_start3A_51 = arith.constant 0 : i32
        %dma_start3A_52 = tpu.memref_slice %arg7[%run_scoped3A_40, %dma_start3A_51] : memref<8x128xi32, #tpu.memory_space<vmem>> -> memref<1x128xi32, #tpu.memory_space<vmem>>
        %dma_start3A_53 = tpu.memref_squeeze %dma_start3A_52 : memref<1x128xi32, #tpu.memory_space<vmem>> -> memref<128xi32, #tpu.memory_space<vmem>>
        %dma_start3A_54 = arith.constant 0 : i32
        %dma_start3A_55 = arith.constant 0 : i32
        %dma_start3A_56 = tpu.memref_slice %arg9[%dma_start3A_54, %dma_start3A_55] : memref<10240x128xf32, #tpu.memory_space<vmem_shared>> -> memref<10240x128xf32, #tpu.memory_space<vmem_shared>>
        tpu.enqueue_indirect_dma source(%dma_start3A_50 : memref<128x128xf32, #tpu.memory_space<vmem>>) target(%dma_start3A_56 : memref<10240x128xf32, #tpu.memory_space<vmem_shared>>) offsets(%dma_start3A_53 : memref<128xi32, #tpu.memory_space<vmem>>) semaphore(%run_scoped3A_47 : memref<!tpu.dma_semaphore, #tpu.memory_space<semaphore_mem>>) {add = true}
        %dma_wait3A = arith.constant 0 : i32
        %dma_wait3A_57 = arith.constant 0 : i32
        %dma_wait3A_58 = tpu.memref_slice %arg8[%run_scoped3A_39, %dma_wait3A, %dma_wait3A_57] : memref<2x128x128xf32, #tpu.memory_space<vmem>> -> memref<1x128x128xf32, #tpu.memory_space<vmem>>
        %dma_wait3A_59 = tpu.memref_squeeze %dma_wait3A_58 : memref<1x128x128xf32, #tpu.memory_space<vmem>> -> memref<128x128xf32, #tpu.memory_space<vmem>>
        %dma_wait3A_60 = arith.constant 0 : i32
        %dma_wait3A_61 = tpu.memref_slice %arg7[%run_scoped3A_40, %dma_wait3A_60] : memref<8x128xi32, #tpu.memory_space<vmem>> -> memref<1x128xi32, #tpu.memory_space<vmem>>
        %dma_wait3A_62 = tpu.memref_squeeze %dma_wait3A_61 : memref<1x128xi32, #tpu.memory_space<vmem>> -> memref<128xi32, #tpu.memory_space<vmem>>
        %dma_wait3A_63 = arith.constant 0 : i32
        %dma_wait3A_64 = arith.constant 0 : i32
        %dma_wait3A_65 = tpu.memref_slice %arg9[%dma_wait3A_63, %dma_wait3A_64] : memref<10240x128xf32, #tpu.memory_space<vmem_shared>> -> memref<10240x128xf32, #tpu.memory_space<vmem_shared>>
        tpu.wait_indirect_dma semaphore(%run_scoped3A_47 : memref<!tpu.dma_semaphore, #tpu.memory_space<semaphore_mem>>) src(%dma_wait3A_59 : memref<128x128xf32, #tpu.memory_space<vmem>>) dst(%dma_wait3A_65 : memref<10240x128xf32, #tpu.memory_space<vmem_shared>>)
        tpu.yield
      }) : () -> ()
      %add3A_41 = arith.constant 6 : i32
      %add3A_42 = arith.addi %add3A_23, %add3A_41 : i32
      "tpu.region"() ({
        %run_scoped3A_47 = tpu.sem_alloc : memref<!tpu.dma_semaphore, #tpu.memory_space<semaphore_mem>>
        %dma_start3A = arith.constant 0 : i32
        %dma_start3A_48 = arith.constant 0 : i32
        %dma_start3A_49 = tpu.memref_slice %arg2[%add3A_42, %dma_start3A, %dma_start3A_48] : memref<2560x128x128xf32, #tpu.memory_space<hbm>> -> memref<2x128x128xf32, #tpu.memory_space<hbm>>
        %dma_start3A_50 = arith.constant 0 : i32
        %dma_start3A_51 = arith.constant 0 : i32
        %dma_start3A_52 = tpu.memref_slice %arg2[%add3A_42, %dma_start3A_50, %dma_start3A_51] : memref<2560x128x128xf32, #tpu.memory_space<hbm>> -> memref<2x128x128xf32, #tpu.memory_space<hbm>>
        tpu.enqueue_dma source(%dma_start3A_52 : memref<2x128x128xf32, #tpu.memory_space<hbm>>) target(%arg8 : memref<2x128x128xf32, #tpu.memory_space<vmem>>) target_semaphore(%run_scoped3A_47 : memref<!tpu.dma_semaphore, #tpu.memory_space<semaphore_mem>>)
        %dma_wait3A = arith.constant 0 : i32
        %dma_wait3A_53 = arith.constant 0 : i32
        %dma_wait3A_54 = tpu.memref_slice %arg2[%add3A_42, %dma_wait3A, %dma_wait3A_53] : memref<2560x128x128xf32, #tpu.memory_space<hbm>> -> memref<2x128x128xf32, #tpu.memory_space<hbm>>
        %dma_wait3A_55 = arith.constant 0 : i32
        %dma_wait3A_56 = arith.constant 0 : i32
        %dma_wait3A_57 = tpu.memref_slice %arg2[%add3A_42, %dma_wait3A_55, %dma_wait3A_56] : memref<2560x128x128xf32, #tpu.memory_space<hbm>> -> memref<2x128x128xf32, #tpu.memory_space<hbm>>
        tpu.wait_dma2 semaphore(%run_scoped3A_47 : memref<!tpu.dma_semaphore, #tpu.memory_space<semaphore_mem>>) src(%dma_wait3A_57 : memref<2x128x128xf32, #tpu.memory_space<hbm>>) dst(%arg8 : memref<2x128x128xf32, #tpu.memory_space<vmem>>)
        tpu.yield
      }) : () -> ()
      %run_scoped3A_43 = arith.constant 0 : i32
      %run_scoped3A_44 = arith.constant 6 : i32
      "tpu.region"() ({
        %run_scoped3A_47 = tpu.sem_alloc : memref<!tpu.dma_semaphore, #tpu.memory_space<semaphore_mem>>
        %dma_start3A = arith.constant 0 : i32
        %dma_start3A_48 = arith.constant 0 : i32
        %dma_start3A_49 = tpu.memref_slice %arg8[%run_scoped3A_43, %dma_start3A, %dma_start3A_48] : memref<2x128x128xf32, #tpu.memory_space<vmem>> -> memref<1x128x128xf32, #tpu.memory_space<vmem>>
        %dma_start3A_50 = tpu.memref_squeeze %dma_start3A_49 : memref<1x128x128xf32, #tpu.memory_space<vmem>> -> memref<128x128xf32, #tpu.memory_space<vmem>>
        %dma_start3A_51 = arith.constant 0 : i32
        %dma_start3A_52 = tpu.memref_slice %arg7[%run_scoped3A_44, %dma_start3A_51] : memref<8x128xi32, #tpu.memory_space<vmem>> -> memref<1x128xi32, #tpu.memory_space<vmem>>
        %dma_start3A_53 = tpu.memref_squeeze %dma_start3A_52 : memref<1x128xi32, #tpu.memory_space<vmem>> -> memref<128xi32, #tpu.memory_space<vmem>>
        %dma_start3A_54 = arith.constant 0 : i32
        %dma_start3A_55 = arith.constant 0 : i32
        %dma_start3A_56 = tpu.memref_slice %arg9[%dma_start3A_54, %dma_start3A_55] : memref<10240x128xf32, #tpu.memory_space<vmem_shared>> -> memref<10240x128xf32, #tpu.memory_space<vmem_shared>>
        tpu.enqueue_indirect_dma source(%dma_start3A_50 : memref<128x128xf32, #tpu.memory_space<vmem>>) target(%dma_start3A_56 : memref<10240x128xf32, #tpu.memory_space<vmem_shared>>) offsets(%dma_start3A_53 : memref<128xi32, #tpu.memory_space<vmem>>) semaphore(%run_scoped3A_47 : memref<!tpu.dma_semaphore, #tpu.memory_space<semaphore_mem>>) {add = true}
        %dma_wait3A = arith.constant 0 : i32
        %dma_wait3A_57 = arith.constant 0 : i32
        %dma_wait3A_58 = tpu.memref_slice %arg8[%run_scoped3A_43, %dma_wait3A, %dma_wait3A_57] : memref<2x128x128xf32, #tpu.memory_space<vmem>> -> memref<1x128x128xf32, #tpu.memory_space<vmem>>
        %dma_wait3A_59 = tpu.memref_squeeze %dma_wait3A_58 : memref<1x128x128xf32, #tpu.memory_space<vmem>> -> memref<128x128xf32, #tpu.memory_space<vmem>>
        %dma_wait3A_60 = arith.constant 0 : i32
        %dma_wait3A_61 = tpu.memref_slice %arg7[%run_scoped3A_44, %dma_wait3A_60] : memref<8x128xi32, #tpu.memory_space<vmem>> -> memref<1x128xi32, #tpu.memory_space<vmem>>
        %dma_wait3A_62 = tpu.memref_squeeze %dma_wait3A_61 : memref<1x128xi32, #tpu.memory_space<vmem>> -> memref<128xi32, #tpu.memory_space<vmem>>
        %dma_wait3A_63 = arith.constant 0 : i32
        %dma_wait3A_64 = arith.constant 0 : i32
        %dma_wait3A_65 = tpu.memref_slice %arg9[%dma_wait3A_63, %dma_wait3A_64] : memref<10240x128xf32, #tpu.memory_space<vmem_shared>> -> memref<10240x128xf32, #tpu.memory_space<vmem_shared>>
        tpu.wait_indirect_dma semaphore(%run_scoped3A_47 : memref<!tpu.dma_semaphore, #tpu.memory_space<semaphore_mem>>) src(%dma_wait3A_59 : memref<128x128xf32, #tpu.memory_space<vmem>>) dst(%dma_wait3A_65 : memref<10240x128xf32, #tpu.memory_space<vmem_shared>>)
        tpu.yield
      }) : () -> ()
      %run_scoped3A_45 = arith.constant 1 : i32
      %run_scoped3A_46 = arith.constant 7 : i32
      "tpu.region"() ({
        %run_scoped3A_47 = tpu.sem_alloc : memref<!tpu.dma_semaphore, #tpu.memory_space<semaphore_mem>>
        %dma_start3A = arith.constant 0 : i32
        %dma_start3A_48 = arith.constant 0 : i32
        %dma_start3A_49 = tpu.memref_slice %arg8[%run_scoped3A_45, %dma_start3A, %dma_start3A_48] : memref<2x128x128xf32, #tpu.memory_space<vmem>> -> memref<1x128x128xf32, #tpu.memory_space<vmem>>
        %dma_start3A_50 = tpu.memref_squeeze %dma_start3A_49 : memref<1x128x128xf32, #tpu.memory_space<vmem>> -> memref<128x128xf32, #tpu.memory_space<vmem>>
        %dma_start3A_51 = arith.constant 0 : i32
        %dma_start3A_52 = tpu.memref_slice %arg7[%run_scoped3A_46, %dma_start3A_51] : memref<8x128xi32, #tpu.memory_space<vmem>> -> memref<1x128xi32, #tpu.memory_space<vmem>>
        %dma_start3A_53 = tpu.memref_squeeze %dma_start3A_52 : memref<1x128xi32, #tpu.memory_space<vmem>> -> memref<128xi32, #tpu.memory_space<vmem>>
        %dma_start3A_54 = arith.constant 0 : i32
        %dma_start3A_55 = arith.constant 0 : i32
        %dma_start3A_56 = tpu.memref_slice %arg9[%dma_start3A_54, %dma_start3A_55] : memref<10240x128xf32, #tpu.memory_space<vmem_shared>> -> memref<10240x128xf32, #tpu.memory_space<vmem_shared>>
        tpu.enqueue_indirect_dma source(%dma_start3A_50 : memref<128x128xf32, #tpu.memory_space<vmem>>) target(%dma_start3A_56 : memref<10240x128xf32, #tpu.memory_space<vmem_shared>>) offsets(%dma_start3A_53 : memref<128xi32, #tpu.memory_space<vmem>>) semaphore(%run_scoped3A_47 : memref<!tpu.dma_semaphore, #tpu.memory_space<semaphore_mem>>) {add = true}
        %dma_wait3A = arith.constant 0 : i32
        %dma_wait3A_57 = arith.constant 0 : i32
        %dma_wait3A_58 = tpu.memref_slice %arg8[%run_scoped3A_45, %dma_wait3A, %dma_wait3A_57] : memref<2x128x128xf32, #tpu.memory_space<vmem>> -> memref<1x128x128xf32, #tpu.memory_space<vmem>>
        %dma_wait3A_59 = tpu.memref_squeeze %dma_wait3A_58 : memref<1x128x128xf32, #tpu.memory_space<vmem>> -> memref<128x128xf32, #tpu.memory_space<vmem>>
        %dma_wait3A_60 = arith.constant 0 : i32
        %dma_wait3A_61 = tpu.memref_slice %arg7[%run_scoped3A_46, %dma_wait3A_60] : memref<8x128xi32, #tpu.memory_space<vmem>> -> memref<1x128xi32, #tpu.memory_space<vmem>>
        %dma_wait3A_62 = tpu.memref_squeeze %dma_wait3A_61 : memref<1x128xi32, #tpu.memory_space<vmem>> -> memref<128xi32, #tpu.memory_space<vmem>>
        %dma_wait3A_63 = arith.constant 0 : i32
        %dma_wait3A_64 = arith.constant 0 : i32
        %dma_wait3A_65 = tpu.memref_slice %arg9[%dma_wait3A_63, %dma_wait3A_64] : memref<10240x128xf32, #tpu.memory_space<vmem_shared>> -> memref<10240x128xf32, #tpu.memory_space<vmem_shared>>
        tpu.wait_indirect_dma semaphore(%run_scoped3A_47 : memref<!tpu.dma_semaphore, #tpu.memory_space<semaphore_mem>>) src(%dma_wait3A_59 : memref<128x128xf32, #tpu.memory_space<vmem>>) dst(%dma_wait3A_65 : memref<10240x128xf32, #tpu.memory_space<vmem_shared>>)
        tpu.yield
      }) : () -> ()
    }
    %scan3A_11 = arith.constant 10 : i32
    %barrier3A_12 = arith.constant 0 : index
    tpu.barrier barrier_id(%barrier3A_12)
    %eq3A = arith.constant 0 : i32
    %eq3A_13 = arith.cmpi eq, %arg0, %eq3A : i32
    %convert_element_type3A = arith.extui %eq3A_13 : i1 to i32
    %cond3A = arith.constant 0 : i32
    %cond3A_14 = arith.cmpi ne, %convert_element_type3A, %cond3A : i32
    scf.if %cond3A_14 {
      %mul3A_20 = arith.constant 640 : i32
      %mul3A_21 = arith.muli %arg1, %mul3A_20 : i32
      %mul3A_22 = arith.constant 640 : i32
      %mul3A_23 = arith.muli %arg1, %mul3A_22 : i32
      "tpu.region"() ({
        %run_scoped3A = tpu.sem_alloc : memref<!tpu.dma_semaphore, #tpu.memory_space<semaphore_mem>>
        %dma_start3A = arith.constant 0 : i32
        %dma_start3A_24 = tpu.memref_slice %arg5[%mul3A_23, %dma_start3A] : memref<10240x128xf32, #tpu.memory_space<hbm>> -> memref<640x128xf32, #tpu.memory_space<hbm>>
        %dma_start3A_25 = arith.constant 0 : i32
        %dma_start3A_26 = tpu.memref_slice %arg9[%mul3A_21, %dma_start3A_25] : memref<10240x128xf32, #tpu.memory_space<vmem_shared>> -> memref<640x128xf32, #tpu.memory_space<vmem_shared>>
        tpu.enqueue_dma source(%dma_start3A_26 : memref<640x128xf32, #tpu.memory_space<vmem_shared>>) target(%dma_start3A_24 : memref<640x128xf32, #tpu.memory_space<hbm>>) target_semaphore(%run_scoped3A : memref<!tpu.dma_semaphore, #tpu.memory_space<semaphore_mem>>)
        %dma_wait3A = arith.constant 0 : i32
        %dma_wait3A_27 = tpu.memref_slice %arg5[%mul3A_23, %dma_wait3A] : memref<10240x128xf32, #tpu.memory_space<hbm>> -> memref<640x128xf32, #tpu.memory_space<hbm>>
        %dma_wait3A_28 = arith.constant 0 : i32
        %dma_wait3A_29 = tpu.memref_slice %arg9[%mul3A_21, %dma_wait3A_28] : memref<10240x128xf32, #tpu.memory_space<vmem_shared>> -> memref<640x128xf32, #tpu.memory_space<vmem_shared>>
        tpu.wait_dma2 semaphore(%run_scoped3A : memref<!tpu.dma_semaphore, #tpu.memory_space<semaphore_mem>>) src(%dma_wait3A_29 : memref<640x128xf32, #tpu.memory_space<vmem_shared>>) dst(%dma_wait3A_27 : memref<640x128xf32, #tpu.memory_space<hbm>>)
        tpu.yield
      }) : () -> ()
    } else {
    }
    %eq3A_15 = arith.constant 1 : i32
    %eq3A_16 = arith.cmpi eq, %arg0, %eq3A_15 : i32
    %convert_element_type3A_17 = arith.extui %eq3A_16 : i1 to i32
    %cond3A_18 = arith.constant 0 : i32
    %cond3A_19 = arith.cmpi ne, %convert_element_type3A_17, %cond3A_18 : i32
    scf.if %cond3A_19 {
      %mul3A_20 = arith.constant 640 : i32
      %mul3A_21 = arith.muli %arg1, %mul3A_20 : i32
      %mul3A_22 = arith.constant 640 : i32
      %mul3A_23 = arith.muli %arg1, %mul3A_22 : i32
      "tpu.region"() ({
        %run_scoped3A = tpu.sem_alloc : memref<!tpu.dma_semaphore, #tpu.memory_space<semaphore_mem>>
        %dma_start3A = arith.constant 0 : i32
        %dma_start3A_24 = tpu.memref_slice %arg6[%mul3A_23, %dma_start3A] : memref<10240x128xf32, #tpu.memory_space<hbm>> -> memref<640x128xf32, #tpu.memory_space<hbm>>
        %dma_start3A_25 = arith.constant 0 : i32
        %dma_start3A_26 = tpu.memref_slice %arg9[%mul3A_21, %dma_start3A_25] : memref<10240x128xf32, #tpu.memory_space<vmem_shared>> -> memref<640x128xf32, #tpu.memory_space<vmem_shared>>
        tpu.enqueue_dma source(%dma_start3A_26 : memref<640x128xf32, #tpu.memory_space<vmem_shared>>) target(%dma_start3A_24 : memref<640x128xf32, #tpu.memory_space<hbm>>) target_semaphore(%run_scoped3A : memref<!tpu.dma_semaphore, #tpu.memory_space<semaphore_mem>>)
        %dma_wait3A = arith.constant 0 : i32
        %dma_wait3A_27 = tpu.memref_slice %arg6[%mul3A_23, %dma_wait3A] : memref<10240x128xf32, #tpu.memory_space<hbm>> -> memref<640x128xf32, #tpu.memory_space<hbm>>
        %dma_wait3A_28 = arith.constant 0 : i32
        %dma_wait3A_29 = tpu.memref_slice %arg9[%mul3A_21, %dma_wait3A_28] : memref<10240x128xf32, #tpu.memory_space<vmem_shared>> -> memref<640x128xf32, #tpu.memory_space<vmem_shared>>
        tpu.wait_dma2 semaphore(%run_scoped3A : memref<!tpu.dma_semaphore, #tpu.memory_space<semaphore_mem>>) src(%dma_wait3A_29 : memref<640x128xf32, #tpu.memory_space<vmem_shared>>) dst(%dma_wait3A_27 : memref<640x128xf32, #tpu.memory_space<hbm>>)
        tpu.yield
      }) : () -> ()
    } else {
    }
    return
  }
}

module attributes {stable_mosaic.version = 14 : i64} {
  func.func @body(%arg0: i32, %arg1: memref<1024x128xf32, #tpu.memory_space<vmem>>, %arg2: memref<128x64xf32, #tpu.memory_space<vmem>>, %arg3: memref<1x64xf32, #tpu.memory_space<vmem>>, %arg4: memref<64x128xf32, #tpu.memory_space<vmem>>, %arg5: memref<1x128xf32, #tpu.memory_space<vmem>>, %arg6: memref<1024x128xf32, #tpu.memory_space<vmem>>) attributes {dimension_semantics = [#tpu.dimension_semantics<arbitrary>], iteration_bounds = array<i64: 10>, scalar_prefetch = 0 : i64, scratch_operands = 0 : i64, tpu.core_type = #tpu.core_type<tc>, window_params = [{transform_indices = @transform_0, window_bounds = array<i64: 1024, 128>}, {pipeline_mode = #tpu.pipeline_mode<synchronous>, transform_indices = @transform_1, window_bounds = array<i64: 128, 64>}, {pipeline_mode = #tpu.pipeline_mode<synchronous>, transform_indices = @transform_2, window_bounds = array<i64: 1, 64>}, {pipeline_mode = #tpu.pipeline_mode<synchronous>, transform_indices = @transform_3, window_bounds = array<i64: 64, 128>}, {pipeline_mode = #tpu.pipeline_mode<synchronous>, transform_indices = @transform_4, window_bounds = array<i64: 1, 128>}, {transform_indices = @transform_5, window_bounds = array<i64: 1024, 128>}]} {
    %get3A = arith.constant 0 : index
    %get3A_0 = arith.constant 0 : index
    %get3A_1 = vector.load %arg1[%get3A, %get3A_0] : memref<1024x128xf32, #tpu.memory_space<vmem>>, vector<1024x128xf32>
    %get3A_2 = arith.constant 0 : index
    %get3A_3 = arith.constant 0 : index
    %get3A_4 = vector.load %arg2[%get3A_2, %get3A_3] : memref<128x64xf32, #tpu.memory_space<vmem>>, vector<128x64xf32>
    %dot_general3A = arith.constant dense<0.000000e+00> : vector<1024x64xf32>
    %dot_general3A_5 = tpu.matmul %get3A_1, %get3A_4, %dot_general3A {dimension_numbers = #tpu.dot_dimension_numbers<[1], [0], [0], [1], [0, 0, 1, 1], [], []>, transpose_lhs_hint = false} : vector<1024x128xf32>, vector<128x64xf32>, vector<1024x64xf32> -> vector<1024x64xf32>
    %get3A_6 = arith.constant 0 : index
    %get3A_7 = arith.constant 0 : index
    %get3A_8 = vector.load %arg3[%get3A_6, %get3A_7] : memref<1x64xf32, #tpu.memory_space<vmem>>, vector<1x64xf32>
    %add3A = vector.broadcast %get3A_8 : vector<1x64xf32> to vector<1024x64xf32>
    %add3A_9 = arith.addf %dot_general3A_5, %add3A : vector<1024x64xf32>
    %max3A = arith.constant 0.000000e+00 : f32
    %max3A_10 = vector.broadcast %max3A : f32 to vector<1024x64xf32>
    %max3A_11 = arith.maximumf %add3A_9, %max3A_10 : vector<1024x64xf32>
    %abs3A = math.absf %add3A_9 : vector<1024x64xf32>
    %neg3A = arith.constant 0.000000e+00 : f32
    %neg3A_12 = vector.broadcast %neg3A : f32 to vector<1024x64xf32>
    %neg3A_13 = arith.subf %neg3A_12, %abs3A : vector<1024x64xf32>
    %exp3A = math.exp %neg3A_13 : vector<1024x64xf32>
    %log1p3A = math.log1p %exp3A : vector<1024x64xf32>
    %add3A_14 = arith.addf %max3A_11, %log1p3A : vector<1024x64xf32>
    %get3A_15 = arith.constant 0 : index
    %get3A_16 = arith.constant 0 : index
    %get3A_17 = vector.load %arg4[%get3A_15, %get3A_16] : memref<64x128xf32, #tpu.memory_space<vmem>>, vector<64x128xf32>
    %dot_general3A_18 = arith.constant dense<0.000000e+00> : vector<1024x128xf32>
    %dot_general3A_19 = tpu.matmul %add3A_14, %get3A_17, %dot_general3A_18 {dimension_numbers = #tpu.dot_dimension_numbers<[1], [0], [0], [1], [0, 0, 1, 1], [], []>, transpose_lhs_hint = false} : vector<1024x64xf32>, vector<64x128xf32>, vector<1024x128xf32> -> vector<1024x128xf32>
    %get3A_20 = arith.constant 0 : index
    %get3A_21 = arith.constant 0 : index
    %get3A_22 = vector.load %arg5[%get3A_20, %get3A_21] : memref<1x128xf32, #tpu.memory_space<vmem>>, vector<1x128xf32>
    %add3A_23 = vector.broadcast %get3A_22 : vector<1x128xf32> to vector<1024x128xf32>
    %add3A_24 = arith.addf %dot_general3A_19, %add3A_23 : vector<1024x128xf32>
    %swap3A = arith.constant 0 : index
    %swap3A_25 = arith.constant 0 : index
    %swap3A_26 = vector.load %arg6[%swap3A, %swap3A_25] : memref<1024x128xf32, #tpu.memory_space<vmem>>, vector<1024x128xf32>
    tpu.vector_store %arg6[%swap3A, %swap3A_25], %add3A_24 {strides = array<i32>} : memref<1024x128xf32, #tpu.memory_space<vmem>>, vector<1024x128xf32>,
    return
  }
  func.func @transform_0(%arg0: i32) -> (i32, i32) {
    %c0_i32 = arith.constant 0 : i32
    %c0_i32_0 = arith.constant 0 : i32
    return %arg0, %c0_i32 : i32, i32
  }
  func.func @transform_1(%arg0: i32) -> (i32, i32) {
    %c0_i32 = arith.constant 0 : i32
    %c0_i32_0 = arith.constant 0 : i32
    %c0_i32_1 = arith.constant 0 : i32
    return %c0_i32, %c0_i32_0 : i32, i32
  }
  func.func @transform_2(%arg0: i32) -> (i32, i32) {
    %c0_i32 = arith.constant 0 : i32
    %c0_i32_0 = arith.constant 0 : i32
    %c0_i32_1 = arith.constant 0 : i32
    return %c0_i32, %c0_i32_0 : i32, i32
  }
  func.func @transform_3(%arg0: i32) -> (i32, i32) {
    %c0_i32 = arith.constant 0 : i32
    %c0_i32_0 = arith.constant 0 : i32
    %c0_i32_1 = arith.constant 0 : i32
    return %c0_i32, %c0_i32_0 : i32, i32
  }
  func.func @transform_4(%arg0: i32) -> (i32, i32) {
    %c0_i32 = arith.constant 0 : i32
    %c0_i32_0 = arith.constant 0 : i32
    %c0_i32_1 = arith.constant 0 : i32
    return %c0_i32, %c0_i32_0 : i32, i32
  }
  func.func @transform_5(%arg0: i32) -> (i32, i32) {
    %c0_i32 = arith.constant 0 : i32
    %c0_i32_0 = arith.constant 0 : i32
    return %arg0, %c0_i32 : i32, i32
  }
}

module attributes {stable_mosaic.version = 14 : i64} {
  func.func @body(%arg0: i32, %arg1: memref<2048x16xf32, #tpu.memory_space<vmem>>, %arg2: memref<16x64xf32, #tpu.memory_space<vmem>>, %arg3: memref<1x64xf32, #tpu.memory_space<vmem>>, %arg4: memref<64x64xf32, #tpu.memory_space<vmem>>, %arg5: memref<1x64xf32, #tpu.memory_space<vmem>>, %arg6: memref<2048x64xf32, #tpu.memory_space<vmem>>) attributes {dimension_semantics = [#tpu.dimension_semantics<arbitrary>], iteration_bounds = array<i64: 160>, scalar_prefetch = 0 : i64, scratch_operands = 0 : i64, tpu.core_type = #tpu.core_type<tc>, window_params = [{transform_indices = @transform_0, window_bounds = array<i64: 2048, 16>}, {pipeline_mode = #tpu.pipeline_mode<synchronous>, transform_indices = @transform_1, window_bounds = array<i64: 16, 64>}, {pipeline_mode = #tpu.pipeline_mode<synchronous>, transform_indices = @transform_2, window_bounds = array<i64: 1, 64>}, {pipeline_mode = #tpu.pipeline_mode<synchronous>, transform_indices = @transform_3, window_bounds = array<i64: 64, 64>}, {pipeline_mode = #tpu.pipeline_mode<synchronous>, transform_indices = @transform_4, window_bounds = array<i64: 1, 64>}, {transform_indices = @transform_5, window_bounds = array<i64: 2048, 64>}]} {
    %get3A = arith.constant 0 : index
    %get3A_0 = arith.constant 0 : index
    %get3A_1 = vector.load %arg1[%get3A, %get3A_0] : memref<2048x16xf32, #tpu.memory_space<vmem>>, vector<2048x16xf32>
    %get3A_2 = arith.constant 0 : index
    %get3A_3 = arith.constant 0 : index
    %get3A_4 = vector.load %arg2[%get3A_2, %get3A_3] : memref<16x64xf32, #tpu.memory_space<vmem>>, vector<16x64xf32>
    %dot_general3A = arith.constant dense<0.000000e+00> : vector<2048x64xf32>
    %dot_general3A_5 = tpu.matmul %get3A_1, %get3A_4, %dot_general3A {dimension_numbers = #tpu.dot_dimension_numbers<[1], [0], [0], [1], [0, 0, 1, 1], [], []>, transpose_lhs_hint = false} : vector<2048x16xf32>, vector<16x64xf32>, vector<2048x64xf32> -> vector<2048x64xf32>
    %get3A_6 = arith.constant 0 : index
    %get3A_7 = arith.constant 0 : index
    %get3A_8 = vector.load %arg3[%get3A_6, %get3A_7] : memref<1x64xf32, #tpu.memory_space<vmem>>, vector<1x64xf32>
    %add3A = vector.broadcast %get3A_8 : vector<1x64xf32> to vector<2048x64xf32>
    %add3A_9 = arith.addf %dot_general3A_5, %add3A : vector<2048x64xf32>
    %max3A = arith.constant 0.000000e+00 : f32
    %max3A_10 = vector.broadcast %max3A : f32 to vector<2048x64xf32>
    %max3A_11 = arith.maximumf %add3A_9, %max3A_10 : vector<2048x64xf32>
    %abs3A = math.absf %add3A_9 : vector<2048x64xf32>
    %neg3A = arith.constant 0.000000e+00 : f32
    %neg3A_12 = vector.broadcast %neg3A : f32 to vector<2048x64xf32>
    %neg3A_13 = arith.subf %neg3A_12, %abs3A : vector<2048x64xf32>
    %exp3A = math.exp %neg3A_13 : vector<2048x64xf32>
    %log1p3A = math.log1p %exp3A : vector<2048x64xf32>
    %add3A_14 = arith.addf %max3A_11, %log1p3A : vector<2048x64xf32>
    %get3A_15 = arith.constant 0 : index
    %get3A_16 = arith.constant 0 : index
    %get3A_17 = vector.load %arg4[%get3A_15, %get3A_16] : memref<64x64xf32, #tpu.memory_space<vmem>>, vector<64x64xf32>
    %dot_general3A_18 = arith.constant dense<0.000000e+00> : vector<2048x64xf32>
    %dot_general3A_19 = tpu.matmul %add3A_14, %get3A_17, %dot_general3A_18 {dimension_numbers = #tpu.dot_dimension_numbers<[1], [0], [0], [1], [0, 0, 1, 1], [], []>, transpose_lhs_hint = false} : vector<2048x64xf32>, vector<64x64xf32>, vector<2048x64xf32> -> vector<2048x64xf32>
    %get3A_20 = arith.constant 0 : index
    %get3A_21 = arith.constant 0 : index
    %get3A_22 = vector.load %arg5[%get3A_20, %get3A_21] : memref<1x64xf32, #tpu.memory_space<vmem>>, vector<1x64xf32>
    %add3A_23 = vector.broadcast %get3A_22 : vector<1x64xf32> to vector<2048x64xf32>
    %add3A_24 = arith.addf %dot_general3A_19, %add3A_23 : vector<2048x64xf32>
    %swap3A = arith.constant 0 : index
    %swap3A_25 = arith.constant 0 : index
    %swap3A_26 = vector.load %arg6[%swap3A, %swap3A_25] : memref<2048x64xf32, #tpu.memory_space<vmem>>, vector<2048x64xf32>
    tpu.vector_store %arg6[%swap3A, %swap3A_25], %add3A_24 {strides = array<i32>} : memref<2048x64xf32, #tpu.memory_space<vmem>>, vector<2048x64xf32>,
    return
  }
  func.func @transform_0(%arg0: i32) -> (i32, i32) {
    %c0_i32 = arith.constant 0 : i32
    %c0_i32_0 = arith.constant 0 : i32
    return %arg0, %c0_i32 : i32, i32
  }
  func.func @transform_1(%arg0: i32) -> (i32, i32) {
    %c0_i32 = arith.constant 0 : i32
    %c0_i32_0 = arith.constant 0 : i32
    %c0_i32_1 = arith.constant 0 : i32
    return %c0_i32, %c0_i32_0 : i32, i32
  }
  func.func @transform_2(%arg0: i32) -> (i32, i32) {
    %c0_i32 = arith.constant 0 : i32
    %c0_i32_0 = arith.constant 0 : i32
    %c0_i32_1 = arith.constant 0 : i32
    return %c0_i32, %c0_i32_0 : i32, i32
  }
  func.func @transform_3(%arg0: i32) -> (i32, i32) {
    %c0_i32 = arith.constant 0 : i32
    %c0_i32_0 = arith.constant 0 : i32
    %c0_i32_1 = arith.constant 0 : i32
    return %c0_i32, %c0_i32_0 : i32, i32
  }
  func.func @transform_4(%arg0: i32) -> (i32, i32) {
    %c0_i32 = arith.constant 0 : i32
    %c0_i32_0 = arith.constant 0 : i32
    %c0_i32_1 = arith.constant 0 : i32
    return %c0_i32, %c0_i32_0 : i32, i32
  }
  func.func @transform_5(%arg0: i32) -> (i32, i32) {
    %c0_i32 = arith.constant 0 : i32
    %c0_i32_0 = arith.constant 0 : i32
    return %arg0, %c0_i32 : i32, i32
  }
}

module attributes {stable_mosaic.version = 14 : i64} {
  func.func @body(%arg0: i32, %arg1: memref<2048x128xf32, #tpu.memory_space<vmem>>, %arg2: memref<2048x128xf32, #tpu.memory_space<vmem>>, %arg3: memref<2048x64xf32, #tpu.memory_space<vmem>>, %arg4: memref<128x64xf32, #tpu.memory_space<vmem>>, %arg5: memref<1x64xf32, #tpu.memory_space<vmem>>, %arg6: memref<64x64xf32, #tpu.memory_space<vmem>>, %arg7: memref<1x64xf32, #tpu.memory_space<vmem>>, %arg8: memref<64x64xf32, #tpu.memory_space<vmem>>, %arg9: memref<1x64xf32, #tpu.memory_space<vmem>>, %arg10: memref<128x64xf32, #tpu.memory_space<vmem>>, %arg11: memref<64x64xf32, #tpu.memory_space<vmem>>, %arg12: memref<1x64xf32, #tpu.memory_space<vmem>>, %arg13: memref<64x64xf32, #tpu.memory_space<vmem>>, %arg14: memref<1x64xf32, #tpu.memory_space<vmem>>, %arg15: memref<64x128xf32, #tpu.memory_space<vmem>>, %arg16: memref<1x128xf32, #tpu.memory_space<vmem>>, %arg17: memref<2048x64xf32, #tpu.memory_space<vmem>>, %arg18: memref<2048x128xf32, #tpu.memory_space<vmem>>) attributes {dimension_semantics = [#tpu.dimension_semantics<arbitrary>], iteration_bounds = array<i64: 160>, scalar_prefetch = 0 : i64, scratch_operands = 0 : i64, tpu.core_type = #tpu.core_type<tc>, window_params = [{transform_indices = @transform_0, window_bounds = array<i64: 2048, 128>}, {transform_indices = @transform_1, window_bounds = array<i64: 2048, 128>}, {transform_indices = @transform_2, window_bounds = array<i64: 2048, 64>}, {pipeline_mode = #tpu.pipeline_mode<synchronous>, transform_indices = @transform_3, window_bounds = array<i64: 128, 64>}, {pipeline_mode = #tpu.pipeline_mode<synchronous>, transform_indices = @transform_4, window_bounds = array<i64: 1, 64>}, {pipeline_mode = #tpu.pipeline_mode<synchronous>, transform_indices = @transform_5, window_bounds = array<i64: 64, 64>}, {pipeline_mode = #tpu.pipeline_mode<synchronous>, transform_indices = @transform_6, window_bounds = array<i64: 1, 64>}, {pipeline_mode = #tpu.pipeline_mode<synchronous>, transform_indices = @transform_7, window_bounds = array<i64: 64, 64>}, {pipeline_mode = #tpu.pipeline_mode<synchronous>, transform_indices = @transform_8, window_bounds = array<i64: 1, 64>}, {pipeline_mode = #tpu.pipeline_mode<synchronous>, transform_indices = @transform_9, window_bounds = array<i64: 128, 64>}, {pipeline_mode = #tpu.pipeline_mode<synchronous>, transform_indices = @transform_10, window_bounds = array<i64: 64, 64>}, {pipeline_mode = #tpu.pipeline_mode<synchronous>, transform_indices = @transform_11, window_bounds = array<i64: 1, 64>}, {pipeline_mode = #tpu.pipeline_mode<synchronous>, transform_indices = @transform_12, window_bounds = array<i64: 64, 64>}, {pipeline_mode = #tpu.pipeline_mode<synchronous>, transform_indices = @transform_13, window_bounds = array<i64: 1, 64>}, {pipeline_mode = #tpu.pipeline_mode<synchronous>, transform_indices = @transform_14, window_bounds = array<i64: 64, 128>}, {pipeline_mode = #tpu.pipeline_mode<synchronous>, transform_indices = @transform_15, window_bounds = array<i64: 1, 128>}, {transform_indices = @transform_16, window_bounds = array<i64: 2048, 64>}, {transform_indices = @transform_17, window_bounds = array<i64: 2048, 128>}]} {
    %get3A = arith.constant 0 : index
    %get3A_0 = arith.constant 0 : index
    %get3A_1 = vector.load %arg1[%get3A, %get3A_0] : memref<2048x128xf32, #tpu.memory_space<vmem>>, vector<2048x128xf32>
    %get3A_2 = arith.constant 0 : index
    %get3A_3 = arith.constant 0 : index
    %get3A_4 = vector.load %arg2[%get3A_2, %get3A_3] : memref<2048x128xf32, #tpu.memory_space<vmem>>, vector<2048x128xf32>
    %mul3A = arith.mulf %get3A_1, %get3A_4 : vector<2048x128xf32>
    %get3A_5 = arith.constant 0 : index
    %get3A_6 = arith.constant 0 : index
    %get3A_7 = vector.load %arg4[%get3A_5, %get3A_6] : memref<128x64xf32, #tpu.memory_space<vmem>>, vector<128x64xf32>
    %dot_general3A = arith.constant dense<0.000000e+00> : vector<2048x64xf32>
    %dot_general3A_8 = tpu.matmul %mul3A, %get3A_7, %dot_general3A {dimension_numbers = #tpu.dot_dimension_numbers<[1], [0], [0], [1], [0, 0, 1, 1], [], []>, transpose_lhs_hint = false} : vector<2048x128xf32>, vector<128x64xf32>, vector<2048x64xf32> -> vector<2048x64xf32>
    %get3A_9 = arith.constant 0 : index
    %get3A_10 = arith.constant 0 : index
    %get3A_11 = vector.load %arg5[%get3A_9, %get3A_10] : memref<1x64xf32, #tpu.memory_space<vmem>>, vector<1x64xf32>
    %add3A = vector.broadcast %get3A_11 : vector<1x64xf32> to vector<2048x64xf32>
    %add3A_12 = arith.addf %dot_general3A_8, %add3A : vector<2048x64xf32>
    %max3A = arith.constant 0.000000e+00 : f32
    %max3A_13 = vector.broadcast %max3A : f32 to vector<2048x64xf32>
    %max3A_14 = arith.maximumf %add3A_12, %max3A_13 : vector<2048x64xf32>
    %abs3A = math.absf %add3A_12 : vector<2048x64xf32>
    %neg3A = arith.constant 0.000000e+00 : f32
    %neg3A_15 = vector.broadcast %neg3A : f32 to vector<2048x64xf32>
    %neg3A_16 = arith.subf %neg3A_15, %abs3A : vector<2048x64xf32>
    %exp3A = math.exp %neg3A_16 : vector<2048x64xf32>
    %log1p3A = math.log1p %exp3A : vector<2048x64xf32>
    %add3A_17 = arith.addf %max3A_14, %log1p3A : vector<2048x64xf32>
    %get3A_18 = arith.constant 0 : index
    %get3A_19 = arith.constant 0 : index
    %get3A_20 = vector.load %arg6[%get3A_18, %get3A_19] : memref<64x64xf32, #tpu.memory_space<vmem>>, vector<64x64xf32>
    %dot_general3A_21 = arith.constant dense<0.000000e+00> : vector<2048x64xf32>
    %dot_general3A_22 = tpu.matmul %add3A_17, %get3A_20, %dot_general3A_21 {dimension_numbers = #tpu.dot_dimension_numbers<[1], [0], [0], [1], [0, 0, 1, 1], [], []>, transpose_lhs_hint = false} : vector<2048x64xf32>, vector<64x64xf32>, vector<2048x64xf32> -> vector<2048x64xf32>
    %get3A_23 = arith.constant 0 : index
    %get3A_24 = arith.constant 0 : index
    %get3A_25 = vector.load %arg7[%get3A_23, %get3A_24] : memref<1x64xf32, #tpu.memory_space<vmem>>, vector<1x64xf32>
    %add3A_26 = vector.broadcast %get3A_25 : vector<1x64xf32> to vector<2048x64xf32>
    %add3A_27 = arith.addf %dot_general3A_22, %add3A_26 : vector<2048x64xf32>
    %max3A_28 = arith.constant 0.000000e+00 : f32
    %max3A_29 = vector.broadcast %max3A_28 : f32 to vector<2048x64xf32>
    %max3A_30 = arith.maximumf %add3A_27, %max3A_29 : vector<2048x64xf32>
    %abs3A_31 = math.absf %add3A_27 : vector<2048x64xf32>
    %neg3A_32 = arith.constant 0.000000e+00 : f32
    %neg3A_33 = vector.broadcast %neg3A_32 : f32 to vector<2048x64xf32>
    %neg3A_34 = arith.subf %neg3A_33, %abs3A_31 : vector<2048x64xf32>
    %exp3A_35 = math.exp %neg3A_34 : vector<2048x64xf32>
    %log1p3A_36 = math.log1p %exp3A_35 : vector<2048x64xf32>
    %add3A_37 = arith.addf %max3A_30, %log1p3A_36 : vector<2048x64xf32>
    %get3A_38 = arith.constant 0 : index
    %get3A_39 = arith.constant 0 : index
    %get3A_40 = vector.load %arg8[%get3A_38, %get3A_39] : memref<64x64xf32, #tpu.memory_space<vmem>>, vector<64x64xf32>
    %dot_general3A_41 = arith.constant dense<0.000000e+00> : vector<2048x64xf32>
    %dot_general3A_42 = tpu.matmul %add3A_37, %get3A_40, %dot_general3A_41 {dimension_numbers = #tpu.dot_dimension_numbers<[1], [0], [0], [1], [0, 0, 1, 1], [], []>, transpose_lhs_hint = false} : vector<2048x64xf32>, vector<64x64xf32>, vector<2048x64xf32> -> vector<2048x64xf32>
    %get3A_43 = arith.constant 0 : index
    %get3A_44 = arith.constant 0 : index
    %get3A_45 = vector.load %arg9[%get3A_43, %get3A_44] : memref<1x64xf32, #tpu.memory_space<vmem>>, vector<1x64xf32>
    %add3A_46 = vector.broadcast %get3A_45 : vector<1x64xf32> to vector<2048x64xf32>
    %add3A_47 = arith.addf %dot_general3A_42, %add3A_46 : vector<2048x64xf32>
    %get3A_48 = arith.constant 0 : index
    %get3A_49 = arith.constant 0 : index
    %get3A_50 = vector.load %arg3[%get3A_48, %get3A_49] : memref<2048x64xf32, #tpu.memory_space<vmem>>, vector<2048x64xf32>
    %add3A_51 = arith.addf %add3A_47, %get3A_50 : vector<2048x64xf32>
    %swap3A = arith.constant 0 : index
    %swap3A_52 = arith.constant 0 : index
    %swap3A_53 = vector.load %arg17[%swap3A, %swap3A_52] : memref<2048x64xf32, #tpu.memory_space<vmem>>, vector<2048x64xf32>
    tpu.vector_store %arg17[%swap3A, %swap3A_52], %add3A_51 {strides = array<i32>} : memref<2048x64xf32, #tpu.memory_space<vmem>>, vector<2048x64xf32>,
    %get3A_54 = arith.constant 0 : index
    %get3A_55 = arith.constant 0 : index
    %get3A_56 = vector.load %arg2[%get3A_54, %get3A_55] : memref<2048x128xf32, #tpu.memory_space<vmem>>, vector<2048x128xf32>
    %get3A_57 = arith.constant 0 : index
    %get3A_58 = arith.constant 0 : index
    %get3A_59 = vector.load %arg10[%get3A_57, %get3A_58] : memref<128x64xf32, #tpu.memory_space<vmem>>, vector<128x64xf32>
    %dot_general3A_60 = arith.constant dense<0.000000e+00> : vector<2048x64xf32>
    %dot_general3A_61 = tpu.matmul %get3A_56, %get3A_59, %dot_general3A_60 {dimension_numbers = #tpu.dot_dimension_numbers<[1], [0], [0], [1], [0, 0, 1, 1], [], []>, transpose_lhs_hint = false} : vector<2048x128xf32>, vector<128x64xf32>, vector<2048x64xf32> -> vector<2048x64xf32>
    %get3A_62 = arith.constant 0 : index
    %get3A_63 = arith.constant 0 : index
    %get3A_64 = vector.load %arg11[%get3A_62, %get3A_63] : memref<64x64xf32, #tpu.memory_space<vmem>>, vector<64x64xf32>
    %dot_general3A_65 = arith.constant dense<0.000000e+00> : vector<2048x64xf32>
    %dot_general3A_66 = tpu.matmul %add3A_51, %get3A_64, %dot_general3A_65 {dimension_numbers = #tpu.dot_dimension_numbers<[1], [0], [0], [1], [0, 0, 1, 1], [], []>, transpose_lhs_hint = false} : vector<2048x64xf32>, vector<64x64xf32>, vector<2048x64xf32> -> vector<2048x64xf32>
    %add3A_67 = arith.addf %dot_general3A_61, %dot_general3A_66 : vector<2048x64xf32>
    %get3A_68 = arith.constant 0 : index
    %get3A_69 = arith.constant 0 : index
    %get3A_70 = vector.load %arg12[%get3A_68, %get3A_69] : memref<1x64xf32, #tpu.memory_space<vmem>>, vector<1x64xf32>
    %add3A_71 = vector.broadcast %get3A_70 : vector<1x64xf32> to vector<2048x64xf32>
    %add3A_72 = arith.addf %add3A_67, %add3A_71 : vector<2048x64xf32>
    %max3A_73 = arith.constant 0.000000e+00 : f32
    %max3A_74 = vector.broadcast %max3A_73 : f32 to vector<2048x64xf32>
    %max3A_75 = arith.maximumf %add3A_72, %max3A_74 : vector<2048x64xf32>
    %abs3A_76 = math.absf %add3A_72 : vector<2048x64xf32>
    %neg3A_77 = arith.constant 0.000000e+00 : f32
    %neg3A_78 = vector.broadcast %neg3A_77 : f32 to vector<2048x64xf32>
    %neg3A_79 = arith.subf %neg3A_78, %abs3A_76 : vector<2048x64xf32>
    %exp3A_80 = math.exp %neg3A_79 : vector<2048x64xf32>
    %log1p3A_81 = math.log1p %exp3A_80 : vector<2048x64xf32>
    %add3A_82 = arith.addf %max3A_75, %log1p3A_81 : vector<2048x64xf32>
    %get3A_83 = arith.constant 0 : index
    %get3A_84 = arith.constant 0 : index
    %get3A_85 = vector.load %arg13[%get3A_83, %get3A_84] : memref<64x64xf32, #tpu.memory_space<vmem>>, vector<64x64xf32>
    %dot_general3A_86 = arith.constant dense<0.000000e+00> : vector<2048x64xf32>
    %dot_general3A_87 = tpu.matmul %add3A_82, %get3A_85, %dot_general3A_86 {dimension_numbers = #tpu.dot_dimension_numbers<[1], [0], [0], [1], [0, 0, 1, 1], [], []>, transpose_lhs_hint = false} : vector<2048x64xf32>, vector<64x64xf32>, vector<2048x64xf32> -> vector<2048x64xf32>
    %get3A_88 = arith.constant 0 : index
    %get3A_89 = arith.constant 0 : index
    %get3A_90 = vector.load %arg14[%get3A_88, %get3A_89] : memref<1x64xf32, #tpu.memory_space<vmem>>, vector<1x64xf32>
    %add3A_91 = vector.broadcast %get3A_90 : vector<1x64xf32> to vector<2048x64xf32>
    %add3A_92 = arith.addf %dot_general3A_87, %add3A_91 : vector<2048x64xf32>
    %max3A_93 = arith.constant 0.000000e+00 : f32
    %max3A_94 = vector.broadcast %max3A_93 : f32 to vector<2048x64xf32>
    %max3A_95 = arith.maximumf %add3A_92, %max3A_94 : vector<2048x64xf32>
    %abs3A_96 = math.absf %add3A_92 : vector<2048x64xf32>
    %neg3A_97 = arith.constant 0.000000e+00 : f32
    %neg3A_98 = vector.broadcast %neg3A_97 : f32 to vector<2048x64xf32>
    %neg3A_99 = arith.subf %neg3A_98, %abs3A_96 : vector<2048x64xf32>
    %exp3A_100 = math.exp %neg3A_99 : vector<2048x64xf32>
    %log1p3A_101 = math.log1p %exp3A_100 : vector<2048x64xf32>
    %add3A_102 = arith.addf %max3A_95, %log1p3A_101 : vector<2048x64xf32>
    %get3A_103 = arith.constant 0 : index
    %get3A_104 = arith.constant 0 : index
    %get3A_105 = vector.load %arg15[%get3A_103, %get3A_104] : memref<64x128xf32, #tpu.memory_space<vmem>>, vector<64x128xf32>
    %dot_general3A_106 = arith.constant dense<0.000000e+00> : vector<2048x128xf32>
    %dot_general3A_107 = tpu.matmul %add3A_102, %get3A_105, %dot_general3A_106 {dimension_numbers = #tpu.dot_dimension_numbers<[1], [0], [0], [1], [0, 0, 1, 1], [], []>, transpose_lhs_hint = false} : vector<2048x64xf32>, vector<64x128xf32>, vector<2048x128xf32> -> vector<2048x128xf32>
    %get3A_108 = arith.constant 0 : index
    %get3A_109 = arith.constant 0 : index
    %get3A_110 = vector.load %arg16[%get3A_108, %get3A_109] : memref<1x128xf32, #tpu.memory_space<vmem>>, vector<1x128xf32>
    %add3A_111 = vector.broadcast %get3A_110 : vector<1x128xf32> to vector<2048x128xf32>
    %add3A_112 = arith.addf %dot_general3A_107, %add3A_111 : vector<2048x128xf32>
    %swap3A_113 = arith.constant 0 : index
    %swap3A_114 = arith.constant 0 : index
    %swap3A_115 = vector.load %arg18[%swap3A_113, %swap3A_114] : memref<2048x128xf32, #tpu.memory_space<vmem>>, vector<2048x128xf32>
    tpu.vector_store %arg18[%swap3A_113, %swap3A_114], %add3A_112 {strides = array<i32>} : memref<2048x128xf32, #tpu.memory_space<vmem>>, vector<2048x128xf32>,
    return
  }
  func.func @transform_0(%arg0: i32) -> (i32, i32) {
    %c0_i32 = arith.constant 0 : i32
    %c0_i32_0 = arith.constant 0 : i32
    return %arg0, %c0_i32 : i32, i32
  }
  func.func @transform_1(%arg0: i32) -> (i32, i32) {
    %c0_i32 = arith.constant 0 : i32
    %c0_i32_0 = arith.constant 0 : i32
    return %arg0, %c0_i32 : i32, i32
  }
  func.func @transform_2(%arg0: i32) -> (i32, i32) {
    %c0_i32 = arith.constant 0 : i32
    %c0_i32_0 = arith.constant 0 : i32
    return %arg0, %c0_i32 : i32, i32
  }
  func.func @transform_3(%arg0: i32) -> (i32, i32) {
    %c0_i32 = arith.constant 0 : i32
    %c0_i32_0 = arith.constant 0 : i32
    %c0_i32_1 = arith.constant 0 : i32
    return %c0_i32, %c0_i32_0 : i32, i32
  }
  func.func @transform_4(%arg0: i32) -> (i32, i32) {
    %c0_i32 = arith.constant 0 : i32
    %c0_i32_0 = arith.constant 0 : i32
    %c0_i32_1 = arith.constant 0 : i32
    return %c0_i32, %c0_i32_0 : i32, i32
  }
  func.func @transform_5(%arg0: i32) -> (i32, i32) {
    %c0_i32 = arith.constant 0 : i32
    %c0_i32_0 = arith.constant 0 : i32
    %c0_i32_1 = arith.constant 0 : i32
    return %c0_i32, %c0_i32_0 : i32, i32
  }
  func.func @transform_6(%arg0: i32) -> (i32, i32) {
    %c0_i32 = arith.constant 0 : i32
    %c0_i32_0 = arith.constant 0 : i32
    %c0_i32_1 = arith.constant 0 : i32
    return %c0_i32, %c0_i32_0 : i32, i32
  }
  func.func @transform_7(%arg0: i32) -> (i32, i32) {
    %c0_i32 = arith.constant 0 : i32
    %c0_i32_0 = arith.constant 0 : i32
    %c0_i32_1 = arith.constant 0 : i32
    return %c0_i32, %c0_i32_0 : i32, i32
  }
  func.func @transform_8(%arg0: i32) -> (i32, i32) {
    %c0_i32 = arith.constant 0 : i32
    %c0_i32_0 = arith.constant 0 : i32
    %c0_i32_1 = arith.constant 0 : i32
    return %c0_i32, %c0_i32_0 : i32, i32
  }
  func.func @transform_9(%arg0: i32) -> (i32, i32) {
    %c0_i32 = arith.constant 0 : i32
    %c0_i32_0 = arith.constant 0 : i32
    %c0_i32_1 = arith.constant 0 : i32
    return %c0_i32, %c0_i32_0 : i32, i32
  }
  func.func @transform_10(%arg0: i32) -> (i32, i32) {
    %c0_i32 = arith.constant 0 : i32
    %c0_i32_0 = arith.constant 0 : i32
    %c0_i32_1 = arith.constant 0 : i32
    return %c0_i32, %c0_i32_0 : i32, i32
  }
  func.func @transform_11(%arg0: i32) -> (i32, i32) {
    %c0_i32 = arith.constant 0 : i32
    %c0_i32_0 = arith.constant 0 : i32
    %c0_i32_1 = arith.constant 0 : i32
    return %c0_i32, %c0_i32_0 : i32, i32
  }
  func.func @transform_12(%arg0: i32) -> (i32, i32) {
    %c0_i32 = arith.constant 0 : i32
    %c0_i32_0 = arith.constant 0 : i32
    %c0_i32_1 = arith.constant 0 : i32
    return %c0_i32, %c0_i32_0 : i32, i32
  }
  func.func @transform_13(%arg0: i32) -> (i32, i32) {
    %c0_i32 = arith.constant 0 : i32
    %c0_i32_0 = arith.constant 0 : i32
    %c0_i32_1 = arith.constant 0 : i32
    return %c0_i32, %c0_i32_0 : i32, i32
  }
  func.func @transform_14(%arg0: i32) -> (i32, i32) {
    %c0_i32 = arith.constant 0 : i32
    %c0_i32_0 = arith.constant 0 : i32
    %c0_i32_1 = arith.constant 0 : i32
    return %c0_i32, %c0_i32_0 : i32, i32
  }
  func.func @transform_15(%arg0: i32) -> (i32, i32) {
    %c0_i32 = arith.constant 0 : i32
    %c0_i32_0 = arith.constant 0 : i32
    %c0_i32_1 = arith.constant 0 : i32
    return %c0_i32, %c0_i32_0 : i32, i32
  }
  func.func @transform_16(%arg0: i32) -> (i32, i32) {
    %c0_i32 = arith.constant 0 : i32
    %c0_i32_0 = arith.constant 0 : i32
    return %arg0, %c0_i32 : i32, i32
  }
  func.func @transform_17(%arg0: i32) -> (i32, i32) {
    %c0_i32 = arith.constant 0 : i32
    %c0_i32_0 = arith.constant 0 : i32
    return %arg0, %c0_i32 : i32, i32
  }
}

module attributes {stable_mosaic.version = 14 : i64} {
  func.func @body(%arg0: i32, %arg1: memref<1024x128xf32, #tpu.memory_space<vmem>>, %arg2: memref<1024x128xf32, #tpu.memory_space<vmem>>, %arg3: memref<1024x128xf32, #tpu.memory_space<vmem>>, %arg4: memref<1024x128xf32, #tpu.memory_space<vmem>>) attributes {dimension_semantics = [#tpu.dimension_semantics<arbitrary>], iteration_bounds = array<i64: 10>, scalar_prefetch = 0 : i64, scratch_operands = 0 : i64, tpu.core_type = #tpu.core_type<tc>, window_params = [{transform_indices = @transform_0, window_bounds = array<i64: 1024, 128>}, {transform_indices = @transform_1, window_bounds = array<i64: 1024, 128>}, {transform_indices = @transform_2, window_bounds = array<i64: 1024, 128>}, {transform_indices = @transform_3, window_bounds = array<i64: 1024, 128>}]} {
    %get3A = arith.constant 0 : index
    %get3A_0 = arith.constant 0 : index
    %get3A_1 = vector.load %arg1[%get3A, %get3A_0] : memref<1024x128xf32, #tpu.memory_space<vmem>>, vector<1024x128xf32>
    %get3A_2 = arith.constant 0 : index
    %get3A_3 = arith.constant 0 : index
    %get3A_4 = vector.load %arg2[%get3A_2, %get3A_3] : memref<1024x128xf32, #tpu.memory_space<vmem>>, vector<1024x128xf32>
    %add3A = arith.addf %get3A_1, %get3A_4 : vector<1024x128xf32>
    %get3A_5 = arith.constant 0 : index
    %get3A_6 = arith.constant 0 : index
    %get3A_7 = vector.load %arg3[%get3A_5, %get3A_6] : memref<1024x128xf32, #tpu.memory_space<vmem>>, vector<1024x128xf32>
    %add3A_8 = arith.addf %add3A, %get3A_7 : vector<1024x128xf32>
    %swap3A = arith.constant 0 : index
    %swap3A_9 = arith.constant 0 : index
    %swap3A_10 = vector.load %arg4[%swap3A, %swap3A_9] : memref<1024x128xf32, #tpu.memory_space<vmem>>, vector<1024x128xf32>
    tpu.vector_store %arg4[%swap3A, %swap3A_9], %add3A_8 {strides = array<i32>} : memref<1024x128xf32, #tpu.memory_space<vmem>>, vector<1024x128xf32>,
    return
  }
  func.func @transform_0(%arg0: i32) -> (i32, i32) {
    %c0_i32 = arith.constant 0 : i32
    %c0_i32_0 = arith.constant 0 : i32
    return %arg0, %c0_i32 : i32, i32
  }
  func.func @transform_1(%arg0: i32) -> (i32, i32) {
    %c0_i32 = arith.constant 0 : i32
    %c0_i32_0 = arith.constant 0 : i32
    return %arg0, %c0_i32 : i32, i32
  }
  func.func @transform_2(%arg0: i32) -> (i32, i32) {
    %c0_i32 = arith.constant 0 : i32
    %c0_i32_0 = arith.constant 0 : i32
    return %arg0, %c0_i32 : i32, i32
  }
  func.func @transform_3(%arg0: i32) -> (i32, i32) {
    %c0_i32 = arith.constant 0 : i32
    %c0_i32_0 = arith.constant 0 : i32
    return %arg0, %c0_i32 : i32, i32
  }
}

module attributes {stable_mosaic.version = 14 : i64} {
  func.func @body(%arg0: i32, %arg1: memref<2048x128xf32, #tpu.memory_space<vmem>>, %arg2: memref<2048x128xf32, #tpu.memory_space<vmem>>, %arg3: memref<2048x64xf32, #tpu.memory_space<vmem>>, %arg4: memref<128x64xf32, #tpu.memory_space<vmem>>, %arg5: memref<1x64xf32, #tpu.memory_space<vmem>>, %arg6: memref<64x64xf32, #tpu.memory_space<vmem>>, %arg7: memref<1x64xf32, #tpu.memory_space<vmem>>, %arg8: memref<64x64xf32, #tpu.memory_space<vmem>>, %arg9: memref<1x64xf32, #tpu.memory_space<vmem>>, %arg10: memref<64x64xf32, #tpu.memory_space<vmem>>, %arg11: memref<1x64xf32, #tpu.memory_space<vmem>>, %arg12: memref<64x64xf32, #tpu.memory_space<vmem>>, %arg13: memref<1x64xf32, #tpu.memory_space<vmem>>, %arg14: memref<64x128xf32, #tpu.memory_space<vmem>>, %arg15: memref<1x128xf32, #tpu.memory_space<vmem>>, %arg16: memref<2048x128xf32, #tpu.memory_space<vmem>>) attributes {dimension_semantics = [#tpu.dimension_semantics<arbitrary>], iteration_bounds = array<i64: 160>, scalar_prefetch = 0 : i64, scratch_operands = 0 : i64, tpu.core_type = #tpu.core_type<tc>, window_params = [{transform_indices = @transform_0, window_bounds = array<i64: 2048, 128>}, {transform_indices = @transform_1, window_bounds = array<i64: 2048, 128>}, {transform_indices = @transform_2, window_bounds = array<i64: 2048, 64>}, {pipeline_mode = #tpu.pipeline_mode<synchronous>, transform_indices = @transform_3, window_bounds = array<i64: 128, 64>}, {pipeline_mode = #tpu.pipeline_mode<synchronous>, transform_indices = @transform_4, window_bounds = array<i64: 1, 64>}, {pipeline_mode = #tpu.pipeline_mode<synchronous>, transform_indices = @transform_5, window_bounds = array<i64: 64, 64>}, {pipeline_mode = #tpu.pipeline_mode<synchronous>, transform_indices = @transform_6, window_bounds = array<i64: 1, 64>}, {pipeline_mode = #tpu.pipeline_mode<synchronous>, transform_indices = @transform_7, window_bounds = array<i64: 64, 64>}, {pipeline_mode = #tpu.pipeline_mode<synchronous>, transform_indices = @transform_8, window_bounds = array<i64: 1, 64>}, {pipeline_mode = #tpu.pipeline_mode<synchronous>, transform_indices = @transform_9, window_bounds = array<i64: 64, 64>}, {pipeline_mode = #tpu.pipeline_mode<synchronous>, transform_indices = @transform_10, window_bounds = array<i64: 1, 64>}, {pipeline_mode = #tpu.pipeline_mode<synchronous>, transform_indices = @transform_11, window_bounds = array<i64: 64, 64>}, {pipeline_mode = #tpu.pipeline_mode<synchronous>, transform_indices = @transform_12, window_bounds = array<i64: 1, 64>}, {pipeline_mode = #tpu.pipeline_mode<synchronous>, transform_indices = @transform_13, window_bounds = array<i64: 64, 128>}, {pipeline_mode = #tpu.pipeline_mode<synchronous>, transform_indices = @transform_14, window_bounds = array<i64: 1, 128>}, {transform_indices = @transform_15, window_bounds = array<i64: 2048, 128>}]} {
    %get3A = arith.constant 0 : index
    %get3A_0 = arith.constant 0 : index
    %get3A_1 = vector.load %arg1[%get3A, %get3A_0] : memref<2048x128xf32, #tpu.memory_space<vmem>>, vector<2048x128xf32>
    %get3A_2 = arith.constant 0 : index
    %get3A_3 = arith.constant 0 : index
    %get3A_4 = vector.load %arg2[%get3A_2, %get3A_3] : memref<2048x128xf32, #tpu.memory_space<vmem>>, vector<2048x128xf32>
    %mul3A = arith.mulf %get3A_1, %get3A_4 : vector<2048x128xf32>
    %get3A_5 = arith.constant 0 : index
    %get3A_6 = arith.constant 0 : index
    %get3A_7 = vector.load %arg4[%get3A_5, %get3A_6] : memref<128x64xf32, #tpu.memory_space<vmem>>, vector<128x64xf32>
    %dot_general3A = arith.constant dense<0.000000e+00> : vector<2048x64xf32>
    %dot_general3A_8 = tpu.matmul %mul3A, %get3A_7, %dot_general3A {dimension_numbers = #tpu.dot_dimension_numbers<[1], [0], [0], [1], [0, 0, 1, 1], [], []>, transpose_lhs_hint = false} : vector<2048x128xf32>, vector<128x64xf32>, vector<2048x64xf32> -> vector<2048x64xf32>
    %get3A_9 = arith.constant 0 : index
    %get3A_10 = arith.constant 0 : index
    %get3A_11 = vector.load %arg5[%get3A_9, %get3A_10] : memref<1x64xf32, #tpu.memory_space<vmem>>, vector<1x64xf32>
    %add3A = vector.broadcast %get3A_11 : vector<1x64xf32> to vector<2048x64xf32>
    %add3A_12 = arith.addf %dot_general3A_8, %add3A : vector<2048x64xf32>
    %max3A = arith.constant 0.000000e+00 : f32
    %max3A_13 = vector.broadcast %max3A : f32 to vector<2048x64xf32>
    %max3A_14 = arith.maximumf %add3A_12, %max3A_13 : vector<2048x64xf32>
    %abs3A = math.absf %add3A_12 : vector<2048x64xf32>
    %neg3A = arith.constant 0.000000e+00 : f32
    %neg3A_15 = vector.broadcast %neg3A : f32 to vector<2048x64xf32>
    %neg3A_16 = arith.subf %neg3A_15, %abs3A : vector<2048x64xf32>
    %exp3A = math.exp %neg3A_16 : vector<2048x64xf32>
    %log1p3A = math.log1p %exp3A : vector<2048x64xf32>
    %add3A_17 = arith.addf %max3A_14, %log1p3A : vector<2048x64xf32>
    %get3A_18 = arith.constant 0 : index
    %get3A_19 = arith.constant 0 : index
    %get3A_20 = vector.load %arg6[%get3A_18, %get3A_19] : memref<64x64xf32, #tpu.memory_space<vmem>>, vector<64x64xf32>
    %dot_general3A_21 = arith.constant dense<0.000000e+00> : vector<2048x64xf32>
    %dot_general3A_22 = tpu.matmul %add3A_17, %get3A_20, %dot_general3A_21 {dimension_numbers = #tpu.dot_dimension_numbers<[1], [0], [0], [1], [0, 0, 1, 1], [], []>, transpose_lhs_hint = false} : vector<2048x64xf32>, vector<64x64xf32>, vector<2048x64xf32> -> vector<2048x64xf32>
    %get3A_23 = arith.constant 0 : index
    %get3A_24 = arith.constant 0 : index
    %get3A_25 = vector.load %arg7[%get3A_23, %get3A_24] : memref<1x64xf32, #tpu.memory_space<vmem>>, vector<1x64xf32>
    %add3A_26 = vector.broadcast %get3A_25 : vector<1x64xf32> to vector<2048x64xf32>
    %add3A_27 = arith.addf %dot_general3A_22, %add3A_26 : vector<2048x64xf32>
    %max3A_28 = arith.constant 0.000000e+00 : f32
    %max3A_29 = vector.broadcast %max3A_28 : f32 to vector<2048x64xf32>
    %max3A_30 = arith.maximumf %add3A_27, %max3A_29 : vector<2048x64xf32>
    %abs3A_31 = math.absf %add3A_27 : vector<2048x64xf32>
    %neg3A_32 = arith.constant 0.000000e+00 : f32
    %neg3A_33 = vector.broadcast %neg3A_32 : f32 to vector<2048x64xf32>
    %neg3A_34 = arith.subf %neg3A_33, %abs3A_31 : vector<2048x64xf32>
    %exp3A_35 = math.exp %neg3A_34 : vector<2048x64xf32>
    %log1p3A_36 = math.log1p %exp3A_35 : vector<2048x64xf32>
    %add3A_37 = arith.addf %max3A_30, %log1p3A_36 : vector<2048x64xf32>
    %get3A_38 = arith.constant 0 : index
    %get3A_39 = arith.constant 0 : index
    %get3A_40 = vector.load %arg8[%get3A_38, %get3A_39] : memref<64x64xf32, #tpu.memory_space<vmem>>, vector<64x64xf32>
    %dot_general3A_41 = arith.constant dense<0.000000e+00> : vector<2048x64xf32>
    %dot_general3A_42 = tpu.matmul %add3A_37, %get3A_40, %dot_general3A_41 {dimension_numbers = #tpu.dot_dimension_numbers<[1], [0], [0], [1], [0, 0, 1, 1], [], []>, transpose_lhs_hint = false} : vector<2048x64xf32>, vector<64x64xf32>, vector<2048x64xf32> -> vector<2048x64xf32>
    %get3A_43 = arith.constant 0 : index
    %get3A_44 = arith.constant 0 : index
    %get3A_45 = vector.load %arg9[%get3A_43, %get3A_44] : memref<1x64xf32, #tpu.memory_space<vmem>>, vector<1x64xf32>
    %add3A_46 = vector.broadcast %get3A_45 : vector<1x64xf32> to vector<2048x64xf32>
    %add3A_47 = arith.addf %dot_general3A_42, %add3A_46 : vector<2048x64xf32>
    %get3A_48 = arith.constant 0 : index
    %get3A_49 = arith.constant 0 : index
    %get3A_50 = vector.load %arg3[%get3A_48, %get3A_49] : memref<2048x64xf32, #tpu.memory_space<vmem>>, vector<2048x64xf32>
    %add3A_51 = arith.addf %add3A_47, %get3A_50 : vector<2048x64xf32>
    %get3A_52 = arith.constant 0 : index
    %get3A_53 = arith.constant 0 : index
    %get3A_54 = vector.load %arg10[%get3A_52, %get3A_53] : memref<64x64xf32, #tpu.memory_space<vmem>>, vector<64x64xf32>
    %dot_general3A_55 = arith.constant dense<0.000000e+00> : vector<2048x64xf32>
    %dot_general3A_56 = tpu.matmul %add3A_51, %get3A_54, %dot_general3A_55 {dimension_numbers = #tpu.dot_dimension_numbers<[1], [0], [0], [1], [0, 0, 1, 1], [], []>, transpose_lhs_hint = false} : vector<2048x64xf32>, vector<64x64xf32>, vector<2048x64xf32> -> vector<2048x64xf32>
    %get3A_57 = arith.constant 0 : index
    %get3A_58 = arith.constant 0 : index
    %get3A_59 = vector.load %arg11[%get3A_57, %get3A_58] : memref<1x64xf32, #tpu.memory_space<vmem>>, vector<1x64xf32>
    %add3A_60 = vector.broadcast %get3A_59 : vector<1x64xf32> to vector<2048x64xf32>
    %add3A_61 = arith.addf %dot_general3A_56, %add3A_60 : vector<2048x64xf32>
    %max3A_62 = arith.constant 0.000000e+00 : f32
    %max3A_63 = vector.broadcast %max3A_62 : f32 to vector<2048x64xf32>
    %max3A_64 = arith.maximumf %add3A_61, %max3A_63 : vector<2048x64xf32>
    %abs3A_65 = math.absf %add3A_61 : vector<2048x64xf32>
    %neg3A_66 = arith.constant 0.000000e+00 : f32
    %neg3A_67 = vector.broadcast %neg3A_66 : f32 to vector<2048x64xf32>
    %neg3A_68 = arith.subf %neg3A_67, %abs3A_65 : vector<2048x64xf32>
    %exp3A_69 = math.exp %neg3A_68 : vector<2048x64xf32>
    %log1p3A_70 = math.log1p %exp3A_69 : vector<2048x64xf32>
    %add3A_71 = arith.addf %max3A_64, %log1p3A_70 : vector<2048x64xf32>
    %get3A_72 = arith.constant 0 : index
    %get3A_73 = arith.constant 0 : index
    %get3A_74 = vector.load %arg12[%get3A_72, %get3A_73] : memref<64x64xf32, #tpu.memory_space<vmem>>, vector<64x64xf32>
    %dot_general3A_75 = arith.constant dense<0.000000e+00> : vector<2048x64xf32>
    %dot_general3A_76 = tpu.matmul %add3A_71, %get3A_74, %dot_general3A_75 {dimension_numbers = #tpu.dot_dimension_numbers<[1], [0], [0], [1], [0, 0, 1, 1], [], []>, transpose_lhs_hint = false} : vector<2048x64xf32>, vector<64x64xf32>, vector<2048x64xf32> -> vector<2048x64xf32>
    %get3A_77 = arith.constant 0 : index
    %get3A_78 = arith.constant 0 : index
    %get3A_79 = vector.load %arg13[%get3A_77, %get3A_78] : memref<1x64xf32, #tpu.memory_space<vmem>>, vector<1x64xf32>
    %add3A_80 = vector.broadcast %get3A_79 : vector<1x64xf32> to vector<2048x64xf32>
    %add3A_81 = arith.addf %dot_general3A_76, %add3A_80 : vector<2048x64xf32>
    %max3A_82 = arith.constant 0.000000e+00 : f32
    %max3A_83 = vector.broadcast %max3A_82 : f32 to vector<2048x64xf32>
    %max3A_84 = arith.maximumf %add3A_81, %max3A_83 : vector<2048x64xf32>
    %abs3A_85 = math.absf %add3A_81 : vector<2048x64xf32>
    %neg3A_86 = arith.constant 0.000000e+00 : f32
    %neg3A_87 = vector.broadcast %neg3A_86 : f32 to vector<2048x64xf32>
    %neg3A_88 = arith.subf %neg3A_87, %abs3A_85 : vector<2048x64xf32>
    %exp3A_89 = math.exp %neg3A_88 : vector<2048x64xf32>
    %log1p3A_90 = math.log1p %exp3A_89 : vector<2048x64xf32>
    %add3A_91 = arith.addf %max3A_84, %log1p3A_90 : vector<2048x64xf32>
    %get3A_92 = arith.constant 0 : index
    %get3A_93 = arith.constant 0 : index
    %get3A_94 = vector.load %arg14[%get3A_92, %get3A_93] : memref<64x128xf32, #tpu.memory_space<vmem>>, vector<64x128xf32>
    %dot_general3A_95 = arith.constant dense<0.000000e+00> : vector<2048x128xf32>
    %dot_general3A_96 = tpu.matmul %add3A_91, %get3A_94, %dot_general3A_95 {dimension_numbers = #tpu.dot_dimension_numbers<[1], [0], [0], [1], [0, 0, 1, 1], [], []>, transpose_lhs_hint = false} : vector<2048x64xf32>, vector<64x128xf32>, vector<2048x128xf32> -> vector<2048x128xf32>
    %get3A_97 = arith.constant 0 : index
    %get3A_98 = arith.constant 0 : index
    %get3A_99 = vector.load %arg15[%get3A_97, %get3A_98] : memref<1x128xf32, #tpu.memory_space<vmem>>, vector<1x128xf32>
    %add3A_100 = vector.broadcast %get3A_99 : vector<1x128xf32> to vector<2048x128xf32>
    %add3A_101 = arith.addf %dot_general3A_96, %add3A_100 : vector<2048x128xf32>
    %swap3A = arith.constant 0 : index
    %swap3A_102 = arith.constant 0 : index
    %swap3A_103 = vector.load %arg16[%swap3A, %swap3A_102] : memref<2048x128xf32, #tpu.memory_space<vmem>>, vector<2048x128xf32>
    tpu.vector_store %arg16[%swap3A, %swap3A_102], %add3A_101 {strides = array<i32>} : memref<2048x128xf32, #tpu.memory_space<vmem>>, vector<2048x128xf32>,
    return
  }
  func.func @transform_0(%arg0: i32) -> (i32, i32) {
    %c0_i32 = arith.constant 0 : i32
    %c0_i32_0 = arith.constant 0 : i32
    return %arg0, %c0_i32 : i32, i32
  }
  func.func @transform_1(%arg0: i32) -> (i32, i32) {
    %c0_i32 = arith.constant 0 : i32
    %c0_i32_0 = arith.constant 0 : i32
    return %arg0, %c0_i32 : i32, i32
  }
  func.func @transform_2(%arg0: i32) -> (i32, i32) {
    %c0_i32 = arith.constant 0 : i32
    %c0_i32_0 = arith.constant 0 : i32
    return %arg0, %c0_i32 : i32, i32
  }
  func.func @transform_3(%arg0: i32) -> (i32, i32) {
    %c0_i32 = arith.constant 0 : i32
    %c0_i32_0 = arith.constant 0 : i32
    %c0_i32_1 = arith.constant 0 : i32
    return %c0_i32, %c0_i32_0 : i32, i32
  }
  func.func @transform_4(%arg0: i32) -> (i32, i32) {
    %c0_i32 = arith.constant 0 : i32
    %c0_i32_0 = arith.constant 0 : i32
    %c0_i32_1 = arith.constant 0 : i32
    return %c0_i32, %c0_i32_0 : i32, i32
  }
  func.func @transform_5(%arg0: i32) -> (i32, i32) {
    %c0_i32 = arith.constant 0 : i32
    %c0_i32_0 = arith.constant 0 : i32
    %c0_i32_1 = arith.constant 0 : i32
    return %c0_i32, %c0_i32_0 : i32, i32
  }
  func.func @transform_6(%arg0: i32) -> (i32, i32) {
    %c0_i32 = arith.constant 0 : i32
    %c0_i32_0 = arith.constant 0 : i32
    %c0_i32_1 = arith.constant 0 : i32
    return %c0_i32, %c0_i32_0 : i32, i32
  }
  func.func @transform_7(%arg0: i32) -> (i32, i32) {
    %c0_i32 = arith.constant 0 : i32
    %c0_i32_0 = arith.constant 0 : i32
    %c0_i32_1 = arith.constant 0 : i32
    return %c0_i32, %c0_i32_0 : i32, i32
  }
  func.func @transform_8(%arg0: i32) -> (i32, i32) {
    %c0_i32 = arith.constant 0 : i32
    %c0_i32_0 = arith.constant 0 : i32
    %c0_i32_1 = arith.constant 0 : i32
    return %c0_i32, %c0_i32_0 : i32, i32
  }
  func.func @transform_9(%arg0: i32) -> (i32, i32) {
    %c0_i32 = arith.constant 0 : i32
    %c0_i32_0 = arith.constant 0 : i32
    %c0_i32_1 = arith.constant 0 : i32
    return %c0_i32, %c0_i32_0 : i32, i32
  }
  func.func @transform_10(%arg0: i32) -> (i32, i32) {
    %c0_i32 = arith.constant 0 : i32
    %c0_i32_0 = arith.constant 0 : i32
    %c0_i32_1 = arith.constant 0 : i32
    return %c0_i32, %c0_i32_0 : i32, i32
  }
  func.func @transform_11(%arg0: i32) -> (i32, i32) {
    %c0_i32 = arith.constant 0 : i32
    %c0_i32_0 = arith.constant 0 : i32
    %c0_i32_1 = arith.constant 0 : i32
    return %c0_i32, %c0_i32_0 : i32, i32
  }
  func.func @transform_12(%arg0: i32) -> (i32, i32) {
    %c0_i32 = arith.constant 0 : i32
    %c0_i32_0 = arith.constant 0 : i32
    %c0_i32_1 = arith.constant 0 : i32
    return %c0_i32, %c0_i32_0 : i32, i32
  }
  func.func @transform_13(%arg0: i32) -> (i32, i32) {
    %c0_i32 = arith.constant 0 : i32
    %c0_i32_0 = arith.constant 0 : i32
    %c0_i32_1 = arith.constant 0 : i32
    return %c0_i32, %c0_i32_0 : i32, i32
  }
  func.func @transform_14(%arg0: i32) -> (i32, i32) {
    %c0_i32 = arith.constant 0 : i32
    %c0_i32_0 = arith.constant 0 : i32
    %c0_i32_1 = arith.constant 0 : i32
    return %c0_i32, %c0_i32_0 : i32, i32
  }
  func.func @transform_15(%arg0: i32) -> (i32, i32) {
    %c0_i32 = arith.constant 0 : i32
    %c0_i32_0 = arith.constant 0 : i32
    return %arg0, %c0_i32 : i32, i32
  }
}

module attributes {stable_mosaic.version = 14 : i64} {
  func.func @body(%arg0: i32, %arg1: memref<1024x8xf32, #tpu.memory_space<vmem>>, %arg2: memref<1024x8xf32, #tpu.memory_space<vmem>>, %arg3: memref<1024x8xf32, #tpu.memory_space<vmem>>, %arg4: memref<8x8xf32, #tpu.memory_space<vmem>>, %arg5: memref<1x8xf32, #tpu.memory_space<vmem>>, %arg6: memref<8x8xf32, #tpu.memory_space<vmem>>, %arg7: memref<1x8xf32, #tpu.memory_space<vmem>>, %arg8: memref<8x8xf32, #tpu.memory_space<vmem>>, %arg9: memref<1x8xf32, #tpu.memory_space<vmem>>, %arg10: memref<1024x8xf32, #tpu.memory_space<vmem>>, %arg11: memref<1024x8xf32, #tpu.memory_space<vmem>>) attributes {dimension_semantics = [#tpu.dimension_semantics<arbitrary>], iteration_bounds = array<i64: 10>, scalar_prefetch = 0 : i64, scratch_operands = 0 : i64, tpu.core_type = #tpu.core_type<tc>, window_params = [{transform_indices = @transform_0, window_bounds = array<i64: 1024, 8>}, {transform_indices = @transform_1, window_bounds = array<i64: 1024, 8>}, {transform_indices = @transform_2, window_bounds = array<i64: 1024, 8>}, {pipeline_mode = #tpu.pipeline_mode<synchronous>, transform_indices = @transform_3, window_bounds = array<i64: 8, 8>}, {pipeline_mode = #tpu.pipeline_mode<synchronous>, transform_indices = @transform_4, window_bounds = array<i64: 1, 8>}, {pipeline_mode = #tpu.pipeline_mode<synchronous>, transform_indices = @transform_5, window_bounds = array<i64: 8, 8>}, {pipeline_mode = #tpu.pipeline_mode<synchronous>, transform_indices = @transform_6, window_bounds = array<i64: 1, 8>}, {pipeline_mode = #tpu.pipeline_mode<synchronous>, transform_indices = @transform_7, window_bounds = array<i64: 8, 8>}, {pipeline_mode = #tpu.pipeline_mode<synchronous>, transform_indices = @transform_8, window_bounds = array<i64: 1, 8>}, {transform_indices = @transform_9, window_bounds = array<i64: 1024, 8>}, {transform_indices = @transform_10, window_bounds = array<i64: 1024, 8>}]} {
    %get3A = arith.constant 0 : index
    %get3A_0 = arith.constant 0 : index
    %get3A_1 = vector.load %arg1[%get3A, %get3A_0] : memref<1024x8xf32, #tpu.memory_space<vmem>>, vector<1024x8xf32>
    %get3A_2 = arith.constant 0 : index
    %get3A_3 = arith.constant 0 : index
    %get3A_4 = vector.load %arg2[%get3A_2, %get3A_3] : memref<1024x8xf32, #tpu.memory_space<vmem>>, vector<1024x8xf32>
    %sub3A = arith.subf %get3A_1, %get3A_4 : vector<1024x8xf32>
    %swap3A = arith.constant 0 : index
    %swap3A_5 = arith.constant 0 : index
    %swap3A_6 = vector.load %arg10[%swap3A, %swap3A_5] : memref<1024x8xf32, #tpu.memory_space<vmem>>, vector<1024x8xf32>
    tpu.vector_store %arg10[%swap3A, %swap3A_5], %sub3A {strides = array<i32>} : memref<1024x8xf32, #tpu.memory_space<vmem>>, vector<1024x8xf32>,
    %get3A_7 = arith.constant 0 : index
    %get3A_8 = arith.constant 0 : index
    %get3A_9 = vector.load %arg3[%get3A_7, %get3A_8] : memref<1024x8xf32, #tpu.memory_space<vmem>>, vector<1024x8xf32>
    %get3A_10 = arith.constant 0 : index
    %get3A_11 = arith.constant 0 : index
    %get3A_12 = vector.load %arg4[%get3A_10, %get3A_11] : memref<8x8xf32, #tpu.memory_space<vmem>>, vector<8x8xf32>
    %dot_general3A = arith.constant dense<0.000000e+00> : vector<1024x8xf32>
    %dot_general3A_13 = tpu.matmul %get3A_9, %get3A_12, %dot_general3A {dimension_numbers = #tpu.dot_dimension_numbers<[1], [0], [0], [1], [0, 0, 1, 1], [], []>, transpose_lhs_hint = false} : vector<1024x8xf32>, vector<8x8xf32>, vector<1024x8xf32> -> vector<1024x8xf32>
    %get3A_14 = arith.constant 0 : index
    %get3A_15 = arith.constant 0 : index
    %get3A_16 = vector.load %arg5[%get3A_14, %get3A_15] : memref<1x8xf32, #tpu.memory_space<vmem>>, vector<1x8xf32>
    %add3A = vector.broadcast %get3A_16 : vector<1x8xf32> to vector<1024x8xf32>
    %add3A_17 = arith.addf %dot_general3A_13, %add3A : vector<1024x8xf32>
    %max3A = arith.constant 0.000000e+00 : f32
    %max3A_18 = vector.broadcast %max3A : f32 to vector<1024x8xf32>
    %max3A_19 = arith.maximumf %add3A_17, %max3A_18 : vector<1024x8xf32>
    %abs3A = math.absf %add3A_17 : vector<1024x8xf32>
    %neg3A = arith.constant 0.000000e+00 : f32
    %neg3A_20 = vector.broadcast %neg3A : f32 to vector<1024x8xf32>
    %neg3A_21 = arith.subf %neg3A_20, %abs3A : vector<1024x8xf32>
    %exp3A = math.exp %neg3A_21 : vector<1024x8xf32>
    %log1p3A = math.log1p %exp3A : vector<1024x8xf32>
    %add3A_22 = arith.addf %max3A_19, %log1p3A : vector<1024x8xf32>
    %get3A_23 = arith.constant 0 : index
    %get3A_24 = arith.constant 0 : index
    %get3A_25 = vector.load %arg6[%get3A_23, %get3A_24] : memref<8x8xf32, #tpu.memory_space<vmem>>, vector<8x8xf32>
    %dot_general3A_26 = arith.constant dense<0.000000e+00> : vector<1024x8xf32>
    %dot_general3A_27 = tpu.matmul %add3A_22, %get3A_25, %dot_general3A_26 {dimension_numbers = #tpu.dot_dimension_numbers<[1], [0], [0], [1], [0, 0, 1, 1], [], []>, transpose_lhs_hint = false} : vector<1024x8xf32>, vector<8x8xf32>, vector<1024x8xf32> -> vector<1024x8xf32>
    %get3A_28 = arith.constant 0 : index
    %get3A_29 = arith.constant 0 : index
    %get3A_30 = vector.load %arg7[%get3A_28, %get3A_29] : memref<1x8xf32, #tpu.memory_space<vmem>>, vector<1x8xf32>
    %add3A_31 = vector.broadcast %get3A_30 : vector<1x8xf32> to vector<1024x8xf32>
    %add3A_32 = arith.addf %dot_general3A_27, %add3A_31 : vector<1024x8xf32>
    %max3A_33 = arith.constant 0.000000e+00 : f32
    %max3A_34 = vector.broadcast %max3A_33 : f32 to vector<1024x8xf32>
    %max3A_35 = arith.maximumf %add3A_32, %max3A_34 : vector<1024x8xf32>
    %abs3A_36 = math.absf %add3A_32 : vector<1024x8xf32>
    %neg3A_37 = arith.constant 0.000000e+00 : f32
    %neg3A_38 = vector.broadcast %neg3A_37 : f32 to vector<1024x8xf32>
    %neg3A_39 = arith.subf %neg3A_38, %abs3A_36 : vector<1024x8xf32>
    %exp3A_40 = math.exp %neg3A_39 : vector<1024x8xf32>
    %log1p3A_41 = math.log1p %exp3A_40 : vector<1024x8xf32>
    %add3A_42 = arith.addf %max3A_35, %log1p3A_41 : vector<1024x8xf32>
    %get3A_43 = arith.constant 0 : index
    %get3A_44 = arith.constant 0 : index
    %get3A_45 = vector.load %arg8[%get3A_43, %get3A_44] : memref<8x8xf32, #tpu.memory_space<vmem>>, vector<8x8xf32>
    %dot_general3A_46 = arith.constant dense<0.000000e+00> : vector<1024x8xf32>
    %dot_general3A_47 = tpu.matmul %add3A_42, %get3A_45, %dot_general3A_46 {dimension_numbers = #tpu.dot_dimension_numbers<[1], [0], [0], [1], [0, 0, 1, 1], [], []>, transpose_lhs_hint = false} : vector<1024x8xf32>, vector<8x8xf32>, vector<1024x8xf32> -> vector<1024x8xf32>
    %get3A_48 = arith.constant 0 : index
    %get3A_49 = arith.constant 0 : index
    %get3A_50 = vector.load %arg9[%get3A_48, %get3A_49] : memref<1x8xf32, #tpu.memory_space<vmem>>, vector<1x8xf32>
    %add3A_51 = vector.broadcast %get3A_50 : vector<1x8xf32> to vector<1024x8xf32>
    %add3A_52 = arith.addf %dot_general3A_47, %add3A_51 : vector<1024x8xf32>
    %max3A_53 = arith.constant 0.000000e+00 : f32
    %max3A_54 = vector.broadcast %max3A_53 : f32 to vector<1024x8xf32>
    %max3A_55 = arith.maximumf %add3A_52, %max3A_54 : vector<1024x8xf32>
    %abs3A_56 = math.absf %add3A_52 : vector<1024x8xf32>
    %neg3A_57 = arith.constant 0.000000e+00 : f32
    %neg3A_58 = vector.broadcast %neg3A_57 : f32 to vector<1024x8xf32>
    %neg3A_59 = arith.subf %neg3A_58, %abs3A_56 : vector<1024x8xf32>
    %exp3A_60 = math.exp %neg3A_59 : vector<1024x8xf32>
    %log1p3A_61 = math.log1p %exp3A_60 : vector<1024x8xf32>
    %add3A_62 = arith.addf %max3A_55, %log1p3A_61 : vector<1024x8xf32>
    %swap3A_63 = arith.constant 0 : index
    %swap3A_64 = arith.constant 0 : index
    %swap3A_65 = vector.load %arg11[%swap3A_63, %swap3A_64] : memref<1024x8xf32, #tpu.memory_space<vmem>>, vector<1024x8xf32>
    tpu.vector_store %arg11[%swap3A_63, %swap3A_64], %add3A_62 {strides = array<i32>} : memref<1024x8xf32, #tpu.memory_space<vmem>>, vector<1024x8xf32>,
    return
  }
  func.func @transform_0(%arg0: i32) -> (i32, i32) {
    %c0_i32 = arith.constant 0 : i32
    %c0_i32_0 = arith.constant 0 : i32
    return %arg0, %c0_i32 : i32, i32
  }
  func.func @transform_1(%arg0: i32) -> (i32, i32) {
    %c0_i32 = arith.constant 0 : i32
    %c0_i32_0 = arith.constant 0 : i32
    return %arg0, %c0_i32 : i32, i32
  }
  func.func @transform_2(%arg0: i32) -> (i32, i32) {
    %c0_i32 = arith.constant 0 : i32
    %c0_i32_0 = arith.constant 0 : i32
    return %arg0, %c0_i32 : i32, i32
  }
  func.func @transform_3(%arg0: i32) -> (i32, i32) {
    %c0_i32 = arith.constant 0 : i32
    %c0_i32_0 = arith.constant 0 : i32
    %c0_i32_1 = arith.constant 0 : i32
    return %c0_i32, %c0_i32_0 : i32, i32
  }
  func.func @transform_4(%arg0: i32) -> (i32, i32) {
    %c0_i32 = arith.constant 0 : i32
    %c0_i32_0 = arith.constant 0 : i32
    %c0_i32_1 = arith.constant 0 : i32
    return %c0_i32, %c0_i32_0 : i32, i32
  }
  func.func @transform_5(%arg0: i32) -> (i32, i32) {
    %c0_i32 = arith.constant 0 : i32
    %c0_i32_0 = arith.constant 0 : i32
    %c0_i32_1 = arith.constant 0 : i32
    return %c0_i32, %c0_i32_0 : i32, i32
  }
  func.func @transform_6(%arg0: i32) -> (i32, i32) {
    %c0_i32 = arith.constant 0 : i32
    %c0_i32_0 = arith.constant 0 : i32
    %c0_i32_1 = arith.constant 0 : i32
    return %c0_i32, %c0_i32_0 : i32, i32
  }
  func.func @transform_7(%arg0: i32) -> (i32, i32) {
    %c0_i32 = arith.constant 0 : i32
    %c0_i32_0 = arith.constant 0 : i32
    %c0_i32_1 = arith.constant 0 : i32
    return %c0_i32, %c0_i32_0 : i32, i32
  }
  func.func @transform_8(%arg0: i32) -> (i32, i32) {
    %c0_i32 = arith.constant 0 : i32
    %c0_i32_0 = arith.constant 0 : i32
    %c0_i32_1 = arith.constant 0 : i32
    return %c0_i32, %c0_i32_0 : i32, i32
  }
  func.func @transform_9(%arg0: i32) -> (i32, i32) {
    %c0_i32 = arith.constant 0 : i32
    %c0_i32_0 = arith.constant 0 : i32
    return %arg0, %c0_i32 : i32, i32
  }
  func.func @transform_10(%arg0: i32) -> (i32, i32) {
    %c0_i32 = arith.constant 0 : i32
    %c0_i32_0 = arith.constant 0 : i32
    return %arg0, %c0_i32 : i32, i32
  }
}

</mosaic_0001>

<sc_bundles>
// kernel: kernel.12.cloned.1.call-start
scs
__scs_entry_jumppad:
0x0: {  	(pc) =	sbr.rel $0x88, $3  }
0x1: {  	(tag) =	ssettag $0x0;
	lr =	simm.s32 $0x1  }
0x2: {  	[smem:$0x3F7D] =	sst lr;
	_ =	strace $0xD0000000  }
0x3: {  	_ = 	snop  }
0x4: {  	_ = 	snop  }
0x5: {  	_ = 	snop  }
0x6: {  	_ = 	snop  }
0x7: {  	_ = 	snop  }
__scs_overlays_trampoline_lowered:
0x8: {  	[smem:$0x3F8C] =	sst s0  }
0x9: {  	[smem:$0x3F8D] =	sst s1  }
0xa: {  	[smem:$0x3F8E] =	sst s2  }
0xb: {  	[smem:$0x3F8F] =	sst s3  }
0xc: {  	[smem:$0x3F90] =	sst s4  }
0xd: {  	[smem:$0x3F91] =	sst s5  }
0xe: {  	[smem:$0x3F92] =	sst s6  }
0xf: {  	[smem:$0x3F93] =	sst s7  }
0x10: {  	[smem:$0x3F94] =	sst s8  }
0x11: {  	[smem:$0x3F95] =	sst s9;
	s0 =	simm.s32 @!p0 $0x0  }
0x12: {  	s1 =	sld [smem:$0x3F7B];
	s0 =	simm.s32 @p0 $0x1  }
0x13: {  	[smem:$0x3F96] =	sst s0;
	s0 =	simm.s32 @!p1 $0x0  }
0x14: {  	s2 =	sld [smem:$0x3F7A];
	s0 =	simm.s32 @p1 $0x1  }
0x15: {  	[smem:$0x3F97] =	sst s0;
	s0 =	simm.s32 @!p2 $0x0  }
0x16: {  	s3 =	sld [smem:$0x3FDB];
	s0 =	simm.s32 @p2 $0x1  }
0x17: {  	s4 =	simm.s32 $0x1BF5;
	[smem:$0x3F99] =	sst s0  }
0x18: {  	s0 =	sld [smem:$0x3F7C];
	_ =	swait.ge [sflag:s4], $0x0  }
0x19: {  	s7 =	sld [smem:$0x3F7D]  }
0x1a: {  	s8 =	sadd.s32 $0xFFFFE003, lr  }
0x1b: {  	s9 =	sadd.s32 $0xFFFFFEF7, lr;
	s5 =	simm.s32 $0xFFFFFFFF;
	p2 =	slt.u32 s8, $0xFFFFF086  }
0x1c: {  	p1 =	slt.u32 s9, $0xF7A;
	s5 =	simm.s32 @!p2 $0x0  }
0x1d: {  	s5 =	simm.s32 @p1 $0x1;
	p0 =	seq.s32 s7, s2  }
0x1e: {  	s7 =	smul.u32 @!p0 $0xF7A, s2;
	p2 =	seq.s32 @!p0 s5, $0x0  }
0x1f: {  	s9 =	smul.u32 $0xF7A, s1;
	s8 =	simm.s32 @!p0 $0x1BF5;
	p2 =	por !p2, p0  }
0x20: {  	[sflag:s8] =	ssyncset.s32 @!p0 $0xFFFFF086;
	s6 =	sadd.s32 @!p0 s3, s7;
	s7 =	simm.s32 @!p0 $0x108  }
0x21: {  	s3 =	sadd.s32 s3, s9;
	s6 =	sadd.s32 @!p0 $0x88, s6;
	s7 =	simm.s32 @p2 $0x1082  }
0x22: {  	[simem:s7], [sflag:s8] =	dma.local @!p0 [hbm:s6], $0xF7A  }
0x23: {  	s9 =	sor.u32 $0xD0000000, s2;
	s6 =	simm.s32 $0x108;
	_ =	swait.ge @!p0 [sflag:s8], $0x0  }
0x24: {  	s3 =	sadd.s32 $0x88, s3;
	s6 =	simm.s32 @!p1 $0x1082;
	[sflag:s4] =	ssyncset.s32 $0xFFFFF086  }
0x25: {  	[simem:s6], [sflag:s4] =	dma.local [hbm:s3], $0xF7A  }
0x26: {  	[smem:$0x3F7D] =	sst s1;
	(tag) =	ssettag s2;
	_ =	strace s9  }
0x27: {  	s1 =	sld [smem:$0x3F8D]  }
0x28: {  	s2 =	sld [smem:$0x3F8E]  }
0x29: {  	s4 =	sld [smem:$0x3F90]  }
0x2a: {  	p0 =	seq.s32 s5, $0x0;
	s5 =	sld [smem:$0x3F91]  }
0x2b: {  	s6 =	sld [smem:$0x3F92]  }
0x2c: {  	s7 =	sld [smem:$0x3F93]  }
0x2d: {  	s3 =	simm.s32 $0x108;
	s8 =	sld [smem:$0x3F94]  }
0x2e: {  	s3 =	simm.s32 @!p0 $0x1082;
	s9 =	sld [smem:$0x3F95]  }
0x2f: {  	lr =	sadd.s32 s0, s3;
	s0 =	sld [smem:$0x3F8C]  }
0x30: {  	s3 =	sld [smem:$0x3F8F]  }
0x31: {  	[smem:$0x3F98] =	sst s10  }
0x32: {  	s10 =	sld [smem:$0x3F96];
	_ =	sdelay $0x3  }
0x33: {  	p0 =	seq.s32 s10, $0x1;
	s10 =	sld [smem:$0x3F98];
	_ =	sdelay $0x3  }
0x34: {  	[smem:$0x3F98] =	sst s10  }
0x35: {  	s10 =	sld [smem:$0x3F97];
	_ =	sdelay $0x3  }
0x36: {  	p1 =	seq.s32 s10, $0x1;
	s10 =	sld [smem:$0x3F98];
	_ =	sdelay $0x3  }
0x37: {  	[smem:$0x3F98] =	sst s10  }
0x38: {  	s10 =	sld [smem:$0x3F99]  }
0x39: {  	_ = 	snop;
	(pc) =	sbr.ind lr, $3  }
0x3a: {  	_ = 	snop  }
0x3b: {  	_ = 	snop  }
0x3c: {  	p2 =	seq.s32 s10, $0x1;
	s10 =	sld [smem:$0x3F98]  }
0x3d: {  	_ =	shalt  }
0x3e: {  	_ =	shalt  }
0x3f: {  	_ =	shalt  }
0x40: {  	_ =	shalt  }
0x41: {  	_ =	shalt  }
0x42: {  	_ =	shalt  }
0x43: {  	_ =	shalt  }
0x44: {  	_ =	shalt  }
0x45: {  	_ =	shalt  }
0x46: {  	_ =	shalt  }
0x47: {  	_ =	shalt  }
0x48: {  	_ =	shalt  }
0x49: {  	_ =	shalt  }
0x4a: {  	_ =	shalt  }
0x4b: {  	_ =	shalt  }
0x4c: {  	_ =	shalt  }
0x4d: {  	_ =	shalt  }
0x4e: {  	_ =	shalt  }
0x4f: {  	_ =	shalt  }
0x50: {  	_ =	shalt  }
0x51: {  	_ =	shalt  }
0x52: {  	_ =	shalt  }
0x53: {  	_ =	shalt  }
0x54: {  	_ =	shalt  }
0x55: {  	_ =	shalt  }
0x56: {  	_ =	shalt  }
0x57: {  	_ =	shalt  }
0x58: {  	_ =	shalt  }
0x59: {  	_ =	shalt  }
0x5a: {  	_ =	shalt  }
0x5b: {  	_ =	shalt  }
0x5c: {  	_ =	shalt  }
0x5d: {  	_ =	shalt  }
0x5e: {  	_ =	shalt  }
0x5f: {  	_ =	shalt  }
0x60: {  	_ =	shalt  }
0x61: {  	_ =	shalt  }
0x62: {  	_ =	shalt  }
0x63: {  	_ =	shalt  }
0x64: {  	_ =	shalt  }
0x65: {  	_ =	shalt  }
0x66: {  	_ =	shalt  }
0x67: {  	_ =	shalt  }
0x68: {  	_ =	shalt  }
0x69: {  	_ =	shalt  }
0x6a: {  	_ =	shalt  }
0x6b: {  	_ =	shalt  }
0x6c: {  	_ =	shalt  }
0x6d: {  	_ =	shalt  }
0x6e: {  	_ =	shalt  }
0x6f: {  	_ =	shalt  }
0x70: {  	_ =	shalt  }
0x71: {  	_ =	shalt  }
0x72: {  	_ =	shalt  }
0x73: {  	_ =	shalt  }
0x74: {  	_ =	shalt  }
0x75: {  	_ =	shalt  }
0x76: {  	_ =	shalt  }
0x77: {  	_ =	shalt  }
0x78: {  	_ =	shalt  }
0x79: {  	_ =	shalt  }
0x7a: {  	_ =	shalt  }
0x7b: {  	_ =	shalt  }
0x7c: {  	_ =	shalt  }
0x7d: {  	_ =	shalt  }
0x7e: {  	_ =	shalt  }
0x7f: {  	_ =	shalt  }
0x80: {  	_ =	shalt  }
0x81: {  	_ =	shalt  }
0x82: {  	_ =	shalt  }
0x83: {  	_ =	shalt  }
0x84: {  	_ =	shalt  }
0x85: {  	_ =	shalt  }
0x86: {  	_ =	shalt  }
0x87: {  	_ =	shalt  }
.Lfunc_end0:
.L_simem_size_0:
called_computation_lowered:
.L_overlay_start_0:
0x88: {  	s2 =	sld [smem:$0x3FD9]  }
0x89: {  	s3 =	sld [smem:$0x3FFE];
	_ =	sdelay $0x1  }
0x8a: {  	s1 =	srdreg.scid  }
0x8b: {  	s0 =	sand.u32 $0x1, s1  }
0x8c: {  	s16 =	sshll.u32 s0, $0xA;
	s2 =	sadd.s32 s3, s2  }
0x8d: {  	s2 =	sadd.s32 s2, s16  }
0x8e: {  	[smem:$0x3FA4] =	sst s2  }
0x8f: {  	_ = 	snop  }
0x90: {  	(tm) =	ssettm $0x1  }
0x91: {  	s17 =	sld [smem:$0x3FFB];
	_ =	sdelay $0x3  }
0x92: {  	_ =	strace s17  }
0x93: {  	s2 =	sld [smem:$0x3FFC];
	_ =	sdelay $0x3  }
0x94: {  	_ =	strace s2  }
0x95: {  	s2 =	sld [smem:$0x3FFD];
	_ =	sdelay $0x3  }
0x96: {  	_ =	strace s2  }
0x97: {  	_ =	strace $0x8FFFFFFF  }
0x98: {  	s18 =	sld [smem:$0x3FDB];
	_ =	sdelay $0x1  }
0x99: {  	s19 =	simm.s32 $_scs_section_size  }
0x9a: {  	s4 =	simm.s32 $_size__tile_overlayer_lowered;
	s5 =	simm.s32 $_tile_overlayer_lowered  }
0x9b: {  	s22 =	simm.s32 $0x1BFF;
	s21 =	sshll.u32 s5, $0x1;
	s2 =	sadd.s32 s19, s18  }
0x9c: {  	s6 =	simm.s32 $0x0;
	s20 =	sshll.u32 s4, $0x1;
	s4 =	sadd.s32 s21, s2  }
0x9d: {  	[timem:s6], [sflag:s22] =	dma.local [hbm:s4], s20  }
0x9e: {  	_ =	swait.ge [sflag:s22], s20  }
0x9f: {  	s3 =	ssub.s32 $0x0, s20;
	[sflag:s22] =	ssyncset.done $0x0  }
0xa0: {  	[sflag:s22] =	ssyncadd.s32 s3;
	_ =	sdelay $0x1  }
0xa1: {  	s23 =	simm.s32 $0x1B8B  }
0xa2: {  	_ =	swait.ge [sflag:s23], $0x1  }
0xa3: {  	[sflag:s23] =	ssyncset.done $0x0  }
0xa4: {  	s25 =	simm.s32 $0x1B8E;
	s24 =	sld [smem:$0x3FFE];
	[sflag:s23] =	ssyncadd.s32 $0xFFFFFFFF  }
0xa5: {  	s26 =	simm.s32 $execute0_lowered;
	[smem:$0x3FD2] =	sst s25  }
0xa6: {  	s4 =	sshll.u32 s26, $0x1;
	_ =	strace $0x80000046;
	[dreg:$0x1] =	wrdreg $0xFFFFFFFF  }
0xa7: {  	s28 =	simm.s32 $_size_execute0_lowered;
	s2 =	sadd.s32 s2, s4;
	[dreg:$0x0] =	wrdreg $0x0  }
0xa8: {  	s4 =	sshll.u32 s28, $0x1;
	[dreg:$0x2] =	wrdreg s2  }
0xa9: {  	[dreg:$0x3] =	wrdreg s4  }
0xaa: {  	[dreg:$0x4] =	wrdreg $0xC0  }
0xab: {  	_ =	task [dreg:s6], $0x5FFFF  }
0xac: {  	[dreg:$0x1] =	wrdreg $0xFFFFFFFF  }
0xad: {  	[dreg:$0x0] =	wrdreg $0x60  }
0xae: {  	[dreg:$0x2] =	wrdreg s24  }
0xaf: {  	[dreg:$0x3] =	wrdreg $0x44000  }
0xb0: {  	[dreg:$0x4] =	wrdreg $0x9  }
0xb1: {  	_ =	task.clear_ibuf [dreg:s6], $0x5FFFF;
	_ =	strace $0x90000046  }
0xb2: {  	s29 =	simm.s32 $0x9;
	_ =	strace $0x80000048  }
0xb3: {  	_ =	swait.ge [sflag:s29], $0x1  }
0xb4: {  	[sflag:s29] =	ssyncadd.s32 $0xFFFFFFFF  }
0xb5: {  	_ =	strace $0x90000048  }
0xb6: {  	_ =	sfence  }
0xb7: {  	s30 =	sld [smem:$0x0];
	_ =	sdelay $0x2  }
0xb8: {  	s31 =	sshll.u32 s1, $0xD;
	s1 =	sshrl.u32 s1, $0x2  }
0xb9: {  	s3 =	sand.u32 $0x4000, s31;
	s1 =	sadd.s32 s1, s30  }
0xba: {  	s0 =	sor.u32 s3, s0;
	s1 =	sshll.u32 s1, $0x11  }
0xbb: {  	s0 =	sor.u32 s1, s0  }
0xbc: {  	s0 =	sadd.s32 $0x8F2B, s0  }
0xbd: {  	[sflag:s0] =	ssyncadd.remote.s32 $0x1  }
0xbe: {  	_ =	sfence.sel $0xFFFF  }
0xbf: {  	[dreg:$0x0] =	wrdreg $0xFFFFFFFF;
	(pc) =	sbr.abs _section_cstart, $3  }
0xc0: {  	[dreg:$0x1] =	wrdreg $0xFFFFFFFF  }
0xc1: {  	_ =	task.clear_ibuf [dreg:s6], $0x2FFFF;
	_ =	strace $0x9FFFFFFF  }
0xc2: {  	(tm) =	ssettm $0x7FFFFFFF  }
0xc3: {  	_ =	shalt  }
tec
execute0_lowered:
.L_overlay_start_1:
0x0: {  	(tag) =	ssettag $0x1  }
0x1: {  	s4 =	rddreg [dreg:$0x0]  }
0x2: {  	s2 =	rddreg [dreg:$0x1]  }
0x3: {  	s0 =	rddreg [dreg:$0x2];
	s1 =	stileid.u32  }
0x4: {  	s3 =	simm.s32 $0x0;
	s6 =	srdreg.scid;
	s14 =	simm.s32 $0x400  }
0x5: {  	s15 =	simm.s32 $0x100;
	s16 =	simm.s32 $0x180;
	s17 =	simm.s32 $0x200  }
0x6: {  	s18 =	simm.s32 $0x280;
	s19 =	simm.s32 $0x300;
	s5 =	smul.u32 $0x2800, s1  }
0x7: {  	s20 =	simm.s32 $0x380;
	s21 =	simm.s32 $0x0;
	s7 =	smul.u32 $0xA00, s1  }
0x8: {  	[smem:$0x7FF] =	sst s3;
	s6 =	sand.u32 $0x1, s6;
	s8 =	smul.u32 $0x50000, s1  }
0x9: {  	s29 =	sshll.u32 s1, $0x6;
	_ =	strace $0x80000047;
	s26 =	smul.u32 $0x500, s6  }
0xa: {  	s9 =	ssub.s32 $0x2, s6;
	s12 =	smul.u32 $0x28000, s6;
	s5 =	sadd.s32 s5, s4  }
0xb: {  	s7 =	sadd.s32 s7, s4;
	s10 =	sshrl.u32 s9, $0x1;
	s28 =	sshrl.u32 s8, $0x2  }
0xc: {  	s11 =	sadd.s32 s8, s4;
	s9 =	ssub.s32 s9, s10;
	s13 =	sadd.s32 s28, s2  }
0xd: {  	s4 =	sadd.s32 $0x1D600, s5;
	s5 =	sor.u32 $0x1C01, s29;
	s30 =	sadd.s32 s26, s7  }
0xe: {  	s31 =	sadd.s32 s12, s11;
	s12 =	simm.s32 $0x1;
	s6 =	smax.u32 s9, $0x1  }
0xf: {  	s7 =	sadd.s32 $0x13600, s30;
	s8 =	sadd.s32 $0x45600, s31;
	s9 =	sadd.s32 $0x9600, s30  }
0x10: {  	s10 =	sadd.s32 $0x545600, s31;
	s11 =	sshrl.u32 s13, $0x3;
	s13 =	simm.s32 $0x80  }
.LBB2_1:
0x11: {  	[spmem:s11], [sflag:s5] =	dma.local [hbm:s4], $0x2800  }
0x12: {  	_ =	swait.ge [sflag:s12], $0x2800  }
0x13: {  	[sflag:s12] =	ssyncset.done $0x0  }
0x14: {  	[sflag:s12] =	ssyncadd.s32 $0xFFFFD800  }
0x15: {  	[bflag:$0x0] =	sbarrier.arrive $0xFFFF  }
0x16: {  	[tilespmem:s3], [sflag:$0x1] =	stream.linear.gather [hbm4b:s7+s3], $0x400, $0x38;
	[tilespmem:$0x18400] =	vst v63  }
0x17: {  	_ =	swait.ge [sflag:s12], $0x400  }
0x18: {  	[sflag:s12] =	ssyncset.done $0x0  }
0x19: {  	[sflag:s12] =	ssyncadd.s32 $0xFFFFFC00  }
0x1a: {  	[tilespmem:s14], [sflag:$0x1] =	stream.indirect.gather [spmem:s2], $0x80, s3, s13, $0xb8;
	[tilespmem:$0x18400] =	vst v63  }
0x1b: {  	_ =	swait.ge [sflag:s12], $0x4000  }
0x1c: {  	[sflag:s12] =	ssyncset.done $0x0  }
0x1d: {  	s22 =	sadd.s32 $0x0, s8;
	[sflag:s12] =	ssyncadd.s32 $0xFFFFC000  }
0x1e: {  	[hbm4b:s22+s3] =	stream.linear.scatter [tilespmem:s14], [sflag:$0x1], $0x4000, $0x38;
	[tilespmem:$0x18400] =	vst v63  }
0x1f: {  	_ =	swait.ge [sflag:s12], $0x4000  }
0x20: {  	[sflag:s12] =	ssyncset.done $0x0  }
0x21: {  	[sflag:s12] =	ssyncadd.s32 $0xFFFFC000  }
0x22: {  	[tilespmem:s14], [sflag:$0x1] =	stream.indirect.gather [spmem:s2], $0x80, s13, s13, $0xb8;
	[tilespmem:$0x18400] =	vst v63  }
0x23: {  	_ =	swait.ge [sflag:s12], $0x4000  }
0x24: {  	[sflag:s12] =	ssyncset.done $0x0  }
0x25: {  	s23 =	sadd.s32 $0x800, s22;
	[sflag:s12] =	ssyncadd.s32 $0xFFFFC000  }
0x26: {  	[hbm4b:s23+s3] =	stream.linear.scatter [tilespmem:s14], [sflag:$0x1], $0x4000, $0x38;
	[tilespmem:$0x18400] =	vst v63  }
0x27: {  	_ =	swait.ge [sflag:s12], $0x4000  }
0x28: {  	[sflag:s12] =	ssyncset.done $0x0  }
0x29: {  	[sflag:s12] =	ssyncadd.s32 $0xFFFFC000  }
0x2a: {  	[tilespmem:s14], [sflag:$0x1] =	stream.indirect.gather [spmem:s2], $0x80, s15, s13, $0xb8;
	[tilespmem:$0x18400] =	vst v63  }
0x2b: {  	_ =	swait.ge [sflag:s12], $0x4000  }
0x2c: {  	[sflag:s12] =	ssyncset.done $0x0  }
0x2d: {  	s26 =	sadd.s32 $0x1000, s22;
	[sflag:s12] =	ssyncadd.s32 $0xFFFFC000  }
0x2e: {  	[hbm4b:s26+s3] =	stream.linear.scatter [tilespmem:s14], [sflag:$0x1], $0x4000, $0x38;
	[tilespmem:$0x18400] =	vst v63  }
0x2f: {  	_ =	swait.ge [sflag:s12], $0x4000  }
0x30: {  	[sflag:s12] =	ssyncset.done $0x0  }
0x31: {  	[sflag:s12] =	ssyncadd.s32 $0xFFFFC000  }
0x32: {  	[tilespmem:s14], [sflag:$0x1] =	stream.indirect.gather [spmem:s2], $0x80, s16, s13, $0xb8;
	[tilespmem:$0x18400] =	vst v63  }
0x33: {  	_ =	swait.ge [sflag:s12], $0x4000  }
0x34: {  	[sflag:s12] =	ssyncset.done $0x0  }
0x35: {  	s28 =	sadd.s32 $0x1800, s22;
	[sflag:s12] =	ssyncadd.s32 $0xFFFFC000  }
0x36: {  	[hbm4b:s28+s3] =	stream.linear.scatter [tilespmem:s14], [sflag:$0x1], $0x4000, $0x38;
	[tilespmem:$0x18400] =	vst v63  }
0x37: {  	_ =	swait.ge [sflag:s12], $0x4000  }
0x38: {  	[sflag:s12] =	ssyncset.done $0x0  }
0x39: {  	[sflag:s12] =	ssyncadd.s32 $0xFFFFC000  }
0x3a: {  	[tilespmem:s14], [sflag:$0x1] =	stream.indirect.gather [spmem:s2], $0x80, s17, s13, $0xb8;
	[tilespmem:$0x18400] =	vst v63  }
0x3b: {  	_ =	swait.ge [sflag:s12], $0x4000  }
0x3c: {  	[sflag:s12] =	ssyncset.done $0x0  }
0x3d: {  	s29 =	sadd.s32 $0x2000, s22;
	[sflag:s12] =	ssyncadd.s32 $0xFFFFC000  }
0x3e: {  	[hbm4b:s29+s3] =	stream.linear.scatter [tilespmem:s14], [sflag:$0x1], $0x4000, $0x38;
	[tilespmem:$0x18400] =	vst v63  }
0x3f: {  	_ =	swait.ge [sflag:s12], $0x4000  }
0x40: {  	[sflag:s12] =	ssyncset.done $0x0  }
0x41: {  	[sflag:s12] =	ssyncadd.s32 $0xFFFFC000  }
0x42: {  	[tilespmem:s14], [sflag:$0x1] =	stream.indirect.gather [spmem:s2], $0x80, s18, s13, $0xb8;
	[tilespmem:$0x18400] =	vst v63  }
0x43: {  	_ =	swait.ge [sflag:s12], $0x4000  }
0x44: {  	[sflag:s12] =	ssyncset.done $0x0  }
0x45: {  	s30 =	sadd.s32 $0x2800, s22;
	[sflag:s12] =	ssyncadd.s32 $0xFFFFC000  }
0x46: {  	[hbm4b:s30+s3] =	stream.linear.scatter [tilespmem:s14], [sflag:$0x1], $0x4000, $0x38;
	[tilespmem:$0x18400] =	vst v63  }
0x47: {  	_ =	swait.ge [sflag:s12], $0x4000  }
0x48: {  	[sflag:s12] =	ssyncset.done $0x0  }
0x49: {  	[sflag:s12] =	ssyncadd.s32 $0xFFFFC000  }
0x4a: {  	[tilespmem:s14], [sflag:$0x1] =	stream.indirect.gather [spmem:s2], $0x80, s19, s13, $0xb8;
	[tilespmem:$0x18400] =	vst v63  }
0x4b: {  	_ =	swait.ge [sflag:s12], $0x4000  }
0x4c: {  	[sflag:s12] =	ssyncset.done $0x0  }
0x4d: {  	s31 =	sadd.s32 $0x3000, s22;
	[sflag:s12] =	ssyncadd.s32 $0xFFFFC000  }
0x4e: {  	[hbm4b:s31+s3] =	stream.linear.scatter [tilespmem:s14], [sflag:$0x1], $0x4000, $0x38;
	[tilespmem:$0x18400] =	vst v63  }
0x4f: {  	_ =	swait.ge [sflag:s12], $0x4000  }
0x50: {  	[sflag:s12] =	ssyncset.done $0x0  }
0x51: {  	[sflag:s12] =	ssyncadd.s32 $0xFFFFC000  }
0x52: {  	[tilespmem:s14], [sflag:$0x1] =	stream.indirect.gather [spmem:s2], $0x80, s20, s13, $0xb8;
	[tilespmem:$0x18400] =	vst v63  }
0x53: {  	_ =	swait.ge [sflag:s12], $0x4000  }
0x54: {  	[sflag:s12] =	ssyncset.done $0x0  }
0x55: {  	s22 =	sadd.s32 $0x3800, s22;
	[sflag:s12] =	ssyncadd.s32 $0xFFFFC000  }
0x56: {  	[hbm4b:s22+s3] =	stream.linear.scatter [tilespmem:s14], [sflag:$0x1], $0x4000, $0x38;
	[tilespmem:$0x18400] =	vst v63  }
0x57: {  	s25 =	simm.s32 $0x8000;
	_ =	swait.ge [sflag:s12], $0x4000  }
0x58: {  	s24 =	smov.u32 s7;
	s23 =	simm.s32 $0x4000;
	[sflag:s12] =	ssyncset.done $0x0  }
.LBB2_2:
0x59: {  	s22 =	simm.s32 $0x0  }
0x5a: {  	[sflag:s12] =	ssyncadd.s32 $0xFFFFC000;
	s24 =	sadd.s32 $0x80, s24;
	s28 =	smov.u32 s25  }
0x5b: {  	[tilespmem:s22], [sflag:$0x1] =	stream.linear.gather [hbm4b:s24+s22], $0x400, $0x38;
	[tilespmem:$0x18400] =	vst v63  }
0x5c: {  	p0 =	sne.s32 s25, $0x24000;
	s25 =	sadd.s32 $0x4000, s25;
	_ =	swait.ge [sflag:s12], $0x400  }
0x5d: {  	[sflag:s12] =	ssyncset.done $0x0  }
0x5e: {  	[sflag:s12] =	ssyncadd.s32 $0xFFFFFC00  }
0x5f: {  	[tilespmem:s14], [sflag:$0x1] =	stream.indirect.gather [spmem:s2], $0x80, s22, s13, $0xb8;
	[tilespmem:$0x18400] =	vst v63  }
0x60: {  	_ =	swait.ge [sflag:s12], $0x4000  }
0x61: {  	[sflag:s12] =	ssyncset.done $0x0  }
0x62: {  	s26 =	sadd.s32 s23, s8;
	s23 =	smov.u32 s28;
	[sflag:s12] =	ssyncadd.s32 $0xFFFFC000  }
0x63: {  	[hbm4b:s26+s22] =	stream.linear.scatter [tilespmem:s14], [sflag:$0x1], $0x4000, $0x38;
	[tilespmem:$0x18400] =	vst v63  }
0x64: {  	_ =	swait.ge [sflag:s12], $0x4000  }
0x65: {  	[sflag:s12] =	ssyncset.done $0x0  }
0x66: {  	[sflag:s12] =	ssyncadd.s32 $0xFFFFC000  }
0x67: {  	[tilespmem:s14], [sflag:$0x1] =	stream.indirect.gather [spmem:s2], $0x80, s13, s13, $0xb8;
	[tilespmem:$0x18400] =	vst v63  }
0x68: {  	_ =	swait.ge [sflag:s12], $0x4000  }
0x69: {  	[sflag:s12] =	ssyncset.done $0x0  }
0x6a: {  	s28 =	sadd.s32 $0x800, s26;
	[sflag:s12] =	ssyncadd.s32 $0xFFFFC000  }
0x6b: {  	[hbm4b:s28+s22] =	stream.linear.scatter [tilespmem:s14], [sflag:$0x1], $0x4000, $0x38;
	[tilespmem:$0x18400] =	vst v63  }
0x6c: {  	_ =	swait.ge [sflag:s12], $0x4000  }
0x6d: {  	[sflag:s12] =	ssyncset.done $0x0  }
0x6e: {  	[sflag:s12] =	ssyncadd.s32 $0xFFFFC000  }
0x6f: {  	[tilespmem:s14], [sflag:$0x1] =	stream.indirect.gather [spmem:s2], $0x80, s15, s13, $0xb8;
	[tilespmem:$0x18400] =	vst v63  }
0x70: {  	_ =	swait.ge [sflag:s12], $0x4000  }
0x71: {  	[sflag:s12] =	ssyncset.done $0x0  }
0x72: {  	s28 =	sadd.s32 $0x1000, s26;
	[sflag:s12] =	ssyncadd.s32 $0xFFFFC000  }
0x73: {  	[hbm4b:s28+s22] =	stream.linear.scatter [tilespmem:s14], [sflag:$0x1], $0x4000, $0x38;
	[tilespmem:$0x18400] =	vst v63  }
0x74: {  	_ =	swait.ge [sflag:s12], $0x4000  }
0x75: {  	[sflag:s12] =	ssyncset.done $0x0  }
0x76: {  	[sflag:s12] =	ssyncadd.s32 $0xFFFFC000  }
0x77: {  	[tilespmem:s14], [sflag:$0x1] =	stream.indirect.gather [spmem:s2], $0x80, s16, s13, $0xb8;
	[tilespmem:$0x18400] =	vst v63  }
0x78: {  	_ =	swait.ge [sflag:s12], $0x4000  }
0x79: {  	[sflag:s12] =	ssyncset.done $0x0  }
0x7a: {  	s28 =	sadd.s32 $0x1800, s26;
	[sflag:s12] =	ssyncadd.s32 $0xFFFFC000  }
0x7b: {  	[hbm4b:s28+s22] =	stream.linear.scatter [tilespmem:s14], [sflag:$0x1], $0x4000, $0x38;
	[tilespmem:$0x18400] =	vst v63  }
0x7c: {  	_ =	swait.ge [sflag:s12], $0x4000  }
0x7d: {  	[sflag:s12] =	ssyncset.done $0x0  }
0x7e: {  	[sflag:s12] =	ssyncadd.s32 $0xFFFFC000  }
0x7f: {  	[tilespmem:s14], [sflag:$0x1] =	stream.indirect.gather [spmem:s2], $0x80, s17, s13, $0xb8;
	[tilespmem:$0x18400] =	vst v63  }
0x80: {  	_ =	swait.ge [sflag:s12], $0x4000  }
0x81: {  	[sflag:s12] =	ssyncset.done $0x0  }
0x82: {  	s28 =	sadd.s32 $0x2000, s26;
	[sflag:s12] =	ssyncadd.s32 $0xFFFFC000  }
0x83: {  	[hbm4b:s28+s22] =	stream.linear.scatter [tilespmem:s14], [sflag:$0x1], $0x4000, $0x38;
	[tilespmem:$0x18400] =	vst v63  }
0x84: {  	_ =	swait.ge [sflag:s12], $0x4000  }
0x85: {  	[sflag:s12] =	ssyncset.done $0x0  }
0x86: {  	[sflag:s12] =	ssyncadd.s32 $0xFFFFC000  }
0x87: {  	[tilespmem:s14], [sflag:$0x1] =	stream.indirect.gather [spmem:s2], $0x80, s18, s13, $0xb8;
	[tilespmem:$0x18400] =	vst v63  }
0x88: {  	_ =	swait.ge [sflag:s12], $0x4000  }
0x89: {  	[sflag:s12] =	ssyncset.done $0x0  }
0x8a: {  	s28 =	sadd.s32 $0x2800, s26;
	[sflag:s12] =	ssyncadd.s32 $0xFFFFC000  }
0x8b: {  	[hbm4b:s28+s22] =	stream.linear.scatter [tilespmem:s14], [sflag:$0x1], $0x4000, $0x38;
	[tilespmem:$0x18400] =	vst v63  }
0x8c: {  	_ =	swait.ge [sflag:s12], $0x4000  }
0x8d: {  	[sflag:s12] =	ssyncset.done $0x0  }
0x8e: {  	[sflag:s12] =	ssyncadd.s32 $0xFFFFC000  }
0x8f: {  	[tilespmem:s14], [sflag:$0x1] =	stream.indirect.gather [spmem:s2], $0x80, s19, s13, $0xb8;
	[tilespmem:$0x18400] =	vst v63  }
0x90: {  	_ =	swait.ge [sflag:s12], $0x4000  }
0x91: {  	[sflag:s12] =	ssyncset.done $0x0  }
0x92: {  	s28 =	sadd.s32 $0x3000, s26;
	[sflag:s12] =	ssyncadd.s32 $0xFFFFC000  }
0x93: {  	[hbm4b:s28+s22] =	stream.linear.scatter [tilespmem:s14], [sflag:$0x1], $0x4000, $0x38;
	[tilespmem:$0x18400] =	vst v63  }
0x94: {  	_ =	swait.ge [sflag:s12], $0x4000  }
0x95: {  	[sflag:s12] =	ssyncset.done $0x0  }
0x96: {  	[sflag:s12] =	ssyncadd.s32 $0xFFFFC000  }
0x97: {  	[tilespmem:s14], [sflag:$0x1] =	stream.indirect.gather [spmem:s2], $0x80, s20, s13, $0xb8;
	[tilespmem:$0x18400] =	vst v63  }
0x98: {  	_ =	swait.ge [sflag:s12], $0x4000  }
.Ltmp0:
0x99: {  	[sflag:s12] =	ssyncset.done $0x0;
	(pc) =	sbr.rel @p0 .LBB2_2-.Ltmp0, $4  }
0x9a: {  	s26 =	sadd.s32 $0x3800, s26;
	[sflag:s12] =	ssyncadd.s32 $0xFFFFC000  }
0x9b: {  	[hbm4b:s26+s22] =	stream.linear.scatter [tilespmem:s14], [sflag:$0x1], $0x4000, $0x38;
	[tilespmem:$0x18400] =	vst v63  }
0x9c: {  	_ =	swait.ge [sflag:s12], $0x4000  }
0x9d: {  	[sflag:s12] =	ssyncset.done $0x0  }
0x9e: {  	[sflag:s12] =	ssyncadd.s32 $0xFFFFC000;
	s24 =	sadd.s32 $0x80, s24  }
0x9f: {  	[tilespmem:s22], [sflag:$0x1] =	stream.linear.gather [hbm4b:s24+s22], $0x400, $0x38;
	[tilespmem:$0x18400] =	vst v63  }
0xa0: {  	_ =	swait.ge [sflag:s12], $0x400  }
0xa1: {  	[sflag:s12] =	ssyncset.done $0x0  }
0xa2: {  	[sflag:s12] =	ssyncadd.s32 $0xFFFFFC00  }
0xa3: {  	[tilespmem:s14], [sflag:$0x1] =	stream.indirect.gather [spmem:s2], $0x80, s22, s13, $0xb8;
	[tilespmem:$0x18400] =	vst v63  }
0xa4: {  	_ =	swait.ge [sflag:s12], $0x4000  }
0xa5: {  	[sflag:s12] =	ssyncset.done $0x0  }
0xa6: {  	s23 =	sadd.s32 s23, s8;
	[sflag:s12] =	ssyncadd.s32 $0xFFFFC000  }
0xa7: {  	[hbm4b:s23+s22] =	stream.linear.scatter [tilespmem:s14], [sflag:$0x1], $0x4000, $0x38;
	[tilespmem:$0x18400] =	vst v63  }
0xa8: {  	_ =	swait.ge [sflag:s12], $0x4000  }
0xa9: {  	[sflag:s12] =	ssyncset.done $0x0  }
0xaa: {  	[sflag:s12] =	ssyncadd.s32 $0xFFFFC000  }
0xab: {  	[tilespmem:s14], [sflag:$0x1] =	stream.indirect.gather [spmem:s2], $0x80, s13, s13, $0xb8;
	[tilespmem:$0x18400] =	vst v63  }
0xac: {  	_ =	swait.ge [sflag:s12], $0x4000  }
0xad: {  	[sflag:s12] =	ssyncset.done $0x0  }
0xae: {  	s25 =	sadd.s32 $0x800, s23;
	[sflag:s12] =	ssyncadd.s32 $0xFFFFC000  }
0xaf: {  	[hbm4b:s25+s22] =	stream.linear.scatter [tilespmem:s14], [sflag:$0x1], $0x4000, $0x38;
	[tilespmem:$0x18400] =	vst v63  }
0xb0: {  	_ =	swait.ge [sflag:s12], $0x4000  }
0xb1: {  	[sflag:s12] =	ssyncset.done $0x0  }
0xb2: {  	[sflag:s12] =	ssyncadd.s32 $0xFFFFC000  }
0xb3: {  	[tilespmem:s14], [sflag:$0x1] =	stream.indirect.gather [spmem:s2], $0x80, s15, s13, $0xb8;
	[tilespmem:$0x18400] =	vst v63  }
0xb4: {  	_ =	swait.ge [sflag:s12], $0x4000  }
0xb5: {  	[sflag:s12] =	ssyncset.done $0x0  }
0xb6: {  	s26 =	sadd.s32 $0x1000, s23;
	[sflag:s12] =	ssyncadd.s32 $0xFFFFC000  }
0xb7: {  	[hbm4b:s26+s22] =	stream.linear.scatter [tilespmem:s14], [sflag:$0x1], $0x4000, $0x38;
	[tilespmem:$0x18400] =	vst v63  }
0xb8: {  	_ =	swait.ge [sflag:s12], $0x4000  }
0xb9: {  	[sflag:s12] =	ssyncset.done $0x0  }
0xba: {  	[sflag:s12] =	ssyncadd.s32 $0xFFFFC000  }
0xbb: {  	[tilespmem:s14], [sflag:$0x1] =	stream.indirect.gather [spmem:s2], $0x80, s16, s13, $0xb8;
	[tilespmem:$0x18400] =	vst v63  }
0xbc: {  	_ =	swait.ge [sflag:s12], $0x4000  }
0xbd: {  	[sflag:s12] =	ssyncset.done $0x0  }
0xbe: {  	s28 =	sadd.s32 $0x1800, s23;
	[sflag:s12] =	ssyncadd.s32 $0xFFFFC000  }
0xbf: {  	[hbm4b:s28+s22] =	stream.linear.scatter [tilespmem:s14], [sflag:$0x1], $0x4000, $0x38;
	[tilespmem:$0x18400] =	vst v63  }
0xc0: {  	_ =	swait.ge [sflag:s12], $0x4000  }
0xc1: {  	[sflag:s12] =	ssyncset.done $0x0  }
0xc2: {  	[sflag:s12] =	ssyncadd.s32 $0xFFFFC000  }
0xc3: {  	[tilespmem:s14], [sflag:$0x1] =	stream.indirect.gather [spmem:s2], $0x80, s17, s13, $0xb8;
	[tilespmem:$0x18400] =	vst v63  }
0xc4: {  	_ =	swait.ge [sflag:s12], $0x4000  }
0xc5: {  	[sflag:s12] =	ssyncset.done $0x0  }
0xc6: {  	s29 =	sadd.s32 $0x2000, s23;
	[sflag:s12] =	ssyncadd.s32 $0xFFFFC000  }
0xc7: {  	[hbm4b:s29+s22] =	stream.linear.scatter [tilespmem:s14], [sflag:$0x1], $0x4000, $0x38;
	[tilespmem:$0x18400] =	vst v63  }
0xc8: {  	_ =	swait.ge [sflag:s12], $0x4000  }
0xc9: {  	[sflag:s12] =	ssyncset.done $0x0  }
0xca: {  	[sflag:s12] =	ssyncadd.s32 $0xFFFFC000  }
0xcb: {  	[tilespmem:s14], [sflag:$0x1] =	stream.indirect.gather [spmem:s2], $0x80, s18, s13, $0xb8;
	[tilespmem:$0x18400] =	vst v63  }
0xcc: {  	_ =	swait.ge [sflag:s12], $0x4000  }
0xcd: {  	[sflag:s12] =	ssyncset.done $0x0  }
0xce: {  	s30 =	sadd.s32 $0x2800, s23;
	[sflag:s12] =	ssyncadd.s32 $0xFFFFC000  }
0xcf: {  	[hbm4b:s30+s22] =	stream.linear.scatter [tilespmem:s14], [sflag:$0x1], $0x4000, $0x38;
	[tilespmem:$0x18400] =	vst v63  }
0xd0: {  	_ =	swait.ge [sflag:s12], $0x4000  }
0xd1: {  	[sflag:s12] =	ssyncset.done $0x0  }
0xd2: {  	[sflag:s12] =	ssyncadd.s32 $0xFFFFC000  }
0xd3: {  	[tilespmem:s14], [sflag:$0x1] =	stream.indirect.gather [spmem:s2], $0x80, s19, s13, $0xb8;
	[tilespmem:$0x18400] =	vst v63  }
0xd4: {  	_ =	swait.ge [sflag:s12], $0x4000  }
0xd5: {  	[sflag:s12] =	ssyncset.done $0x0  }
0xd6: {  	s31 =	sadd.s32 $0x3000, s23;
	[sflag:s12] =	ssyncadd.s32 $0xFFFFC000  }
0xd7: {  	[hbm4b:s31+s22] =	stream.linear.scatter [tilespmem:s14], [sflag:$0x1], $0x4000, $0x38;
	[tilespmem:$0x18400] =	vst v63  }
0xd8: {  	_ =	swait.ge [sflag:s12], $0x4000  }
0xd9: {  	[sflag:s12] =	ssyncset.done $0x0  }
0xda: {  	[sflag:s12] =	ssyncadd.s32 $0xFFFFC000  }
0xdb: {  	[tilespmem:s14], [sflag:$0x1] =	stream.indirect.gather [spmem:s2], $0x80, s20, s13, $0xb8;
	[tilespmem:$0x18400] =	vst v63  }
0xdc: {  	_ =	swait.ge [sflag:s12], $0x4000  }
0xdd: {  	[sflag:s12] =	ssyncset.done $0x0  }
0xde: {  	s23 =	sadd.s32 $0x3800, s23;
	[sflag:s12] =	ssyncadd.s32 $0xFFFFC000  }
0xdf: {  	[hbm4b:s23+s22] =	stream.linear.scatter [tilespmem:s14], [sflag:$0x1], $0x4000, $0x38;
	[tilespmem:$0x18400] =	vst v63  }
0xe0: {  	_ =	swait.ge [sflag:s12], $0x4000  }
0xe1: {  	[sflag:s12] =	ssyncset.done $0x0  }
0xe2: {  	[sflag:s12] =	ssyncadd.s32 $0xFFFFC000  }
0xe3: {  	[tilespmem:s3], [sflag:$0x1] =	stream.linear.gather [hbm4b:s9+s3], $0x400, $0x38;
	[tilespmem:$0x18400] =	vst v63  }
0xe4: {  	_ =	swait.ge [sflag:s12], $0x400  }
0xe5: {  	[sflag:s12] =	ssyncset.done $0x0  }
0xe6: {  	[sflag:s12] =	ssyncadd.s32 $0xFFFFFC00  }
0xe7: {  	[tilespmem:s14], [sflag:$0x1] =	stream.indirect.gather [spmem:s2], $0x80, s3, s13, $0xb8;
	[tilespmem:$0x18400] =	vst v63  }
0xe8: {  	_ =	swait.ge [sflag:s12], $0x4000  }
0xe9: {  	[sflag:s12] =	ssyncset.done $0x0  }
0xea: {  	s24 =	sadd.s32 $0x0, s10;
	[sflag:s12] =	ssyncadd.s32 $0xFFFFC000  }
0xeb: {  	[hbm4b:s24+s3] =	stream.linear.scatter [tilespmem:s14], [sflag:$0x1], $0x4000, $0x38;
	[tilespmem:$0x18400] =	vst v63  }
0xec: {  	_ =	swait.ge [sflag:s12], $0x4000  }
0xed: {  	[sflag:s12] =	ssyncset.done $0x0  }
0xee: {  	[sflag:s12] =	ssyncadd.s32 $0xFFFFC000  }
0xef: {  	[tilespmem:s14], [sflag:$0x1] =	stream.indirect.gather [spmem:s2], $0x80, s13, s13, $0xb8;
	[tilespmem:$0x18400] =	vst v63  }
0xf0: {  	_ =	swait.ge [sflag:s12], $0x4000  }
0xf1: {  	[sflag:s12] =	ssyncset.done $0x0  }
0xf2: {  	s25 =	sadd.s32 $0x800, s24;
	[sflag:s12] =	ssyncadd.s32 $0xFFFFC000  }
0xf3: {  	[hbm4b:s25+s3] =	stream.linear.scatter [tilespmem:s14], [sflag:$0x1], $0x4000, $0x38;
	[tilespmem:$0x18400] =	vst v63  }
0xf4: {  	_ =	swait.ge [sflag:s12], $0x4000  }
0xf5: {  	[sflag:s12] =	ssyncset.done $0x0  }
0xf6: {  	[sflag:s12] =	ssyncadd.s32 $0xFFFFC000  }
0xf7: {  	[tilespmem:s14], [sflag:$0x1] =	stream.indirect.gather [spmem:s2], $0x80, s15, s13, $0xb8;
	[tilespmem:$0x18400] =	vst v63  }
0xf8: {  	_ =	swait.ge [sflag:s12], $0x4000  }
0xf9: {  	[sflag:s12] =	ssyncset.done $0x0  }
0xfa: {  	s26 =	sadd.s32 $0x1000, s24;
	[sflag:s12] =	ssyncadd.s32 $0xFFFFC000  }
0xfb: {  	[hbm4b:s26+s3] =	stream.linear.scatter [tilespmem:s14], [sflag:$0x1], $0x4000, $0x38;
	[tilespmem:$0x18400] =	vst v63  }
0xfc: {  	_ =	swait.ge [sflag:s12], $0x4000  }
0xfd: {  	[sflag:s12] =	ssyncset.done $0x0  }
0xfe: {  	[sflag:s12] =	ssyncadd.s32 $0xFFFFC000  }
0xff: {  	[tilespmem:s14], [sflag:$0x1] =	stream.indirect.gather [spmem:s2], $0x80, s16, s13, $0xb8;
	[tilespmem:$0x18400] =	vst v63  }
0x100: {  	_ =	swait.ge [sflag:s12], $0x4000  }
0x101: {  	[sflag:s12] =	ssyncset.done $0x0  }
0x102: {  	s28 =	sadd.s32 $0x1800, s24;
	[sflag:s12] =	ssyncadd.s32 $0xFFFFC000  }
0x103: {  	[hbm4b:s28+s3] =	stream.linear.scatter [tilespmem:s14], [sflag:$0x1], $0x4000, $0x38;
	[tilespmem:$0x18400] =	vst v63  }
0x104: {  	_ =	swait.ge [sflag:s12], $0x4000  }
0x105: {  	[sflag:s12] =	ssyncset.done $0x0  }
0x106: {  	[sflag:s12] =	ssyncadd.s32 $0xFFFFC000  }
0x107: {  	[tilespmem:s14], [sflag:$0x1] =	stream.indirect.gather [spmem:s2], $0x80, s17, s13, $0xb8;
	[tilespmem:$0x18400] =	vst v63  }
0x108: {  	_ =	swait.ge [sflag:s12], $0x4000  }
0x109: {  	[sflag:s12] =	ssyncset.done $0x0  }
0x10a: {  	s29 =	sadd.s32 $0x2000, s24;
	[sflag:s12] =	ssyncadd.s32 $0xFFFFC000  }
0x10b: {  	[hbm4b:s29+s3] =	stream.linear.scatter [tilespmem:s14], [sflag:$0x1], $0x4000, $0x38;
	[tilespmem:$0x18400] =	vst v63  }
0x10c: {  	_ =	swait.ge [sflag:s12], $0x4000  }
0x10d: {  	[sflag:s12] =	ssyncset.done $0x0  }
0x10e: {  	[sflag:s12] =	ssyncadd.s32 $0xFFFFC000  }
0x10f: {  	[tilespmem:s14], [sflag:$0x1] =	stream.indirect.gather [spmem:s2], $0x80, s18, s13, $0xb8;
	[tilespmem:$0x18400] =	vst v63  }
0x110: {  	_ =	swait.ge [sflag:s12], $0x4000  }
0x111: {  	[sflag:s12] =	ssyncset.done $0x0  }
0x112: {  	s30 =	sadd.s32 $0x2800, s24;
	[sflag:s12] =	ssyncadd.s32 $0xFFFFC000  }
0x113: {  	[hbm4b:s30+s3] =	stream.linear.scatter [tilespmem:s14], [sflag:$0x1], $0x4000, $0x38;
	[tilespmem:$0x18400] =	vst v63  }
0x114: {  	_ =	swait.ge [sflag:s12], $0x4000  }
0x115: {  	[sflag:s12] =	ssyncset.done $0x0  }
0x116: {  	[sflag:s12] =	ssyncadd.s32 $0xFFFFC000  }
0x117: {  	[tilespmem:s14], [sflag:$0x1] =	stream.indirect.gather [spmem:s2], $0x80, s19, s13, $0xb8;
	[tilespmem:$0x18400] =	vst v63  }
0x118: {  	_ =	swait.ge [sflag:s12], $0x4000  }
0x119: {  	[sflag:s12] =	ssyncset.done $0x0  }
0x11a: {  	s31 =	sadd.s32 $0x3000, s24;
	[sflag:s12] =	ssyncadd.s32 $0xFFFFC000  }
0x11b: {  	[hbm4b:s31+s3] =	stream.linear.scatter [tilespmem:s14], [sflag:$0x1], $0x4000, $0x38;
	[tilespmem:$0x18400] =	vst v63  }
0x11c: {  	_ =	swait.ge [sflag:s12], $0x4000  }
0x11d: {  	[sflag:s12] =	ssyncset.done $0x0  }
0x11e: {  	[sflag:s12] =	ssyncadd.s32 $0xFFFFC000  }
0x11f: {  	[tilespmem:s14], [sflag:$0x1] =	stream.indirect.gather [spmem:s2], $0x80, s20, s13, $0xb8;
	[tilespmem:$0x18400] =	vst v63  }
0x120: {  	p0 =	por $0x1, $0x1;
	_ =	swait.ge [sflag:s12], $0x4000  }
.Ltmp1:
0x121: {  	[sflag:s12] =	ssyncset.done $0x0;
	(pc) =	sbr.rel @!p0 .LBB2_5-.Ltmp1, $4  }
0x122: {  	s22 =	sadd.s32 $0x3800, s24;
	[sflag:s12] =	ssyncadd.s32 $0xFFFFC000  }
0x123: {  	[hbm4b:s22+s3] =	stream.linear.scatter [tilespmem:s14], [sflag:$0x1], $0x4000, $0x38;
	[tilespmem:$0x18400] =	vst v63  }
0x124: {  	_ =	swait.ge [sflag:s12], $0x4000  }
0x125: {  	s23 =	smov.u32 s9;
	s22 =	simm.s32 $0x4000;
	[sflag:s12] =	ssyncset.done $0x0  }
.LBB2_4:
0x126: {  	p0 =	sne.s32 s22, $0x24000;
	[sflag:s12] =	ssyncadd.s32 $0xFFFFC000;
	s23 =	sadd.s32 $0x80, s23  }
0x127: {  	[tilespmem:s3], [sflag:$0x1] =	stream.linear.gather [hbm4b:s23+s3], $0x400, $0x38;
	[tilespmem:$0x18400] =	vst v63  }
0x128: {  	s24 =	smov.u32 s22;
	s22 =	sadd.s32 $0x4000, s22;
	_ =	swait.ge [sflag:s12], $0x400  }
0x129: {  	[sflag:s12] =	ssyncset.done $0x0  }
0x12a: {  	[sflag:s12] =	ssyncadd.s32 $0xFFFFFC00  }
0x12b: {  	[tilespmem:s14], [sflag:$0x1] =	stream.indirect.gather [spmem:s2], $0x80, s3, s13, $0xb8;
	[tilespmem:$0x18400] =	vst v63  }
0x12c: {  	_ =	swait.ge [sflag:s12], $0x4000  }
0x12d: {  	[sflag:s12] =	ssyncset.done $0x0  }
0x12e: {  	s24 =	sadd.s32 s24, s10;
	[sflag:s12] =	ssyncadd.s32 $0xFFFFC000  }
0x12f: {  	[hbm4b:s24+s3] =	stream.linear.scatter [tilespmem:s14], [sflag:$0x1], $0x4000, $0x38;
	[tilespmem:$0x18400] =	vst v63  }
0x130: {  	_ =	swait.ge [sflag:s12], $0x4000  }
0x131: {  	[sflag:s12] =	ssyncset.done $0x0  }
0x132: {  	[sflag:s12] =	ssyncadd.s32 $0xFFFFC000  }
0x133: {  	[tilespmem:s14], [sflag:$0x1] =	stream.indirect.gather [spmem:s2], $0x80, s13, s13, $0xb8;
	[tilespmem:$0x18400] =	vst v63  }
0x134: {  	_ =	swait.ge [sflag:s12], $0x4000  }
0x135: {  	[sflag:s12] =	ssyncset.done $0x0  }
0x136: {  	s25 =	sadd.s32 $0x800, s24;
	[sflag:s12] =	ssyncadd.s32 $0xFFFFC000  }
0x137: {  	[hbm4b:s25+s3] =	stream.linear.scatter [tilespmem:s14], [sflag:$0x1], $0x4000, $0x38;
	[tilespmem:$0x18400] =	vst v63  }
0x138: {  	_ =	swait.ge [sflag:s12], $0x4000  }
0x139: {  	[sflag:s12] =	ssyncset.done $0x0  }
0x13a: {  	[sflag:s12] =	ssyncadd.s32 $0xFFFFC000  }
0x13b: {  	[tilespmem:s14], [sflag:$0x1] =	stream.indirect.gather [spmem:s2], $0x80, s15, s13, $0xb8;
	[tilespmem:$0x18400] =	vst v63  }
0x13c: {  	_ =	swait.ge [sflag:s12], $0x4000  }
0x13d: {  	[sflag:s12] =	ssyncset.done $0x0  }
0x13e: {  	s25 =	sadd.s32 $0x1000, s24;
	[sflag:s12] =	ssyncadd.s32 $0xFFFFC000  }
0x13f: {  	[hbm4b:s25+s3] =	stream.linear.scatter [tilespmem:s14], [sflag:$0x1], $0x4000, $0x38;
	[tilespmem:$0x18400] =	vst v63  }
0x140: {  	_ =	swait.ge [sflag:s12], $0x4000  }
0x141: {  	[sflag:s12] =	ssyncset.done $0x0  }
0x142: {  	[sflag:s12] =	ssyncadd.s32 $0xFFFFC000  }
0x143: {  	[tilespmem:s14], [sflag:$0x1] =	stream.indirect.gather [spmem:s2], $0x80, s16, s13, $0xb8;
	[tilespmem:$0x18400] =	vst v63  }
0x144: {  	_ =	swait.ge [sflag:s12], $0x4000  }
0x145: {  	[sflag:s12] =	ssyncset.done $0x0  }
0x146: {  	s25 =	sadd.s32 $0x1800, s24;
	[sflag:s12] =	ssyncadd.s32 $0xFFFFC000  }
0x147: {  	[hbm4b:s25+s3] =	stream.linear.scatter [tilespmem:s14], [sflag:$0x1], $0x4000, $0x38;
	[tilespmem:$0x18400] =	vst v63  }
0x148: {  	_ =	swait.ge [sflag:s12], $0x4000  }
0x149: {  	[sflag:s12] =	ssyncset.done $0x0  }
0x14a: {  	[sflag:s12] =	ssyncadd.s32 $0xFFFFC000  }
0x14b: {  	[tilespmem:s14], [sflag:$0x1] =	stream.indirect.gather [spmem:s2], $0x80, s17, s13, $0xb8;
	[tilespmem:$0x18400] =	vst v63  }
0x14c: {  	_ =	swait.ge [sflag:s12], $0x4000  }
0x14d: {  	[sflag:s12] =	ssyncset.done $0x0  }
0x14e: {  	s25 =	sadd.s32 $0x2000, s24;
	[sflag:s12] =	ssyncadd.s32 $0xFFFFC000  }
0x14f: {  	[hbm4b:s25+s3] =	stream.linear.scatter [tilespmem:s14], [sflag:$0x1], $0x4000, $0x38;
	[tilespmem:$0x18400] =	vst v63  }
0x150: {  	_ =	swait.ge [sflag:s12], $0x4000  }
0x151: {  	[sflag:s12] =	ssyncset.done $0x0  }
0x152: {  	[sflag:s12] =	ssyncadd.s32 $0xFFFFC000  }
0x153: {  	[tilespmem:s14], [sflag:$0x1] =	stream.indirect.gather [spmem:s2], $0x80, s18, s13, $0xb8;
	[tilespmem:$0x18400] =	vst v63  }
0x154: {  	_ =	swait.ge [sflag:s12], $0x4000  }
0x155: {  	[sflag:s12] =	ssyncset.done $0x0  }
0x156: {  	s25 =	sadd.s32 $0x2800, s24;
	[sflag:s12] =	ssyncadd.s32 $0xFFFFC000  }
0x157: {  	[hbm4b:s25+s3] =	stream.linear.scatter [tilespmem:s14], [sflag:$0x1], $0x4000, $0x38;
	[tilespmem:$0x18400] =	vst v63  }
0x158: {  	_ =	swait.ge [sflag:s12], $0x4000  }
0x159: {  	[sflag:s12] =	ssyncset.done $0x0  }
0x15a: {  	[sflag:s12] =	ssyncadd.s32 $0xFFFFC000  }
0x15b: {  	[tilespmem:s14], [sflag:$0x1] =	stream.indirect.gather [spmem:s2], $0x80, s19, s13, $0xb8;
	[tilespmem:$0x18400] =	vst v63  }
0x15c: {  	_ =	swait.ge [sflag:s12], $0x4000  }
0x15d: {  	[sflag:s12] =	ssyncset.done $0x0  }
0x15e: {  	s25 =	sadd.s32 $0x3000, s24;
	[sflag:s12] =	ssyncadd.s32 $0xFFFFC000  }
0x15f: {  	[hbm4b:s25+s3] =	stream.linear.scatter [tilespmem:s14], [sflag:$0x1], $0x4000, $0x38;
	[tilespmem:$0x18400] =	vst v63  }
0x160: {  	_ =	swait.ge [sflag:s12], $0x4000  }
0x161: {  	[sflag:s12] =	ssyncset.done $0x0  }
0x162: {  	[sflag:s12] =	ssyncadd.s32 $0xFFFFC000  }
0x163: {  	[tilespmem:s14], [sflag:$0x1] =	stream.indirect.gather [spmem:s2], $0x80, s20, s13, $0xb8;
	[tilespmem:$0x18400] =	vst v63  }
0x164: {  	_ =	swait.ge [sflag:s12], $0x4000  }
.Ltmp2:
0x165: {  	[sflag:s12] =	ssyncset.done $0x0;
	(pc) =	sbr.rel @p0 .LBB2_4-.Ltmp2, $4  }
0x166: {  	s24 =	sadd.s32 $0x3800, s24;
	[sflag:s12] =	ssyncadd.s32 $0xFFFFC000  }
0x167: {  	[hbm4b:s24+s3] =	stream.linear.scatter [tilespmem:s14], [sflag:$0x1], $0x4000, $0x38;
	[tilespmem:$0x18400] =	vst v63  }
0x168: {  	_ =	swait.ge [sflag:s12], $0x4000  }
0x169: {  	[sflag:s12] =	ssyncset.done $0x0  }
.LBB2_5:
0x16a: {  	s21 =	sadd.s32 $0x1, s21  }
0x16b: {  	p0 =	sne.s32 s21, s6  }
.Ltmp3:
0x16c: {  	_ = 	snop;
	(pc) =	sbr.rel @p0 .LBB2_1-.Ltmp3, $2  }
0x16d: {  	_ =	sdelay $0x2  }
0x16e: {  	[sflag:s12] =	ssyncadd.s32 $0xFFFFC000  }
0x16f: {  	_ =	sfence.sel $0x180000  }
0x170: {  	[bflag:$0x0] =	sbarrier.arrive $0xFFFF  }
0x171: {  	p0 =	sne.s32 s1, $0x0;
	_ =	strace $0x90000047  }
0x172: {  	s0 =	sadd.s32 @!p0 $0x100000, s0;
	[bflag:$0x2] =	sbarrier.arrive $0xFFFF  }
0x173: {  	[sflag:s0] =	ssyncadd.tile.s32 @!p0 $0x1;
	_ =	shalt  }
.Lfunc_end2:
_tile_overlayer_lowered:
.L_overlay_start_2:
0x174: {  	(tag) =	ssettag $0x2  }
0x175: {  	s0 =	rddreg [dreg:$0x0];
	s2 =	stileid.u32  }
0x176: {  	s1 =	rddreg [dreg:$0x1];
	p0 =	sne.s32 s2, $0x0  }
0x177: {  	s3 =	rddreg [dreg:$0x2];
	[bflag:$0x3] =	sbarrier.arrive $0xFFFF;
	s2 =	simm.s32 @!p0 $0x1C01  }
0x178: {  	[timem:s3], [sflag:s2] =	dma.local @!p0 [hbm:s0], s1  }
0x179: {  	s0 =	simm.s32 @!p0 $0x1  }
0x17a: {  	_ =	swait.ge @!p0 [sflag:s0], s1  }
0x17b: {  	s1 =	ssub.s32 @!p0 $0x0, s1;
	[sflag:s0] =	ssyncset.done @!p0 $0x0  }
0x17c: {  	[sflag:s0] =	ssyncadd.s32 @!p0 s1  }
0x17d: {  	[bflag:$0x3] =	sbarrier.arrive $0xFFFF  }
0x17e: {  	_ =	shalt  }

// kernel: kernel.15.cloned.1.call-start
scs
__scs_entry_jumppad:
0x0: {  	(pc) =	sbr.rel $0x88, $3  }
0x1: {  	(tag) =	ssettag $0x0;
	lr =	simm.s32 $0x1  }
0x2: {  	[smem:$0x3F7D] =	sst lr;
	_ =	strace $0xD0000000  }
0x3: {  	_ = 	snop  }
0x4: {  	_ = 	snop  }
0x5: {  	_ = 	snop  }
0x6: {  	_ = 	snop  }
0x7: {  	_ = 	snop  }
__scs_overlays_trampoline_lowered:
0x8: {  	[smem:$0x3F8C] =	sst s0  }
0x9: {  	[smem:$0x3F8D] =	sst s1  }
0xa: {  	[smem:$0x3F8E] =	sst s2  }
0xb: {  	[smem:$0x3F8F] =	sst s3  }
0xc: {  	[smem:$0x3F90] =	sst s4  }
0xd: {  	[smem:$0x3F91] =	sst s5  }
0xe: {  	[smem:$0x3F92] =	sst s6  }
0xf: {  	[smem:$0x3F93] =	sst s7  }
0x10: {  	[smem:$0x3F94] =	sst s8  }
0x11: {  	[smem:$0x3F95] =	sst s9;
	s0 =	simm.s32 @!p0 $0x0  }
0x12: {  	s1 =	sld [smem:$0x3F7B];
	s0 =	simm.s32 @p0 $0x1  }
0x13: {  	[smem:$0x3F96] =	sst s0;
	s0 =	simm.s32 @!p1 $0x0  }
0x14: {  	s2 =	sld [smem:$0x3F7A];
	s0 =	simm.s32 @p1 $0x1  }
0x15: {  	[smem:$0x3F97] =	sst s0;
	s0 =	simm.s32 @!p2 $0x0  }
0x16: {  	s3 =	sld [smem:$0x3FDB];
	s0 =	simm.s32 @p2 $0x1  }
0x17: {  	s4 =	simm.s32 $0x1BF5;
	[smem:$0x3F99] =	sst s0  }
0x18: {  	s0 =	sld [smem:$0x3F7C];
	_ =	swait.ge [sflag:s4], $0x0  }
0x19: {  	s7 =	sld [smem:$0x3F7D]  }
0x1a: {  	s8 =	sadd.s32 $0xFFFFE003, lr  }
0x1b: {  	s9 =	sadd.s32 $0xFFFFFEF7, lr;
	s5 =	simm.s32 $0xFFFFFFFF;
	p2 =	slt.u32 s8, $0xFFFFF086  }
0x1c: {  	p1 =	slt.u32 s9, $0xF7A;
	s5 =	simm.s32 @!p2 $0x0  }
0x1d: {  	s5 =	simm.s32 @p1 $0x1;
	p0 =	seq.s32 s7, s2  }
0x1e: {  	s7 =	smul.u32 @!p0 $0xF7A, s2;
	p2 =	seq.s32 @!p0 s5, $0x0  }
0x1f: {  	s9 =	smul.u32 $0xF7A, s1;
	s8 =	simm.s32 @!p0 $0x1BF5;
	p2 =	por !p2, p0  }
0x20: {  	[sflag:s8] =	ssyncset.s32 @!p0 $0xFFFFF086;
	s6 =	sadd.s32 @!p0 s3, s7;
	s7 =	simm.s32 @!p0 $0x108  }
0x21: {  	s3 =	sadd.s32 s3, s9;
	s6 =	sadd.s32 @!p0 $0x88, s6;
	s7 =	simm.s32 @p2 $0x1082  }
0x22: {  	[simem:s7], [sflag:s8] =	dma.local @!p0 [hbm:s6], $0xF7A  }
0x23: {  	s9 =	sor.u32 $0xD0000000, s2;
	s6 =	simm.s32 $0x108;
	_ =	swait.ge @!p0 [sflag:s8], $0x0  }
0x24: {  	s3 =	sadd.s32 $0x88, s3;
	s6 =	simm.s32 @!p1 $0x1082;
	[sflag:s4] =	ssyncset.s32 $0xFFFFF086  }
0x25: {  	[simem:s6], [sflag:s4] =	dma.local [hbm:s3], $0xF7A  }
0x26: {  	[smem:$0x3F7D] =	sst s1;
	(tag) =	ssettag s2;
	_ =	strace s9  }
0x27: {  	s1 =	sld [smem:$0x3F8D]  }
0x28: {  	s2 =	sld [smem:$0x3F8E]  }
0x29: {  	s4 =	sld [smem:$0x3F90]  }
0x2a: {  	p0 =	seq.s32 s5, $0x0;
	s5 =	sld [smem:$0x3F91]  }
0x2b: {  	s6 =	sld [smem:$0x3F92]  }
0x2c: {  	s7 =	sld [smem:$0x3F93]  }
0x2d: {  	s3 =	simm.s32 $0x108;
	s8 =	sld [smem:$0x3F94]  }
0x2e: {  	s3 =	simm.s32 @!p0 $0x1082;
	s9 =	sld [smem:$0x3F95]  }
0x2f: {  	lr =	sadd.s32 s0, s3;
	s0 =	sld [smem:$0x3F8C]  }
0x30: {  	s3 =	sld [smem:$0x3F8F]  }
0x31: {  	[smem:$0x3F98] =	sst s10  }
0x32: {  	s10 =	sld [smem:$0x3F96];
	_ =	sdelay $0x3  }
0x33: {  	p0 =	seq.s32 s10, $0x1;
	s10 =	sld [smem:$0x3F98];
	_ =	sdelay $0x3  }
0x34: {  	[smem:$0x3F98] =	sst s10  }
0x35: {  	s10 =	sld [smem:$0x3F97];
	_ =	sdelay $0x3  }
0x36: {  	p1 =	seq.s32 s10, $0x1;
	s10 =	sld [smem:$0x3F98];
	_ =	sdelay $0x3  }
0x37: {  	[smem:$0x3F98] =	sst s10  }
0x38: {  	s10 =	sld [smem:$0x3F99]  }
0x39: {  	_ = 	snop;
	(pc) =	sbr.ind lr, $3  }
0x3a: {  	_ = 	snop  }
0x3b: {  	_ = 	snop  }
0x3c: {  	p2 =	seq.s32 s10, $0x1;
	s10 =	sld [smem:$0x3F98]  }
0x3d: {  	_ =	shalt  }
0x3e: {  	_ =	shalt  }
0x3f: {  	_ =	shalt  }
0x40: {  	_ =	shalt  }
0x41: {  	_ =	shalt  }
0x42: {  	_ =	shalt  }
0x43: {  	_ =	shalt  }
0x44: {  	_ =	shalt  }
0x45: {  	_ =	shalt  }
0x46: {  	_ =	shalt  }
0x47: {  	_ =	shalt  }
0x48: {  	_ =	shalt  }
0x49: {  	_ =	shalt  }
0x4a: {  	_ =	shalt  }
0x4b: {  	_ =	shalt  }
0x4c: {  	_ =	shalt  }
0x4d: {  	_ =	shalt  }
0x4e: {  	_ =	shalt  }
0x4f: {  	_ =	shalt  }
0x50: {  	_ =	shalt  }
0x51: {  	_ =	shalt  }
0x52: {  	_ =	shalt  }
0x53: {  	_ =	shalt  }
0x54: {  	_ =	shalt  }
0x55: {  	_ =	shalt  }
0x56: {  	_ =	shalt  }
0x57: {  	_ =	shalt  }
0x58: {  	_ =	shalt  }
0x59: {  	_ =	shalt  }
0x5a: {  	_ =	shalt  }
0x5b: {  	_ =	shalt  }
0x5c: {  	_ =	shalt  }
0x5d: {  	_ =	shalt  }
0x5e: {  	_ =	shalt  }
0x5f: {  	_ =	shalt  }
0x60: {  	_ =	shalt  }
0x61: {  	_ =	shalt  }
0x62: {  	_ =	shalt  }
0x63: {  	_ =	shalt  }
0x64: {  	_ =	shalt  }
0x65: {  	_ =	shalt  }
0x66: {  	_ =	shalt  }
0x67: {  	_ =	shalt  }
0x68: {  	_ =	shalt  }
0x69: {  	_ =	shalt  }
0x6a: {  	_ =	shalt  }
0x6b: {  	_ =	shalt  }
0x6c: {  	_ =	shalt  }
0x6d: {  	_ =	shalt  }
0x6e: {  	_ =	shalt  }
0x6f: {  	_ =	shalt  }
0x70: {  	_ =	shalt  }
0x71: {  	_ =	shalt  }
0x72: {  	_ =	shalt  }
0x73: {  	_ =	shalt  }
0x74: {  	_ =	shalt  }
0x75: {  	_ =	shalt  }
0x76: {  	_ =	shalt  }
0x77: {  	_ =	shalt  }
0x78: {  	_ =	shalt  }
0x79: {  	_ =	shalt  }
0x7a: {  	_ =	shalt  }
0x7b: {  	_ =	shalt  }
0x7c: {  	_ =	shalt  }
0x7d: {  	_ =	shalt  }
0x7e: {  	_ =	shalt  }
0x7f: {  	_ =	shalt  }
0x80: {  	_ =	shalt  }
0x81: {  	_ =	shalt  }
0x82: {  	_ =	shalt  }
0x83: {  	_ =	shalt  }
0x84: {  	_ =	shalt  }
0x85: {  	_ =	shalt  }
0x86: {  	_ =	shalt  }
0x87: {  	_ =	shalt  }
.Lfunc_end0:
.L_simem_size_0:
called_computation.1_lowered:
.L_overlay_start_0:
0x88: {  	s2 =	sld [smem:$0x3FD9]  }
0x89: {  	s3 =	sld [smem:$0x3FFE];
	_ =	sdelay $0x1  }
0x8a: {  	s1 =	srdreg.scid  }
0x8b: {  	s0 =	sand.u32 $0x1, s1  }
0x8c: {  	s16 =	sshll.u32 s0, $0xA;
	s2 =	sadd.s32 s3, s2  }
0x8d: {  	s2 =	sadd.s32 s2, s16  }
0x8e: {  	[smem:$0x3FA4] =	sst s2  }
0x8f: {  	_ = 	snop  }
0x90: {  	(tm) =	ssettm $0x1  }
0x91: {  	s17 =	sld [smem:$0x3FFB];
	_ =	sdelay $0x3  }
0x92: {  	_ =	strace s17  }
0x93: {  	s2 =	sld [smem:$0x3FFC];
	_ =	sdelay $0x3  }
0x94: {  	_ =	strace s2  }
0x95: {  	s2 =	sld [smem:$0x3FFD];
	_ =	sdelay $0x3  }
0x96: {  	_ =	strace s2  }
0x97: {  	_ =	strace $0x8FFFFFFF  }
0x98: {  	s18 =	sld [smem:$0x3FDB];
	_ =	sdelay $0x1  }
0x99: {  	s19 =	simm.s32 $_scs_section_size  }
0x9a: {  	s4 =	simm.s32 $_size__tile_overlayer_lowered;
	s5 =	simm.s32 $_tile_overlayer_lowered  }
0x9b: {  	s22 =	simm.s32 $0x1BFF;
	s21 =	sshll.u32 s5, $0x1;
	s2 =	sadd.s32 s19, s18  }
0x9c: {  	s6 =	simm.s32 $0x0;
	s20 =	sshll.u32 s4, $0x1;
	s4 =	sadd.s32 s21, s2  }
0x9d: {  	[timem:s6], [sflag:s22] =	dma.local [hbm:s4], s20  }
0x9e: {  	_ =	swait.ge [sflag:s22], s20  }
0x9f: {  	s3 =	ssub.s32 $0x0, s20;
	[sflag:s22] =	ssyncset.done $0x0  }
0xa0: {  	[sflag:s22] =	ssyncadd.s32 s3;
	_ =	sdelay $0x1  }
0xa1: {  	s23 =	simm.s32 $0x1B8B  }
0xa2: {  	_ =	swait.ge [sflag:s23], $0x1  }
0xa3: {  	[sflag:s23] =	ssyncset.done $0x0  }
0xa4: {  	s25 =	simm.s32 $0x1B8E;
	s24 =	sld [smem:$0x3FFE];
	[sflag:s23] =	ssyncadd.s32 $0xFFFFFFFF  }
0xa5: {  	s26 =	simm.s32 $execute0_lowered;
	[smem:$0x3FD2] =	sst s25  }
0xa6: {  	s4 =	sshll.u32 s26, $0x1;
	_ =	strace $0x80000049;
	[dreg:$0x1] =	wrdreg $0xFFFFFFFF  }
0xa7: {  	s28 =	simm.s32 $_size_execute0_lowered;
	s2 =	sadd.s32 s2, s4;
	[dreg:$0x0] =	wrdreg $0x0  }
0xa8: {  	s4 =	sshll.u32 s28, $0x1;
	[dreg:$0x2] =	wrdreg s2  }
0xa9: {  	[dreg:$0x3] =	wrdreg s4  }
0xaa: {  	[dreg:$0x4] =	wrdreg $0xC0  }
0xab: {  	_ =	task [dreg:s6], $0x5FFFF  }
0xac: {  	[dreg:$0x1] =	wrdreg $0xFFFFFFFF  }
0xad: {  	[dreg:$0x0] =	wrdreg $0x60  }
0xae: {  	[dreg:$0x2] =	wrdreg s24  }
0xaf: {  	[dreg:$0x3] =	wrdreg $0x84000  }
0xb0: {  	[dreg:$0x4] =	wrdreg $0x9  }
0xb1: {  	_ =	task.clear_ibuf [dreg:s6], $0x5FFFF;
	_ =	strace $0x90000049  }
0xb2: {  	s29 =	simm.s32 $0x9;
	_ =	strace $0x8000004B  }
0xb3: {  	_ =	swait.ge [sflag:s29], $0x1  }
0xb4: {  	[sflag:s29] =	ssyncadd.s32 $0xFFFFFFFF  }
0xb5: {  	_ =	strace $0x9000004B  }
0xb6: {  	_ =	sfence  }
0xb7: {  	s30 =	sld [smem:$0x0];
	_ =	sdelay $0x2  }
0xb8: {  	s31 =	sshll.u32 s1, $0xD;
	s1 =	sshrl.u32 s1, $0x2  }
0xb9: {  	s3 =	sand.u32 $0x4000, s31;
	s1 =	sadd.s32 s1, s30  }
0xba: {  	s0 =	sor.u32 s3, s0;
	s1 =	sshll.u32 s1, $0x11  }
0xbb: {  	s0 =	sor.u32 s1, s0  }
0xbc: {  	s0 =	sadd.s32 $0x8F2B, s0  }
0xbd: {  	[sflag:s0] =	ssyncadd.remote.s32 $0x1  }
0xbe: {  	_ =	sfence.sel $0xFFFF  }
0xbf: {  	[dreg:$0x0] =	wrdreg $0xFFFFFFFF;
	(pc) =	sbr.abs _section_cstart, $3  }
0xc0: {  	[dreg:$0x1] =	wrdreg $0xFFFFFFFF  }
0xc1: {  	_ =	task.clear_ibuf [dreg:s6], $0x2FFFF;
	_ =	strace $0x9FFFFFFF  }
0xc2: {  	(tm) =	ssettm $0x7FFFFFFF  }
0xc3: {  	_ =	shalt  }
tec
execute0_lowered:
.L_overlay_start_1:
0x0: {  	(tag) =	ssettag $0x1  }
0x1: {  	s4 =	rddreg [dreg:$0x0];
	s0 =	srdreg.scid  }
0x2: {  	s1 =	rddreg [dreg:$0x1];
	s3 =	simm.s32 $0x0;
	s2 =	stileid.u32  }
0x3: {  	s14 =	simm.s32 $0x4400;
	s15 =	simm.s32 $0x100;
	s8 =	smul.u32 $0x2800, s2  }
0x4: {  	s16 =	simm.s32 $0x180;
	s17 =	simm.s32 $0x200;
	s10 =	smul.u32 $0x50000, s2  }
0x5: {  	s18 =	simm.s32 $0x280;
	s19 =	simm.s32 $0x300;
	s12 =	smul.u32 $0x500, s2  }
0x6: {  	s20 =	simm.s32 $0x380;
	s6 =	sand.u32 $0x1, s0;
	s13 =	smul.u32 $0x28000, s2  }
0x7: {  	s21 =	simm.s32 $0x0;
	s0 =	rddreg [dreg:$0x2];
	s5 =	smul.u32 $0x280000, s6  }
0x8: {  	[smem:$0x7FF] =	sst s3;
	s31 =	sshll.u32 s2, $0x6;
	s7 =	smul.u32 $0x5000, s6  }
0x9: {  	_ =	strace $0x8000004A;
	s9 =	ssub.s32 $0x2, s6;
	p0 =	seq.s32 s6, $0x1  }
0xa: {  	s29 =	sshrl.u32 s9, $0x1;
	s8 =	sadd.s32 s8, s4;
	s30 =	sshrl.u32 s10, $0x2  }
0xb: {  	s11 =	sadd.s32 s5, s4;
	s7 =	sadd.s32 s7, s4;
	s9 =	ssub.s32 s9, s29  }
0xc: {  	s10 =	sadd.s32 s30, s1;
	s4 =	sadd.s32 $0xF45600, s8;
	s5 =	sor.u32 $0x1C01, s31  }
0xd: {  	s6 =	smax.u32 s9, $0x1;
	s9 =	simm.s32 $0xF95600;
	s12 =	sadd.s32 s12, s7  }
0xe: {  	s11 =	sadd.s32 s13, s11;
	s10 =	sshrl.u32 s10, $0x3;
	s9 =	simm.s32 @!p0 $0xF6D600  }
0xf: {  	s13 =	simm.s32 $0x80;
	s7 =	sadd.s32 s9, s8;
	s8 =	sadd.s32 $0x9600, s12  }
0x10: {  	s9 =	sadd.s32 $0xA45600, s11;
	s11 =	simm.s32 $0x1;
	s12 =	simm.s32 $0x400  }
.LBB2_1:
0x11: {  	[spmem:s10], [sflag:s5] =	dma.local [hbm:s4], $0x2800  }
0x12: {  	_ =	swait.ge [sflag:s11], $0x2800  }
0x13: {  	[sflag:s11] =	ssyncset.done $0x0  }
0x14: {  	[sflag:s11] =	ssyncadd.s32 $0xFFFFD800  }
0x15: {  	[bflag:$0x0] =	sbarrier.arrive $0xFFFF  }
0x16: {  	[tilespmem:s3], [sflag:$0x1] =	stream.linear.gather [hbm4b:s8+s3], $0x400, $0x38;
	[tilespmem:$0x1C400] =	vst v63  }
0x17: {  	_ =	swait.ge [sflag:s11], $0x400  }
0x18: {  	[sflag:s11] =	ssyncset.done $0x0  }
0x19: {  	s22 =	sadd.s32 $0x0, s9;
	[sflag:s11] =	ssyncadd.s32 $0xFFFFFC00  }
0x1a: {  	[tilespmem:s12], [sflag:$0x1] =	stream.linear.gather [hbm4b:s22+s3], $0x8000, $0x38;
	[tilespmem:$0x1C400] =	vst v63  }
0x1b: {  	_ =	swait.ge [sflag:s11], $0x8000  }
0x1c: {  	[sflag:s11] =	ssyncset.done $0x0  }
0x1d: {  	[sflag:s11] =	ssyncadd.s32 $0xFFFF8000  }
0x1e: {  	[spmem:s1] =	stream.indirect.scatter.add.f32 [tilespmem:s12], [sflag:$0x1], $0x80, s3, s13, $0xb8;
	[tilespmem:$0x1C400] =	vst v63  }
0x1f: {  	_ =	swait.ge [sflag:s11], $0x4000  }
0x20: {  	[sflag:s11] =	ssyncset.done $0x0  }
0x21: {  	[sflag:s11] =	ssyncadd.s32 $0xFFFFC000  }
0x22: {  	[spmem:s1] =	stream.indirect.scatter.add.f32 [tilespmem:s14], [sflag:$0x1], $0x80, s13, s13, $0xb8;
	[tilespmem:$0x1C400] =	vst v63  }
0x23: {  	_ =	swait.ge [sflag:s11], $0x4000  }
0x24: {  	[sflag:s11] =	ssyncset.done $0x0  }
0x25: {  	s23 =	sadd.s32 $0x1000, s22;
	[sflag:s11] =	ssyncadd.s32 $0xFFFFC000  }
0x26: {  	[tilespmem:s12], [sflag:$0x1] =	stream.linear.gather [hbm4b:s23+s3], $0x8000, $0x38;
	[tilespmem:$0x1C400] =	vst v63  }
0x27: {  	_ =	swait.ge [sflag:s11], $0x8000  }
0x28: {  	[sflag:s11] =	ssyncset.done $0x0  }
0x29: {  	[sflag:s11] =	ssyncadd.s32 $0xFFFF8000  }
0x2a: {  	[spmem:s1] =	stream.indirect.scatter.add.f32 [tilespmem:s12], [sflag:$0x1], $0x80, s15, s13, $0xb8;
	[tilespmem:$0x1C400] =	vst v63  }
0x2b: {  	_ =	swait.ge [sflag:s11], $0x4000  }
0x2c: {  	[sflag:s11] =	ssyncset.done $0x0  }
0x2d: {  	[sflag:s11] =	ssyncadd.s32 $0xFFFFC000  }
0x2e: {  	[spmem:s1] =	stream.indirect.scatter.add.f32 [tilespmem:s14], [sflag:$0x1], $0x80, s16, s13, $0xb8;
	[tilespmem:$0x1C400] =	vst v63  }
0x2f: {  	_ =	swait.ge [sflag:s11], $0x4000  }
0x30: {  	[sflag:s11] =	ssyncset.done $0x0  }
0x31: {  	s31 =	sadd.s32 $0x2000, s22;
	[sflag:s11] =	ssyncadd.s32 $0xFFFFC000  }
0x32: {  	[tilespmem:s12], [sflag:$0x1] =	stream.linear.gather [hbm4b:s31+s3], $0x8000, $0x38;
	[tilespmem:$0x1C400] =	vst v63  }
0x33: {  	_ =	swait.ge [sflag:s11], $0x8000  }
0x34: {  	[sflag:s11] =	ssyncset.done $0x0  }
0x35: {  	[sflag:s11] =	ssyncadd.s32 $0xFFFF8000  }
0x36: {  	[spmem:s1] =	stream.indirect.scatter.add.f32 [tilespmem:s12], [sflag:$0x1], $0x80, s17, s13, $0xb8;
	[tilespmem:$0x1C400] =	vst v63  }
0x37: {  	_ =	swait.ge [sflag:s11], $0x4000  }
0x38: {  	[sflag:s11] =	ssyncset.done $0x0  }
0x39: {  	[sflag:s11] =	ssyncadd.s32 $0xFFFFC000  }
0x3a: {  	[spmem:s1] =	stream.indirect.scatter.add.f32 [tilespmem:s14], [sflag:$0x1], $0x80, s18, s13, $0xb8;
	[tilespmem:$0x1C400] =	vst v63  }
0x3b: {  	_ =	swait.ge [sflag:s11], $0x4000  }
0x3c: {  	[sflag:s11] =	ssyncset.done $0x0  }
0x3d: {  	s22 =	sadd.s32 $0x3000, s22;
	[sflag:s11] =	ssyncadd.s32 $0xFFFFC000  }
0x3e: {  	[tilespmem:s12], [sflag:$0x1] =	stream.linear.gather [hbm4b:s22+s3], $0x8000, $0x38;
	[tilespmem:$0x1C400] =	vst v63  }
0x3f: {  	_ =	swait.ge [sflag:s11], $0x8000  }
0x40: {  	[sflag:s11] =	ssyncset.done $0x0  }
0x41: {  	[sflag:s11] =	ssyncadd.s32 $0xFFFF8000  }
0x42: {  	[spmem:s1] =	stream.indirect.scatter.add.f32 [tilespmem:s12], [sflag:$0x1], $0x80, s19, s13, $0xb8;
	[tilespmem:$0x1C400] =	vst v63  }
0x43: {  	_ =	swait.ge [sflag:s11], $0x4000  }
0x44: {  	[sflag:s11] =	ssyncset.done $0x0  }
0x45: {  	[sflag:s11] =	ssyncadd.s32 $0xFFFFC000  }
0x46: {  	[spmem:s1] =	stream.indirect.scatter.add.f32 [tilespmem:s14], [sflag:$0x1], $0x80, s20, s13, $0xb8;
	[tilespmem:$0x1C400] =	vst v63  }
0x47: {  	_ =	swait.ge [sflag:s11], $0x4000  }
0x48: {  	s23 =	smov.u32 s8;
	s22 =	simm.s32 $0x4000;
	[sflag:s11] =	ssyncset.done $0x0  }
.LBB2_2:
0x49: {  	p0 =	sne.s32 s22, $0x24000;
	[sflag:s11] =	ssyncadd.s32 $0xFFFFC000;
	s23 =	sadd.s32 $0x80, s23  }
0x4a: {  	[tilespmem:s3], [sflag:$0x1] =	stream.linear.gather [hbm4b:s23+s3], $0x400, $0x38;
	[tilespmem:$0x1C400] =	vst v63  }
0x4b: {  	s24 =	smov.u32 s22;
	s22 =	sadd.s32 $0x4000, s22;
	_ =	swait.ge [sflag:s11], $0x400  }
0x4c: {  	[sflag:s11] =	ssyncset.done $0x0  }
0x4d: {  	s24 =	sadd.s32 s24, s9;
	[sflag:s11] =	ssyncadd.s32 $0xFFFFFC00  }
0x4e: {  	[tilespmem:s12], [sflag:$0x1] =	stream.linear.gather [hbm4b:s24+s3], $0x8000, $0x38;
	[tilespmem:$0x1C400] =	vst v63  }
0x4f: {  	_ =	swait.ge [sflag:s11], $0x8000  }
0x50: {  	[sflag:s11] =	ssyncset.done $0x0  }
0x51: {  	[sflag:s11] =	ssyncadd.s32 $0xFFFF8000  }
0x52: {  	[spmem:s1] =	stream.indirect.scatter.add.f32 [tilespmem:s12], [sflag:$0x1], $0x80, s3, s13, $0xb8;
	[tilespmem:$0x1C400] =	vst v63  }
0x53: {  	_ =	swait.ge [sflag:s11], $0x4000  }
0x54: {  	[sflag:s11] =	ssyncset.done $0x0  }
0x55: {  	[sflag:s11] =	ssyncadd.s32 $0xFFFFC000  }
0x56: {  	[spmem:s1] =	stream.indirect.scatter.add.f32 [tilespmem:s14], [sflag:$0x1], $0x80, s13, s13, $0xb8;
	[tilespmem:$0x1C400] =	vst v63  }
0x57: {  	_ =	swait.ge [sflag:s11], $0x4000  }
0x58: {  	[sflag:s11] =	ssyncset.done $0x0  }
0x59: {  	s25 =	sadd.s32 $0x1000, s24;
	[sflag:s11] =	ssyncadd.s32 $0xFFFFC000  }
0x5a: {  	[tilespmem:s12], [sflag:$0x1] =	stream.linear.gather [hbm4b:s25+s3], $0x8000, $0x38;
	[tilespmem:$0x1C400] =	vst v63  }
0x5b: {  	_ =	swait.ge [sflag:s11], $0x8000  }
0x5c: {  	[sflag:s11] =	ssyncset.done $0x0  }
0x5d: {  	[sflag:s11] =	ssyncadd.s32 $0xFFFF8000  }
0x5e: {  	[spmem:s1] =	stream.indirect.scatter.add.f32 [tilespmem:s12], [sflag:$0x1], $0x80, s15, s13, $0xb8;
	[tilespmem:$0x1C400] =	vst v63  }
0x5f: {  	_ =	swait.ge [sflag:s11], $0x4000  }
0x60: {  	[sflag:s11] =	ssyncset.done $0x0  }
0x61: {  	[sflag:s11] =	ssyncadd.s32 $0xFFFFC000  }
0x62: {  	[spmem:s1] =	stream.indirect.scatter.add.f32 [tilespmem:s14], [sflag:$0x1], $0x80, s16, s13, $0xb8;
	[tilespmem:$0x1C400] =	vst v63  }
0x63: {  	_ =	swait.ge [sflag:s11], $0x4000  }
0x64: {  	[sflag:s11] =	ssyncset.done $0x0  }
0x65: {  	s25 =	sadd.s32 $0x2000, s24;
	[sflag:s11] =	ssyncadd.s32 $0xFFFFC000  }
0x66: {  	[tilespmem:s12], [sflag:$0x1] =	stream.linear.gather [hbm4b:s25+s3], $0x8000, $0x38;
	[tilespmem:$0x1C400] =	vst v63  }
0x67: {  	_ =	swait.ge [sflag:s11], $0x8000  }
0x68: {  	[sflag:s11] =	ssyncset.done $0x0  }
0x69: {  	[sflag:s11] =	ssyncadd.s32 $0xFFFF8000  }
0x6a: {  	[spmem:s1] =	stream.indirect.scatter.add.f32 [tilespmem:s12], [sflag:$0x1], $0x80, s17, s13, $0xb8;
	[tilespmem:$0x1C400] =	vst v63  }
0x6b: {  	_ =	swait.ge [sflag:s11], $0x4000  }
0x6c: {  	[sflag:s11] =	ssyncset.done $0x0  }
0x6d: {  	[sflag:s11] =	ssyncadd.s32 $0xFFFFC000  }
0x6e: {  	[spmem:s1] =	stream.indirect.scatter.add.f32 [tilespmem:s14], [sflag:$0x1], $0x80, s18, s13, $0xb8;
	[tilespmem:$0x1C400] =	vst v63  }
0x6f: {  	_ =	swait.ge [sflag:s11], $0x4000  }
0x70: {  	[sflag:s11] =	ssyncset.done $0x0  }
0x71: {  	s24 =	sadd.s32 $0x3000, s24;
	[sflag:s11] =	ssyncadd.s32 $0xFFFFC000  }
0x72: {  	[tilespmem:s12], [sflag:$0x1] =	stream.linear.gather [hbm4b:s24+s3], $0x8000, $0x38;
	[tilespmem:$0x1C400] =	vst v63  }
0x73: {  	_ =	swait.ge [sflag:s11], $0x8000  }
0x74: {  	[sflag:s11] =	ssyncset.done $0x0  }
0x75: {  	[sflag:s11] =	ssyncadd.s32 $0xFFFF8000  }
0x76: {  	[spmem:s1] =	stream.indirect.scatter.add.f32 [tilespmem:s12], [sflag:$0x1], $0x80, s19, s13, $0xb8;
	[tilespmem:$0x1C400] =	vst v63  }
0x77: {  	_ =	swait.ge [sflag:s11], $0x4000  }
.Ltmp0:
0x78: {  	[sflag:s11] =	ssyncset.done $0x0;
	(pc) =	sbr.rel @p0 .LBB2_2-.Ltmp0, $4  }
0x79: {  	[sflag:s11] =	ssyncadd.s32 $0xFFFFC000  }
0x7a: {  	[spmem:s1] =	stream.indirect.scatter.add.f32 [tilespmem:s14], [sflag:$0x1], $0x80, s20, s13, $0xb8;
	[tilespmem:$0x1C400] =	vst v63  }
0x7b: {  	_ =	swait.ge [sflag:s11], $0x4000  }
0x7c: {  	[sflag:s11] =	ssyncset.done $0x0  }
0x7d: {  	s21 =	sadd.s32 $0x1, s21  }
0x7e: {  	[sflag:s11] =	ssyncadd.s32 $0xFFFFC000;
	p0 =	sne.s32 s21, s6  }
.Ltmp1:
0x7f: {  	[bflag:$0x0] =	sbarrier.arrive $0xFFFF;
	(pc) =	sbr.rel @p0 .LBB2_1-.Ltmp1, $4  }
0x80: {  	[hbm:s7], [sflag:s5] =	dma.local [spmem:s10], $0x2800  }
0x81: {  	_ =	swait.ge [sflag:s11], $0x2800  }
0x82: {  	[sflag:s11] =	ssyncset.done $0x0  }
0x83: {  	[sflag:s11] =	ssyncadd.s32 $0xFFFFD800  }
0x84: {  	_ =	sfence.sel $0x180000  }
0x85: {  	[bflag:$0x0] =	sbarrier.arrive $0xFFFF  }
0x86: {  	p0 =	sne.s32 s2, $0x0;
	_ =	strace $0x9000004A  }
0x87: {  	s0 =	sadd.s32 @!p0 $0x100000, s0;
	[bflag:$0x2] =	sbarrier.arrive $0xFFFF  }
0x88: {  	[sflag:s0] =	ssyncadd.tile.s32 @!p0 $0x1;
	_ =	shalt  }
.Lfunc_end2:
_tile_overlayer_lowered:
.L_overlay_start_2:
0x89: {  	(tag) =	ssettag $0x2  }
0x8a: {  	s0 =	rddreg [dreg:$0x0];
	s2 =	stileid.u32  }
0x8b: {  	s1 =	rddreg [dreg:$0x1];
	p0 =	sne.s32 s2, $0x0  }
0x8c: {  	s3 =	rddreg [dreg:$0x2];
	[bflag:$0x3] =	sbarrier.arrive $0xFFFF;
	s2 =	simm.s32 @!p0 $0x1C01  }
0x8d: {  	[timem:s3], [sflag:s2] =	dma.local @!p0 [hbm:s0], s1  }
0x8e: {  	s0 =	simm.s32 @!p0 $0x1  }
0x8f: {  	_ =	swait.ge @!p0 [sflag:s0], s1  }
0x90: {  	s1 =	ssub.s32 @!p0 $0x0, s1;
	[sflag:s0] =	ssyncset.done @!p0 $0x0  }
0x91: {  	[sflag:s0] =	ssyncadd.s32 @!p0 s1  }
0x92: {  	[bflag:$0x3] =	sbarrier.arrive $0xFFFF  }
0x93: {  	_ =	shalt  }

// kernel: kernel.18.cloned.1.call-start
scs
__scs_entry_jumppad:
0x0: {  	(pc) =	sbr.rel $0x88, $3  }
0x1: {  	(tag) =	ssettag $0x0;
	lr =	simm.s32 $0x1  }
0x2: {  	[smem:$0x3F7D] =	sst lr;
	_ =	strace $0xD0000000  }
0x3: {  	_ = 	snop  }
0x4: {  	_ = 	snop  }
0x5: {  	_ = 	snop  }
0x6: {  	_ = 	snop  }
0x7: {  	_ = 	snop  }
__scs_overlays_trampoline_lowered:
0x8: {  	[smem:$0x3F8C] =	sst s0  }
0x9: {  	[smem:$0x3F8D] =	sst s1  }
0xa: {  	[smem:$0x3F8E] =	sst s2  }
0xb: {  	[smem:$0x3F8F] =	sst s3  }
0xc: {  	[smem:$0x3F90] =	sst s4  }
0xd: {  	[smem:$0x3F91] =	sst s5  }
0xe: {  	[smem:$0x3F92] =	sst s6  }
0xf: {  	[smem:$0x3F93] =	sst s7  }
0x10: {  	[smem:$0x3F94] =	sst s8  }
0x11: {  	[smem:$0x3F95] =	sst s9;
	s0 =	simm.s32 @!p0 $0x0  }
0x12: {  	s1 =	sld [smem:$0x3F7B];
	s0 =	simm.s32 @p0 $0x1  }
0x13: {  	[smem:$0x3F96] =	sst s0;
	s0 =	simm.s32 @!p1 $0x0  }
0x14: {  	s2 =	sld [smem:$0x3F7A];
	s0 =	simm.s32 @p1 $0x1  }
0x15: {  	[smem:$0x3F97] =	sst s0;
	s0 =	simm.s32 @!p2 $0x0  }
0x16: {  	s3 =	sld [smem:$0x3FDB];
	s0 =	simm.s32 @p2 $0x1  }
0x17: {  	s4 =	simm.s32 $0x1BF5;
	[smem:$0x3F99] =	sst s0  }
0x18: {  	s0 =	sld [smem:$0x3F7C];
	_ =	swait.ge [sflag:s4], $0x0  }
0x19: {  	s7 =	sld [smem:$0x3F7D]  }
0x1a: {  	s8 =	sadd.s32 $0xFFFFE003, lr  }
0x1b: {  	s9 =	sadd.s32 $0xFFFFFEF7, lr;
	s5 =	simm.s32 $0xFFFFFFFF;
	p2 =	slt.u32 s8, $0xFFFFF086  }
0x1c: {  	p1 =	slt.u32 s9, $0xF7A;
	s5 =	simm.s32 @!p2 $0x0  }
0x1d: {  	s5 =	simm.s32 @p1 $0x1;
	p0 =	seq.s32 s7, s2  }
0x1e: {  	s7 =	smul.u32 @!p0 $0xF7A, s2;
	p2 =	seq.s32 @!p0 s5, $0x0  }
0x1f: {  	s9 =	smul.u32 $0xF7A, s1;
	s8 =	simm.s32 @!p0 $0x1BF5;
	p2 =	por !p2, p0  }
0x20: {  	[sflag:s8] =	ssyncset.s32 @!p0 $0xFFFFF086;
	s6 =	sadd.s32 @!p0 s3, s7;
	s7 =	simm.s32 @!p0 $0x108  }
0x21: {  	s3 =	sadd.s32 s3, s9;
	s6 =	sadd.s32 @!p0 $0x88, s6;
	s7 =	simm.s32 @p2 $0x1082  }
0x22: {  	[simem:s7], [sflag:s8] =	dma.local @!p0 [hbm:s6], $0xF7A  }
0x23: {  	s9 =	sor.u32 $0xD0000000, s2;
	s6 =	simm.s32 $0x108;
	_ =	swait.ge @!p0 [sflag:s8], $0x0  }
0x24: {  	s3 =	sadd.s32 $0x88, s3;
	s6 =	simm.s32 @!p1 $0x1082;
	[sflag:s4] =	ssyncset.s32 $0xFFFFF086  }
0x25: {  	[simem:s6], [sflag:s4] =	dma.local [hbm:s3], $0xF7A  }
0x26: {  	[smem:$0x3F7D] =	sst s1;
	(tag) =	ssettag s2;
	_ =	strace s9  }
0x27: {  	s1 =	sld [smem:$0x3F8D]  }
0x28: {  	s2 =	sld [smem:$0x3F8E]  }
0x29: {  	s4 =	sld [smem:$0x3F90]  }
0x2a: {  	p0 =	seq.s32 s5, $0x0;
	s5 =	sld [smem:$0x3F91]  }
0x2b: {  	s6 =	sld [smem:$0x3F92]  }
0x2c: {  	s7 =	sld [smem:$0x3F93]  }
0x2d: {  	s3 =	simm.s32 $0x108;
	s8 =	sld [smem:$0x3F94]  }
0x2e: {  	s3 =	simm.s32 @!p0 $0x1082;
	s9 =	sld [smem:$0x3F95]  }
0x2f: {  	lr =	sadd.s32 s0, s3;
	s0 =	sld [smem:$0x3F8C]  }
0x30: {  	s3 =	sld [smem:$0x3F8F]  }
0x31: {  	[smem:$0x3F98] =	sst s10  }
0x32: {  	s10 =	sld [smem:$0x3F96];
	_ =	sdelay $0x3  }
0x33: {  	p0 =	seq.s32 s10, $0x1;
	s10 =	sld [smem:$0x3F98];
	_ =	sdelay $0x3  }
0x34: {  	[smem:$0x3F98] =	sst s10  }
0x35: {  	s10 =	sld [smem:$0x3F97];
	_ =	sdelay $0x3  }
0x36: {  	p1 =	seq.s32 s10, $0x1;
	s10 =	sld [smem:$0x3F98];
	_ =	sdelay $0x3  }
0x37: {  	[smem:$0x3F98] =	sst s10  }
0x38: {  	s10 =	sld [smem:$0x3F99]  }
0x39: {  	_ = 	snop;
	(pc) =	sbr.ind lr, $3  }
0x3a: {  	_ = 	snop  }
0x3b: {  	_ = 	snop  }
0x3c: {  	p2 =	seq.s32 s10, $0x1;
	s10 =	sld [smem:$0x3F98]  }
0x3d: {  	_ =	shalt  }
0x3e: {  	_ =	shalt  }
0x3f: {  	_ =	shalt  }
0x40: {  	_ =	shalt  }
0x41: {  	_ =	shalt  }
0x42: {  	_ =	shalt  }
0x43: {  	_ =	shalt  }
0x44: {  	_ =	shalt  }
0x45: {  	_ =	shalt  }
0x46: {  	_ =	shalt  }
0x47: {  	_ =	shalt  }
0x48: {  	_ =	shalt  }
0x49: {  	_ =	shalt  }
0x4a: {  	_ =	shalt  }
0x4b: {  	_ =	shalt  }
0x4c: {  	_ =	shalt  }
0x4d: {  	_ =	shalt  }
0x4e: {  	_ =	shalt  }
0x4f: {  	_ =	shalt  }
0x50: {  	_ =	shalt  }
0x51: {  	_ =	shalt  }
0x52: {  	_ =	shalt  }
0x53: {  	_ =	shalt  }
0x54: {  	_ =	shalt  }
0x55: {  	_ =	shalt  }
0x56: {  	_ =	shalt  }
0x57: {  	_ =	shalt  }
0x58: {  	_ =	shalt  }
0x59: {  	_ =	shalt  }
0x5a: {  	_ =	shalt  }
0x5b: {  	_ =	shalt  }
0x5c: {  	_ =	shalt  }
0x5d: {  	_ =	shalt  }
0x5e: {  	_ =	shalt  }
0x5f: {  	_ =	shalt  }
0x60: {  	_ =	shalt  }
0x61: {  	_ =	shalt  }
0x62: {  	_ =	shalt  }
0x63: {  	_ =	shalt  }
0x64: {  	_ =	shalt  }
0x65: {  	_ =	shalt  }
0x66: {  	_ =	shalt  }
0x67: {  	_ =	shalt  }
0x68: {  	_ =	shalt  }
0x69: {  	_ =	shalt  }
0x6a: {  	_ =	shalt  }
0x6b: {  	_ =	shalt  }
0x6c: {  	_ =	shalt  }
0x6d: {  	_ =	shalt  }
0x6e: {  	_ =	shalt  }
0x6f: {  	_ =	shalt  }
0x70: {  	_ =	shalt  }
0x71: {  	_ =	shalt  }
0x72: {  	_ =	shalt  }
0x73: {  	_ =	shalt  }
0x74: {  	_ =	shalt  }
0x75: {  	_ =	shalt  }
0x76: {  	_ =	shalt  }
0x77: {  	_ =	shalt  }
0x78: {  	_ =	shalt  }
0x79: {  	_ =	shalt  }
0x7a: {  	_ =	shalt  }
0x7b: {  	_ =	shalt  }
0x7c: {  	_ =	shalt  }
0x7d: {  	_ =	shalt  }
0x7e: {  	_ =	shalt  }
0x7f: {  	_ =	shalt  }
0x80: {  	_ =	shalt  }
0x81: {  	_ =	shalt  }
0x82: {  	_ =	shalt  }
0x83: {  	_ =	shalt  }
0x84: {  	_ =	shalt  }
0x85: {  	_ =	shalt  }
0x86: {  	_ =	shalt  }
0x87: {  	_ =	shalt  }
.Lfunc_end0:
.L_simem_size_0:
called_computation.2_lowered:
.L_overlay_start_0:
0x88: {  	s2 =	sld [smem:$0x3FD9]  }
0x89: {  	s3 =	sld [smem:$0x3FFE];
	_ =	sdelay $0x1  }
0x8a: {  	s1 =	srdreg.scid  }
0x8b: {  	s0 =	sand.u32 $0x1, s1  }
0x8c: {  	s16 =	sshll.u32 s0, $0xA;
	s2 =	sadd.s32 s3, s2  }
0x8d: {  	s2 =	sadd.s32 s2, s16  }
0x8e: {  	[smem:$0x3FA4] =	sst s2  }
0x8f: {  	_ = 	snop  }
0x90: {  	(tm) =	ssettm $0x1  }
0x91: {  	s17 =	sld [smem:$0x3FFB];
	_ =	sdelay $0x3  }
0x92: {  	_ =	strace s17  }
0x93: {  	s2 =	sld [smem:$0x3FFC];
	_ =	sdelay $0x3  }
0x94: {  	_ =	strace s2  }
0x95: {  	s2 =	sld [smem:$0x3FFD];
	_ =	sdelay $0x3  }
0x96: {  	_ =	strace s2  }
0x97: {  	_ =	strace $0x8FFFFFFF  }
0x98: {  	s18 =	sld [smem:$0x3FDB];
	_ =	sdelay $0x1  }
0x99: {  	s19 =	simm.s32 $_scs_section_size  }
0x9a: {  	s4 =	simm.s32 $_size__tile_overlayer_lowered;
	s5 =	simm.s32 $_tile_overlayer_lowered  }
0x9b: {  	s22 =	simm.s32 $0x1BFF;
	s21 =	sshll.u32 s5, $0x1;
	s2 =	sadd.s32 s19, s18  }
0x9c: {  	s6 =	simm.s32 $0x0;
	s20 =	sshll.u32 s4, $0x1;
	s4 =	sadd.s32 s21, s2  }
0x9d: {  	[timem:s6], [sflag:s22] =	dma.local [hbm:s4], s20  }
0x9e: {  	_ =	swait.ge [sflag:s22], s20  }
0x9f: {  	s3 =	ssub.s32 $0x0, s20;
	[sflag:s22] =	ssyncset.done $0x0  }
0xa0: {  	[sflag:s22] =	ssyncadd.s32 s3;
	_ =	sdelay $0x1  }
0xa1: {  	s23 =	simm.s32 $0x1B8B  }
0xa2: {  	_ =	swait.ge [sflag:s23], $0x1  }
0xa3: {  	[sflag:s23] =	ssyncset.done $0x0  }
0xa4: {  	s25 =	simm.s32 $0x1B8E;
	s24 =	sld [smem:$0x3FFE];
	[sflag:s23] =	ssyncadd.s32 $0xFFFFFFFF  }
0xa5: {  	s26 =	simm.s32 $execute0_lowered;
	[smem:$0x3FD2] =	sst s25  }
0xa6: {  	s4 =	sshll.u32 s26, $0x1;
	_ =	strace $0x8000004C;
	[dreg:$0x1] =	wrdreg $0xFFFFFFFF  }
0xa7: {  	s28 =	simm.s32 $_size_execute0_lowered;
	s2 =	sadd.s32 s2, s4;
	[dreg:$0x0] =	wrdreg $0x0  }
0xa8: {  	s4 =	sshll.u32 s28, $0x1;
	[dreg:$0x2] =	wrdreg s2  }
0xa9: {  	[dreg:$0x3] =	wrdreg s4  }
0xaa: {  	[dreg:$0x4] =	wrdreg $0xC0  }
0xab: {  	_ =	task [dreg:s6], $0x5FFFF  }
0xac: {  	[dreg:$0x1] =	wrdreg $0xFFFFFFFF  }
0xad: {  	[dreg:$0x0] =	wrdreg $0x60  }
0xae: {  	[dreg:$0x2] =	wrdreg s24  }
0xaf: {  	[dreg:$0x3] =	wrdreg $0x44000  }
0xb0: {  	[dreg:$0x4] =	wrdreg $0x9  }
0xb1: {  	_ =	task.clear_ibuf [dreg:s6], $0x5FFFF;
	_ =	strace $0x9000004C  }
0xb2: {  	s29 =	simm.s32 $0x9;
	_ =	strace $0x8000004E  }
0xb3: {  	_ =	swait.ge [sflag:s29], $0x1  }
0xb4: {  	[sflag:s29] =	ssyncadd.s32 $0xFFFFFFFF  }
0xb5: {  	_ =	strace $0x9000004E  }
0xb6: {  	_ =	sfence  }
0xb7: {  	s30 =	sld [smem:$0x0];
	_ =	sdelay $0x2  }
0xb8: {  	s31 =	sshll.u32 s1, $0xD;
	s1 =	sshrl.u32 s1, $0x2  }
0xb9: {  	s3 =	sand.u32 $0x4000, s31;
	s1 =	sadd.s32 s1, s30  }
0xba: {  	s0 =	sor.u32 s3, s0;
	s1 =	sshll.u32 s1, $0x11  }
0xbb: {  	s0 =	sor.u32 s1, s0  }
0xbc: {  	s0 =	sadd.s32 $0x8F2B, s0  }
0xbd: {  	[sflag:s0] =	ssyncadd.remote.s32 $0x1  }
0xbe: {  	_ =	sfence.sel $0xFFFF  }
0xbf: {  	[dreg:$0x0] =	wrdreg $0xFFFFFFFF;
	(pc) =	sbr.abs _section_cstart, $3  }
0xc0: {  	[dreg:$0x1] =	wrdreg $0xFFFFFFFF  }
0xc1: {  	_ =	task.clear_ibuf [dreg:s6], $0x2FFFF;
	_ =	strace $0x9FFFFFFF  }
0xc2: {  	(tm) =	ssettm $0x7FFFFFFF  }
0xc3: {  	_ =	shalt  }
tec
execute0_lowered:
.L_overlay_start_1:
0x0: {  	(tag) =	ssettag $0x1  }
0x1: {  	s4 =	rddreg [dreg:$0x0]  }
0x2: {  	s2 =	rddreg [dreg:$0x1]  }
0x3: {  	s0 =	rddreg [dreg:$0x2];
	s1 =	stileid.u32  }
0x4: {  	s3 =	simm.s32 $0x0;
	s6 =	srdreg.scid;
	s14 =	simm.s32 $0x400  }
0x5: {  	s15 =	simm.s32 $0x100;
	s16 =	simm.s32 $0x180;
	s17 =	simm.s32 $0x200  }
0x6: {  	s18 =	simm.s32 $0x280;
	s19 =	simm.s32 $0x300;
	s5 =	smul.u32 $0x2800, s1  }
0x7: {  	s20 =	simm.s32 $0x380;
	s21 =	simm.s32 $0x0;
	s7 =	smul.u32 $0xA00, s1  }
0x8: {  	[smem:$0x7FF] =	sst s3;
	s6 =	sand.u32 $0x1, s6;
	s8 =	smul.u32 $0x50000, s1  }
0x9: {  	s29 =	sshll.u32 s1, $0x6;
	_ =	strace $0x8000004D;
	s26 =	smul.u32 $0x500, s6  }
0xa: {  	s9 =	ssub.s32 $0x2, s6;
	s12 =	smul.u32 $0x28000, s6;
	s5 =	sadd.s32 s5, s4  }
0xb: {  	s7 =	sadd.s32 s7, s4;
	s10 =	sshrl.u32 s9, $0x1;
	s28 =	sshrl.u32 s8, $0x2  }
0xc: {  	s11 =	sadd.s32 s8, s4;
	s9 =	ssub.s32 s9, s10;
	s13 =	sadd.s32 s28, s2  }
0xd: {  	s4 =	sadd.s32 $0xF6D600, s5;
	s5 =	sor.u32 $0x1C01, s29;
	s30 =	sadd.s32 s26, s7  }
0xe: {  	s31 =	sadd.s32 s12, s11;
	s12 =	simm.s32 $0x1;
	s6 =	smax.u32 s9, $0x1  }
0xf: {  	s7 =	sadd.s32 $0x13600, s30;
	s8 =	sadd.s32 $0xF95600, s31;
	s9 =	sadd.s32 $0x9600, s30  }
0x10: {  	s10 =	sadd.s32 $0x1D600, s31;
	s11 =	sshrl.u32 s13, $0x3;
	s13 =	simm.s32 $0x80  }
.LBB2_1:
0x11: {  	[spmem:s11], [sflag:s5] =	dma.local [hbm:s4], $0x2800  }
0x12: {  	_ =	swait.ge [sflag:s12], $0x2800  }
0x13: {  	[sflag:s12] =	ssyncset.done $0x0  }
0x14: {  	[sflag:s12] =	ssyncadd.s32 $0xFFFFD800  }
0x15: {  	[bflag:$0x0] =	sbarrier.arrive $0xFFFF  }
0x16: {  	[tilespmem:s3], [sflag:$0x1] =	stream.linear.gather [hbm4b:s7+s3], $0x400, $0x38;
	[tilespmem:$0x18400] =	vst v63  }
0x17: {  	_ =	swait.ge [sflag:s12], $0x400  }
0x18: {  	[sflag:s12] =	ssyncset.done $0x0  }
0x19: {  	[sflag:s12] =	ssyncadd.s32 $0xFFFFFC00  }
0x1a: {  	[tilespmem:s14], [sflag:$0x1] =	stream.indirect.gather [spmem:s2], $0x80, s3, s13, $0xb8;
	[tilespmem:$0x18400] =	vst v63  }
0x1b: {  	_ =	swait.ge [sflag:s12], $0x4000  }
0x1c: {  	[sflag:s12] =	ssyncset.done $0x0  }
0x1d: {  	s22 =	sadd.s32 $0x0, s8;
	[sflag:s12] =	ssyncadd.s32 $0xFFFFC000  }
0x1e: {  	[hbm4b:s22+s3] =	stream.linear.scatter [tilespmem:s14], [sflag:$0x1], $0x4000, $0x38;
	[tilespmem:$0x18400] =	vst v63  }
0x1f: {  	_ =	swait.ge [sflag:s12], $0x4000  }
0x20: {  	[sflag:s12] =	ssyncset.done $0x0  }
0x21: {  	[sflag:s12] =	ssyncadd.s32 $0xFFFFC000  }
0x22: {  	[tilespmem:s14], [sflag:$0x1] =	stream.indirect.gather [spmem:s2], $0x80, s13, s13, $0xb8;
	[tilespmem:$0x18400] =	vst v63  }
0x23: {  	_ =	swait.ge [sflag:s12], $0x4000  }
0x24: {  	[sflag:s12] =	ssyncset.done $0x0  }
0x25: {  	s23 =	sadd.s32 $0x800, s22;
	[sflag:s12] =	ssyncadd.s32 $0xFFFFC000  }
0x26: {  	[hbm4b:s23+s3] =	stream.linear.scatter [tilespmem:s14], [sflag:$0x1], $0x4000, $0x38;
	[tilespmem:$0x18400] =	vst v63  }
0x27: {  	_ =	swait.ge [sflag:s12], $0x4000  }
0x28: {  	[sflag:s12] =	ssyncset.done $0x0  }
0x29: {  	[sflag:s12] =	ssyncadd.s32 $0xFFFFC000  }
0x2a: {  	[tilespmem:s14], [sflag:$0x1] =	stream.indirect.gather [spmem:s2], $0x80, s15, s13, $0xb8;
	[tilespmem:$0x18400] =	vst v63  }
0x2b: {  	_ =	swait.ge [sflag:s12], $0x4000  }
0x2c: {  	[sflag:s12] =	ssyncset.done $0x0  }
0x2d: {  	s26 =	sadd.s32 $0x1000, s22;
	[sflag:s12] =	ssyncadd.s32 $0xFFFFC000  }
0x2e: {  	[hbm4b:s26+s3] =	stream.linear.scatter [tilespmem:s14], [sflag:$0x1], $0x4000, $0x38;
	[tilespmem:$0x18400] =	vst v63  }
0x2f: {  	_ =	swait.ge [sflag:s12], $0x4000  }
0x30: {  	[sflag:s12] =	ssyncset.done $0x0  }
0x31: {  	[sflag:s12] =	ssyncadd.s32 $0xFFFFC000  }
0x32: {  	[tilespmem:s14], [sflag:$0x1] =	stream.indirect.gather [spmem:s2], $0x80, s16, s13, $0xb8;
	[tilespmem:$0x18400] =	vst v63  }
0x33: {  	_ =	swait.ge [sflag:s12], $0x4000  }
0x34: {  	[sflag:s12] =	ssyncset.done $0x0  }
0x35: {  	s28 =	sadd.s32 $0x1800, s22;
	[sflag:s12] =	ssyncadd.s32 $0xFFFFC000  }
0x36: {  	[hbm4b:s28+s3] =	stream.linear.scatter [tilespmem:s14], [sflag:$0x1], $0x4000, $0x38;
	[tilespmem:$0x18400] =	vst v63  }
0x37: {  	_ =	swait.ge [sflag:s12], $0x4000  }
0x38: {  	[sflag:s12] =	ssyncset.done $0x0  }
0x39: {  	[sflag:s12] =	ssyncadd.s32 $0xFFFFC000  }
0x3a: {  	[tilespmem:s14], [sflag:$0x1] =	stream.indirect.gather [spmem:s2], $0x80, s17, s13, $0xb8;
	[tilespmem:$0x18400] =	vst v63  }
0x3b: {  	_ =	swait.ge [sflag:s12], $0x4000  }
0x3c: {  	[sflag:s12] =	ssyncset.done $0x0  }
0x3d: {  	s29 =	sadd.s32 $0x2000, s22;
	[sflag:s12] =	ssyncadd.s32 $0xFFFFC000  }
0x3e: {  	[hbm4b:s29+s3] =	stream.linear.scatter [tilespmem:s14], [sflag:$0x1], $0x4000, $0x38;
	[tilespmem:$0x18400] =	vst v63  }
0x3f: {  	_ =	swait.ge [sflag:s12], $0x4000  }
0x40: {  	[sflag:s12] =	ssyncset.done $0x0  }
0x41: {  	[sflag:s12] =	ssyncadd.s32 $0xFFFFC000  }
0x42: {  	[tilespmem:s14], [sflag:$0x1] =	stream.indirect.gather [spmem:s2], $0x80, s18, s13, $0xb8;
	[tilespmem:$0x18400] =	vst v63  }
0x43: {  	_ =	swait.ge [sflag:s12], $0x4000  }
0x44: {  	[sflag:s12] =	ssyncset.done $0x0  }
0x45: {  	s30 =	sadd.s32 $0x2800, s22;
	[sflag:s12] =	ssyncadd.s32 $0xFFFFC000  }
0x46: {  	[hbm4b:s30+s3] =	stream.linear.scatter [tilespmem:s14], [sflag:$0x1], $0x4000, $0x38;
	[tilespmem:$0x18400] =	vst v63  }
0x47: {  	_ =	swait.ge [sflag:s12], $0x4000  }
0x48: {  	[sflag:s12] =	ssyncset.done $0x0  }
0x49: {  	[sflag:s12] =	ssyncadd.s32 $0xFFFFC000  }
0x4a: {  	[tilespmem:s14], [sflag:$0x1] =	stream.indirect.gather [spmem:s2], $0x80, s19, s13, $0xb8;
	[tilespmem:$0x18400] =	vst v63  }
0x4b: {  	_ =	swait.ge [sflag:s12], $0x4000  }
0x4c: {  	[sflag:s12] =	ssyncset.done $0x0  }
0x4d: {  	s31 =	sadd.s32 $0x3000, s22;
	[sflag:s12] =	ssyncadd.s32 $0xFFFFC000  }
0x4e: {  	[hbm4b:s31+s3] =	stream.linear.scatter [tilespmem:s14], [sflag:$0x1], $0x4000, $0x38;
	[tilespmem:$0x18400] =	vst v63  }
0x4f: {  	_ =	swait.ge [sflag:s12], $0x4000  }
0x50: {  	[sflag:s12] =	ssyncset.done $0x0  }
0x51: {  	[sflag:s12] =	ssyncadd.s32 $0xFFFFC000  }
0x52: {  	[tilespmem:s14], [sflag:$0x1] =	stream.indirect.gather [spmem:s2], $0x80, s20, s13, $0xb8;
	[tilespmem:$0x18400] =	vst v63  }
0x53: {  	_ =	swait.ge [sflag:s12], $0x4000  }
0x54: {  	[sflag:s12] =	ssyncset.done $0x0  }
0x55: {  	s22 =	sadd.s32 $0x3800, s22;
	[sflag:s12] =	ssyncadd.s32 $0xFFFFC000  }
0x56: {  	[hbm4b:s22+s3] =	stream.linear.scatter [tilespmem:s14], [sflag:$0x1], $0x4000, $0x38;
	[tilespmem:$0x18400] =	vst v63  }
0x57: {  	s25 =	simm.s32 $0x8000;
	_ =	swait.ge [sflag:s12], $0x4000  }
0x58: {  	s24 =	smov.u32 s7;
	s23 =	simm.s32 $0x4000;
	[sflag:s12] =	ssyncset.done $0x0  }
.LBB2_2:
0x59: {  	s22 =	simm.s32 $0x0  }
0x5a: {  	[sflag:s12] =	ssyncadd.s32 $0xFFFFC000;
	s24 =	sadd.s32 $0x80, s24;
	s28 =	smov.u32 s25  }
0x5b: {  	[tilespmem:s22], [sflag:$0x1] =	stream.linear.gather [hbm4b:s24+s22], $0x400, $0x38;
	[tilespmem:$0x18400] =	vst v63  }
0x5c: {  	p0 =	sne.s32 s25, $0x24000;
	s25 =	sadd.s32 $0x4000, s25;
	_ =	swait.ge [sflag:s12], $0x400  }
0x5d: {  	[sflag:s12] =	ssyncset.done $0x0  }
0x5e: {  	[sflag:s12] =	ssyncadd.s32 $0xFFFFFC00  }
0x5f: {  	[tilespmem:s14], [sflag:$0x1] =	stream.indirect.gather [spmem:s2], $0x80, s22, s13, $0xb8;
	[tilespmem:$0x18400] =	vst v63  }
0x60: {  	_ =	swait.ge [sflag:s12], $0x4000  }
0x61: {  	[sflag:s12] =	ssyncset.done $0x0  }
0x62: {  	s26 =	sadd.s32 s23, s8;
	s23 =	smov.u32 s28;
	[sflag:s12] =	ssyncadd.s32 $0xFFFFC000  }
0x63: {  	[hbm4b:s26+s22] =	stream.linear.scatter [tilespmem:s14], [sflag:$0x1], $0x4000, $0x38;
	[tilespmem:$0x18400] =	vst v63  }
0x64: {  	_ =	swait.ge [sflag:s12], $0x4000  }
0x65: {  	[sflag:s12] =	ssyncset.done $0x0  }
0x66: {  	[sflag:s12] =	ssyncadd.s32 $0xFFFFC000  }
0x67: {  	[tilespmem:s14], [sflag:$0x1] =	stream.indirect.gather [spmem:s2], $0x80, s13, s13, $0xb8;
	[tilespmem:$0x18400] =	vst v63  }
0x68: {  	_ =	swait.ge [sflag:s12], $0x4000  }
0x69: {  	[sflag:s12] =	ssyncset.done $0x0  }
0x6a: {  	s28 =	sadd.s32 $0x800, s26;
	[sflag:s12] =	ssyncadd.s32 $0xFFFFC000  }
0x6b: {  	[hbm4b:s28+s22] =	stream.linear.scatter [tilespmem:s14], [sflag:$0x1], $0x4000, $0x38;
	[tilespmem:$0x18400] =	vst v63  }
0x6c: {  	_ =	swait.ge [sflag:s12], $0x4000  }
0x6d: {  	[sflag:s12] =	ssyncset.done $0x0  }
0x6e: {  	[sflag:s12] =	ssyncadd.s32 $0xFFFFC000  }
0x6f: {  	[tilespmem:s14], [sflag:$0x1] =	stream.indirect.gather [spmem:s2], $0x80, s15, s13, $0xb8;
	[tilespmem:$0x18400] =	vst v63  }
0x70: {  	_ =	swait.ge [sflag:s12], $0x4000  }
0x71: {  	[sflag:s12] =	ssyncset.done $0x0  }
0x72: {  	s28 =	sadd.s32 $0x1000, s26;
	[sflag:s12] =	ssyncadd.s32 $0xFFFFC000  }
0x73: {  	[hbm4b:s28+s22] =	stream.linear.scatter [tilespmem:s14], [sflag:$0x1], $0x4000, $0x38;
	[tilespmem:$0x18400] =	vst v63  }
0x74: {  	_ =	swait.ge [sflag:s12], $0x4000  }
0x75: {  	[sflag:s12] =	ssyncset.done $0x0  }
0x76: {  	[sflag:s12] =	ssyncadd.s32 $0xFFFFC000  }
0x77: {  	[tilespmem:s14], [sflag:$0x1] =	stream.indirect.gather [spmem:s2], $0x80, s16, s13, $0xb8;
	[tilespmem:$0x18400] =	vst v63  }
0x78: {  	_ =	swait.ge [sflag:s12], $0x4000  }
0x79: {  	[sflag:s12] =	ssyncset.done $0x0  }
0x7a: {  	s28 =	sadd.s32 $0x1800, s26;
	[sflag:s12] =	ssyncadd.s32 $0xFFFFC000  }
0x7b: {  	[hbm4b:s28+s22] =	stream.linear.scatter [tilespmem:s14], [sflag:$0x1], $0x4000, $0x38;
	[tilespmem:$0x18400] =	vst v63  }
0x7c: {  	_ =	swait.ge [sflag:s12], $0x4000  }
0x7d: {  	[sflag:s12] =	ssyncset.done $0x0  }
0x7e: {  	[sflag:s12] =	ssyncadd.s32 $0xFFFFC000  }
0x7f: {  	[tilespmem:s14], [sflag:$0x1] =	stream.indirect.gather [spmem:s2], $0x80, s17, s13, $0xb8;
	[tilespmem:$0x18400] =	vst v63  }
0x80: {  	_ =	swait.ge [sflag:s12], $0x4000  }
0x81: {  	[sflag:s12] =	ssyncset.done $0x0  }
0x82: {  	s28 =	sadd.s32 $0x2000, s26;
	[sflag:s12] =	ssyncadd.s32 $0xFFFFC000  }
0x83: {  	[hbm4b:s28+s22] =	stream.linear.scatter [tilespmem:s14], [sflag:$0x1], $0x4000, $0x38;
	[tilespmem:$0x18400] =	vst v63  }
0x84: {  	_ =	swait.ge [sflag:s12], $0x4000  }
0x85: {  	[sflag:s12] =	ssyncset.done $0x0  }
0x86: {  	[sflag:s12] =	ssyncadd.s32 $0xFFFFC000  }
0x87: {  	[tilespmem:s14], [sflag:$0x1] =	stream.indirect.gather [spmem:s2], $0x80, s18, s13, $0xb8;
	[tilespmem:$0x18400] =	vst v63  }
0x88: {  	_ =	swait.ge [sflag:s12], $0x4000  }
0x89: {  	[sflag:s12] =	ssyncset.done $0x0  }
0x8a: {  	s28 =	sadd.s32 $0x2800, s26;
	[sflag:s12] =	ssyncadd.s32 $0xFFFFC000  }
0x8b: {  	[hbm4b:s28+s22] =	stream.linear.scatter [tilespmem:s14], [sflag:$0x1], $0x4000, $0x38;
	[tilespmem:$0x18400] =	vst v63  }
0x8c: {  	_ =	swait.ge [sflag:s12], $0x4000  }
0x8d: {  	[sflag:s12] =	ssyncset.done $0x0  }
0x8e: {  	[sflag:s12] =	ssyncadd.s32 $0xFFFFC000  }
0x8f: {  	[tilespmem:s14], [sflag:$0x1] =	stream.indirect.gather [spmem:s2], $0x80, s19, s13, $0xb8;
	[tilespmem:$0x18400] =	vst v63  }
0x90: {  	_ =	swait.ge [sflag:s12], $0x4000  }
0x91: {  	[sflag:s12] =	ssyncset.done $0x0  }
0x92: {  	s28 =	sadd.s32 $0x3000, s26;
	[sflag:s12] =	ssyncadd.s32 $0xFFFFC000  }
0x93: {  	[hbm4b:s28+s22] =	stream.linear.scatter [tilespmem:s14], [sflag:$0x1], $0x4000, $0x38;
	[tilespmem:$0x18400] =	vst v63  }
0x94: {  	_ =	swait.ge [sflag:s12], $0x4000  }
0x95: {  	[sflag:s12] =	ssyncset.done $0x0  }
0x96: {  	[sflag:s12] =	ssyncadd.s32 $0xFFFFC000  }
0x97: {  	[tilespmem:s14], [sflag:$0x1] =	stream.indirect.gather [spmem:s2], $0x80, s20, s13, $0xb8;
	[tilespmem:$0x18400] =	vst v63  }
0x98: {  	_ =	swait.ge [sflag:s12], $0x4000  }
.Ltmp0:
0x99: {  	[sflag:s12] =	ssyncset.done $0x0;
	(pc) =	sbr.rel @p0 .LBB2_2-.Ltmp0, $4  }
0x9a: {  	s26 =	sadd.s32 $0x3800, s26;
	[sflag:s12] =	ssyncadd.s32 $0xFFFFC000  }
0x9b: {  	[hbm4b:s26+s22] =	stream.linear.scatter [tilespmem:s14], [sflag:$0x1], $0x4000, $0x38;
	[tilespmem:$0x18400] =	vst v63  }
0x9c: {  	_ =	swait.ge [sflag:s12], $0x4000  }
0x9d: {  	[sflag:s12] =	ssyncset.done $0x0  }
0x9e: {  	[sflag:s12] =	ssyncadd.s32 $0xFFFFC000;
	s24 =	sadd.s32 $0x80, s24  }
0x9f: {  	[tilespmem:s22], [sflag:$0x1] =	stream.linear.gather [hbm4b:s24+s22], $0x400, $0x38;
	[tilespmem:$0x18400] =	vst v63  }
0xa0: {  	_ =	swait.ge [sflag:s12], $0x400  }
0xa1: {  	[sflag:s12] =	ssyncset.done $0x0  }
0xa2: {  	[sflag:s12] =	ssyncadd.s32 $0xFFFFFC00  }
0xa3: {  	[tilespmem:s14], [sflag:$0x1] =	stream.indirect.gather [spmem:s2], $0x80, s22, s13, $0xb8;
	[tilespmem:$0x18400] =	vst v63  }
0xa4: {  	_ =	swait.ge [sflag:s12], $0x4000  }
0xa5: {  	[sflag:s12] =	ssyncset.done $0x0  }
0xa6: {  	s23 =	sadd.s32 s23, s8;
	[sflag:s12] =	ssyncadd.s32 $0xFFFFC000  }
0xa7: {  	[hbm4b:s23+s22] =	stream.linear.scatter [tilespmem:s14], [sflag:$0x1], $0x4000, $0x38;
	[tilespmem:$0x18400] =	vst v63  }
0xa8: {  	_ =	swait.ge [sflag:s12], $0x4000  }
0xa9: {  	[sflag:s12] =	ssyncset.done $0x0  }
0xaa: {  	[sflag:s12] =	ssyncadd.s32 $0xFFFFC000  }
0xab: {  	[tilespmem:s14], [sflag:$0x1] =	stream.indirect.gather [spmem:s2], $0x80, s13, s13, $0xb8;
	[tilespmem:$0x18400] =	vst v63  }
0xac: {  	_ =	swait.ge [sflag:s12], $0x4000  }
0xad: {  	[sflag:s12] =	ssyncset.done $0x0  }
0xae: {  	s25 =	sadd.s32 $0x800, s23;
	[sflag:s12] =	ssyncadd.s32 $0xFFFFC000  }
0xaf: {  	[hbm4b:s25+s22] =	stream.linear.scatter [tilespmem:s14], [sflag:$0x1], $0x4000, $0x38;
	[tilespmem:$0x18400] =	vst v63  }
0xb0: {  	_ =	swait.ge [sflag:s12], $0x4000  }
0xb1: {  	[sflag:s12] =	ssyncset.done $0x0  }
0xb2: {  	[sflag:s12] =	ssyncadd.s32 $0xFFFFC000  }
0xb3: {  	[tilespmem:s14], [sflag:$0x1] =	stream.indirect.gather [spmem:s2], $0x80, s15, s13, $0xb8;
	[tilespmem:$0x18400] =	vst v63  }
0xb4: {  	_ =	swait.ge [sflag:s12], $0x4000  }
0xb5: {  	[sflag:s12] =	ssyncset.done $0x0  }
0xb6: {  	s26 =	sadd.s32 $0x1000, s23;
	[sflag:s12] =	ssyncadd.s32 $0xFFFFC000  }
0xb7: {  	[hbm4b:s26+s22] =	stream.linear.scatter [tilespmem:s14], [sflag:$0x1], $0x4000, $0x38;
	[tilespmem:$0x18400] =	vst v63  }
0xb8: {  	_ =	swait.ge [sflag:s12], $0x4000  }
0xb9: {  	[sflag:s12] =	ssyncset.done $0x0  }
0xba: {  	[sflag:s12] =	ssyncadd.s32 $0xFFFFC000  }
0xbb: {  	[tilespmem:s14], [sflag:$0x1] =	stream.indirect.gather [spmem:s2], $0x80, s16, s13, $0xb8;
	[tilespmem:$0x18400] =	vst v63  }
0xbc: {  	_ =	swait.ge [sflag:s12], $0x4000  }
0xbd: {  	[sflag:s12] =	ssyncset.done $0x0  }
0xbe: {  	s28 =	sadd.s32 $0x1800, s23;
	[sflag:s12] =	ssyncadd.s32 $0xFFFFC000  }
0xbf: {  	[hbm4b:s28+s22] =	stream.linear.scatter [tilespmem:s14], [sflag:$0x1], $0x4000, $0x38;
	[tilespmem:$0x18400] =	vst v63  }
0xc0: {  	_ =	swait.ge [sflag:s12], $0x4000  }
0xc1: {  	[sflag:s12] =	ssyncset.done $0x0  }
0xc2: {  	[sflag:s12] =	ssyncadd.s32 $0xFFFFC000  }
0xc3: {  	[tilespmem:s14], [sflag:$0x1] =	stream.indirect.gather [spmem:s2], $0x80, s17, s13, $0xb8;
	[tilespmem:$0x18400] =	vst v63  }
0xc4: {  	_ =	swait.ge [sflag:s12], $0x4000  }
0xc5: {  	[sflag:s12] =	ssyncset.done $0x0  }
0xc6: {  	s29 =	sadd.s32 $0x2000, s23;
	[sflag:s12] =	ssyncadd.s32 $0xFFFFC000  }
0xc7: {  	[hbm4b:s29+s22] =	stream.linear.scatter [tilespmem:s14], [sflag:$0x1], $0x4000, $0x38;
	[tilespmem:$0x18400] =	vst v63  }
0xc8: {  	_ =	swait.ge [sflag:s12], $0x4000  }
0xc9: {  	[sflag:s12] =	ssyncset.done $0x0  }
0xca: {  	[sflag:s12] =	ssyncadd.s32 $0xFFFFC000  }
0xcb: {  	[tilespmem:s14], [sflag:$0x1] =	stream.indirect.gather [spmem:s2], $0x80, s18, s13, $0xb8;
	[tilespmem:$0x18400] =	vst v63  }
0xcc: {  	_ =	swait.ge [sflag:s12], $0x4000  }
0xcd: {  	[sflag:s12] =	ssyncset.done $0x0  }
0xce: {  	s30 =	sadd.s32 $0x2800, s23;
	[sflag:s12] =	ssyncadd.s32 $0xFFFFC000  }
0xcf: {  	[hbm4b:s30+s22] =	stream.linear.scatter [tilespmem:s14], [sflag:$0x1], $0x4000, $0x38;
	[tilespmem:$0x18400] =	vst v63  }
0xd0: {  	_ =	swait.ge [sflag:s12], $0x4000  }
0xd1: {  	[sflag:s12] =	ssyncset.done $0x0  }
0xd2: {  	[sflag:s12] =	ssyncadd.s32 $0xFFFFC000  }
0xd3: {  	[tilespmem:s14], [sflag:$0x1] =	stream.indirect.gather [spmem:s2], $0x80, s19, s13, $0xb8;
	[tilespmem:$0x18400] =	vst v63  }
0xd4: {  	_ =	swait.ge [sflag:s12], $0x4000  }
0xd5: {  	[sflag:s12] =	ssyncset.done $0x0  }
0xd6: {  	s31 =	sadd.s32 $0x3000, s23;
	[sflag:s12] =	ssyncadd.s32 $0xFFFFC000  }
0xd7: {  	[hbm4b:s31+s22] =	stream.linear.scatter [tilespmem:s14], [sflag:$0x1], $0x4000, $0x38;
	[tilespmem:$0x18400] =	vst v63  }
0xd8: {  	_ =	swait.ge [sflag:s12], $0x4000  }
0xd9: {  	[sflag:s12] =	ssyncset.done $0x0  }
0xda: {  	[sflag:s12] =	ssyncadd.s32 $0xFFFFC000  }
0xdb: {  	[tilespmem:s14], [sflag:$0x1] =	stream.indirect.gather [spmem:s2], $0x80, s20, s13, $0xb8;
	[tilespmem:$0x18400] =	vst v63  }
0xdc: {  	_ =	swait.ge [sflag:s12], $0x4000  }
0xdd: {  	[sflag:s12] =	ssyncset.done $0x0  }
0xde: {  	s23 =	sadd.s32 $0x3800, s23;
	[sflag:s12] =	ssyncadd.s32 $0xFFFFC000  }
0xdf: {  	[hbm4b:s23+s22] =	stream.linear.scatter [tilespmem:s14], [sflag:$0x1], $0x4000, $0x38;
	[tilespmem:$0x18400] =	vst v63  }
0xe0: {  	_ =	swait.ge [sflag:s12], $0x4000  }
0xe1: {  	[sflag:s12] =	ssyncset.done $0x0  }
0xe2: {  	[sflag:s12] =	ssyncadd.s32 $0xFFFFC000  }
0xe3: {  	[tilespmem:s3], [sflag:$0x1] =	stream.linear.gather [hbm4b:s9+s3], $0x400, $0x38;
	[tilespmem:$0x18400] =	vst v63  }
0xe4: {  	_ =	swait.ge [sflag:s12], $0x400  }
0xe5: {  	[sflag:s12] =	ssyncset.done $0x0  }
0xe6: {  	[sflag:s12] =	ssyncadd.s32 $0xFFFFFC00  }
0xe7: {  	[tilespmem:s14], [sflag:$0x1] =	stream.indirect.gather [spmem:s2], $0x80, s3, s13, $0xb8;
	[tilespmem:$0x18400] =	vst v63  }
0xe8: {  	_ =	swait.ge [sflag:s12], $0x4000  }
0xe9: {  	[sflag:s12] =	ssyncset.done $0x0  }
0xea: {  	s24 =	sadd.s32 $0x0, s10;
	[sflag:s12] =	ssyncadd.s32 $0xFFFFC000  }
0xeb: {  	[hbm4b:s24+s3] =	stream.linear.scatter [tilespmem:s14], [sflag:$0x1], $0x4000, $0x38;
	[tilespmem:$0x18400] =	vst v63  }
0xec: {  	_ =	swait.ge [sflag:s12], $0x4000  }
0xed: {  	[sflag:s12] =	ssyncset.done $0x0  }
0xee: {  	[sflag:s12] =	ssyncadd.s32 $0xFFFFC000  }
0xef: {  	[tilespmem:s14], [sflag:$0x1] =	stream.indirect.gather [spmem:s2], $0x80, s13, s13, $0xb8;
	[tilespmem:$0x18400] =	vst v63  }
0xf0: {  	_ =	swait.ge [sflag:s12], $0x4000  }
0xf1: {  	[sflag:s12] =	ssyncset.done $0x0  }
0xf2: {  	s25 =	sadd.s32 $0x800, s24;
	[sflag:s12] =	ssyncadd.s32 $0xFFFFC000  }
0xf3: {  	[hbm4b:s25+s3] =	stream.linear.scatter [tilespmem:s14], [sflag:$0x1], $0x4000, $0x38;
	[tilespmem:$0x18400] =	vst v63  }
0xf4: {  	_ =	swait.ge [sflag:s12], $0x4000  }
0xf5: {  	[sflag:s12] =	ssyncset.done $0x0  }
0xf6: {  	[sflag:s12] =	ssyncadd.s32 $0xFFFFC000  }
0xf7: {  	[tilespmem:s14], [sflag:$0x1] =	stream.indirect.gather [spmem:s2], $0x80, s15, s13, $0xb8;
	[tilespmem:$0x18400] =	vst v63  }
0xf8: {  	_ =	swait.ge [sflag:s12], $0x4000  }
0xf9: {  	[sflag:s12] =	ssyncset.done $0x0  }
0xfa: {  	s26 =	sadd.s32 $0x1000, s24;
	[sflag:s12] =	ssyncadd.s32 $0xFFFFC000  }
0xfb: {  	[hbm4b:s26+s3] =	stream.linear.scatter [tilespmem:s14], [sflag:$0x1], $0x4000, $0x38;
	[tilespmem:$0x18400] =	vst v63  }
0xfc: {  	_ =	swait.ge [sflag:s12], $0x4000  }
0xfd: {  	[sflag:s12] =	ssyncset.done $0x0  }
0xfe: {  	[sflag:s12] =	ssyncadd.s32 $0xFFFFC000  }
0xff: {  	[tilespmem:s14], [sflag:$0x1] =	stream.indirect.gather [spmem:s2], $0x80, s16, s13, $0xb8;
	[tilespmem:$0x18400] =	vst v63  }
0x100: {  	_ =	swait.ge [sflag:s12], $0x4000  }
0x101: {  	[sflag:s12] =	ssyncset.done $0x0  }
0x102: {  	s28 =	sadd.s32 $0x1800, s24;
	[sflag:s12] =	ssyncadd.s32 $0xFFFFC000  }
0x103: {  	[hbm4b:s28+s3] =	stream.linear.scatter [tilespmem:s14], [sflag:$0x1], $0x4000, $0x38;
	[tilespmem:$0x18400] =	vst v63  }
0x104: {  	_ =	swait.ge [sflag:s12], $0x4000  }
0x105: {  	[sflag:s12] =	ssyncset.done $0x0  }
0x106: {  	[sflag:s12] =	ssyncadd.s32 $0xFFFFC000  }
0x107: {  	[tilespmem:s14], [sflag:$0x1] =	stream.indirect.gather [spmem:s2], $0x80, s17, s13, $0xb8;
	[tilespmem:$0x18400] =	vst v63  }
0x108: {  	_ =	swait.ge [sflag:s12], $0x4000  }
0x109: {  	[sflag:s12] =	ssyncset.done $0x0  }
0x10a: {  	s29 =	sadd.s32 $0x2000, s24;
	[sflag:s12] =	ssyncadd.s32 $0xFFFFC000  }
0x10b: {  	[hbm4b:s29+s3] =	stream.linear.scatter [tilespmem:s14], [sflag:$0x1], $0x4000, $0x38;
	[tilespmem:$0x18400] =	vst v63  }
0x10c: {  	_ =	swait.ge [sflag:s12], $0x4000  }
0x10d: {  	[sflag:s12] =	ssyncset.done $0x0  }
0x10e: {  	[sflag:s12] =	ssyncadd.s32 $0xFFFFC000  }
0x10f: {  	[tilespmem:s14], [sflag:$0x1] =	stream.indirect.gather [spmem:s2], $0x80, s18, s13, $0xb8;
	[tilespmem:$0x18400] =	vst v63  }
0x110: {  	_ =	swait.ge [sflag:s12], $0x4000  }
0x111: {  	[sflag:s12] =	ssyncset.done $0x0  }
0x112: {  	s30 =	sadd.s32 $0x2800, s24;
	[sflag:s12] =	ssyncadd.s32 $0xFFFFC000  }
0x113: {  	[hbm4b:s30+s3] =	stream.linear.scatter [tilespmem:s14], [sflag:$0x1], $0x4000, $0x38;
	[tilespmem:$0x18400] =	vst v63  }
0x114: {  	_ =	swait.ge [sflag:s12], $0x4000  }
0x115: {  	[sflag:s12] =	ssyncset.done $0x0  }
0x116: {  	[sflag:s12] =	ssyncadd.s32 $0xFFFFC000  }
0x117: {  	[tilespmem:s14], [sflag:$0x1] =	stream.indirect.gather [spmem:s2], $0x80, s19, s13, $0xb8;
	[tilespmem:$0x18400] =	vst v63  }
0x118: {  	_ =	swait.ge [sflag:s12], $0x4000  }
0x119: {  	[sflag:s12] =	ssyncset.done $0x0  }
0x11a: {  	s31 =	sadd.s32 $0x3000, s24;
	[sflag:s12] =	ssyncadd.s32 $0xFFFFC000  }
0x11b: {  	[hbm4b:s31+s3] =	stream.linear.scatter [tilespmem:s14], [sflag:$0x1], $0x4000, $0x38;
	[tilespmem:$0x18400] =	vst v63  }
0x11c: {  	_ =	swait.ge [sflag:s12], $0x4000  }
0x11d: {  	[sflag:s12] =	ssyncset.done $0x0  }
0x11e: {  	[sflag:s12] =	ssyncadd.s32 $0xFFFFC000  }
0x11f: {  	[tilespmem:s14], [sflag:$0x1] =	stream.indirect.gather [spmem:s2], $0x80, s20, s13, $0xb8;
	[tilespmem:$0x18400] =	vst v63  }
0x120: {  	p0 =	por $0x1, $0x1;
	_ =	swait.ge [sflag:s12], $0x4000  }
.Ltmp1:
0x121: {  	[sflag:s12] =	ssyncset.done $0x0;
	(pc) =	sbr.rel @!p0 .LBB2_5-.Ltmp1, $4  }
0x122: {  	s22 =	sadd.s32 $0x3800, s24;
	[sflag:s12] =	ssyncadd.s32 $0xFFFFC000  }
0x123: {  	[hbm4b:s22+s3] =	stream.linear.scatter [tilespmem:s14], [sflag:$0x1], $0x4000, $0x38;
	[tilespmem:$0x18400] =	vst v63  }
0x124: {  	_ =	swait.ge [sflag:s12], $0x4000  }
0x125: {  	s23 =	smov.u32 s9;
	s22 =	simm.s32 $0x4000;
	[sflag:s12] =	ssyncset.done $0x0  }
.LBB2_4:
0x126: {  	p0 =	sne.s32 s22, $0x24000;
	[sflag:s12] =	ssyncadd.s32 $0xFFFFC000;
	s23 =	sadd.s32 $0x80, s23  }
0x127: {  	[tilespmem:s3], [sflag:$0x1] =	stream.linear.gather [hbm4b:s23+s3], $0x400, $0x38;
	[tilespmem:$0x18400] =	vst v63  }
0x128: {  	s24 =	smov.u32 s22;
	s22 =	sadd.s32 $0x4000, s22;
	_ =	swait.ge [sflag:s12], $0x400  }
0x129: {  	[sflag:s12] =	ssyncset.done $0x0  }
0x12a: {  	[sflag:s12] =	ssyncadd.s32 $0xFFFFFC00  }
0x12b: {  	[tilespmem:s14], [sflag:$0x1] =	stream.indirect.gather [spmem:s2], $0x80, s3, s13, $0xb8;
	[tilespmem:$0x18400] =	vst v63  }
0x12c: {  	_ =	swait.ge [sflag:s12], $0x4000  }
0x12d: {  	[sflag:s12] =	ssyncset.done $0x0  }
0x12e: {  	s24 =	sadd.s32 s24, s10;
	[sflag:s12] =	ssyncadd.s32 $0xFFFFC000  }
0x12f: {  	[hbm4b:s24+s3] =	stream.linear.scatter [tilespmem:s14], [sflag:$0x1], $0x4000, $0x38;
	[tilespmem:$0x18400] =	vst v63  }
0x130: {  	_ =	swait.ge [sflag:s12], $0x4000  }
0x131: {  	[sflag:s12] =	ssyncset.done $0x0  }
0x132: {  	[sflag:s12] =	ssyncadd.s32 $0xFFFFC000  }
0x133: {  	[tilespmem:s14], [sflag:$0x1] =	stream.indirect.gather [spmem:s2], $0x80, s13, s13, $0xb8;
	[tilespmem:$0x18400] =	vst v63  }
0x134: {  	_ =	swait.ge [sflag:s12], $0x4000  }
0x135: {  	[sflag:s12] =	ssyncset.done $0x0  }
0x136: {  	s25 =	sadd.s32 $0x800, s24;
	[sflag:s12] =	ssyncadd.s32 $0xFFFFC000  }
0x137: {  	[hbm4b:s25+s3] =	stream.linear.scatter [tilespmem:s14], [sflag:$0x1], $0x4000, $0x38;
	[tilespmem:$0x18400] =	vst v63  }
0x138: {  	_ =	swait.ge [sflag:s12], $0x4000  }
0x139: {  	[sflag:s12] =	ssyncset.done $0x0  }
0x13a: {  	[sflag:s12] =	ssyncadd.s32 $0xFFFFC000  }
0x13b: {  	[tilespmem:s14], [sflag:$0x1] =	stream.indirect.gather [spmem:s2], $0x80, s15, s13, $0xb8;
	[tilespmem:$0x18400] =	vst v63  }
0x13c: {  	_ =	swait.ge [sflag:s12], $0x4000  }
0x13d: {  	[sflag:s12] =	ssyncset.done $0x0  }
0x13e: {  	s25 =	sadd.s32 $0x1000, s24;
	[sflag:s12] =	ssyncadd.s32 $0xFFFFC000  }
0x13f: {  	[hbm4b:s25+s3] =	stream.linear.scatter [tilespmem:s14], [sflag:$0x1], $0x4000, $0x38;
	[tilespmem:$0x18400] =	vst v63  }
0x140: {  	_ =	swait.ge [sflag:s12], $0x4000  }
0x141: {  	[sflag:s12] =	ssyncset.done $0x0  }
0x142: {  	[sflag:s12] =	ssyncadd.s32 $0xFFFFC000  }
0x143: {  	[tilespmem:s14], [sflag:$0x1] =	stream.indirect.gather [spmem:s2], $0x80, s16, s13, $0xb8;
	[tilespmem:$0x18400] =	vst v63  }
0x144: {  	_ =	swait.ge [sflag:s12], $0x4000  }
0x145: {  	[sflag:s12] =	ssyncset.done $0x0  }
0x146: {  	s25 =	sadd.s32 $0x1800, s24;
	[sflag:s12] =	ssyncadd.s32 $0xFFFFC000  }
0x147: {  	[hbm4b:s25+s3] =	stream.linear.scatter [tilespmem:s14], [sflag:$0x1], $0x4000, $0x38;
	[tilespmem:$0x18400] =	vst v63  }
0x148: {  	_ =	swait.ge [sflag:s12], $0x4000  }
0x149: {  	[sflag:s12] =	ssyncset.done $0x0  }
0x14a: {  	[sflag:s12] =	ssyncadd.s32 $0xFFFFC000  }
0x14b: {  	[tilespmem:s14], [sflag:$0x1] =	stream.indirect.gather [spmem:s2], $0x80, s17, s13, $0xb8;
	[tilespmem:$0x18400] =	vst v63  }
0x14c: {  	_ =	swait.ge [sflag:s12], $0x4000  }
0x14d: {  	[sflag:s12] =	ssyncset.done $0x0  }
0x14e: {  	s25 =	sadd.s32 $0x2000, s24;
	[sflag:s12] =	ssyncadd.s32 $0xFFFFC000  }
0x14f: {  	[hbm4b:s25+s3] =	stream.linear.scatter [tilespmem:s14], [sflag:$0x1], $0x4000, $0x38;
	[tilespmem:$0x18400] =	vst v63  }
0x150: {  	_ =	swait.ge [sflag:s12], $0x4000  }
0x151: {  	[sflag:s12] =	ssyncset.done $0x0  }
0x152: {  	[sflag:s12] =	ssyncadd.s32 $0xFFFFC000  }
0x153: {  	[tilespmem:s14], [sflag:$0x1] =	stream.indirect.gather [spmem:s2], $0x80, s18, s13, $0xb8;
	[tilespmem:$0x18400] =	vst v63  }
0x154: {  	_ =	swait.ge [sflag:s12], $0x4000  }
0x155: {  	[sflag:s12] =	ssyncset.done $0x0  }
0x156: {  	s25 =	sadd.s32 $0x2800, s24;
	[sflag:s12] =	ssyncadd.s32 $0xFFFFC000  }
0x157: {  	[hbm4b:s25+s3] =	stream.linear.scatter [tilespmem:s14], [sflag:$0x1], $0x4000, $0x38;
	[tilespmem:$0x18400] =	vst v63  }
0x158: {  	_ =	swait.ge [sflag:s12], $0x4000  }
0x159: {  	[sflag:s12] =	ssyncset.done $0x0  }
0x15a: {  	[sflag:s12] =	ssyncadd.s32 $0xFFFFC000  }
0x15b: {  	[tilespmem:s14], [sflag:$0x1] =	stream.indirect.gather [spmem:s2], $0x80, s19, s13, $0xb8;
	[tilespmem:$0x18400] =	vst v63  }
0x15c: {  	_ =	swait.ge [sflag:s12], $0x4000  }
0x15d: {  	[sflag:s12] =	ssyncset.done $0x0  }
0x15e: {  	s25 =	sadd.s32 $0x3000, s24;
	[sflag:s12] =	ssyncadd.s32 $0xFFFFC000  }
0x15f: {  	[hbm4b:s25+s3] =	stream.linear.scatter [tilespmem:s14], [sflag:$0x1], $0x4000, $0x38;
	[tilespmem:$0x18400] =	vst v63  }
0x160: {  	_ =	swait.ge [sflag:s12], $0x4000  }
0x161: {  	[sflag:s12] =	ssyncset.done $0x0  }
0x162: {  	[sflag:s12] =	ssyncadd.s32 $0xFFFFC000  }
0x163: {  	[tilespmem:s14], [sflag:$0x1] =	stream.indirect.gather [spmem:s2], $0x80, s20, s13, $0xb8;
	[tilespmem:$0x18400] =	vst v63  }
0x164: {  	_ =	swait.ge [sflag:s12], $0x4000  }
.Ltmp2:
0x165: {  	[sflag:s12] =	ssyncset.done $0x0;
	(pc) =	sbr.rel @p0 .LBB2_4-.Ltmp2, $4  }
0x166: {  	s24 =	sadd.s32 $0x3800, s24;
	[sflag:s12] =	ssyncadd.s32 $0xFFFFC000  }
0x167: {  	[hbm4b:s24+s3] =	stream.linear.scatter [tilespmem:s14], [sflag:$0x1], $0x4000, $0x38;
	[tilespmem:$0x18400] =	vst v63  }
0x168: {  	_ =	swait.ge [sflag:s12], $0x4000  }
0x169: {  	[sflag:s12] =	ssyncset.done $0x0  }
.LBB2_5:
0x16a: {  	s21 =	sadd.s32 $0x1, s21  }
0x16b: {  	p0 =	sne.s32 s21, s6  }
.Ltmp3:
0x16c: {  	_ = 	snop;
	(pc) =	sbr.rel @p0 .LBB2_1-.Ltmp3, $2  }
0x16d: {  	_ =	sdelay $0x2  }
0x16e: {  	[sflag:s12] =	ssyncadd.s32 $0xFFFFC000  }
0x16f: {  	_ =	sfence.sel $0x180000  }
0x170: {  	[bflag:$0x0] =	sbarrier.arrive $0xFFFF  }
0x171: {  	p0 =	sne.s32 s1, $0x0;
	_ =	strace $0x9000004D  }
0x172: {  	s0 =	sadd.s32 @!p0 $0x100000, s0;
	[bflag:$0x2] =	sbarrier.arrive $0xFFFF  }
0x173: {  	[sflag:s0] =	ssyncadd.tile.s32 @!p0 $0x1;
	_ =	shalt  }
.Lfunc_end2:
_tile_overlayer_lowered:
.L_overlay_start_2:
0x174: {  	(tag) =	ssettag $0x2  }
0x175: {  	s0 =	rddreg [dreg:$0x0];
	s2 =	stileid.u32  }
0x176: {  	s1 =	rddreg [dreg:$0x1];
	p0 =	sne.s32 s2, $0x0  }
0x177: {  	s3 =	rddreg [dreg:$0x2];
	[bflag:$0x3] =	sbarrier.arrive $0xFFFF;
	s2 =	simm.s32 @!p0 $0x1C01  }
0x178: {  	[timem:s3], [sflag:s2] =	dma.local @!p0 [hbm:s0], s1  }
0x179: {  	s0 =	simm.s32 @!p0 $0x1  }
0x17a: {  	_ =	swait.ge @!p0 [sflag:s0], s1  }
0x17b: {  	s1 =	ssub.s32 @!p0 $0x0, s1;
	[sflag:s0] =	ssyncset.done @!p0 $0x0  }
0x17c: {  	[sflag:s0] =	ssyncadd.s32 @!p0 s1  }
0x17d: {  	[bflag:$0x3] =	sbarrier.arrive $0xFFFF  }
0x17e: {  	_ =	shalt  }

// kernel: kernel.21.cloned.1.call-start
scs
__scs_entry_jumppad:
0x0: {  	(pc) =	sbr.rel $0x88, $3  }
0x1: {  	(tag) =	ssettag $0x0;
	lr =	simm.s32 $0x1  }
0x2: {  	[smem:$0x3F7D] =	sst lr;
	_ =	strace $0xD0000000  }
0x3: {  	_ = 	snop  }
0x4: {  	_ = 	snop  }
0x5: {  	_ = 	snop  }
0x6: {  	_ = 	snop  }
0x7: {  	_ = 	snop  }
__scs_overlays_trampoline_lowered:
0x8: {  	[smem:$0x3F8C] =	sst s0  }
0x9: {  	[smem:$0x3F8D] =	sst s1  }
0xa: {  	[smem:$0x3F8E] =	sst s2  }
0xb: {  	[smem:$0x3F8F] =	sst s3  }
0xc: {  	[smem:$0x3F90] =	sst s4  }
0xd: {  	[smem:$0x3F91] =	sst s5  }
0xe: {  	[smem:$0x3F92] =	sst s6  }
0xf: {  	[smem:$0x3F93] =	sst s7  }
0x10: {  	[smem:$0x3F94] =	sst s8  }
0x11: {  	[smem:$0x3F95] =	sst s9;
	s0 =	simm.s32 @!p0 $0x0  }
0x12: {  	s1 =	sld [smem:$0x3F7B];
	s0 =	simm.s32 @p0 $0x1  }
0x13: {  	[smem:$0x3F96] =	sst s0;
	s0 =	simm.s32 @!p1 $0x0  }
0x14: {  	s2 =	sld [smem:$0x3F7A];
	s0 =	simm.s32 @p1 $0x1  }
0x15: {  	[smem:$0x3F97] =	sst s0;
	s0 =	simm.s32 @!p2 $0x0  }
0x16: {  	s3 =	sld [smem:$0x3FDB];
	s0 =	simm.s32 @p2 $0x1  }
0x17: {  	s4 =	simm.s32 $0x1BF5;
	[smem:$0x3F99] =	sst s0  }
0x18: {  	s0 =	sld [smem:$0x3F7C];
	_ =	swait.ge [sflag:s4], $0x0  }
0x19: {  	s7 =	sld [smem:$0x3F7D]  }
0x1a: {  	s8 =	sadd.s32 $0xFFFFE003, lr  }
0x1b: {  	s9 =	sadd.s32 $0xFFFFFEF7, lr;
	s5 =	simm.s32 $0xFFFFFFFF;
	p2 =	slt.u32 s8, $0xFFFFF086  }
0x1c: {  	p1 =	slt.u32 s9, $0xF7A;
	s5 =	simm.s32 @!p2 $0x0  }
0x1d: {  	s5 =	simm.s32 @p1 $0x1;
	p0 =	seq.s32 s7, s2  }
0x1e: {  	s7 =	smul.u32 @!p0 $0xF7A, s2;
	p2 =	seq.s32 @!p0 s5, $0x0  }
0x1f: {  	s9 =	smul.u32 $0xF7A, s1;
	s8 =	simm.s32 @!p0 $0x1BF5;
	p2 =	por !p2, p0  }
0x20: {  	[sflag:s8] =	ssyncset.s32 @!p0 $0xFFFFF086;
	s6 =	sadd.s32 @!p0 s3, s7;
	s7 =	simm.s32 @!p0 $0x108  }
0x21: {  	s3 =	sadd.s32 s3, s9;
	s6 =	sadd.s32 @!p0 $0x88, s6;
	s7 =	simm.s32 @p2 $0x1082  }
0x22: {  	[simem:s7], [sflag:s8] =	dma.local @!p0 [hbm:s6], $0xF7A  }
0x23: {  	s9 =	sor.u32 $0xD0000000, s2;
	s6 =	simm.s32 $0x108;
	_ =	swait.ge @!p0 [sflag:s8], $0x0  }
0x24: {  	s3 =	sadd.s32 $0x88, s3;
	s6 =	simm.s32 @!p1 $0x1082;
	[sflag:s4] =	ssyncset.s32 $0xFFFFF086  }
0x25: {  	[simem:s6], [sflag:s4] =	dma.local [hbm:s3], $0xF7A  }
0x26: {  	[smem:$0x3F7D] =	sst s1;
	(tag) =	ssettag s2;
	_ =	strace s9  }
0x27: {  	s1 =	sld [smem:$0x3F8D]  }
0x28: {  	s2 =	sld [smem:$0x3F8E]  }
0x29: {  	s4 =	sld [smem:$0x3F90]  }
0x2a: {  	p0 =	seq.s32 s5, $0x0;
	s5 =	sld [smem:$0x3F91]  }
0x2b: {  	s6 =	sld [smem:$0x3F92]  }
0x2c: {  	s7 =	sld [smem:$0x3F93]  }
0x2d: {  	s3 =	simm.s32 $0x108;
	s8 =	sld [smem:$0x3F94]  }
0x2e: {  	s3 =	simm.s32 @!p0 $0x1082;
	s9 =	sld [smem:$0x3F95]  }
0x2f: {  	lr =	sadd.s32 s0, s3;
	s0 =	sld [smem:$0x3F8C]  }
0x30: {  	s3 =	sld [smem:$0x3F8F]  }
0x31: {  	[smem:$0x3F98] =	sst s10  }
0x32: {  	s10 =	sld [smem:$0x3F96];
	_ =	sdelay $0x3  }
0x33: {  	p0 =	seq.s32 s10, $0x1;
	s10 =	sld [smem:$0x3F98];
	_ =	sdelay $0x3  }
0x34: {  	[smem:$0x3F98] =	sst s10  }
0x35: {  	s10 =	sld [smem:$0x3F97];
	_ =	sdelay $0x3  }
0x36: {  	p1 =	seq.s32 s10, $0x1;
	s10 =	sld [smem:$0x3F98];
	_ =	sdelay $0x3  }
0x37: {  	[smem:$0x3F98] =	sst s10  }
0x38: {  	s10 =	sld [smem:$0x3F99]  }
0x39: {  	_ = 	snop;
	(pc) =	sbr.ind lr, $3  }
0x3a: {  	_ = 	snop  }
0x3b: {  	_ = 	snop  }
0x3c: {  	p2 =	seq.s32 s10, $0x1;
	s10 =	sld [smem:$0x3F98]  }
0x3d: {  	_ =	shalt  }
0x3e: {  	_ =	shalt  }
0x3f: {  	_ =	shalt  }
0x40: {  	_ =	shalt  }
0x41: {  	_ =	shalt  }
0x42: {  	_ =	shalt  }
0x43: {  	_ =	shalt  }
0x44: {  	_ =	shalt  }
0x45: {  	_ =	shalt  }
0x46: {  	_ =	shalt  }
0x47: {  	_ =	shalt  }
0x48: {  	_ =	shalt  }
0x49: {  	_ =	shalt  }
0x4a: {  	_ =	shalt  }
0x4b: {  	_ =	shalt  }
0x4c: {  	_ =	shalt  }
0x4d: {  	_ =	shalt  }
0x4e: {  	_ =	shalt  }
0x4f: {  	_ =	shalt  }
0x50: {  	_ =	shalt  }
0x51: {  	_ =	shalt  }
0x52: {  	_ =	shalt  }
0x53: {  	_ =	shalt  }
0x54: {  	_ =	shalt  }
0x55: {  	_ =	shalt  }
0x56: {  	_ =	shalt  }
0x57: {  	_ =	shalt  }
0x58: {  	_ =	shalt  }
0x59: {  	_ =	shalt  }
0x5a: {  	_ =	shalt  }
0x5b: {  	_ =	shalt  }
0x5c: {  	_ =	shalt  }
0x5d: {  	_ =	shalt  }
0x5e: {  	_ =	shalt  }
0x5f: {  	_ =	shalt  }
0x60: {  	_ =	shalt  }
0x61: {  	_ =	shalt  }
0x62: {  	_ =	shalt  }
0x63: {  	_ =	shalt  }
0x64: {  	_ =	shalt  }
0x65: {  	_ =	shalt  }
0x66: {  	_ =	shalt  }
0x67: {  	_ =	shalt  }
0x68: {  	_ =	shalt  }
0x69: {  	_ =	shalt  }
0x6a: {  	_ =	shalt  }
0x6b: {  	_ =	shalt  }
0x6c: {  	_ =	shalt  }
0x6d: {  	_ =	shalt  }
0x6e: {  	_ =	shalt  }
0x6f: {  	_ =	shalt  }
0x70: {  	_ =	shalt  }
0x71: {  	_ =	shalt  }
0x72: {  	_ =	shalt  }
0x73: {  	_ =	shalt  }
0x74: {  	_ =	shalt  }
0x75: {  	_ =	shalt  }
0x76: {  	_ =	shalt  }
0x77: {  	_ =	shalt  }
0x78: {  	_ =	shalt  }
0x79: {  	_ =	shalt  }
0x7a: {  	_ =	shalt  }
0x7b: {  	_ =	shalt  }
0x7c: {  	_ =	shalt  }
0x7d: {  	_ =	shalt  }
0x7e: {  	_ =	shalt  }
0x7f: {  	_ =	shalt  }
0x80: {  	_ =	shalt  }
0x81: {  	_ =	shalt  }
0x82: {  	_ =	shalt  }
0x83: {  	_ =	shalt  }
0x84: {  	_ =	shalt  }
0x85: {  	_ =	shalt  }
0x86: {  	_ =	shalt  }
0x87: {  	_ =	shalt  }
.Lfunc_end0:
.L_simem_size_0:
called_computation.3_lowered:
.L_overlay_start_0:
0x88: {  	s2 =	sld [smem:$0x3FD9]  }
0x89: {  	s3 =	sld [smem:$0x3FFE];
	_ =	sdelay $0x1  }
0x8a: {  	s1 =	srdreg.scid  }
0x8b: {  	s0 =	sand.u32 $0x1, s1  }
0x8c: {  	s16 =	sshll.u32 s0, $0xA;
	s2 =	sadd.s32 s3, s2  }
0x8d: {  	s2 =	sadd.s32 s2, s16  }
0x8e: {  	[smem:$0x3FA4] =	sst s2  }
0x8f: {  	_ = 	snop  }
0x90: {  	(tm) =	ssettm $0x1  }
0x91: {  	s17 =	sld [smem:$0x3FFB];
	_ =	sdelay $0x3  }
0x92: {  	_ =	strace s17  }
0x93: {  	s2 =	sld [smem:$0x3FFC];
	_ =	sdelay $0x3  }
0x94: {  	_ =	strace s2  }
0x95: {  	s2 =	sld [smem:$0x3FFD];
	_ =	sdelay $0x3  }
0x96: {  	_ =	strace s2  }
0x97: {  	_ =	strace $0x8FFFFFFF  }
0x98: {  	s18 =	sld [smem:$0x3FDB];
	_ =	sdelay $0x1  }
0x99: {  	s19 =	simm.s32 $_scs_section_size  }
0x9a: {  	s4 =	simm.s32 $_size__tile_overlayer_lowered;
	s5 =	simm.s32 $_tile_overlayer_lowered  }
0x9b: {  	s22 =	simm.s32 $0x1BFF;
	s21 =	sshll.u32 s5, $0x1;
	s2 =	sadd.s32 s19, s18  }
0x9c: {  	s6 =	simm.s32 $0x0;
	s20 =	sshll.u32 s4, $0x1;
	s4 =	sadd.s32 s21, s2  }
0x9d: {  	[timem:s6], [sflag:s22] =	dma.local [hbm:s4], s20  }
0x9e: {  	_ =	swait.ge [sflag:s22], s20  }
0x9f: {  	s3 =	ssub.s32 $0x0, s20;
	[sflag:s22] =	ssyncset.done $0x0  }
0xa0: {  	[sflag:s22] =	ssyncadd.s32 s3;
	_ =	sdelay $0x1  }
0xa1: {  	s23 =	simm.s32 $0x1B8B  }
0xa2: {  	_ =	swait.ge [sflag:s23], $0x1  }
0xa3: {  	[sflag:s23] =	ssyncset.done $0x0  }
0xa4: {  	s25 =	simm.s32 $0x1B8E;
	s24 =	sld [smem:$0x3FFE];
	[sflag:s23] =	ssyncadd.s32 $0xFFFFFFFF  }
0xa5: {  	s26 =	simm.s32 $execute0_lowered;
	[smem:$0x3FD2] =	sst s25  }
0xa6: {  	s4 =	sshll.u32 s26, $0x1;
	_ =	strace $0x8000004F;
	[dreg:$0x1] =	wrdreg $0xFFFFFFFF  }
0xa7: {  	s28 =	simm.s32 $_size_execute0_lowered;
	s2 =	sadd.s32 s2, s4;
	[dreg:$0x0] =	wrdreg $0x0  }
0xa8: {  	s4 =	sshll.u32 s28, $0x1;
	[dreg:$0x2] =	wrdreg s2  }
0xa9: {  	[dreg:$0x3] =	wrdreg s4  }
0xaa: {  	[dreg:$0x4] =	wrdreg $0xC0  }
0xab: {  	_ =	task [dreg:s6], $0x5FFFF  }
0xac: {  	[dreg:$0x1] =	wrdreg $0xFFFFFFFF  }
0xad: {  	[dreg:$0x0] =	wrdreg $0x60  }
0xae: {  	[dreg:$0x2] =	wrdreg s24  }
0xaf: {  	[dreg:$0x3] =	wrdreg $0x84000  }
0xb0: {  	[dreg:$0x4] =	wrdreg $0x9  }
0xb1: {  	_ =	task.clear_ibuf [dreg:s6], $0x5FFFF;
	_ =	strace $0x9000004F  }
0xb2: {  	s29 =	simm.s32 $0x9;
	_ =	strace $0x80000051  }
0xb3: {  	_ =	swait.ge [sflag:s29], $0x1  }
0xb4: {  	[sflag:s29] =	ssyncadd.s32 $0xFFFFFFFF  }
0xb5: {  	_ =	strace $0x90000051  }
0xb6: {  	_ =	sfence  }
0xb7: {  	s30 =	sld [smem:$0x0];
	_ =	sdelay $0x2  }
0xb8: {  	s31 =	sshll.u32 s1, $0xD;
	s1 =	sshrl.u32 s1, $0x2  }
0xb9: {  	s3 =	sand.u32 $0x4000, s31;
	s1 =	sadd.s32 s1, s30  }
0xba: {  	s0 =	sor.u32 s3, s0;
	s1 =	sshll.u32 s1, $0x11  }
0xbb: {  	s0 =	sor.u32 s1, s0  }
0xbc: {  	s0 =	sadd.s32 $0x8F2B, s0  }
0xbd: {  	[sflag:s0] =	ssyncadd.remote.s32 $0x1  }
0xbe: {  	_ =	sfence.sel $0xFFFF  }
0xbf: {  	[dreg:$0x0] =	wrdreg $0xFFFFFFFF;
	(pc) =	sbr.abs _section_cstart, $3  }
0xc0: {  	[dreg:$0x1] =	wrdreg $0xFFFFFFFF  }
0xc1: {  	_ =	task.clear_ibuf [dreg:s6], $0x2FFFF;
	_ =	strace $0x9FFFFFFF  }
0xc2: {  	(tm) =	ssettm $0x7FFFFFFF  }
0xc3: {  	_ =	shalt  }
tec
execute0_lowered:
.L_overlay_start_1:
0x0: {  	(tag) =	ssettag $0x1  }
0x1: {  	s6 =	rddreg [dreg:$0x0]  }
0x2: {  	s2 =	rddreg [dreg:$0x1]  }
0x3: {  	s0 =	rddreg [dreg:$0x2];
	s3 =	simm.s32 $0x0  }
0x4: {  	s1 =	stileid.u32;
	s8 =	srdreg.scid;
	s15 =	simm.s32 $0x400  }
0x5: {  	s16 =	simm.s32 $0x80;
	s17 =	simm.s32 $0x4400;
	s18 =	simm.s32 $0x100  }
0x6: {  	s19 =	simm.s32 $0x180;
	s20 =	simm.s32 $0x200;
	s21 =	simm.s32 $0x280  }
0x7: {  	s22 =	simm.s32 $0x300;
	s23 =	simm.s32 $0x380;
	s7 =	smul.u32 $0x50000, s1  }
0x8: {  	s24 =	simm.s32 $0x0;
	[smem:$0x7FF] =	sst s3;
	s5 =	smul.u32 $0xA00, s1  }
0x9: {  	s4 =	smul.u32 $0x2800, s1;
	s13 =	sand.u32 $0x1, s8;
	s31 =	sshll.u32 s1, $0x6  }
0xa: {  	_ =	strace $0x80000050;
	s8 =	ssub.s32 $0x2, s13;
	p0 =	sne.s32 s13, $0x0  }
0xb: {  	s11 =	sadd.s32 s7, s6;
	s12 =	sadd.s32 s5, s6;
	s9 =	sadd.s32 s4, s6  }
.Ltmp0:
0xc: {  	s5 =	sadd.s32 $0x1D600, s6;
	s10 =	sshrl.u32 s8, $0x1;
	(pc) =	sbr.rel .LBB2_1-.Ltmp0, $4  }
0xd: {  	s6 =	sadd.s32 $0x45600, s6;
	s7 =	sshrl.u32 s7, $0x2;
	s10 =	ssub.s32 s8, s10  }
0xe: {  	s14 =	sadd.s32 s7, s2;
	s7 =	sadd.s32 $0xF45600, s9;
	s8 =	sor.u32 $0x1C01, s31  }
0xf: {  	s11 =	sadd.s32 $0x51D600, s11;
	s9 =	smax.u32 s10, $0x1;
	s10 =	sadd.s32 $0x13600, s12  }
0x10: {  	s12 =	sadd.s32 $0x9600, s12;
	s13 =	sshrl.u32 s14, $0x3;
	s14 =	simm.s32 $0x1  }
.LBB2_7:
0x11: {  	[sflag:s14] =	ssyncadd.s32 $0xFFFFC000;
	s25 =	smov.u32 s6  }
.LBB2_8:
0x12: {  	s24 =	sadd.s32 $0x1, s24  }
0x13: {  	p1 =	sne.s32 s24, s9  }
.Ltmp1:
0x14: {  	s25 =	sadd.s32 s25, s4;
	[bflag:$0x0] =	sbarrier.arrive $0xFFFF;
	(pc) =	sbr.rel @!p1 .LBB2_9-.Ltmp1, $4  }
0x15: {  	[hbm:s25], [sflag:s8] =	dma.local [spmem:s13], $0x2800  }
0x16: {  	_ =	swait.ge [sflag:s14], $0x2800  }
0x17: {  	[sflag:s14] =	ssyncset.done $0x0  }
0x18: {  	[sflag:s14] =	ssyncadd.s32 $0xFFFFD800  }
.LBB2_1:
0x19: {  	[spmem:s13], [sflag:s8] =	dma.local [hbm:s7], $0x2800  }
.Ltmp2:
0x1a: {  	_ =	swait.ge [sflag:s14], $0x2800;
	(pc) =	sbr.rel @p0 .LBB2_5-.Ltmp2, $3  }
0x1b: {  	[sflag:s14] =	ssyncset.done $0x0  }
0x1c: {  	[sflag:s14] =	ssyncadd.s32 $0xFFFFD800  }
0x1d: {  	[bflag:$0x0] =	sbarrier.arrive $0xFFFF;
	_ =	sdelay $0x1  }
0x1e: {  	[tilespmem:s3], [sflag:$0x1] =	stream.linear.gather [hbm4b:s12+s3], $0x400, $0x38;
	[tilespmem:$0x1C400] =	vst v63  }
0x1f: {  	_ =	swait.ge [sflag:s14], $0x400  }
0x20: {  	[sflag:s14] =	ssyncset.done $0x0  }
0x21: {  	s25 =	sadd.s32 $0x0, s11;
	[sflag:s14] =	ssyncadd.s32 $0xFFFFFC00  }
0x22: {  	[tilespmem:s15], [sflag:$0x1] =	stream.linear.gather [hbm4b:s25+s3], $0x8000, $0x38;
	[tilespmem:$0x1C400] =	vst v63  }
0x23: {  	_ =	swait.ge [sflag:s14], $0x8000  }
0x24: {  	[sflag:s14] =	ssyncset.done $0x0  }
0x25: {  	[sflag:s14] =	ssyncadd.s32 $0xFFFF8000  }
0x26: {  	[spmem:s2] =	stream.indirect.scatter.add.f32 [tilespmem:s15], [sflag:$0x1], $0x80, s3, s16, $0xb8;
	[tilespmem:$0x1C400] =	vst v63  }
0x27: {  	_ =	swait.ge [sflag:s14], $0x4000  }
0x28: {  	[sflag:s14] =	ssyncset.done $0x0  }
0x29: {  	[sflag:s14] =	ssyncadd.s32 $0xFFFFC000  }
0x2a: {  	[spmem:s2] =	stream.indirect.scatter.add.f32 [tilespmem:s17], [sflag:$0x1], $0x80, s16, s16, $0xb8;
	[tilespmem:$0x1C400] =	vst v63  }
0x2b: {  	_ =	swait.ge [sflag:s14], $0x4000  }
0x2c: {  	[sflag:s14] =	ssyncset.done $0x0  }
0x2d: {  	s26 =	sadd.s32 $0x1000, s25;
	[sflag:s14] =	ssyncadd.s32 $0xFFFFC000  }
0x2e: {  	[tilespmem:s15], [sflag:$0x1] =	stream.linear.gather [hbm4b:s26+s3], $0x8000, $0x38;
	[tilespmem:$0x1C400] =	vst v63  }
0x2f: {  	_ =	swait.ge [sflag:s14], $0x8000  }
0x30: {  	[sflag:s14] =	ssyncset.done $0x0  }
0x31: {  	[sflag:s14] =	ssyncadd.s32 $0xFFFF8000  }
0x32: {  	[spmem:s2] =	stream.indirect.scatter.add.f32 [tilespmem:s15], [sflag:$0x1], $0x80, s18, s16, $0xb8;
	[tilespmem:$0x1C400] =	vst v63  }
0x33: {  	_ =	swait.ge [sflag:s14], $0x4000  }
0x34: {  	[sflag:s14] =	ssyncset.done $0x0  }
0x35: {  	[sflag:s14] =	ssyncadd.s32 $0xFFFFC000  }
0x36: {  	[spmem:s2] =	stream.indirect.scatter.add.f32 [tilespmem:s17], [sflag:$0x1], $0x80, s19, s16, $0xb8;
	[tilespmem:$0x1C400] =	vst v63  }
0x37: {  	_ =	swait.ge [sflag:s14], $0x4000  }
0x38: {  	[sflag:s14] =	ssyncset.done $0x0  }
0x39: {  	s31 =	sadd.s32 $0x2000, s25;
	[sflag:s14] =	ssyncadd.s32 $0xFFFFC000  }
0x3a: {  	[tilespmem:s15], [sflag:$0x1] =	stream.linear.gather [hbm4b:s31+s3], $0x8000, $0x38;
	[tilespmem:$0x1C400] =	vst v63  }
0x3b: {  	_ =	swait.ge [sflag:s14], $0x8000  }
0x3c: {  	[sflag:s14] =	ssyncset.done $0x0  }
0x3d: {  	[sflag:s14] =	ssyncadd.s32 $0xFFFF8000  }
0x3e: {  	[spmem:s2] =	stream.indirect.scatter.add.f32 [tilespmem:s15], [sflag:$0x1], $0x80, s20, s16, $0xb8;
	[tilespmem:$0x1C400] =	vst v63  }
0x3f: {  	_ =	swait.ge [sflag:s14], $0x4000  }
0x40: {  	[sflag:s14] =	ssyncset.done $0x0  }
0x41: {  	[sflag:s14] =	ssyncadd.s32 $0xFFFFC000  }
0x42: {  	[spmem:s2] =	stream.indirect.scatter.add.f32 [tilespmem:s17], [sflag:$0x1], $0x80, s21, s16, $0xb8;
	[tilespmem:$0x1C400] =	vst v63  }
0x43: {  	_ =	swait.ge [sflag:s14], $0x4000  }
0x44: {  	[sflag:s14] =	ssyncset.done $0x0  }
0x45: {  	s25 =	sadd.s32 $0x3000, s25;
	[sflag:s14] =	ssyncadd.s32 $0xFFFFC000  }
0x46: {  	[tilespmem:s15], [sflag:$0x1] =	stream.linear.gather [hbm4b:s25+s3], $0x8000, $0x38;
	[tilespmem:$0x1C400] =	vst v63  }
0x47: {  	_ =	swait.ge [sflag:s14], $0x8000  }
0x48: {  	[sflag:s14] =	ssyncset.done $0x0  }
0x49: {  	[sflag:s14] =	ssyncadd.s32 $0xFFFF8000  }
0x4a: {  	[spmem:s2] =	stream.indirect.scatter.add.f32 [tilespmem:s15], [sflag:$0x1], $0x80, s22, s16, $0xb8;
	[tilespmem:$0x1C400] =	vst v63  }
0x4b: {  	_ =	swait.ge [sflag:s14], $0x4000  }
0x4c: {  	[sflag:s14] =	ssyncset.done $0x0  }
0x4d: {  	[sflag:s14] =	ssyncadd.s32 $0xFFFFC000  }
0x4e: {  	[spmem:s2] =	stream.indirect.scatter.add.f32 [tilespmem:s17], [sflag:$0x1], $0x80, s23, s16, $0xb8;
	[tilespmem:$0x1C400] =	vst v63  }
0x4f: {  	_ =	swait.ge [sflag:s14], $0x4000  }
0x50: {  	s26 =	smov.u32 s12;
	s25 =	simm.s32 $0x4000;
	[sflag:s14] =	ssyncset.done $0x0  }
.LBB2_3:
0x51: {  	p1 =	seq.s32 s25, $0x4C000;
	[sflag:s14] =	ssyncadd.s32 $0xFFFFC000;
	s26 =	sadd.s32 $0x80, s26  }
0x52: {  	[tilespmem:s3], [sflag:$0x1] =	stream.linear.gather [hbm4b:s26+s3], $0x400, $0x38;
	[tilespmem:$0x1C400] =	vst v63  }
0x53: {  	s28 =	smov.u32 s25;
	s25 =	sadd.s32 $0x4000, s25;
	_ =	swait.ge [sflag:s14], $0x400  }
0x54: {  	[sflag:s14] =	ssyncset.done $0x0  }
0x55: {  	s28 =	sadd.s32 s28, s11;
	[sflag:s14] =	ssyncadd.s32 $0xFFFFFC00  }
0x56: {  	[tilespmem:s15], [sflag:$0x1] =	stream.linear.gather [hbm4b:s28+s3], $0x8000, $0x38;
	[tilespmem:$0x1C400] =	vst v63  }
0x57: {  	_ =	swait.ge [sflag:s14], $0x8000  }
0x58: {  	[sflag:s14] =	ssyncset.done $0x0  }
0x59: {  	[sflag:s14] =	ssyncadd.s32 $0xFFFF8000  }
0x5a: {  	[spmem:s2] =	stream.indirect.scatter.add.f32 [tilespmem:s15], [sflag:$0x1], $0x80, s3, s16, $0xb8;
	[tilespmem:$0x1C400] =	vst v63  }
0x5b: {  	_ =	swait.ge [sflag:s14], $0x4000  }
0x5c: {  	[sflag:s14] =	ssyncset.done $0x0  }
0x5d: {  	[sflag:s14] =	ssyncadd.s32 $0xFFFFC000  }
0x5e: {  	[spmem:s2] =	stream.indirect.scatter.add.f32 [tilespmem:s17], [sflag:$0x1], $0x80, s16, s16, $0xb8;
	[tilespmem:$0x1C400] =	vst v63  }
0x5f: {  	_ =	swait.ge [sflag:s14], $0x4000  }
0x60: {  	[sflag:s14] =	ssyncset.done $0x0  }
0x61: {  	s29 =	sadd.s32 $0x1000, s28;
	[sflag:s14] =	ssyncadd.s32 $0xFFFFC000  }
0x62: {  	[tilespmem:s15], [sflag:$0x1] =	stream.linear.gather [hbm4b:s29+s3], $0x8000, $0x38;
	[tilespmem:$0x1C400] =	vst v63  }
0x63: {  	_ =	swait.ge [sflag:s14], $0x8000  }
0x64: {  	[sflag:s14] =	ssyncset.done $0x0  }
0x65: {  	[sflag:s14] =	ssyncadd.s32 $0xFFFF8000  }
0x66: {  	[spmem:s2] =	stream.indirect.scatter.add.f32 [tilespmem:s15], [sflag:$0x1], $0x80, s18, s16, $0xb8;
	[tilespmem:$0x1C400] =	vst v63  }
0x67: {  	_ =	swait.ge [sflag:s14], $0x4000  }
0x68: {  	[sflag:s14] =	ssyncset.done $0x0  }
0x69: {  	[sflag:s14] =	ssyncadd.s32 $0xFFFFC000  }
0x6a: {  	[spmem:s2] =	stream.indirect.scatter.add.f32 [tilespmem:s17], [sflag:$0x1], $0x80, s19, s16, $0xb8;
	[tilespmem:$0x1C400] =	vst v63  }
0x6b: {  	_ =	swait.ge [sflag:s14], $0x4000  }
0x6c: {  	[sflag:s14] =	ssyncset.done $0x0  }
0x6d: {  	s29 =	sadd.s32 $0x2000, s28;
	[sflag:s14] =	ssyncadd.s32 $0xFFFFC000  }
0x6e: {  	[tilespmem:s15], [sflag:$0x1] =	stream.linear.gather [hbm4b:s29+s3], $0x8000, $0x38;
	[tilespmem:$0x1C400] =	vst v63  }
0x6f: {  	_ =	swait.ge [sflag:s14], $0x8000  }
0x70: {  	[sflag:s14] =	ssyncset.done $0x0  }
0x71: {  	[sflag:s14] =	ssyncadd.s32 $0xFFFF8000  }
0x72: {  	[spmem:s2] =	stream.indirect.scatter.add.f32 [tilespmem:s15], [sflag:$0x1], $0x80, s20, s16, $0xb8;
	[tilespmem:$0x1C400] =	vst v63  }
0x73: {  	_ =	swait.ge [sflag:s14], $0x4000  }
0x74: {  	[sflag:s14] =	ssyncset.done $0x0  }
0x75: {  	[sflag:s14] =	ssyncadd.s32 $0xFFFFC000  }
0x76: {  	[spmem:s2] =	stream.indirect.scatter.add.f32 [tilespmem:s17], [sflag:$0x1], $0x80, s21, s16, $0xb8;
	[tilespmem:$0x1C400] =	vst v63  }
0x77: {  	_ =	swait.ge [sflag:s14], $0x4000  }
0x78: {  	[sflag:s14] =	ssyncset.done $0x0  }
0x79: {  	s28 =	sadd.s32 $0x3000, s28;
	[sflag:s14] =	ssyncadd.s32 $0xFFFFC000  }
0x7a: {  	[tilespmem:s15], [sflag:$0x1] =	stream.linear.gather [hbm4b:s28+s3], $0x8000, $0x38;
	[tilespmem:$0x1C400] =	vst v63  }
0x7b: {  	_ =	swait.ge [sflag:s14], $0x8000  }
0x7c: {  	[sflag:s14] =	ssyncset.done $0x0  }
0x7d: {  	[sflag:s14] =	ssyncadd.s32 $0xFFFF8000  }
0x7e: {  	[spmem:s2] =	stream.indirect.scatter.add.f32 [tilespmem:s15], [sflag:$0x1], $0x80, s22, s16, $0xb8;
	[tilespmem:$0x1C400] =	vst v63  }
0x7f: {  	_ =	swait.ge [sflag:s14], $0x4000  }
.Ltmp3:
0x80: {  	[sflag:s14] =	ssyncset.done $0x0;
	(pc) =	sbr.rel @!p1 .LBB2_3-.Ltmp3, $4  }
0x81: {  	[sflag:s14] =	ssyncadd.s32 $0xFFFFC000  }
0x82: {  	[spmem:s2] =	stream.indirect.scatter.add.f32 [tilespmem:s17], [sflag:$0x1], $0x80, s23, s16, $0xb8;
	[tilespmem:$0x1C400] =	vst v63  }
0x83: {  	_ =	swait.ge [sflag:s14], $0x4000  }
0x84: {  	[sflag:s14] =	ssyncset.done $0x0  }
.Ltmp4:
0x85: {  	(pc) =	sbr.rel .LBB2_8-.Ltmp4, $2  }
0x86: {  	_ =	sdelay $0x2  }
0x87: {  	[sflag:s14] =	ssyncadd.s32 $0xFFFFC000;
	s25 =	smov.u32 s5  }
.LBB2_5:
0x88: {  	[tilespmem:s3], [sflag:$0x1] =	stream.linear.gather [hbm4b:s10+s3], $0x400, $0x38;
	[tilespmem:$0x1C400] =	vst v63  }
0x89: {  	_ =	swait.ge [sflag:s14], $0x400  }
0x8a: {  	[sflag:s14] =	ssyncset.done $0x0  }
0x8b: {  	s25 =	sadd.s32 $0x0, s11;
	[sflag:s14] =	ssyncadd.s32 $0xFFFFFC00  }
0x8c: {  	[tilespmem:s15], [sflag:$0x1] =	stream.linear.gather [hbm4b:s25+s3], $0x8000, $0x38;
	[tilespmem:$0x1C400] =	vst v63  }
0x8d: {  	_ =	swait.ge [sflag:s14], $0x8000  }
0x8e: {  	[sflag:s14] =	ssyncset.done $0x0  }
0x8f: {  	[sflag:s14] =	ssyncadd.s32 $0xFFFF8000  }
0x90: {  	[spmem:s2] =	stream.indirect.scatter.add.f32 [tilespmem:s15], [sflag:$0x1], $0x80, s3, s16, $0xb8;
	[tilespmem:$0x1C400] =	vst v63  }
0x91: {  	_ =	swait.ge [sflag:s14], $0x4000  }
0x92: {  	[sflag:s14] =	ssyncset.done $0x0  }
0x93: {  	[sflag:s14] =	ssyncadd.s32 $0xFFFFC000  }
0x94: {  	[spmem:s2] =	stream.indirect.scatter.add.f32 [tilespmem:s17], [sflag:$0x1], $0x80, s16, s16, $0xb8;
	[tilespmem:$0x1C400] =	vst v63  }
0x95: {  	_ =	swait.ge [sflag:s14], $0x4000  }
0x96: {  	[sflag:s14] =	ssyncset.done $0x0  }
0x97: {  	s26 =	sadd.s32 $0x1000, s25;
	[sflag:s14] =	ssyncadd.s32 $0xFFFFC000  }
0x98: {  	[tilespmem:s15], [sflag:$0x1] =	stream.linear.gather [hbm4b:s26+s3], $0x8000, $0x38;
	[tilespmem:$0x1C400] =	vst v63  }
0x99: {  	_ =	swait.ge [sflag:s14], $0x8000  }
0x9a: {  	[sflag:s14] =	ssyncset.done $0x0  }
0x9b: {  	[sflag:s14] =	ssyncadd.s32 $0xFFFF8000  }
0x9c: {  	[spmem:s2] =	stream.indirect.scatter.add.f32 [tilespmem:s15], [sflag:$0x1], $0x80, s18, s16, $0xb8;
	[tilespmem:$0x1C400] =	vst v63  }
0x9d: {  	_ =	swait.ge [sflag:s14], $0x4000  }
0x9e: {  	[sflag:s14] =	ssyncset.done $0x0  }
0x9f: {  	[sflag:s14] =	ssyncadd.s32 $0xFFFFC000  }
0xa0: {  	[spmem:s2] =	stream.indirect.scatter.add.f32 [tilespmem:s17], [sflag:$0x1], $0x80, s19, s16, $0xb8;
	[tilespmem:$0x1C400] =	vst v63  }
0xa1: {  	_ =	swait.ge [sflag:s14], $0x4000  }
0xa2: {  	[sflag:s14] =	ssyncset.done $0x0  }
0xa3: {  	s31 =	sadd.s32 $0x2000, s25;
	[sflag:s14] =	ssyncadd.s32 $0xFFFFC000  }
0xa4: {  	[tilespmem:s15], [sflag:$0x1] =	stream.linear.gather [hbm4b:s31+s3], $0x8000, $0x38;
	[tilespmem:$0x1C400] =	vst v63  }
0xa5: {  	_ =	swait.ge [sflag:s14], $0x8000  }
0xa6: {  	[sflag:s14] =	ssyncset.done $0x0  }
0xa7: {  	[sflag:s14] =	ssyncadd.s32 $0xFFFF8000  }
0xa8: {  	[spmem:s2] =	stream.indirect.scatter.add.f32 [tilespmem:s15], [sflag:$0x1], $0x80, s20, s16, $0xb8;
	[tilespmem:$0x1C400] =	vst v63  }
0xa9: {  	_ =	swait.ge [sflag:s14], $0x4000  }
0xaa: {  	[sflag:s14] =	ssyncset.done $0x0  }
0xab: {  	[sflag:s14] =	ssyncadd.s32 $0xFFFFC000  }
0xac: {  	[spmem:s2] =	stream.indirect.scatter.add.f32 [tilespmem:s17], [sflag:$0x1], $0x80, s21, s16, $0xb8;
	[tilespmem:$0x1C400] =	vst v63  }
0xad: {  	_ =	swait.ge [sflag:s14], $0x4000  }
0xae: {  	[sflag:s14] =	ssyncset.done $0x0  }
0xaf: {  	s25 =	sadd.s32 $0x3000, s25;
	[sflag:s14] =	ssyncadd.s32 $0xFFFFC000  }
0xb0: {  	[tilespmem:s15], [sflag:$0x1] =	stream.linear.gather [hbm4b:s25+s3], $0x8000, $0x38;
	[tilespmem:$0x1C400] =	vst v63  }
0xb1: {  	_ =	swait.ge [sflag:s14], $0x8000  }
0xb2: {  	[sflag:s14] =	ssyncset.done $0x0  }
0xb3: {  	[sflag:s14] =	ssyncadd.s32 $0xFFFF8000  }
0xb4: {  	[spmem:s2] =	stream.indirect.scatter.add.f32 [tilespmem:s15], [sflag:$0x1], $0x80, s22, s16, $0xb8;
	[tilespmem:$0x1C400] =	vst v63  }
0xb5: {  	_ =	swait.ge [sflag:s14], $0x4000  }
0xb6: {  	[sflag:s14] =	ssyncset.done $0x0  }
0xb7: {  	[sflag:s14] =	ssyncadd.s32 $0xFFFFC000  }
0xb8: {  	[spmem:s2] =	stream.indirect.scatter.add.f32 [tilespmem:s17], [sflag:$0x1], $0x80, s23, s16, $0xb8;
	[tilespmem:$0x1C400] =	vst v63  }
0xb9: {  	_ =	swait.ge [sflag:s14], $0x4000  }
0xba: {  	s26 =	smov.u32 s10;
	s25 =	simm.s32 $0x4000;
	[sflag:s14] =	ssyncset.done $0x0  }
.LBB2_6:
0xbb: {  	p1 =	sne.s32 s25, $0x4C000;
	[sflag:s14] =	ssyncadd.s32 $0xFFFFC000;
	s26 =	sadd.s32 $0x80, s26  }
0xbc: {  	[tilespmem:s3], [sflag:$0x1] =	stream.linear.gather [hbm4b:s26+s3], $0x400, $0x38;
	[tilespmem:$0x1C400] =	vst v63  }
0xbd: {  	s28 =	smov.u32 s25;
	s25 =	sadd.s32 $0x4000, s25;
	_ =	swait.ge [sflag:s14], $0x400  }
0xbe: {  	[sflag:s14] =	ssyncset.done $0x0  }
0xbf: {  	s28 =	sadd.s32 s28, s11;
	[sflag:s14] =	ssyncadd.s32 $0xFFFFFC00  }
0xc0: {  	[tilespmem:s15], [sflag:$0x1] =	stream.linear.gather [hbm4b:s28+s3], $0x8000, $0x38;
	[tilespmem:$0x1C400] =	vst v63  }
0xc1: {  	_ =	swait.ge [sflag:s14], $0x8000  }
0xc2: {  	[sflag:s14] =	ssyncset.done $0x0  }
0xc3: {  	[sflag:s14] =	ssyncadd.s32 $0xFFFF8000  }
0xc4: {  	[spmem:s2] =	stream.indirect.scatter.add.f32 [tilespmem:s15], [sflag:$0x1], $0x80, s3, s16, $0xb8;
	[tilespmem:$0x1C400] =	vst v63  }
0xc5: {  	_ =	swait.ge [sflag:s14], $0x4000  }
0xc6: {  	[sflag:s14] =	ssyncset.done $0x0  }
0xc7: {  	[sflag:s14] =	ssyncadd.s32 $0xFFFFC000  }
0xc8: {  	[spmem:s2] =	stream.indirect.scatter.add.f32 [tilespmem:s17], [sflag:$0x1], $0x80, s16, s16, $0xb8;
	[tilespmem:$0x1C400] =	vst v63  }
0xc9: {  	_ =	swait.ge [sflag:s14], $0x4000  }
0xca: {  	[sflag:s14] =	ssyncset.done $0x0  }
0xcb: {  	s29 =	sadd.s32 $0x1000, s28;
	[sflag:s14] =	ssyncadd.s32 $0xFFFFC000  }
0xcc: {  	[tilespmem:s15], [sflag:$0x1] =	stream.linear.gather [hbm4b:s29+s3], $0x8000, $0x38;
	[tilespmem:$0x1C400] =	vst v63  }
0xcd: {  	_ =	swait.ge [sflag:s14], $0x8000  }
0xce: {  	[sflag:s14] =	ssyncset.done $0x0  }
0xcf: {  	[sflag:s14] =	ssyncadd.s32 $0xFFFF8000  }
0xd0: {  	[spmem:s2] =	stream.indirect.scatter.add.f32 [tilespmem:s15], [sflag:$0x1], $0x80, s18, s16, $0xb8;
	[tilespmem:$0x1C400] =	vst v63  }
0xd1: {  	_ =	swait.ge [sflag:s14], $0x4000  }
0xd2: {  	[sflag:s14] =	ssyncset.done $0x0  }
0xd3: {  	[sflag:s14] =	ssyncadd.s32 $0xFFFFC000  }
0xd4: {  	[spmem:s2] =	stream.indirect.scatter.add.f32 [tilespmem:s17], [sflag:$0x1], $0x80, s19, s16, $0xb8;
	[tilespmem:$0x1C400] =	vst v63  }
0xd5: {  	_ =	swait.ge [sflag:s14], $0x4000  }
0xd6: {  	[sflag:s14] =	ssyncset.done $0x0  }
0xd7: {  	s29 =	sadd.s32 $0x2000, s28;
	[sflag:s14] =	ssyncadd.s32 $0xFFFFC000  }
0xd8: {  	[tilespmem:s15], [sflag:$0x1] =	stream.linear.gather [hbm4b:s29+s3], $0x8000, $0x38;
	[tilespmem:$0x1C400] =	vst v63  }
0xd9: {  	_ =	swait.ge [sflag:s14], $0x8000  }
0xda: {  	[sflag:s14] =	ssyncset.done $0x0  }
0xdb: {  	[sflag:s14] =	ssyncadd.s32 $0xFFFF8000  }
0xdc: {  	[spmem:s2] =	stream.indirect.scatter.add.f32 [tilespmem:s15], [sflag:$0x1], $0x80, s20, s16, $0xb8;
	[tilespmem:$0x1C400] =	vst v63  }
0xdd: {  	_ =	swait.ge [sflag:s14], $0x4000  }
0xde: {  	[sflag:s14] =	ssyncset.done $0x0  }
0xdf: {  	[sflag:s14] =	ssyncadd.s32 $0xFFFFC000  }
0xe0: {  	[spmem:s2] =	stream.indirect.scatter.add.f32 [tilespmem:s17], [sflag:$0x1], $0x80, s21, s16, $0xb8;
	[tilespmem:$0x1C400] =	vst v63  }
0xe1: {  	_ =	swait.ge [sflag:s14], $0x4000  }
0xe2: {  	[sflag:s14] =	ssyncset.done $0x0  }
0xe3: {  	s28 =	sadd.s32 $0x3000, s28;
	[sflag:s14] =	ssyncadd.s32 $0xFFFFC000  }
0xe4: {  	[tilespmem:s15], [sflag:$0x1] =	stream.linear.gather [hbm4b:s28+s3], $0x8000, $0x38;
	[tilespmem:$0x1C400] =	vst v63  }
0xe5: {  	_ =	swait.ge [sflag:s14], $0x8000  }
0xe6: {  	[sflag:s14] =	ssyncset.done $0x0  }
0xe7: {  	[sflag:s14] =	ssyncadd.s32 $0xFFFF8000  }
0xe8: {  	[spmem:s2] =	stream.indirect.scatter.add.f32 [tilespmem:s15], [sflag:$0x1], $0x80, s22, s16, $0xb8;
	[tilespmem:$0x1C400] =	vst v63  }
0xe9: {  	_ =	swait.ge [sflag:s14], $0x4000  }
.Ltmp5:
0xea: {  	[sflag:s14] =	ssyncset.done $0x0;
	(pc) =	sbr.rel @p1 .LBB2_6-.Ltmp5, $4  }
0xeb: {  	[sflag:s14] =	ssyncadd.s32 $0xFFFFC000  }
0xec: {  	[spmem:s2] =	stream.indirect.scatter.add.f32 [tilespmem:s17], [sflag:$0x1], $0x80, s23, s16, $0xb8;
	[tilespmem:$0x1C400] =	vst v63  }
0xed: {  	_ =	swait.ge [sflag:s14], $0x4000  }
0xee: {  	[sflag:s14] =	ssyncset.done $0x0  }
.Ltmp6:
0xef: {  	_ = 	snop;
	(pc) =	sbr.rel .LBB2_7-.Ltmp6, $1  }
0xf0: {  	_ =	sdelay $0x3  }
.LBB2_9:
0xf1: {  	_ =	sfence.sel $0x180000  }
0xf2: {  	[bflag:$0x0] =	sbarrier.arrive $0xFFFF  }
0xf3: {  	p0 =	sne.s32 s1, $0x0;
	_ =	strace $0x90000050  }
0xf4: {  	s0 =	sadd.s32 @!p0 $0x100000, s0;
	[bflag:$0x2] =	sbarrier.arrive $0xFFFF  }
0xf5: {  	[sflag:s0] =	ssyncadd.tile.s32 @!p0 $0x1;
	_ =	shalt  }
.Lfunc_end2:
_tile_overlayer_lowered:
.L_overlay_start_2:
0xf6: {  	(tag) =	ssettag $0x2  }
0xf7: {  	s0 =	rddreg [dreg:$0x0];
	s2 =	stileid.u32  }
0xf8: {  	s1 =	rddreg [dreg:$0x1];
	p0 =	sne.s32 s2, $0x0  }
0xf9: {  	s3 =	rddreg [dreg:$0x2];
	[bflag:$0x3] =	sbarrier.arrive $0xFFFF;
	s2 =	simm.s32 @!p0 $0x1C01  }
0xfa: {  	[timem:s3], [sflag:s2] =	dma.local @!p0 [hbm:s0], s1  }
0xfb: {  	s0 =	simm.s32 @!p0 $0x1  }
0xfc: {  	_ =	swait.ge @!p0 [sflag:s0], s1  }
0xfd: {  	s1 =	ssub.s32 @!p0 $0x0, s1;
	[sflag:s0] =	ssyncset.done @!p0 $0x0  }
0xfe: {  	[sflag:s0] =	ssyncadd.s32 @!p0 s1  }
0xff: {  	[bflag:$0x3] =	sbarrier.arrive $0xFFFF  }
0x100: {  	_ =	shalt  }

</sc_bundles>
